<compile_context>
chip_gen: v7x
topology: tpu7x:2x2x1
jax: 0.10.2.dev20260603
libtpu: 0.0.44.dev20260713+nightly
codegen_flags: <defaults>
</compile_context>

<pallas_src>
import functools
import math

import jax
import jax.numpy as jnp
from jax import lax
from jax.experimental import pallas as pl
from jax.experimental.pallas import tpu as pltpu
from jax.experimental.pallas import tpu_sc as plsc


def _silu(x):
    return x * (1.0 / (1.0 + jnp.exp(-x)))


def _node_fctp_body(scale, x_ref, y_ref, deg_ref, wi_ref, wm_ref, nf_ref, mask_ref):
    x = x_ref[...]
    y = y_ref[...]
    bn, d = x.shape
    a = y.shape[1]
    accf = jnp.zeros((bn, d), jnp.float32)
    accm = jnp.zeros((bn, d), jnp.float32)
    for j in range(a):
        xy = x * y[:, j:j + 1]
        accf += jnp.dot(xy, wi_ref[j], preferred_element_type=jnp.float32)
        accm += jnp.dot(xy, wm_ref[j], preferred_element_type=jnp.float32)
    nf_ref[...] = accf * scale * lax.rsqrt(deg_ref[...])
    mask_ref[...] = accm * scale


def _edge_mlp_body(s0, s1, s2, de, elen_ref, attr_ref, w0_ref, w1_ref, w2_ref, s_ref):
    bf = jnp.bfloat16
    h = _silu(jnp.dot(elen_ref[...].astype(bf), w0_ref[...],
                      preferred_element_type=jnp.float32) * s0)
    h = _silu(jnp.dot(h.astype(bf), w1_ref[...],
                      preferred_element_type=jnp.float32) * s1)
    hb = h.astype(bf)
    attr = attr_ref[...].astype(bf)
    z = jnp.concatenate([hb * attr[:, v:v + 1] for v in range(de)], axis=1)
    s_ref[...] = jnp.dot(z, w2_ref[...], preferred_element_type=jnp.float32) * s2


def _out_fctp_body(scale, c_s, c_x, aggp_ref, y_ref, deg_ref, mask_ref, wo_ref, out_ref):
    agg = aggp_ref[0] * lax.rsqrt(deg_ref[...])
    y = y_ref[...]
    bn, d = agg.shape
    a = y.shape[1]
    acc = jnp.zeros((bn, d), jnp.float32)
    for j in range(a):
        acc += jnp.dot(agg * y[:, j:j + 1], wo_ref[j], preferred_element_type=jnp.float32)
    out_ref[...] = c_s * mask_ref[...] + c_x * scale * acc


def _sc_edge_body(N, D, CH, NCH, NSP, NC, H,
                  nf_hbm, s_hbm, pk_hbm, out_hbm,
                  pk_v, srcl_v, x_v, ef_v, dstl_v, agg_sh, sem, c0, c1):
    c = lax.axis_index("c")
    sid = lax.axis_index("s")
    lo = c * H
    csems = [c0, c1]

    zrows = NSP // 16
    zero16 = jnp.zeros((16,), jnp.float32)

    def zrow(r, carry):
        for cc in range(D // 16):
            ef_v[0, r, pl.ds(cc * 16, 16)] = zero16
        return carry

    lax.fori_loop(0, CH, zrow, 0)
    nzc, rem = zrows // CH, zrows % CH
    for t in range(nzc):
        pltpu.sync_copy(ef_v.at[0], agg_sh.at[pl.ds(sid * zrows + t * CH, CH)])
    if rem:
        pltpu.sync_copy(ef_v.at[0].at[pl.ds(0, rem)],
                        agg_sh.at[pl.ds(sid * zrows + nzc * CH, rem)])
    plsc.subcore_barrier()

    pltpu.sync_copy(pk_hbm.at[sid], pk_v)

    ept = NCH * CH
    base = sid * ept

    def wait_scat(b):
        pltpu.make_async_copy(ef_v.at[b], agg_sh.at[dstl_v.at[b]],
                              csems[b]).wait()

    def do_chunk(j, b, first):
        for cc in range(CH // 16):
            sl = pl.ds(cc * 16, 16)
            p16 = pk_v[j, sl]
            srcl_v[0, sl] = jnp.bitwise_and(p16, 16383)
            loc = jnp.right_shift(p16, 14) - lo
            ok = (loc >= 0) & (loc < H)
            dstl_v[b, sl] = jnp.where(ok, loc, H)
        cp = pltpu.make_async_copy(nf_hbm.at[srcl_v.at[0]], x_v, sem)
        cp.start()
        if not first:
            wait_scat(b)
        pltpu.sync_copy(s_hbm.at[pl.ds(base + j * CH, CH)], ef_v.at[b])
        cp.wait()

        def mrow(r, cr):
            for cc in range(D // 16):
                sl = pl.ds(cc * 16, 16)
                ef_v[b, r, sl] = ef_v[b, r, sl] * x_v[r, sl]
            return cr

        lax.fori_loop(0, CH, mrow, 0)
        pltpu.async_copy(ef_v.at[b], agg_sh.at[dstl_v.at[b]], csems[b],
                         add=True)

    do_chunk(0, 0, True)
    do_chunk(1, 1, True)
    do_chunk(2, 0, False)

    def pair(k, carry):
        do_chunk(3 + 2 * k, 1, False)
        do_chunk(4 + 2 * k, 0, False)
        return carry

    lax.fori_loop(0, (NCH - 3) // 2, pair, 0)
    wait_scat(0)
    wait_scat(1)
    plsc.subcore_barrier()

    orows = NSP // 16
    pltpu.sync_copy(agg_sh.at[pl.ds(sid * orows, orows)],
                    out_hbm.at[c].at[pl.ds(sid * orows, orows)])


def kernel(node_input, node_attr, node_deg, edge_src, edge_dst, edge_attr,
           edge_length_embedded, numb, n, W_in, W_mask, W_out, W_e0, W_e1, W_e2):
    N, D = node_input.shape
    A = node_attr.shape[1]
    E = edge_src.shape[0]
    DE = edge_attr.shape[1]
    NB = edge_length_embedded.shape[1]
    RN = W_e1.shape[0]

    NS = 16
    NC = 2
    CH = 128
    H = N // NC
    NCH = (E + NS * CH - 1) // (NS * CH)
    assert NCH % 2 == 1
    ept = NCH * CH
    E_pad = NS * ept
    NSP = ((H + 1 + NS * 8 - 1) // (NS * 8)) * NS * 8

    fctp_scale = 1.0 / math.sqrt(D * A)
    c_s, c_x = math.sin(math.pi / 8), math.cos(math.pi / 8)

    pad = E_pad - E
    src_p = jnp.pad(edge_src.astype(jnp.int32), (0, pad))
    dst_p = jnp.pad(edge_dst.astype(jnp.int32), (0, pad), constant_values=N)
    pk_p = (src_p + dst_p * 16384).reshape(NS, NCH, CH)
    W_in_r = jnp.transpose(W_in, (1, 0, 2))
    W_mask_r = jnp.transpose(W_mask, (1, 0, 2))
    W_out_r = jnp.transpose(W_out, (1, 0, 2))
    W2z = jnp.transpose(W_e2.reshape(RN, D, DE), (2, 0, 1)).reshape(DE * RN, D)
    W_e0b = W_e0.astype(jnp.bfloat16)
    W_e1b = W_e1.astype(jnp.bfloat16)
    W2zb = W2z.astype(jnp.bfloat16)

    BN = 1000
    grid_n = N // BN
    nf, mask = pl.pallas_call(
        functools.partial(_node_fctp_body, fctp_scale),
        grid=(grid_n,),
        in_specs=[
            pl.BlockSpec((BN, D), lambda i: (i, 0)),
            pl.BlockSpec((BN, A), lambda i: (i, 0)),
            pl.BlockSpec((BN, 1), lambda i: (i, 0)),
            pl.BlockSpec((A, D, D), lambda i: (0, 0, 0)),
            pl.BlockSpec((A, D, D), lambda i: (0, 0, 0)),
        ],
        out_specs=[
            pl.BlockSpec((BN, D), lambda i: (i, 0)),
            pl.BlockSpec((BN, D), lambda i: (i, 0)),
        ],
        out_shape=[
            jax.ShapeDtypeStruct((N, D), jnp.float32),
            jax.ShapeDtypeStruct((N, D), jnp.float32),
        ],
    )(node_input, node_attr, node_deg, W_in_r, W_mask_r)

    BE = 2048
    grid_e = E_pad // BE
    LB = (E + BE - 1) // BE - 1
    s0 = 1.0 / math.sqrt(NB)
    s1 = 1.0 / math.sqrt(RN)
    s2 = 1.0 / (math.sqrt(RN) * math.sqrt(DE))
    s_dense = pl.pallas_call(
        functools.partial(_edge_mlp_body, s0, s1, s2, DE),
        grid=(grid_e,),
        in_specs=[
            pl.BlockSpec((BE, NB), lambda i: (jnp.minimum(i, LB), 0)),
            pl.BlockSpec((BE, DE), lambda i: (jnp.minimum(i, LB), 0)),
            pl.BlockSpec((NB, RN), lambda i: (0, 0)),
            pl.BlockSpec((RN, RN), lambda i: (0, 0)),
            pl.BlockSpec((DE * RN, D), lambda i: (0, 0)),
        ],
        out_specs=pl.BlockSpec((BE, D), lambda i: (i, 0)),
        out_shape=jax.ShapeDtypeStruct((E_pad, D), jnp.float32),
    )(edge_length_embedded, edge_attr, W_e0b, W_e1b, W2zb)

    sc_edge = functools.partial(
        pl.kernel,
        mesh=plsc.VectorSubcoreMesh(core_axis_name="c", subcore_axis_name="s"),
        out_type=jax.ShapeDtypeStruct((NC, NSP, D), jnp.float32),
        scratch_types=[
            pltpu.VMEM((NCH, CH), jnp.int32),
            pltpu.VMEM((1, CH), jnp.int32),
            pltpu.VMEM((CH, D), jnp.float32),
            pltpu.VMEM((2, CH, D), jnp.float32),
            pltpu.VMEM((2, CH), jnp.int32),
            pltpu.VMEM_SHARED((NSP, D), jnp.float32),
        ] + [pltpu.SemaphoreType.DMA] * 3,
    )(functools.partial(_sc_edge_body, N, D, CH, NCH, NSP, NC, H))
    aggp = sc_edge(nf, s_dense, pk_p)

    out = pl.pallas_call(
        functools.partial(_out_fctp_body, fctp_scale, c_s, c_x),
        grid=(grid_n,),
        in_specs=[
            pl.BlockSpec((1, BN, D), lambda i: (i // (H // BN), i % (H // BN), 0)),
            pl.BlockSpec((BN, A), lambda i: (i, 0)),
            pl.BlockSpec((BN, 1), lambda i: (i, 0)),
            pl.BlockSpec((BN, D), lambda i: (i, 0)),
            pl.BlockSpec((A, D, D), lambda i: (0, 0, 0)),
        ],
        out_specs=pl.BlockSpec((BN, D), lambda i: (i, 0)),
        out_shape=jax.ShapeDtypeStruct((N, D), jnp.float32),
    )(aggp, node_attr, node_deg, mask, W_out_r)
    return out

# --- scband reference (transcript-rebuilt; emitter-appended) ---
"""Pipeline reference for scband-graph-convolution-15513421873489 (READ-ONLY COPY).

The authoritative reference and input builder live on the scoring server;
editing this copy changes nothing except your own understanding.
"""

import jax, jax.numpy as jnp
import numpy as np
import math

N, E = 10000, 320000
D_IN, D_ATTR, D_EDGE, D_OUT = 128, 8, 4, 128
NB, RN = 16, 64
WN = D_IN * D_EDGE  # tensor_edge weight_numel for single 'uvu' scalar path = 128*4 = 512

def setup_inputs(seed: int = 0) -> dict:
    key = jax.random.key(seed)
    ks = jax.random.split(key, 13)
    node_input = jax.random.normal(ks[0], (N, D_IN), dtype=jnp.float32)
    node_attr = jax.random.normal(ks[1], (N, D_ATTR), dtype=jnp.float32)
    node_deg = jax.random.uniform(ks[2], (N, 1), dtype=jnp.float32, minval=1.0, maxval=64.0)
    edge_src = jax.random.randint(ks[3], (E,), 0, N, dtype=jnp.int64 if jax.config.jax_enable_x64 else jnp.int32)
    edge_dst = jax.random.randint(ks[4], (E,), 0, N, dtype=jnp.int64 if jax.config.jax_enable_x64 else jnp.int32)
    edge_attr = jax.random.normal(ks[5], (E, D_EDGE), dtype=jnp.float32)
    edge_length_embedded = jax.random.normal(ks[6], (E, NB), dtype=jnp.float32)
    W_in = jax.random.normal(ks[7], (D_IN, D_ATTR, D_IN), dtype=jnp.float32)
    W_mask = jax.random.normal(ks[8], (D_IN, D_ATTR, D_OUT), dtype=jnp.float32)
    W_out = jax.random.normal(ks[9], (D_IN, D_ATTR, D_OUT), dtype=jnp.float32)
    W_e0 = jax.random.normal(ks[10], (NB, RN), dtype=jnp.float32)
    W_e1 = jax.random.normal(ks[11], (RN, RN), dtype=jnp.float32)
    W_e2 = jax.random.normal(ks[12], (RN, WN), dtype=jnp.float32)
    return {"node_input": node_input, "node_attr": node_attr, "node_deg": node_deg,
            "edge_src": edge_src, "edge_dst": edge_dst, "edge_attr": edge_attr,
            "edge_length_embedded": edge_length_embedded, "numb": N, "n": 2,
            "W_in": W_in, "W_mask": W_mask, "W_out": W_out,
            "W_e0": W_e0, "W_e1": W_e1, "W_e2": W_e2}

def _fctp(x, y, W):
    # FullyConnectedTensorProduct for scalar (0e) irreps: bilinear contraction
    # with e3nn path normalization 1/sqrt(fan_in), fan_in = mul_in1 * mul_in2.
    fan_in = W.shape[0] * W.shape[1]
    return jnp.einsum('ni,nj,ijk->nk', x, y, W) / np.sqrt(fan_in)

def _fcnet(x, Ws):
    # e3nn FullyConnectedNet with silu: hidden layers normalized by 1/sqrt(fan_in)
    for W in Ws[:-1]:
        x = jax.nn.silu(x @ W / np.sqrt(W.shape[0]))
    W = Ws[-1]
    return x @ W / np.sqrt(W.shape[0])

def reference(node_input, node_attr, node_deg, edge_src, edge_dst, edge_attr,
              edge_length_embedded, numb, n, W_in, W_mask, W_out, W_e0, W_e1, W_e2):
    # linear_input: FCTP(node_input, node_attr)
    node_input_features = _fctp(node_input, node_attr, W_in)
    node_features = node_input_features / jnp.sqrt(node_deg)
    # linear_mask
    node_mask = _fctp(node_input, node_attr, W_mask)
    # edge2weight: radial MLP producing per-edge tensor-product weights
    edge_weight = _fcnet(edge_length_embedded, [W_e0, W_e1, W_e2])  # [E, D_IN*D_EDGE]
    # tensor_edge: single 'uvu' path on scalars:
    # out[e,u] = (1/sqrt(D_EDGE)) * sum_v w[e,u,v] * x[e,u] * y[e,v]
    w = edge_weight.reshape(-1, D_IN, D_EDGE)
    x_src = node_features[edge_src]  # gather [E, D_IN]
    edge_features = jnp.einsum('euv,eu,ev->eu', w, x_src, edge_attr) / np.sqrt(D_EDGE)
    # scatter-add over destination nodes
    agg = jax.ops.segment_sum(edge_features, edge_dst, num_segments=node_features.shape[0])
    agg = agg / jnp.sqrt(node_deg)
    # linear_output
    node_output = _fctp(agg, node_attr, W_out)
    c_s, c_x = math.sin(math.pi / 8), math.cos(math.pi / 8)
    # output_mask is all-ones (every output irrep has a path), so c_x stays cos(pi/8)
    return c_s * node_mask + c_x * node_output

if __name__ == "__main__":
    import jax
    _d = setup_inputs()
    print(jax.jit(kernel)(*tuple(_d.values())))

</pallas_src>

<mosaic_0001>
#map = affine_map<(d0, d1) -> (0, 0)>
#map1 = affine_map<(d0, d1) -> (0, 0, 0)>
module attributes {stable_mosaic.version = 14 : i64} {
  func.func @_sc_edge_body(%arg0: i32, %arg1: i32, %arg2: memref<10000x128xf32, #tpu.memory_space<hbm>>, %arg3: memref<321536x128xf32, #tpu.memory_space<hbm>>, %arg4: memref<16x157x128xi32, #tpu.memory_space<hbm>>, %arg5: memref<2x5120x128xf32, #tpu.memory_space<hbm>>, %arg6: memref<157x128xi32, #tpu.memory_space<vmem>>, %arg7: memref<1x128xi32, #tpu.memory_space<vmem>>, %arg8: memref<128x128xf32, #tpu.memory_space<vmem>>, %arg9: memref<2x128x128xf32, #tpu.memory_space<vmem>>, %arg10: memref<2x128xi32, #tpu.memory_space<vmem>>, %arg11: memref<5120x128xf32, #tpu.memory_space<vmem_shared>>, %arg12: memref<!tpu.dma_semaphore, #tpu.memory_space<semaphore_mem>>, %arg13: memref<!tpu.dma_semaphore, #tpu.memory_space<semaphore_mem>>, %arg14: memref<!tpu.dma_semaphore, #tpu.memory_space<semaphore_mem>>) attributes {dimension_semantics = [#tpu.dimension_semantics<core_parallel>, #tpu.dimension_semantics<subcore_parallel>], iteration_bounds = array<i64: 2, 16>, scalar_prefetch = 0 : i64, scratch_operands = 9 : i64, tpu.core_type = #tpu.core_type<sc_vector_subcore>, window_params = [{transform_indices = #map}, {transform_indices = #map}, {transform_indices = #map1}, {transform_indices = #map1}]} {
    %mul3A = arith.constant 5000 : i32
    %mul3A_0 = arith.muli %arg0, %mul3A : i32
    %broadcast_in_dim3A = arith.constant 0.000000e+00 : f32
    %broadcast_in_dim3A_1 = vector.broadcast %broadcast_in_dim3A : f32 to vector<16xf32>
    %scan3A = arith.constant 0 : i32
    %scan3A_2 = arith.constant 0 : i32
    %scan3A_3 = arith.constant 128 : i32
    %scan3A_4 = arith.addi %scan3A_2, %scan3A_3 : i32
    %scan3A_5 = arith.constant 1 : i32
    scf.for %scan3A_1003 = %scan3A_2 to %scan3A_4 step %scan3A_5  : i32 {
      %swap3A_1004 = arith.constant 0 : i32
      %swap3A_1005 = arith.index_cast %swap3A_1004 : i32 to index
      %swap3A_1006 = arith.index_cast %scan3A_1003 : i32 to index
      %swap3A_1007 = arith.constant 0 : index
      %swap3A_1008 = tpu.vector_load %arg9[%swap3A_1005, %swap3A_1006, %swap3A_1007] {strides = array<i32>} : memref<2x128x128xf32, #tpu.memory_space<vmem>>, vector<1x1x16xf32>,
      %swap3A_1009 = vector.shape_cast %swap3A_1008 : vector<1x1x16xf32> to vector<16xf32>
      %swap3A_1010 = vector.shape_cast %broadcast_in_dim3A_1 : vector<16xf32> to vector<1x1x16xf32>
      tpu.vector_store %arg9[%swap3A_1005, %swap3A_1006, %swap3A_1007], %swap3A_1010 {strides = array<i32>} : memref<2x128x128xf32, #tpu.memory_space<vmem>>, vector<1x1x16xf32>,
      %swap3A_1011 = arith.constant 0 : i32
      %swap3A_1012 = arith.index_cast %swap3A_1011 : i32 to index
      %swap3A_1013 = arith.index_cast %scan3A_1003 : i32 to index
      %swap3A_1014 = arith.constant 16 : index
      %swap3A_1015 = tpu.vector_load %arg9[%swap3A_1012, %swap3A_1013, %swap3A_1014] {strides = array<i32>} : memref<2x128x128xf32, #tpu.memory_space<vmem>>, vector<1x1x16xf32>,
      %swap3A_1016 = vector.shape_cast %swap3A_1015 : vector<1x1x16xf32> to vector<16xf32>
      %swap3A_1017 = vector.shape_cast %broadcast_in_dim3A_1 : vector<16xf32> to vector<1x1x16xf32>
      tpu.vector_store %arg9[%swap3A_1012, %swap3A_1013, %swap3A_1014], %swap3A_1017 {strides = array<i32>} : memref<2x128x128xf32, #tpu.memory_space<vmem>>, vector<1x1x16xf32>,
      %swap3A_1018 = arith.constant 0 : i32
      %swap3A_1019 = arith.index_cast %swap3A_1018 : i32 to index
      %swap3A_1020 = arith.index_cast %scan3A_1003 : i32 to index
      %swap3A_1021 = arith.constant 32 : index
      %swap3A_1022 = tpu.vector_load %arg9[%swap3A_1019, %swap3A_1020, %swap3A_1021] {strides = array<i32>} : memref<2x128x128xf32, #tpu.memory_space<vmem>>, vector<1x1x16xf32>,
      %swap3A_1023 = vector.shape_cast %swap3A_1022 : vector<1x1x16xf32> to vector<16xf32>
      %swap3A_1024 = vector.shape_cast %broadcast_in_dim3A_1 : vector<16xf32> to vector<1x1x16xf32>
      tpu.vector_store %arg9[%swap3A_1019, %swap3A_1020, %swap3A_1021], %swap3A_1024 {strides = array<i32>} : memref<2x128x128xf32, #tpu.memory_space<vmem>>, vector<1x1x16xf32>,
      %swap3A_1025 = arith.constant 0 : i32
      %swap3A_1026 = arith.index_cast %swap3A_1025 : i32 to index
      %swap3A_1027 = arith.index_cast %scan3A_1003 : i32 to index
      %swap3A_1028 = arith.constant 48 : index
      %swap3A_1029 = tpu.vector_load %arg9[%swap3A_1026, %swap3A_1027, %swap3A_1028] {strides = array<i32>} : memref<2x128x128xf32, #tpu.memory_space<vmem>>, vector<1x1x16xf32>,
      %swap3A_1030 = vector.shape_cast %swap3A_1029 : vector<1x1x16xf32> to vector<16xf32>
      %swap3A_1031 = vector.shape_cast %broadcast_in_dim3A_1 : vector<16xf32> to vector<1x1x16xf32>
      tpu.vector_store %arg9[%swap3A_1026, %swap3A_1027, %swap3A_1028], %swap3A_1031 {strides = array<i32>} : memref<2x128x128xf32, #tpu.memory_space<vmem>>, vector<1x1x16xf32>,
      %swap3A_1032 = arith.constant 0 : i32
      %swap3A_1033 = arith.index_cast %swap3A_1032 : i32 to index
      %swap3A_1034 = arith.index_cast %scan3A_1003 : i32 to index
      %swap3A_1035 = arith.constant 64 : index
      %swap3A_1036 = tpu.vector_load %arg9[%swap3A_1033, %swap3A_1034, %swap3A_1035] {strides = array<i32>} : memref<2x128x128xf32, #tpu.memory_space<vmem>>, vector<1x1x16xf32>,
      %swap3A_1037 = vector.shape_cast %swap3A_1036 : vector<1x1x16xf32> to vector<16xf32>
      %swap3A_1038 = vector.shape_cast %broadcast_in_dim3A_1 : vector<16xf32> to vector<1x1x16xf32>
      tpu.vector_store %arg9[%swap3A_1033, %swap3A_1034, %swap3A_1035], %swap3A_1038 {strides = array<i32>} : memref<2x128x128xf32, #tpu.memory_space<vmem>>, vector<1x1x16xf32>,
      %swap3A_1039 = arith.constant 0 : i32
      %swap3A_1040 = arith.index_cast %swap3A_1039 : i32 to index
      %swap3A_1041 = arith.index_cast %scan3A_1003 : i32 to index
      %swap3A_1042 = arith.constant 80 : index
      %swap3A_1043 = tpu.vector_load %arg9[%swap3A_1040, %swap3A_1041, %swap3A_1042] {strides = array<i32>} : memref<2x128x128xf32, #tpu.memory_space<vmem>>, vector<1x1x16xf32>,
      %swap3A_1044 = vector.shape_cast %swap3A_1043 : vector<1x1x16xf32> to vector<16xf32>
      %swap3A_1045 = vector.shape_cast %broadcast_in_dim3A_1 : vector<16xf32> to vector<1x1x16xf32>
      tpu.vector_store %arg9[%swap3A_1040, %swap3A_1041, %swap3A_1042], %swap3A_1045 {strides = array<i32>} : memref<2x128x128xf32, #tpu.memory_space<vmem>>, vector<1x1x16xf32>,
      %swap3A_1046 = arith.constant 0 : i32
      %swap3A_1047 = arith.index_cast %swap3A_1046 : i32 to index
      %swap3A_1048 = arith.index_cast %scan3A_1003 : i32 to index
      %swap3A_1049 = arith.constant 96 : index
      %swap3A_1050 = tpu.vector_load %arg9[%swap3A_1047, %swap3A_1048, %swap3A_1049] {strides = array<i32>} : memref<2x128x128xf32, #tpu.memory_space<vmem>>, vector<1x1x16xf32>,
      %swap3A_1051 = vector.shape_cast %swap3A_1050 : vector<1x1x16xf32> to vector<16xf32>
      %swap3A_1052 = vector.shape_cast %broadcast_in_dim3A_1 : vector<16xf32> to vector<1x1x16xf32>
      tpu.vector_store %arg9[%swap3A_1047, %swap3A_1048, %swap3A_1049], %swap3A_1052 {strides = array<i32>} : memref<2x128x128xf32, #tpu.memory_space<vmem>>, vector<1x1x16xf32>,
      %swap3A_1053 = arith.constant 0 : i32
      %swap3A_1054 = arith.index_cast %swap3A_1053 : i32 to index
      %swap3A_1055 = arith.index_cast %scan3A_1003 : i32 to index
      %swap3A_1056 = arith.constant 112 : index
      %swap3A_1057 = tpu.vector_load %arg9[%swap3A_1054, %swap3A_1055, %swap3A_1056] {strides = array<i32>} : memref<2x128x128xf32, #tpu.memory_space<vmem>>, vector<1x1x16xf32>,
      %swap3A_1058 = vector.shape_cast %swap3A_1057 : vector<1x1x16xf32> to vector<16xf32>
      %swap3A_1059 = vector.shape_cast %broadcast_in_dim3A_1 : vector<16xf32> to vector<1x1x16xf32>
      tpu.vector_store %arg9[%swap3A_1054, %swap3A_1055, %swap3A_1056], %swap3A_1059 {strides = array<i32>} : memref<2x128x128xf32, #tpu.memory_space<vmem>>, vector<1x1x16xf32>,
    }
    %scan3A_6 = arith.constant 128 : i32
    %mul3A_7 = arith.constant 320 : i32
    %mul3A_8 = arith.muli %arg1, %mul3A_7 : i32
    %add3A = arith.constant 0 : i32
    %add3A_9 = arith.addi %mul3A_8, %add3A : i32
    %run_scoped3A = arith.constant 0 : i32
    "tpu.region"() ({
      %run_scoped3A_1003 = tpu.sem_alloc : memref<!tpu.dma_semaphore, #tpu.memory_space<semaphore_mem>>
      %dma_start3A_1004 = arith.constant 0 : i32
      %dma_start3A_1005 = arith.constant 0 : i32
      %dma_start3A_1006 = tpu.memref_slice %arg9[%run_scoped3A, %dma_start3A_1004, %dma_start3A_1005] : memref<2x128x128xf32, #tpu.memory_space<vmem>> -> memref<1x128x128xf32, #tpu.memory_space<vmem>>
      %dma_start3A_1007 = tpu.memref_squeeze %dma_start3A_1006 : memref<1x128x128xf32, #tpu.memory_space<vmem>> -> memref<128x128xf32, #tpu.memory_space<vmem>>
      %dma_start3A_1008 = arith.constant 0 : i32
      %dma_start3A_1009 = tpu.memref_slice %arg11[%add3A_9, %dma_start3A_1008] : memref<5120x128xf32, #tpu.memory_space<vmem_shared>> -> memref<128x128xf32, #tpu.memory_space<vmem_shared>>
      %dma_start3A_1010 = arith.constant 0 : i32
      %dma_start3A_1011 = tpu.memref_slice %arg11[%add3A_9, %dma_start3A_1010] : memref<5120x128xf32, #tpu.memory_space<vmem_shared>> -> memref<128x128xf32, #tpu.memory_space<vmem_shared>>
      %dma_start3A_1012 = arith.constant 0 : i32
      %dma_start3A_1013 = arith.constant 0 : i32
      %dma_start3A_1014 = tpu.memref_slice %arg9[%run_scoped3A, %dma_start3A_1012, %dma_start3A_1013] : memref<2x128x128xf32, #tpu.memory_space<vmem>> -> memref<1x128x128xf32, #tpu.memory_space<vmem>>
      %dma_start3A_1015 = tpu.memref_squeeze %dma_start3A_1014 : memref<1x128x128xf32, #tpu.memory_space<vmem>> -> memref<128x128xf32, #tpu.memory_space<vmem>>
      tpu.enqueue_dma source(%dma_start3A_1015 : memref<128x128xf32, #tpu.memory_space<vmem>>) target(%dma_start3A_1011 : memref<128x128xf32, #tpu.memory_space<vmem_shared>>) target_semaphore(%run_scoped3A_1003 : memref<!tpu.dma_semaphore, #tpu.memory_space<semaphore_mem>>)
      %dma_wait3A_1016 = arith.constant 0 : i32
      %dma_wait3A_1017 = arith.constant 0 : i32
      %dma_wait3A_1018 = tpu.memref_slice %arg9[%run_scoped3A, %dma_wait3A_1016, %dma_wait3A_1017] : memref<2x128x128xf32, #tpu.memory_space<vmem>> -> memref<1x128x128xf32, #tpu.memory_space<vmem>>
      %dma_wait3A_1019 = tpu.memref_squeeze %dma_wait3A_1018 : memref<1x128x128xf32, #tpu.memory_space<vmem>> -> memref<128x128xf32, #tpu.memory_space<vmem>>
      %dma_wait3A_1020 = arith.constant 0 : i32
      %dma_wait3A_1021 = tpu.memref_slice %arg11[%add3A_9, %dma_wait3A_1020] : memref<5120x128xf32, #tpu.memory_space<vmem_shared>> -> memref<128x128xf32, #tpu.memory_space<vmem_shared>>
      %dma_wait3A_1022 = arith.constant 0 : i32
      %dma_wait3A_1023 = tpu.memref_slice %arg11[%add3A_9, %dma_wait3A_1022] : memref<5120x128xf32, #tpu.memory_space<vmem_shared>> -> memref<128x128xf32, #tpu.memory_space<vmem_shared>>
      %dma_wait3A_1024 = arith.constant 0 : i32
      %dma_wait3A_1025 = arith.constant 0 : i32
      %dma_wait3A_1026 = tpu.memref_slice %arg9[%run_scoped3A, %dma_wait3A_1024, %dma_wait3A_1025] : memref<2x128x128xf32, #tpu.memory_space<vmem>> -> memref<1x128x128xf32, #tpu.memory_space<vmem>>
      %dma_wait3A_1027 = tpu.memref_squeeze %dma_wait3A_1026 : memref<1x128x128xf32, #tpu.memory_space<vmem>> -> memref<128x128xf32, #tpu.memory_space<vmem>>
      tpu.wait_dma2 semaphore(%run_scoped3A_1003 : memref<!tpu.dma_semaphore, #tpu.memory_space<semaphore_mem>>) src(%dma_wait3A_1027 : memref<128x128xf32, #tpu.memory_space<vmem>>) dst(%dma_wait3A_1023 : memref<128x128xf32, #tpu.memory_space<vmem_shared>>)
      tpu.yield
    }) : () -> ()
    %mul3A_10 = arith.constant 320 : i32
    %mul3A_11 = arith.muli %arg1, %mul3A_10 : i32
    %add3A_12 = arith.constant 128 : i32
    %add3A_13 = arith.addi %mul3A_11, %add3A_12 : i32
    %run_scoped3A_14 = arith.constant 0 : i32
    "tpu.region"() ({
      %run_scoped3A_1003 = tpu.sem_alloc : memref<!tpu.dma_semaphore, #tpu.memory_space<semaphore_mem>>
      %dma_start3A_1004 = arith.constant 0 : i32
      %dma_start3A_1005 = arith.constant 0 : i32
      %dma_start3A_1006 = tpu.memref_slice %arg9[%run_scoped3A_14, %dma_start3A_1004, %dma_start3A_1005] : memref<2x128x128xf32, #tpu.memory_space<vmem>> -> memref<1x128x128xf32, #tpu.memory_space<vmem>>
      %dma_start3A_1007 = tpu.memref_squeeze %dma_start3A_1006 : memref<1x128x128xf32, #tpu.memory_space<vmem>> -> memref<128x128xf32, #tpu.memory_space<vmem>>
      %dma_start3A_1008 = arith.constant 0 : i32
      %dma_start3A_1009 = tpu.memref_slice %arg11[%add3A_13, %dma_start3A_1008] : memref<5120x128xf32, #tpu.memory_space<vmem_shared>> -> memref<128x128xf32, #tpu.memory_space<vmem_shared>>
      %dma_start3A_1010 = arith.constant 0 : i32
      %dma_start3A_1011 = tpu.memref_slice %arg11[%add3A_13, %dma_start3A_1010] : memref<5120x128xf32, #tpu.memory_space<vmem_shared>> -> memref<128x128xf32, #tpu.memory_space<vmem_shared>>
      %dma_start3A_1012 = arith.constant 0 : i32
      %dma_start3A_1013 = arith.constant 0 : i32
      %dma_start3A_1014 = tpu.memref_slice %arg9[%run_scoped3A_14, %dma_start3A_1012, %dma_start3A_1013] : memref<2x128x128xf32, #tpu.memory_space<vmem>> -> memref<1x128x128xf32, #tpu.memory_space<vmem>>
      %dma_start3A_1015 = tpu.memref_squeeze %dma_start3A_1014 : memref<1x128x128xf32, #tpu.memory_space<vmem>> -> memref<128x128xf32, #tpu.memory_space<vmem>>
      tpu.enqueue_dma source(%dma_start3A_1015 : memref<128x128xf32, #tpu.memory_space<vmem>>) target(%dma_start3A_1011 : memref<128x128xf32, #tpu.memory_space<vmem_shared>>) target_semaphore(%run_scoped3A_1003 : memref<!tpu.dma_semaphore, #tpu.memory_space<semaphore_mem>>)
      %dma_wait3A_1016 = arith.constant 0 : i32
      %dma_wait3A_1017 = arith.constant 0 : i32
      %dma_wait3A_1018 = tpu.memref_slice %arg9[%run_scoped3A_14, %dma_wait3A_1016, %dma_wait3A_1017] : memref<2x128x128xf32, #tpu.memory_space<vmem>> -> memref<1x128x128xf32, #tpu.memory_space<vmem>>
      %dma_wait3A_1019 = tpu.memref_squeeze %dma_wait3A_1018 : memref<1x128x128xf32, #tpu.memory_space<vmem>> -> memref<128x128xf32, #tpu.memory_space<vmem>>
      %dma_wait3A_1020 = arith.constant 0 : i32
      %dma_wait3A_1021 = tpu.memref_slice %arg11[%add3A_13, %dma_wait3A_1020] : memref<5120x128xf32, #tpu.memory_space<vmem_shared>> -> memref<128x128xf32, #tpu.memory_space<vmem_shared>>
      %dma_wait3A_1022 = arith.constant 0 : i32
      %dma_wait3A_1023 = tpu.memref_slice %arg11[%add3A_13, %dma_wait3A_1022] : memref<5120x128xf32, #tpu.memory_space<vmem_shared>> -> memref<128x128xf32, #tpu.memory_space<vmem_shared>>
      %dma_wait3A_1024 = arith.constant 0 : i32
      %dma_wait3A_1025 = arith.constant 0 : i32
      %dma_wait3A_1026 = tpu.memref_slice %arg9[%run_scoped3A_14, %dma_wait3A_1024, %dma_wait3A_1025] : memref<2x128x128xf32, #tpu.memory_space<vmem>> -> memref<1x128x128xf32, #tpu.memory_space<vmem>>
      %dma_wait3A_1027 = tpu.memref_squeeze %dma_wait3A_1026 : memref<1x128x128xf32, #tpu.memory_space<vmem>> -> memref<128x128xf32, #tpu.memory_space<vmem>>
      tpu.wait_dma2 semaphore(%run_scoped3A_1003 : memref<!tpu.dma_semaphore, #tpu.memory_space<semaphore_mem>>) src(%dma_wait3A_1027 : memref<128x128xf32, #tpu.memory_space<vmem>>) dst(%dma_wait3A_1023 : memref<128x128xf32, #tpu.memory_space<vmem_shared>>)
      tpu.yield
    }) : () -> ()
    %mul3A_15 = arith.constant 320 : i32
    %mul3A_16 = arith.muli %arg1, %mul3A_15 : i32
    %add3A_17 = arith.constant 256 : i32
    %add3A_18 = arith.addi %mul3A_16, %add3A_17 : i32
    %run_scoped3A_19 = arith.constant 0 : i32
    "tpu.region"() ({
      %run_scoped3A_1003 = tpu.sem_alloc : memref<!tpu.dma_semaphore, #tpu.memory_space<semaphore_mem>>
      %dma_start3A_1004 = arith.constant 0 : i32
      %dma_start3A_1005 = arith.constant 0 : i32
      %dma_start3A_1006 = tpu.memref_slice %arg9[%run_scoped3A_19, %dma_start3A_1004, %dma_start3A_1005] : memref<2x128x128xf32, #tpu.memory_space<vmem>> -> memref<1x128x128xf32, #tpu.memory_space<vmem>>
      %dma_start3A_1007 = tpu.memref_squeeze %dma_start3A_1006 : memref<1x128x128xf32, #tpu.memory_space<vmem>> -> memref<128x128xf32, #tpu.memory_space<vmem>>
      %dma_start3A_1008 = arith.constant 0 : i32
      %dma_start3A_1009 = arith.constant 0 : i32
      %dma_start3A_1010 = tpu.memref_slice %dma_start3A_1007[%dma_start3A_1008, %dma_start3A_1009] : memref<128x128xf32, #tpu.memory_space<vmem>> -> memref<64x128xf32, #tpu.memory_space<vmem>>
      %dma_start3A_1011 = arith.constant 0 : i32
      %dma_start3A_1012 = tpu.memref_slice %arg11[%add3A_18, %dma_start3A_1011] : memref<5120x128xf32, #tpu.memory_space<vmem_shared>> -> memref<64x128xf32, #tpu.memory_space<vmem_shared>>
      %dma_start3A_1013 = arith.constant 0 : i32
      %dma_start3A_1014 = tpu.memref_slice %arg11[%add3A_18, %dma_start3A_1013] : memref<5120x128xf32, #tpu.memory_space<vmem_shared>> -> memref<64x128xf32, #tpu.memory_space<vmem_shared>>
      %dma_start3A_1015 = arith.constant 0 : i32
      %dma_start3A_1016 = arith.constant 0 : i32
      %dma_start3A_1017 = tpu.memref_slice %arg9[%run_scoped3A_19, %dma_start3A_1015, %dma_start3A_1016] : memref<2x128x128xf32, #tpu.memory_space<vmem>> -> memref<1x128x128xf32, #tpu.memory_space<vmem>>
      %dma_start3A_1018 = tpu.memref_squeeze %dma_start3A_1017 : memref<1x128x128xf32, #tpu.memory_space<vmem>> -> memref<128x128xf32, #tpu.memory_space<vmem>>
      %dma_start3A_1019 = arith.constant 0 : i32
      %dma_start3A_1020 = arith.constant 0 : i32
      %dma_start3A_1021 = tpu.memref_slice %dma_start3A_1018[%dma_start3A_1019, %dma_start3A_1020] : memref<128x128xf32, #tpu.memory_space<vmem>> -> memref<64x128xf32, #tpu.memory_space<vmem>>
      tpu.enqueue_dma source(%dma_start3A_1021 : memref<64x128xf32, #tpu.memory_space<vmem>>) target(%dma_start3A_1014 : memref<64x128xf32, #tpu.memory_space<vmem_shared>>) target_semaphore(%run_scoped3A_1003 : memref<!tpu.dma_semaphore, #tpu.memory_space<semaphore_mem>>)
      %dma_wait3A_1022 = arith.constant 0 : i32
      %dma_wait3A_1023 = arith.constant 0 : i32
      %dma_wait3A_1024 = tpu.memref_slice %arg9[%run_scoped3A_19, %dma_wait3A_1022, %dma_wait3A_1023] : memref<2x128x128xf32, #tpu.memory_space<vmem>> -> memref<1x128x128xf32, #tpu.memory_space<vmem>>
      %dma_wait3A_1025 = tpu.memref_squeeze %dma_wait3A_1024 : memref<1x128x128xf32, #tpu.memory_space<vmem>> -> memref<128x128xf32, #tpu.memory_space<vmem>>
      %dma_wait3A_1026 = arith.constant 0 : i32
      %dma_wait3A_1027 = arith.constant 0 : i32
      %dma_wait3A_1028 = tpu.memref_slice %dma_wait3A_1025[%dma_wait3A_1026, %dma_wait3A_1027] : memref<128x128xf32, #tpu.memory_space<vmem>> -> memref<64x128xf32, #tpu.memory_space<vmem>>
      %dma_wait3A_1029 = arith.constant 0 : i32
      %dma_wait3A_1030 = tpu.memref_slice %arg11[%add3A_18, %dma_wait3A_1029] : memref<5120x128xf32, #tpu.memory_space<vmem_shared>> -> memref<64x128xf32, #tpu.memory_space<vmem_shared>>
      %dma_wait3A_1031 = arith.constant 0 : i32
      %dma_wait3A_1032 = tpu.memref_slice %arg11[%add3A_18, %dma_wait3A_1031] : memref<5120x128xf32, #tpu.memory_space<vmem_shared>> -> memref<64x128xf32, #tpu.memory_space<vmem_shared>>
      %dma_wait3A_1033 = arith.constant 0 : i32
      %dma_wait3A_1034 = arith.constant 0 : i32
      %dma_wait3A_1035 = tpu.memref_slice %arg9[%run_scoped3A_19, %dma_wait3A_1033, %dma_wait3A_1034] : memref<2x128x128xf32, #tpu.memory_space<vmem>> -> memref<1x128x128xf32, #tpu.memory_space<vmem>>
      %dma_wait3A_1036 = tpu.memref_squeeze %dma_wait3A_1035 : memref<1x128x128xf32, #tpu.memory_space<vmem>> -> memref<128x128xf32, #tpu.memory_space<vmem>>
      %dma_wait3A_1037 = arith.constant 0 : i32
      %dma_wait3A_1038 = arith.constant 0 : i32
      %dma_wait3A_1039 = tpu.memref_slice %dma_wait3A_1036[%dma_wait3A_1037, %dma_wait3A_1038] : memref<128x128xf32, #tpu.memory_space<vmem>> -> memref<64x128xf32, #tpu.memory_space<vmem>>
      tpu.wait_dma2 semaphore(%run_scoped3A_1003 : memref<!tpu.dma_semaphore, #tpu.memory_space<semaphore_mem>>) src(%dma_wait3A_1039 : memref<64x128xf32, #tpu.memory_space<vmem>>) dst(%dma_wait3A_1032 : memref<64x128xf32, #tpu.memory_space<vmem_shared>>)
      tpu.yield
    }) : () -> ()
    %barrier3A = arith.constant 0 : index
    tpu.barrier barrier_id(%barrier3A)
    "tpu.region"() ({
      %run_scoped3A_1003 = tpu.sem_alloc : memref<!tpu.dma_semaphore, #tpu.memory_space<semaphore_mem>>
      %dma_start3A_1004 = arith.constant 0 : i32
      %dma_start3A_1005 = arith.constant 0 : i32
      %dma_start3A_1006 = tpu.memref_slice %arg4[%arg1, %dma_start3A_1004, %dma_start3A_1005] : memref<16x157x128xi32, #tpu.memory_space<hbm>> -> memref<1x157x128xi32, #tpu.memory_space<hbm>>
      %dma_start3A_1007 = tpu.memref_squeeze %dma_start3A_1006 : memref<1x157x128xi32, #tpu.memory_space<hbm>> -> memref<157x128xi32, #tpu.memory_space<hbm>>
      %dma_start3A_1008 = arith.constant 0 : i32
      %dma_start3A_1009 = arith.constant 0 : i32
      %dma_start3A_1010 = tpu.memref_slice %arg4[%arg1, %dma_start3A_1008, %dma_start3A_1009] : memref<16x157x128xi32, #tpu.memory_space<hbm>> -> memref<1x157x128xi32, #tpu.memory_space<hbm>>
      %dma_start3A_1011 = tpu.memref_squeeze %dma_start3A_1010 : memref<1x157x128xi32, #tpu.memory_space<hbm>> -> memref<157x128xi32, #tpu.memory_space<hbm>>
      tpu.enqueue_dma source(%dma_start3A_1011 : memref<157x128xi32, #tpu.memory_space<hbm>>) target(%arg6 : memref<157x128xi32, #tpu.memory_space<vmem>>) target_semaphore(%run_scoped3A_1003 : memref<!tpu.dma_semaphore, #tpu.memory_space<semaphore_mem>>)
      %dma_wait3A_1012 = arith.constant 0 : i32
      %dma_wait3A_1013 = arith.constant 0 : i32
      %dma_wait3A_1014 = tpu.memref_slice %arg4[%arg1, %dma_wait3A_1012, %dma_wait3A_1013] : memref<16x157x128xi32, #tpu.memory_space<hbm>> -> memref<1x157x128xi32, #tpu.memory_space<hbm>>
      %dma_wait3A_1015 = tpu.memref_squeeze %dma_wait3A_1014 : memref<1x157x128xi32, #tpu.memory_space<hbm>> -> memref<157x128xi32, #tpu.memory_space<hbm>>
      %dma_wait3A_1016 = arith.constant 0 : i32
      %dma_wait3A_1017 = arith.constant 0 : i32
      %dma_wait3A_1018 = tpu.memref_slice %arg4[%arg1, %dma_wait3A_1016, %dma_wait3A_1017] : memref<16x157x128xi32, #tpu.memory_space<hbm>> -> memref<1x157x128xi32, #tpu.memory_space<hbm>>
      %dma_wait3A_1019 = tpu.memref_squeeze %dma_wait3A_1018 : memref<1x157x128xi32, #tpu.memory_space<hbm>> -> memref<157x128xi32, #tpu.memory_space<hbm>>
      tpu.wait_dma2 semaphore(%run_scoped3A_1003 : memref<!tpu.dma_semaphore, #tpu.memory_space<semaphore_mem>>) src(%dma_wait3A_1019 : memref<157x128xi32, #tpu.memory_space<hbm>>) dst(%arg6 : memref<157x128xi32, #tpu.memory_space<vmem>>)
      tpu.yield
    }) : () -> ()
    %mul3A_20 = arith.constant 20096 : i32
    %mul3A_21 = arith.muli %arg1, %mul3A_20 : i32
    %get3A = arith.constant 0 : i32
    %get3A_22 = arith.index_cast %get3A : i32 to index
    %get3A_23 = arith.constant 0 : index
    %get3A_24 = tpu.vector_load %arg6[%get3A_22, %get3A_23] {strides = array<i32>} : memref<157x128xi32, #tpu.memory_space<vmem>>, vector<1x16xi32>,
    %get3A_25 = vector.shape_cast %get3A_24 : vector<1x16xi32> to vector<16xi32>
    %and3A = arith.constant 16383 : i32
    %and3A_26 = vector.broadcast %and3A : i32 to vector<16xi32>
    %and3A_27 = arith.andi %get3A_25, %and3A_26 : vector<16xi32>
    %swap3A = arith.constant 0 : i32
    %swap3A_28 = arith.index_cast %swap3A : i32 to index
    %swap3A_29 = arith.constant 0 : index
    %swap3A_30 = tpu.vector_load %arg7[%swap3A_28, %swap3A_29] {strides = array<i32>} : memref<1x128xi32, #tpu.memory_space<vmem>>, vector<1x16xi32>,
    %swap3A_31 = vector.shape_cast %swap3A_30 : vector<1x16xi32> to vector<16xi32>
    %swap3A_32 = vector.shape_cast %and3A_27 : vector<16xi32> to vector<1x16xi32>
    tpu.vector_store %arg7[%swap3A_28, %swap3A_29], %swap3A_32 {strides = array<i32>} : memref<1x128xi32, #tpu.memory_space<vmem>>, vector<1x16xi32>,
    %shift_right_arithmetic3A = arith.constant 14 : i32
    %shift_right_arithmetic3A_33 = vector.broadcast %shift_right_arithmetic3A : i32 to vector<16xi32>
    %shift_right_arithmetic3A_34 = arith.shrsi %get3A_25, %shift_right_arithmetic3A_33 : vector<16xi32>
    %sub3A = vector.broadcast %mul3A_0 : i32 to vector<16xi32>
    %sub3A_35 = arith.subi %shift_right_arithmetic3A_34, %sub3A : vector<16xi32>
    %ge3A = arith.constant 0 : i32
    %ge3A_36 = vector.broadcast %ge3A : i32 to vector<16xi32>
    %ge3A_37 = arith.cmpi sge, %sub3A_35, %ge3A_36 : vector<16xi32>
    %lt3A = arith.constant 5000 : i32
    %lt3A_38 = vector.broadcast %lt3A : i32 to vector<16xi32>
    %lt3A_39 = arith.cmpi slt, %sub3A_35, %lt3A_38 : vector<16xi32>
    %and3A_40 = arith.andi %ge3A_37, %lt3A_39 : vector<16xi1>
    %jit3A = arith.constant 5000 : i32
    %broadcast_in_dim3A_41 = vector.broadcast %jit3A : i32 to vector<16xi32>
    %select_n3A = arith.select %and3A_40, %sub3A_35, %broadcast_in_dim3A_41 : vector<16xi1>, vector<16xi32>
    %swap3A_42 = arith.constant 0 : i32
    %swap3A_43 = arith.index_cast %swap3A_42 : i32 to index
    %swap3A_44 = arith.constant 0 : index
    %swap3A_45 = tpu.vector_load %arg10[%swap3A_43, %swap3A_44] {strides = array<i32>} : memref<2x128xi32, #tpu.memory_space<vmem>>, vector<1x16xi32>,
    %swap3A_46 = vector.shape_cast %swap3A_45 : vector<1x16xi32> to vector<16xi32>
    %swap3A_47 = vector.shape_cast %select_n3A : vector<16xi32> to vector<1x16xi32>
    tpu.vector_store %arg10[%swap3A_43, %swap3A_44], %swap3A_47 {strides = array<i32>} : memref<2x128xi32, #tpu.memory_space<vmem>>, vector<1x16xi32>,
    %get3A_48 = arith.constant 0 : i32
    %get3A_49 = arith.index_cast %get3A_48 : i32 to index
    %get3A_50 = arith.constant 16 : index
    %get3A_51 = tpu.vector_load %arg6[%get3A_49, %get3A_50] {strides = array<i32>} : memref<157x128xi32, #tpu.memory_space<vmem>>, vector<1x16xi32>,
    %get3A_52 = vector.shape_cast %get3A_51 : vector<1x16xi32> to vector<16xi32>
    %and3A_53 = arith.constant 16383 : i32
    %and3A_54 = vector.broadcast %and3A_53 : i32 to vector<16xi32>
    %and3A_55 = arith.andi %get3A_52, %and3A_54 : vector<16xi32>
    %swap3A_56 = arith.constant 0 : i32
    %swap3A_57 = arith.index_cast %swap3A_56 : i32 to index
    %swap3A_58 = arith.constant 16 : index
    %swap3A_59 = tpu.vector_load %arg7[%swap3A_57, %swap3A_58] {strides = array<i32>} : memref<1x128xi32, #tpu.memory_space<vmem>>, vector<1x16xi32>,
    %swap3A_60 = vector.shape_cast %swap3A_59 : vector<1x16xi32> to vector<16xi32>
    %swap3A_61 = vector.shape_cast %and3A_55 : vector<16xi32> to vector<1x16xi32>
    tpu.vector_store %arg7[%swap3A_57, %swap3A_58], %swap3A_61 {strides = array<i32>} : memref<1x128xi32, #tpu.memory_space<vmem>>, vector<1x16xi32>,
    %shift_right_arithmetic3A_62 = arith.constant 14 : i32
    %shift_right_arithmetic3A_63 = vector.broadcast %shift_right_arithmetic3A_62 : i32 to vector<16xi32>
    %shift_right_arithmetic3A_64 = arith.shrsi %get3A_52, %shift_right_arithmetic3A_63 : vector<16xi32>
    %sub3A_65 = vector.broadcast %mul3A_0 : i32 to vector<16xi32>
    %sub3A_66 = arith.subi %shift_right_arithmetic3A_64, %sub3A_65 : vector<16xi32>
    %ge3A_67 = arith.constant 0 : i32
    %ge3A_68 = vector.broadcast %ge3A_67 : i32 to vector<16xi32>
    %ge3A_69 = arith.cmpi sge, %sub3A_66, %ge3A_68 : vector<16xi32>
    %lt3A_70 = arith.constant 5000 : i32
    %lt3A_71 = vector.broadcast %lt3A_70 : i32 to vector<16xi32>
    %lt3A_72 = arith.cmpi slt, %sub3A_66, %lt3A_71 : vector<16xi32>
    %and3A_73 = arith.andi %ge3A_69, %lt3A_72 : vector<16xi1>
    %jit3A_74 = arith.constant 5000 : i32
    %broadcast_in_dim3A_75 = vector.broadcast %jit3A_74 : i32 to vector<16xi32>
    %select_n3A_76 = arith.select %and3A_73, %sub3A_66, %broadcast_in_dim3A_75 : vector<16xi1>, vector<16xi32>
    %swap3A_77 = arith.constant 0 : i32
    %swap3A_78 = arith.index_cast %swap3A_77 : i32 to index
    %swap3A_79 = arith.constant 16 : index
    %swap3A_80 = tpu.vector_load %arg10[%swap3A_78, %swap3A_79] {strides = array<i32>} : memref<2x128xi32, #tpu.memory_space<vmem>>, vector<1x16xi32>,
    %swap3A_81 = vector.shape_cast %swap3A_80 : vector<1x16xi32> to vector<16xi32>
    %swap3A_82 = vector.shape_cast %select_n3A_76 : vector<16xi32> to vector<1x16xi32>
    tpu.vector_store %arg10[%swap3A_78, %swap3A_79], %swap3A_82 {strides = array<i32>} : memref<2x128xi32, #tpu.memory_space<vmem>>, vector<1x16xi32>,
    %get3A_83 = arith.constant 0 : i32
    %get3A_84 = arith.index_cast %get3A_83 : i32 to index
    %get3A_85 = arith.constant 32 : index
    %get3A_86 = tpu.vector_load %arg6[%get3A_84, %get3A_85] {strides = array<i32>} : memref<157x128xi32, #tpu.memory_space<vmem>>, vector<1x16xi32>,
    %get3A_87 = vector.shape_cast %get3A_86 : vector<1x16xi32> to vector<16xi32>
    %and3A_88 = arith.constant 16383 : i32
    %and3A_89 = vector.broadcast %and3A_88 : i32 to vector<16xi32>
    %and3A_90 = arith.andi %get3A_87, %and3A_89 : vector<16xi32>
    %swap3A_91 = arith.constant 0 : i32
    %swap3A_92 = arith.index_cast %swap3A_91 : i32 to index
    %swap3A_93 = arith.constant 32 : index
    %swap3A_94 = tpu.vector_load %arg7[%swap3A_92, %swap3A_93] {strides = array<i32>} : memref<1x128xi32, #tpu.memory_space<vmem>>, vector<1x16xi32>,
    %swap3A_95 = vector.shape_cast %swap3A_94 : vector<1x16xi32> to vector<16xi32>
    %swap3A_96 = vector.shape_cast %and3A_90 : vector<16xi32> to vector<1x16xi32>
    tpu.vector_store %arg7[%swap3A_92, %swap3A_93], %swap3A_96 {strides = array<i32>} : memref<1x128xi32, #tpu.memory_space<vmem>>, vector<1x16xi32>,
    %shift_right_arithmetic3A_97 = arith.constant 14 : i32
    %shift_right_arithmetic3A_98 = vector.broadcast %shift_right_arithmetic3A_97 : i32 to vector<16xi32>
    %shift_right_arithmetic3A_99 = arith.shrsi %get3A_87, %shift_right_arithmetic3A_98 : vector<16xi32>
    %sub3A_100 = vector.broadcast %mul3A_0 : i32 to vector<16xi32>
    %sub3A_101 = arith.subi %shift_right_arithmetic3A_99, %sub3A_100 : vector<16xi32>
    %ge3A_102 = arith.constant 0 : i32
    %ge3A_103 = vector.broadcast %ge3A_102 : i32 to vector<16xi32>
    %ge3A_104 = arith.cmpi sge, %sub3A_101, %ge3A_103 : vector<16xi32>
    %lt3A_105 = arith.constant 5000 : i32
    %lt3A_106 = vector.broadcast %lt3A_105 : i32 to vector<16xi32>
    %lt3A_107 = arith.cmpi slt, %sub3A_101, %lt3A_106 : vector<16xi32>
    %and3A_108 = arith.andi %ge3A_104, %lt3A_107 : vector<16xi1>
    %jit3A_109 = arith.constant 5000 : i32
    %broadcast_in_dim3A_110 = vector.broadcast %jit3A_109 : i32 to vector<16xi32>
    %select_n3A_111 = arith.select %and3A_108, %sub3A_101, %broadcast_in_dim3A_110 : vector<16xi1>, vector<16xi32>
    %swap3A_112 = arith.constant 0 : i32
    %swap3A_113 = arith.index_cast %swap3A_112 : i32 to index
    %swap3A_114 = arith.constant 32 : index
    %swap3A_115 = tpu.vector_load %arg10[%swap3A_113, %swap3A_114] {strides = array<i32>} : memref<2x128xi32, #tpu.memory_space<vmem>>, vector<1x16xi32>,
    %swap3A_116 = vector.shape_cast %swap3A_115 : vector<1x16xi32> to vector<16xi32>
    %swap3A_117 = vector.shape_cast %select_n3A_111 : vector<16xi32> to vector<1x16xi32>
    tpu.vector_store %arg10[%swap3A_113, %swap3A_114], %swap3A_117 {strides = array<i32>} : memref<2x128xi32, #tpu.memory_space<vmem>>, vector<1x16xi32>,
    %get3A_118 = arith.constant 0 : i32
    %get3A_119 = arith.index_cast %get3A_118 : i32 to index
    %get3A_120 = arith.constant 48 : index
    %get3A_121 = tpu.vector_load %arg6[%get3A_119, %get3A_120] {strides = array<i32>} : memref<157x128xi32, #tpu.memory_space<vmem>>, vector<1x16xi32>,
    %get3A_122 = vector.shape_cast %get3A_121 : vector<1x16xi32> to vector<16xi32>
    %and3A_123 = arith.constant 16383 : i32
    %and3A_124 = vector.broadcast %and3A_123 : i32 to vector<16xi32>
    %and3A_125 = arith.andi %get3A_122, %and3A_124 : vector<16xi32>
    %swap3A_126 = arith.constant 0 : i32
    %swap3A_127 = arith.index_cast %swap3A_126 : i32 to index
    %swap3A_128 = arith.constant 48 : index
    %swap3A_129 = tpu.vector_load %arg7[%swap3A_127, %swap3A_128] {strides = array<i32>} : memref<1x128xi32, #tpu.memory_space<vmem>>, vector<1x16xi32>,
    %swap3A_130 = vector.shape_cast %swap3A_129 : vector<1x16xi32> to vector<16xi32>
    %swap3A_131 = vector.shape_cast %and3A_125 : vector<16xi32> to vector<1x16xi32>
    tpu.vector_store %arg7[%swap3A_127, %swap3A_128], %swap3A_131 {strides = array<i32>} : memref<1x128xi32, #tpu.memory_space<vmem>>, vector<1x16xi32>,
    %shift_right_arithmetic3A_132 = arith.constant 14 : i32
    %shift_right_arithmetic3A_133 = vector.broadcast %shift_right_arithmetic3A_132 : i32 to vector<16xi32>
    %shift_right_arithmetic3A_134 = arith.shrsi %get3A_122, %shift_right_arithmetic3A_133 : vector<16xi32>
    %sub3A_135 = vector.broadcast %mul3A_0 : i32 to vector<16xi32>
    %sub3A_136 = arith.subi %shift_right_arithmetic3A_134, %sub3A_135 : vector<16xi32>
    %ge3A_137 = arith.constant 0 : i32
    %ge3A_138 = vector.broadcast %ge3A_137 : i32 to vector<16xi32>
    %ge3A_139 = arith.cmpi sge, %sub3A_136, %ge3A_138 : vector<16xi32>
    %lt3A_140 = arith.constant 5000 : i32
    %lt3A_141 = vector.broadcast %lt3A_140 : i32 to vector<16xi32>
    %lt3A_142 = arith.cmpi slt, %sub3A_136, %lt3A_141 : vector<16xi32>
    %and3A_143 = arith.andi %ge3A_139, %lt3A_142 : vector<16xi1>
    %jit3A_144 = arith.constant 5000 : i32
    %broadcast_in_dim3A_145 = vector.broadcast %jit3A_144 : i32 to vector<16xi32>
    %select_n3A_146 = arith.select %and3A_143, %sub3A_136, %broadcast_in_dim3A_145 : vector<16xi1>, vector<16xi32>
    %swap3A_147 = arith.constant 0 : i32
    %swap3A_148 = arith.index_cast %swap3A_147 : i32 to index
    %swap3A_149 = arith.constant 48 : index
    %swap3A_150 = tpu.vector_load %arg10[%swap3A_148, %swap3A_149] {strides = array<i32>} : memref<2x128xi32, #tpu.memory_space<vmem>>, vector<1x16xi32>,
    %swap3A_151 = vector.shape_cast %swap3A_150 : vector<1x16xi32> to vector<16xi32>
    %swap3A_152 = vector.shape_cast %select_n3A_146 : vector<16xi32> to vector<1x16xi32>
    tpu.vector_store %arg10[%swap3A_148, %swap3A_149], %swap3A_152 {strides = array<i32>} : memref<2x128xi32, #tpu.memory_space<vmem>>, vector<1x16xi32>,
    %get3A_153 = arith.constant 0 : i32
    %get3A_154 = arith.index_cast %get3A_153 : i32 to index
    %get3A_155 = arith.constant 64 : index
    %get3A_156 = tpu.vector_load %arg6[%get3A_154, %get3A_155] {strides = array<i32>} : memref<157x128xi32, #tpu.memory_space<vmem>>, vector<1x16xi32>,
    %get3A_157 = vector.shape_cast %get3A_156 : vector<1x16xi32> to vector<16xi32>
    %and3A_158 = arith.constant 16383 : i32
    %and3A_159 = vector.broadcast %and3A_158 : i32 to vector<16xi32>
    %and3A_160 = arith.andi %get3A_157, %and3A_159 : vector<16xi32>
    %swap3A_161 = arith.constant 0 : i32
    %swap3A_162 = arith.index_cast %swap3A_161 : i32 to index
    %swap3A_163 = arith.constant 64 : index
    %swap3A_164 = tpu.vector_load %arg7[%swap3A_162, %swap3A_163] {strides = array<i32>} : memref<1x128xi32, #tpu.memory_space<vmem>>, vector<1x16xi32>,
    %swap3A_165 = vector.shape_cast %swap3A_164 : vector<1x16xi32> to vector<16xi32>
    %swap3A_166 = vector.shape_cast %and3A_160 : vector<16xi32> to vector<1x16xi32>
    tpu.vector_store %arg7[%swap3A_162, %swap3A_163], %swap3A_166 {strides = array<i32>} : memref<1x128xi32, #tpu.memory_space<vmem>>, vector<1x16xi32>,
    %shift_right_arithmetic3A_167 = arith.constant 14 : i32
    %shift_right_arithmetic3A_168 = vector.broadcast %shift_right_arithmetic3A_167 : i32 to vector<16xi32>
    %shift_right_arithmetic3A_169 = arith.shrsi %get3A_157, %shift_right_arithmetic3A_168 : vector<16xi32>
    %sub3A_170 = vector.broadcast %mul3A_0 : i32 to vector<16xi32>
    %sub3A_171 = arith.subi %shift_right_arithmetic3A_169, %sub3A_170 : vector<16xi32>
    %ge3A_172 = arith.constant 0 : i32
    %ge3A_173 = vector.broadcast %ge3A_172 : i32 to vector<16xi32>
    %ge3A_174 = arith.cmpi sge, %sub3A_171, %ge3A_173 : vector<16xi32>
    %lt3A_175 = arith.constant 5000 : i32
    %lt3A_176 = vector.broadcast %lt3A_175 : i32 to vector<16xi32>
    %lt3A_177 = arith.cmpi slt, %sub3A_171, %lt3A_176 : vector<16xi32>
    %and3A_178 = arith.andi %ge3A_174, %lt3A_177 : vector<16xi1>
    %jit3A_179 = arith.constant 5000 : i32
    %broadcast_in_dim3A_180 = vector.broadcast %jit3A_179 : i32 to vector<16xi32>
    %select_n3A_181 = arith.select %and3A_178, %sub3A_171, %broadcast_in_dim3A_180 : vector<16xi1>, vector<16xi32>
    %swap3A_182 = arith.constant 0 : i32
    %swap3A_183 = arith.index_cast %swap3A_182 : i32 to index
    %swap3A_184 = arith.constant 64 : index
    %swap3A_185 = tpu.vector_load %arg10[%swap3A_183, %swap3A_184] {strides = array<i32>} : memref<2x128xi32, #tpu.memory_space<vmem>>, vector<1x16xi32>,
    %swap3A_186 = vector.shape_cast %swap3A_185 : vector<1x16xi32> to vector<16xi32>
    %swap3A_187 = vector.shape_cast %select_n3A_181 : vector<16xi32> to vector<1x16xi32>
    tpu.vector_store %arg10[%swap3A_183, %swap3A_184], %swap3A_187 {strides = array<i32>} : memref<2x128xi32, #tpu.memory_space<vmem>>, vector<1x16xi32>,
    %get3A_188 = arith.constant 0 : i32
    %get3A_189 = arith.index_cast %get3A_188 : i32 to index
    %get3A_190 = arith.constant 80 : index
    %get3A_191 = tpu.vector_load %arg6[%get3A_189, %get3A_190] {strides = array<i32>} : memref<157x128xi32, #tpu.memory_space<vmem>>, vector<1x16xi32>,
    %get3A_192 = vector.shape_cast %get3A_191 : vector<1x16xi32> to vector<16xi32>
    %and3A_193 = arith.constant 16383 : i32
    %and3A_194 = vector.broadcast %and3A_193 : i32 to vector<16xi32>
    %and3A_195 = arith.andi %get3A_192, %and3A_194 : vector<16xi32>
    %swap3A_196 = arith.constant 0 : i32
    %swap3A_197 = arith.index_cast %swap3A_196 : i32 to index
    %swap3A_198 = arith.constant 80 : index
    %swap3A_199 = tpu.vector_load %arg7[%swap3A_197, %swap3A_198] {strides = array<i32>} : memref<1x128xi32, #tpu.memory_space<vmem>>, vector<1x16xi32>,
    %swap3A_200 = vector.shape_cast %swap3A_199 : vector<1x16xi32> to vector<16xi32>
    %swap3A_201 = vector.shape_cast %and3A_195 : vector<16xi32> to vector<1x16xi32>
    tpu.vector_store %arg7[%swap3A_197, %swap3A_198], %swap3A_201 {strides = array<i32>} : memref<1x128xi32, #tpu.memory_space<vmem>>, vector<1x16xi32>,
    %shift_right_arithmetic3A_202 = arith.constant 14 : i32
    %shift_right_arithmetic3A_203 = vector.broadcast %shift_right_arithmetic3A_202 : i32 to vector<16xi32>
    %shift_right_arithmetic3A_204 = arith.shrsi %get3A_192, %shift_right_arithmetic3A_203 : vector<16xi32>
    %sub3A_205 = vector.broadcast %mul3A_0 : i32 to vector<16xi32>
    %sub3A_206 = arith.subi %shift_right_arithmetic3A_204, %sub3A_205 : vector<16xi32>
    %ge3A_207 = arith.constant 0 : i32
    %ge3A_208 = vector.broadcast %ge3A_207 : i32 to vector<16xi32>
    %ge3A_209 = arith.cmpi sge, %sub3A_206, %ge3A_208 : vector<16xi32>
    %lt3A_210 = arith.constant 5000 : i32
    %lt3A_211 = vector.broadcast %lt3A_210 : i32 to vector<16xi32>
    %lt3A_212 = arith.cmpi slt, %sub3A_206, %lt3A_211 : vector<16xi32>
    %and3A_213 = arith.andi %ge3A_209, %lt3A_212 : vector<16xi1>
    %jit3A_214 = arith.constant 5000 : i32
    %broadcast_in_dim3A_215 = vector.broadcast %jit3A_214 : i32 to vector<16xi32>
    %select_n3A_216 = arith.select %and3A_213, %sub3A_206, %broadcast_in_dim3A_215 : vector<16xi1>, vector<16xi32>
    %swap3A_217 = arith.constant 0 : i32
    %swap3A_218 = arith.index_cast %swap3A_217 : i32 to index
    %swap3A_219 = arith.constant 80 : index
    %swap3A_220 = tpu.vector_load %arg10[%swap3A_218, %swap3A_219] {strides = array<i32>} : memref<2x128xi32, #tpu.memory_space<vmem>>, vector<1x16xi32>,
    %swap3A_221 = vector.shape_cast %swap3A_220 : vector<1x16xi32> to vector<16xi32>
    %swap3A_222 = vector.shape_cast %select_n3A_216 : vector<16xi32> to vector<1x16xi32>
    tpu.vector_store %arg10[%swap3A_218, %swap3A_219], %swap3A_222 {strides = array<i32>} : memref<2x128xi32, #tpu.memory_space<vmem>>, vector<1x16xi32>,
    %get3A_223 = arith.constant 0 : i32
    %get3A_224 = arith.index_cast %get3A_223 : i32 to index
    %get3A_225 = arith.constant 96 : index
    %get3A_226 = tpu.vector_load %arg6[%get3A_224, %get3A_225] {strides = array<i32>} : memref<157x128xi32, #tpu.memory_space<vmem>>, vector<1x16xi32>,
    %get3A_227 = vector.shape_cast %get3A_226 : vector<1x16xi32> to vector<16xi32>
    %and3A_228 = arith.constant 16383 : i32
    %and3A_229 = vector.broadcast %and3A_228 : i32 to vector<16xi32>
    %and3A_230 = arith.andi %get3A_227, %and3A_229 : vector<16xi32>
    %swap3A_231 = arith.constant 0 : i32
    %swap3A_232 = arith.index_cast %swap3A_231 : i32 to index
    %swap3A_233 = arith.constant 96 : index
    %swap3A_234 = tpu.vector_load %arg7[%swap3A_232, %swap3A_233] {strides = array<i32>} : memref<1x128xi32, #tpu.memory_space<vmem>>, vector<1x16xi32>,
    %swap3A_235 = vector.shape_cast %swap3A_234 : vector<1x16xi32> to vector<16xi32>
    %swap3A_236 = vector.shape_cast %and3A_230 : vector<16xi32> to vector<1x16xi32>
    tpu.vector_store %arg7[%swap3A_232, %swap3A_233], %swap3A_236 {strides = array<i32>} : memref<1x128xi32, #tpu.memory_space<vmem>>, vector<1x16xi32>,
    %shift_right_arithmetic3A_237 = arith.constant 14 : i32
    %shift_right_arithmetic3A_238 = vector.broadcast %shift_right_arithmetic3A_237 : i32 to vector<16xi32>
    %shift_right_arithmetic3A_239 = arith.shrsi %get3A_227, %shift_right_arithmetic3A_238 : vector<16xi32>
    %sub3A_240 = vector.broadcast %mul3A_0 : i32 to vector<16xi32>
    %sub3A_241 = arith.subi %shift_right_arithmetic3A_239, %sub3A_240 : vector<16xi32>
    %ge3A_242 = arith.constant 0 : i32
    %ge3A_243 = vector.broadcast %ge3A_242 : i32 to vector<16xi32>
    %ge3A_244 = arith.cmpi sge, %sub3A_241, %ge3A_243 : vector<16xi32>
    %lt3A_245 = arith.constant 5000 : i32
    %lt3A_246 = vector.broadcast %lt3A_245 : i32 to vector<16xi32>
    %lt3A_247 = arith.cmpi slt, %sub3A_241, %lt3A_246 : vector<16xi32>
    %and3A_248 = arith.andi %ge3A_244, %lt3A_247 : vector<16xi1>
    %jit3A_249 = arith.constant 5000 : i32
    %broadcast_in_dim3A_250 = vector.broadcast %jit3A_249 : i32 to vector<16xi32>
    %select_n3A_251 = arith.select %and3A_248, %sub3A_241, %broadcast_in_dim3A_250 : vector<16xi1>, vector<16xi32>
    %swap3A_252 = arith.constant 0 : i32
    %swap3A_253 = arith.index_cast %swap3A_252 : i32 to index
    %swap3A_254 = arith.constant 96 : index
    %swap3A_255 = tpu.vector_load %arg10[%swap3A_253, %swap3A_254] {strides = array<i32>} : memref<2x128xi32, #tpu.memory_space<vmem>>, vector<1x16xi32>,
    %swap3A_256 = vector.shape_cast %swap3A_255 : vector<1x16xi32> to vector<16xi32>
    %swap3A_257 = vector.shape_cast %select_n3A_251 : vector<16xi32> to vector<1x16xi32>
    tpu.vector_store %arg10[%swap3A_253, %swap3A_254], %swap3A_257 {strides = array<i32>} : memref<2x128xi32, #tpu.memory_space<vmem>>, vector<1x16xi32>,
    %get3A_258 = arith.constant 0 : i32
    %get3A_259 = arith.index_cast %get3A_258 : i32 to index
    %get3A_260 = arith.constant 112 : index
    %get3A_261 = tpu.vector_load %arg6[%get3A_259, %get3A_260] {strides = array<i32>} : memref<157x128xi32, #tpu.memory_space<vmem>>, vector<1x16xi32>,
    %get3A_262 = vector.shape_cast %get3A_261 : vector<1x16xi32> to vector<16xi32>
    %and3A_263 = arith.constant 16383 : i32
    %and3A_264 = vector.broadcast %and3A_263 : i32 to vector<16xi32>
    %and3A_265 = arith.andi %get3A_262, %and3A_264 : vector<16xi32>
    %swap3A_266 = arith.constant 0 : i32
    %swap3A_267 = arith.index_cast %swap3A_266 : i32 to index
    %swap3A_268 = arith.constant 112 : index
    %swap3A_269 = tpu.vector_load %arg7[%swap3A_267, %swap3A_268] {strides = array<i32>} : memref<1x128xi32, #tpu.memory_space<vmem>>, vector<1x16xi32>,
    %swap3A_270 = vector.shape_cast %swap3A_269 : vector<1x16xi32> to vector<16xi32>
    %swap3A_271 = vector.shape_cast %and3A_265 : vector<16xi32> to vector<1x16xi32>
    tpu.vector_store %arg7[%swap3A_267, %swap3A_268], %swap3A_271 {strides = array<i32>} : memref<1x128xi32, #tpu.memory_space<vmem>>, vector<1x16xi32>,
    %shift_right_arithmetic3A_272 = arith.constant 14 : i32
    %shift_right_arithmetic3A_273 = vector.broadcast %shift_right_arithmetic3A_272 : i32 to vector<16xi32>
    %shift_right_arithmetic3A_274 = arith.shrsi %get3A_262, %shift_right_arithmetic3A_273 : vector<16xi32>
    %sub3A_275 = vector.broadcast %mul3A_0 : i32 to vector<16xi32>
    %sub3A_276 = arith.subi %shift_right_arithmetic3A_274, %sub3A_275 : vector<16xi32>
    %ge3A_277 = arith.constant 0 : i32
    %ge3A_278 = vector.broadcast %ge3A_277 : i32 to vector<16xi32>
    %ge3A_279 = arith.cmpi sge, %sub3A_276, %ge3A_278 : vector<16xi32>
    %lt3A_280 = arith.constant 5000 : i32
    %lt3A_281 = vector.broadcast %lt3A_280 : i32 to vector<16xi32>
    %lt3A_282 = arith.cmpi slt, %sub3A_276, %lt3A_281 : vector<16xi32>
    %and3A_283 = arith.andi %ge3A_279, %lt3A_282 : vector<16xi1>
    %jit3A_284 = arith.constant 5000 : i32
    %broadcast_in_dim3A_285 = vector.broadcast %jit3A_284 : i32 to vector<16xi32>
    %select_n3A_286 = arith.select %and3A_283, %sub3A_276, %broadcast_in_dim3A_285 : vector<16xi1>, vector<16xi32>
    %swap3A_287 = arith.constant 0 : i32
    %swap3A_288 = arith.index_cast %swap3A_287 : i32 to index
    %swap3A_289 = arith.constant 112 : index
    %swap3A_290 = tpu.vector_load %arg10[%swap3A_288, %swap3A_289] {strides = array<i32>} : memref<2x128xi32, #tpu.memory_space<vmem>>, vector<1x16xi32>,
    %swap3A_291 = vector.shape_cast %swap3A_290 : vector<1x16xi32> to vector<16xi32>
    %swap3A_292 = vector.shape_cast %select_n3A_286 : vector<16xi32> to vector<1x16xi32>
    tpu.vector_store %arg10[%swap3A_288, %swap3A_289], %swap3A_292 {strides = array<i32>} : memref<2x128xi32, #tpu.memory_space<vmem>>, vector<1x16xi32>,
    %dma_start3A = arith.constant 0 : i32
    %dma_start3A_293 = arith.constant 0 : i32
    %dma_start3A_294 = tpu.memref_slice %arg7[%dma_start3A, %dma_start3A_293] : memref<1x128xi32, #tpu.memory_space<vmem>> -> memref<1x128xi32, #tpu.memory_space<vmem>>
    %dma_start3A_295 = tpu.memref_squeeze %dma_start3A_294 : memref<1x128xi32, #tpu.memory_space<vmem>> -> memref<128xi32, #tpu.memory_space<vmem>>
    %dma_start3A_296 = arith.constant 0 : i32
    %dma_start3A_297 = arith.constant 0 : i32
    %dma_start3A_298 = tpu.memref_slice %arg2[%dma_start3A_296, %dma_start3A_297] : memref<10000x128xf32, #tpu.memory_space<hbm>> -> memref<10000x128xf32, #tpu.memory_space<hbm>>
    tpu.enqueue_indirect_dma source(%dma_start3A_298 : memref<10000x128xf32, #tpu.memory_space<hbm>>) target(%arg8 : memref<128x128xf32, #tpu.memory_space<vmem>>) offsets(%dma_start3A_295 : memref<128xi32, #tpu.memory_space<vmem>>) semaphore(%arg12 : memref<!tpu.dma_semaphore, #tpu.memory_space<semaphore_mem>>)
    %add3A_299 = arith.constant 0 : i32
    %add3A_300 = arith.addi %mul3A_21, %add3A_299 : i32
    %run_scoped3A_301 = arith.constant 0 : i32
    "tpu.region"() ({
      %run_scoped3A_1003 = tpu.sem_alloc : memref<!tpu.dma_semaphore, #tpu.memory_space<semaphore_mem>>
      %dma_start3A_1004 = arith.constant 0 : i32
      %dma_start3A_1005 = arith.constant 0 : i32
      %dma_start3A_1006 = tpu.memref_slice %arg9[%run_scoped3A_301, %dma_start3A_1004, %dma_start3A_1005] : memref<2x128x128xf32, #tpu.memory_space<vmem>> -> memref<1x128x128xf32, #tpu.memory_space<vmem>>
      %dma_start3A_1007 = tpu.memref_squeeze %dma_start3A_1006 : memref<1x128x128xf32, #tpu.memory_space<vmem>> -> memref<128x128xf32, #tpu.memory_space<vmem>>
      %dma_start3A_1008 = arith.constant 0 : i32
      %dma_start3A_1009 = tpu.memref_slice %arg3[%add3A_300, %dma_start3A_1008] : memref<321536x128xf32, #tpu.memory_space<hbm>> -> memref<128x128xf32, #tpu.memory_space<hbm>>
      %dma_start3A_1010 = arith.constant 0 : i32
      %dma_start3A_1011 = arith.constant 0 : i32
      %dma_start3A_1012 = tpu.memref_slice %arg9[%run_scoped3A_301, %dma_start3A_1010, %dma_start3A_1011] : memref<2x128x128xf32, #tpu.memory_space<vmem>> -> memref<1x128x128xf32, #tpu.memory_space<vmem>>
      %dma_start3A_1013 = tpu.memref_squeeze %dma_start3A_1012 : memref<1x128x128xf32, #tpu.memory_space<vmem>> -> memref<128x128xf32, #tpu.memory_space<vmem>>
      %dma_start3A_1014 = arith.constant 0 : i32
      %dma_start3A_1015 = tpu.memref_slice %arg3[%add3A_300, %dma_start3A_1014] : memref<321536x128xf32, #tpu.memory_space<hbm>> -> memref<128x128xf32, #tpu.memory_space<hbm>>
      tpu.enqueue_dma source(%dma_start3A_1015 : memref<128x128xf32, #tpu.memory_space<hbm>>) target(%dma_start3A_1013 : memref<128x128xf32, #tpu.memory_space<vmem>>) target_semaphore(%run_scoped3A_1003 : memref<!tpu.dma_semaphore, #tpu.memory_space<semaphore_mem>>)
      %dma_wait3A_1016 = arith.constant 0 : i32
      %dma_wait3A_1017 = arith.constant 0 : i32
      %dma_wait3A_1018 = tpu.memref_slice %arg9[%run_scoped3A_301, %dma_wait3A_1016, %dma_wait3A_1017] : memref<2x128x128xf32, #tpu.memory_space<vmem>> -> memref<1x128x128xf32, #tpu.memory_space<vmem>>
      %dma_wait3A_1019 = tpu.memref_squeeze %dma_wait3A_1018 : memref<1x128x128xf32, #tpu.memory_space<vmem>> -> memref<128x128xf32, #tpu.memory_space<vmem>>
      %dma_wait3A_1020 = arith.constant 0 : i32
      %dma_wait3A_1021 = tpu.memref_slice %arg3[%add3A_300, %dma_wait3A_1020] : memref<321536x128xf32, #tpu.memory_space<hbm>> -> memref<128x128xf32, #tpu.memory_space<hbm>>
      %dma_wait3A_1022 = arith.constant 0 : i32
      %dma_wait3A_1023 = arith.constant 0 : i32
      %dma_wait3A_1024 = tpu.memref_slice %arg9[%run_scoped3A_301, %dma_wait3A_1022, %dma_wait3A_1023] : memref<2x128x128xf32, #tpu.memory_space<vmem>> -> memref<1x128x128xf32, #tpu.memory_space<vmem>>
      %dma_wait3A_1025 = tpu.memref_squeeze %dma_wait3A_1024 : memref<1x128x128xf32, #tpu.memory_space<vmem>> -> memref<128x128xf32, #tpu.memory_space<vmem>>
      %dma_wait3A_1026 = arith.constant 0 : i32
      %dma_wait3A_1027 = tpu.memref_slice %arg3[%add3A_300, %dma_wait3A_1026] : memref<321536x128xf32, #tpu.memory_space<hbm>> -> memref<128x128xf32, #tpu.memory_space<hbm>>
      tpu.wait_dma2 semaphore(%run_scoped3A_1003 : memref<!tpu.dma_semaphore, #tpu.memory_space<semaphore_mem>>) src(%dma_wait3A_1027 : memref<128x128xf32, #tpu.memory_space<hbm>>) dst(%dma_wait3A_1025 : memref<128x128xf32, #tpu.memory_space<vmem>>)
      tpu.yield
    }) : () -> ()
    %dma_wait3A = arith.constant 0 : i32
    %dma_wait3A_302 = arith.constant 0 : i32
    %dma_wait3A_303 = tpu.memref_slice %arg7[%dma_wait3A, %dma_wait3A_302] : memref<1x128xi32, #tpu.memory_space<vmem>> -> memref<1x128xi32, #tpu.memory_space<vmem>>
    %dma_wait3A_304 = tpu.memref_squeeze %dma_wait3A_303 : memref<1x128xi32, #tpu.memory_space<vmem>> -> memref<128xi32, #tpu.memory_space<vmem>>
    %dma_wait3A_305 = arith.constant 0 : i32
    %dma_wait3A_306 = arith.constant 0 : i32
    %dma_wait3A_307 = tpu.memref_slice %arg2[%dma_wait3A_305, %dma_wait3A_306] : memref<10000x128xf32, #tpu.memory_space<hbm>> -> memref<10000x128xf32, #tpu.memory_space<hbm>>
    tpu.wait_indirect_dma semaphore(%arg12 : memref<!tpu.dma_semaphore, #tpu.memory_space<semaphore_mem>>) src(%dma_wait3A_307 : memref<10000x128xf32, #tpu.memory_space<hbm>>) dst(%arg8 : memref<128x128xf32, #tpu.memory_space<vmem>>)
    %scan3A_308 = arith.constant 0 : i32
    %scan3A_309 = arith.constant 0 : i32
    %scan3A_310 = arith.constant 128 : i32
    %scan3A_311 = arith.addi %scan3A_309, %scan3A_310 : i32
    %scan3A_312 = arith.constant 1 : i32
    scf.for %scan3A_1003 = %scan3A_309 to %scan3A_311 step %scan3A_312  : i32 {
      %get3A_1004 = arith.constant 0 : i32
      %get3A_1005 = arith.index_cast %get3A_1004 : i32 to index
      %get3A_1006 = arith.index_cast %scan3A_1003 : i32 to index
      %get3A_1007 = arith.constant 0 : index
      %get3A_1008 = tpu.vector_load %arg9[%get3A_1005, %get3A_1006, %get3A_1007] {strides = array<i32>} : memref<2x128x128xf32, #tpu.memory_space<vmem>>, vector<1x1x16xf32>,
      %get3A_1009 = vector.shape_cast %get3A_1008 : vector<1x1x16xf32> to vector<16xf32>
      %get3A_1010 = arith.index_cast %scan3A_1003 : i32 to index
      %get3A_1011 = arith.constant 0 : index
      %get3A_1012 = tpu.vector_load %arg8[%get3A_1010, %get3A_1011] {strides = array<i32>} : memref<128x128xf32, #tpu.memory_space<vmem>>, vector<1x16xf32>,
      %get3A_1013 = vector.shape_cast %get3A_1012 : vector<1x16xf32> to vector<16xf32>
      %mul3A_1014 = arith.mulf %get3A_1009, %get3A_1013 : vector<16xf32>
      %swap3A_1015 = arith.constant 0 : i32
      %swap3A_1016 = arith.index_cast %swap3A_1015 : i32 to index
      %swap3A_1017 = arith.index_cast %scan3A_1003 : i32 to index
      %swap3A_1018 = arith.constant 0 : index
      %swap3A_1019 = tpu.vector_load %arg9[%swap3A_1016, %swap3A_1017, %swap3A_1018] {strides = array<i32>} : memref<2x128x128xf32, #tpu.memory_space<vmem>>, vector<1x1x16xf32>,
      %swap3A_1020 = vector.shape_cast %swap3A_1019 : vector<1x1x16xf32> to vector<16xf32>
      %swap3A_1021 = vector.shape_cast %mul3A_1014 : vector<16xf32> to vector<1x1x16xf32>
      tpu.vector_store %arg9[%swap3A_1016, %swap3A_1017, %swap3A_1018], %swap3A_1021 {strides = array<i32>} : memref<2x128x128xf32, #tpu.memory_space<vmem>>, vector<1x1x16xf32>,
      %get3A_1022 = arith.constant 0 : i32
      %get3A_1023 = arith.index_cast %get3A_1022 : i32 to index
      %get3A_1024 = arith.index_cast %scan3A_1003 : i32 to index
      %get3A_1025 = arith.constant 16 : index
      %get3A_1026 = tpu.vector_load %arg9[%get3A_1023, %get3A_1024, %get3A_1025] {strides = array<i32>} : memref<2x128x128xf32, #tpu.memory_space<vmem>>, vector<1x1x16xf32>,
      %get3A_1027 = vector.shape_cast %get3A_1026 : vector<1x1x16xf32> to vector<16xf32>
      %get3A_1028 = arith.index_cast %scan3A_1003 : i32 to index
      %get3A_1029 = arith.constant 16 : index
      %get3A_1030 = tpu.vector_load %arg8[%get3A_1028, %get3A_1029] {strides = array<i32>} : memref<128x128xf32, #tpu.memory_space<vmem>>, vector<1x16xf32>,
      %get3A_1031 = vector.shape_cast %get3A_1030 : vector<1x16xf32> to vector<16xf32>
      %mul3A_1032 = arith.mulf %get3A_1027, %get3A_1031 : vector<16xf32>
      %swap3A_1033 = arith.constant 0 : i32
      %swap3A_1034 = arith.index_cast %swap3A_1033 : i32 to index
      %swap3A_1035 = arith.index_cast %scan3A_1003 : i32 to index
      %swap3A_1036 = arith.constant 16 : index
      %swap3A_1037 = tpu.vector_load %arg9[%swap3A_1034, %swap3A_1035, %swap3A_1036] {strides = array<i32>} : memref<2x128x128xf32, #tpu.memory_space<vmem>>, vector<1x1x16xf32>,
      %swap3A_1038 = vector.shape_cast %swap3A_1037 : vector<1x1x16xf32> to vector<16xf32>
      %swap3A_1039 = vector.shape_cast %mul3A_1032 : vector<16xf32> to vector<1x1x16xf32>
      tpu.vector_store %arg9[%swap3A_1034, %swap3A_1035, %swap3A_1036], %swap3A_1039 {strides = array<i32>} : memref<2x128x128xf32, #tpu.memory_space<vmem>>, vector<1x1x16xf32>,
      %get3A_1040 = arith.constant 0 : i32
      %get3A_1041 = arith.index_cast %get3A_1040 : i32 to index
      %get3A_1042 = arith.index_cast %scan3A_1003 : i32 to index
      %get3A_1043 = arith.constant 32 : index
      %get3A_1044 = tpu.vector_load %arg9[%get3A_1041, %get3A_1042, %get3A_1043] {strides = array<i32>} : memref<2x128x128xf32, #tpu.memory_space<vmem>>, vector<1x1x16xf32>,
      %get3A_1045 = vector.shape_cast %get3A_1044 : vector<1x1x16xf32> to vector<16xf32>
      %get3A_1046 = arith.index_cast %scan3A_1003 : i32 to index
      %get3A_1047 = arith.constant 32 : index
      %get3A_1048 = tpu.vector_load %arg8[%get3A_1046, %get3A_1047] {strides = array<i32>} : memref<128x128xf32, #tpu.memory_space<vmem>>, vector<1x16xf32>,
      %get3A_1049 = vector.shape_cast %get3A_1048 : vector<1x16xf32> to vector<16xf32>
      %mul3A_1050 = arith.mulf %get3A_1045, %get3A_1049 : vector<16xf32>
      %swap3A_1051 = arith.constant 0 : i32
      %swap3A_1052 = arith.index_cast %swap3A_1051 : i32 to index
      %swap3A_1053 = arith.index_cast %scan3A_1003 : i32 to index
      %swap3A_1054 = arith.constant 32 : index
      %swap3A_1055 = tpu.vector_load %arg9[%swap3A_1052, %swap3A_1053, %swap3A_1054] {strides = array<i32>} : memref<2x128x128xf32, #tpu.memory_space<vmem>>, vector<1x1x16xf32>,
      %swap3A_1056 = vector.shape_cast %swap3A_1055 : vector<1x1x16xf32> to vector<16xf32>
      %swap3A_1057 = vector.shape_cast %mul3A_1050 : vector<16xf32> to vector<1x1x16xf32>
      tpu.vector_store %arg9[%swap3A_1052, %swap3A_1053, %swap3A_1054], %swap3A_1057 {strides = array<i32>} : memref<2x128x128xf32, #tpu.memory_space<vmem>>, vector<1x1x16xf32>,
      %get3A_1058 = arith.constant 0 : i32
      %get3A_1059 = arith.index_cast %get3A_1058 : i32 to index
      %get3A_1060 = arith.index_cast %scan3A_1003 : i32 to index
      %get3A_1061 = arith.constant 48 : index
      %get3A_1062 = tpu.vector_load %arg9[%get3A_1059, %get3A_1060, %get3A_1061] {strides = array<i32>} : memref<2x128x128xf32, #tpu.memory_space<vmem>>, vector<1x1x16xf32>,
      %get3A_1063 = vector.shape_cast %get3A_1062 : vector<1x1x16xf32> to vector<16xf32>
      %get3A_1064 = arith.index_cast %scan3A_1003 : i32 to index
      %get3A_1065 = arith.constant 48 : index
      %get3A_1066 = tpu.vector_load %arg8[%get3A_1064, %get3A_1065] {strides = array<i32>} : memref<128x128xf32, #tpu.memory_space<vmem>>, vector<1x16xf32>,
      %get3A_1067 = vector.shape_cast %get3A_1066 : vector<1x16xf32> to vector<16xf32>
      %mul3A_1068 = arith.mulf %get3A_1063, %get3A_1067 : vector<16xf32>
      %swap3A_1069 = arith.constant 0 : i32
      %swap3A_1070 = arith.index_cast %swap3A_1069 : i32 to index
      %swap3A_1071 = arith.index_cast %scan3A_1003 : i32 to index
      %swap3A_1072 = arith.constant 48 : index
      %swap3A_1073 = tpu.vector_load %arg9[%swap3A_1070, %swap3A_1071, %swap3A_1072] {strides = array<i32>} : memref<2x128x128xf32, #tpu.memory_space<vmem>>, vector<1x1x16xf32>,
      %swap3A_1074 = vector.shape_cast %swap3A_1073 : vector<1x1x16xf32> to vector<16xf32>
      %swap3A_1075 = vector.shape_cast %mul3A_1068 : vector<16xf32> to vector<1x1x16xf32>
      tpu.vector_store %arg9[%swap3A_1070, %swap3A_1071, %swap3A_1072], %swap3A_1075 {strides = array<i32>} : memref<2x128x128xf32, #tpu.memory_space<vmem>>, vector<1x1x16xf32>,
      %get3A_1076 = arith.constant 0 : i32
      %get3A_1077 = arith.index_cast %get3A_1076 : i32 to index
      %get3A_1078 = arith.index_cast %scan3A_1003 : i32 to index
      %get3A_1079 = arith.constant 64 : index
      %get3A_1080 = tpu.vector_load %arg9[%get3A_1077, %get3A_1078, %get3A_1079] {strides = array<i32>} : memref<2x128x128xf32, #tpu.memory_space<vmem>>, vector<1x1x16xf32>,
      %get3A_1081 = vector.shape_cast %get3A_1080 : vector<1x1x16xf32> to vector<16xf32>
      %get3A_1082 = arith.index_cast %scan3A_1003 : i32 to index
      %get3A_1083 = arith.constant 64 : index
      %get3A_1084 = tpu.vector_load %arg8[%get3A_1082, %get3A_1083] {strides = array<i32>} : memref<128x128xf32, #tpu.memory_space<vmem>>, vector<1x16xf32>,
      %get3A_1085 = vector.shape_cast %get3A_1084 : vector<1x16xf32> to vector<16xf32>
      %mul3A_1086 = arith.mulf %get3A_1081, %get3A_1085 : vector<16xf32>
      %swap3A_1087 = arith.constant 0 : i32
      %swap3A_1088 = arith.index_cast %swap3A_1087 : i32 to index
      %swap3A_1089 = arith.index_cast %scan3A_1003 : i32 to index
      %swap3A_1090 = arith.constant 64 : index
      %swap3A_1091 = tpu.vector_load %arg9[%swap3A_1088, %swap3A_1089, %swap3A_1090] {strides = array<i32>} : memref<2x128x128xf32, #tpu.memory_space<vmem>>, vector<1x1x16xf32>,
      %swap3A_1092 = vector.shape_cast %swap3A_1091 : vector<1x1x16xf32> to vector<16xf32>
      %swap3A_1093 = vector.shape_cast %mul3A_1086 : vector<16xf32> to vector<1x1x16xf32>
      tpu.vector_store %arg9[%swap3A_1088, %swap3A_1089, %swap3A_1090], %swap3A_1093 {strides = array<i32>} : memref<2x128x128xf32, #tpu.memory_space<vmem>>, vector<1x1x16xf32>,
      %get3A_1094 = arith.constant 0 : i32
      %get3A_1095 = arith.index_cast %get3A_1094 : i32 to index
      %get3A_1096 = arith.index_cast %scan3A_1003 : i32 to index
      %get3A_1097 = arith.constant 80 : index
      %get3A_1098 = tpu.vector_load %arg9[%get3A_1095, %get3A_1096, %get3A_1097] {strides = array<i32>} : memref<2x128x128xf32, #tpu.memory_space<vmem>>, vector<1x1x16xf32>,
      %get3A_1099 = vector.shape_cast %get3A_1098 : vector<1x1x16xf32> to vector<16xf32>
      %get3A_1100 = arith.index_cast %scan3A_1003 : i32 to index
      %get3A_1101 = arith.constant 80 : index
      %get3A_1102 = tpu.vector_load %arg8[%get3A_1100, %get3A_1101] {strides = array<i32>} : memref<128x128xf32, #tpu.memory_space<vmem>>, vector<1x16xf32>,
      %get3A_1103 = vector.shape_cast %get3A_1102 : vector<1x16xf32> to vector<16xf32>
      %mul3A_1104 = arith.mulf %get3A_1099, %get3A_1103 : vector<16xf32>
      %swap3A_1105 = arith.constant 0 : i32
      %swap3A_1106 = arith.index_cast %swap3A_1105 : i32 to index
      %swap3A_1107 = arith.index_cast %scan3A_1003 : i32 to index
      %swap3A_1108 = arith.constant 80 : index
      %swap3A_1109 = tpu.vector_load %arg9[%swap3A_1106, %swap3A_1107, %swap3A_1108] {strides = array<i32>} : memref<2x128x128xf32, #tpu.memory_space<vmem>>, vector<1x1x16xf32>,
      %swap3A_1110 = vector.shape_cast %swap3A_1109 : vector<1x1x16xf32> to vector<16xf32>
      %swap3A_1111 = vector.shape_cast %mul3A_1104 : vector<16xf32> to vector<1x1x16xf32>
      tpu.vector_store %arg9[%swap3A_1106, %swap3A_1107, %swap3A_1108], %swap3A_1111 {strides = array<i32>} : memref<2x128x128xf32, #tpu.memory_space<vmem>>, vector<1x1x16xf32>,
      %get3A_1112 = arith.constant 0 : i32
      %get3A_1113 = arith.index_cast %get3A_1112 : i32 to index
      %get3A_1114 = arith.index_cast %scan3A_1003 : i32 to index
      %get3A_1115 = arith.constant 96 : index
      %get3A_1116 = tpu.vector_load %arg9[%get3A_1113, %get3A_1114, %get3A_1115] {strides = array<i32>} : memref<2x128x128xf32, #tpu.memory_space<vmem>>, vector<1x1x16xf32>,
      %get3A_1117 = vector.shape_cast %get3A_1116 : vector<1x1x16xf32> to vector<16xf32>
      %get3A_1118 = arith.index_cast %scan3A_1003 : i32 to index
      %get3A_1119 = arith.constant 96 : index
      %get3A_1120 = tpu.vector_load %arg8[%get3A_1118, %get3A_1119] {strides = array<i32>} : memref<128x128xf32, #tpu.memory_space<vmem>>, vector<1x16xf32>,
      %get3A_1121 = vector.shape_cast %get3A_1120 : vector<1x16xf32> to vector<16xf32>
      %mul3A_1122 = arith.mulf %get3A_1117, %get3A_1121 : vector<16xf32>
      %swap3A_1123 = arith.constant 0 : i32
      %swap3A_1124 = arith.index_cast %swap3A_1123 : i32 to index
      %swap3A_1125 = arith.index_cast %scan3A_1003 : i32 to index
      %swap3A_1126 = arith.constant 96 : index
      %swap3A_1127 = tpu.vector_load %arg9[%swap3A_1124, %swap3A_1125, %swap3A_1126] {strides = array<i32>} : memref<2x128x128xf32, #tpu.memory_space<vmem>>, vector<1x1x16xf32>,
      %swap3A_1128 = vector.shape_cast %swap3A_1127 : vector<1x1x16xf32> to vector<16xf32>
      %swap3A_1129 = vector.shape_cast %mul3A_1122 : vector<16xf32> to vector<1x1x16xf32>
      tpu.vector_store %arg9[%swap3A_1124, %swap3A_1125, %swap3A_1126], %swap3A_1129 {strides = array<i32>} : memref<2x128x128xf32, #tpu.memory_space<vmem>>, vector<1x1x16xf32>,
      %get3A_1130 = arith.constant 0 : i32
      %get3A_1131 = arith.index_cast %get3A_1130 : i32 to index
      %get3A_1132 = arith.index_cast %scan3A_1003 : i32 to index
      %get3A_1133 = arith.constant 112 : index
      %get3A_1134 = tpu.vector_load %arg9[%get3A_1131, %get3A_1132, %get3A_1133] {strides = array<i32>} : memref<2x128x128xf32, #tpu.memory_space<vmem>>, vector<1x1x16xf32>,
      %get3A_1135 = vector.shape_cast %get3A_1134 : vector<1x1x16xf32> to vector<16xf32>
      %get3A_1136 = arith.index_cast %scan3A_1003 : i32 to index
      %get3A_1137 = arith.constant 112 : index
      %get3A_1138 = tpu.vector_load %arg8[%get3A_1136, %get3A_1137] {strides = array<i32>} : memref<128x128xf32, #tpu.memory_space<vmem>>, vector<1x16xf32>,
      %get3A_1139 = vector.shape_cast %get3A_1138 : vector<1x16xf32> to vector<16xf32>
      %mul3A_1140 = arith.mulf %get3A_1135, %get3A_1139 : vector<16xf32>
      %swap3A_1141 = arith.constant 0 : i32
      %swap3A_1142 = arith.index_cast %swap3A_1141 : i32 to index
      %swap3A_1143 = arith.index_cast %scan3A_1003 : i32 to index
      %swap3A_1144 = arith.constant 112 : index
      %swap3A_1145 = tpu.vector_load %arg9[%swap3A_1142, %swap3A_1143, %swap3A_1144] {strides = array<i32>} : memref<2x128x128xf32, #tpu.memory_space<vmem>>, vector<1x1x16xf32>,
      %swap3A_1146 = vector.shape_cast %swap3A_1145 : vector<1x1x16xf32> to vector<16xf32>
      %swap3A_1147 = vector.shape_cast %mul3A_1140 : vector<16xf32> to vector<1x1x16xf32>
      tpu.vector_store %arg9[%swap3A_1142, %swap3A_1143, %swap3A_1144], %swap3A_1147 {strides = array<i32>} : memref<2x128x128xf32, #tpu.memory_space<vmem>>, vector<1x1x16xf32>,
    }
    %scan3A_313 = arith.constant 128 : i32
    %dma_start3A_314 = arith.constant 0 : i32
    %dma_start3A_315 = arith.constant 0 : i32
    %dma_start3A_316 = arith.constant 0 : i32
    %dma_start3A_317 = arith.constant 0 : i32
    %dma_start3A_318 = tpu.memref_slice %arg9[%dma_start3A_314, %dma_start3A_316, %dma_start3A_317] : memref<2x128x128xf32, #tpu.memory_space<vmem>> -> memref<1x128x128xf32, #tpu.memory_space<vmem>>
    %dma_start3A_319 = tpu.memref_squeeze %dma_start3A_318 : memref<1x128x128xf32, #tpu.memory_space<vmem>> -> memref<128x128xf32, #tpu.memory_space<vmem>>
    %dma_start3A_320 = arith.constant 0 : i32
    %dma_start3A_321 = tpu.memref_slice %arg10[%dma_start3A_315, %dma_start3A_320] : memref<2x128xi32, #tpu.memory_space<vmem>> -> memref<1x128xi32, #tpu.memory_space<vmem>>
    %dma_start3A_322 = tpu.memref_squeeze %dma_start3A_321 : memref<1x128xi32, #tpu.memory_space<vmem>> -> memref<128xi32, #tpu.memory_space<vmem>>
    %dma_start3A_323 = arith.constant 0 : i32
    %dma_start3A_324 = arith.constant 0 : i32
    %dma_start3A_325 = tpu.memref_slice %arg11[%dma_start3A_323, %dma_start3A_324] : memref<5120x128xf32, #tpu.memory_space<vmem_shared>> -> memref<5120x128xf32, #tpu.memory_space<vmem_shared>>
    tpu.enqueue_indirect_dma source(%dma_start3A_319 : memref<128x128xf32, #tpu.memory_space<vmem>>) target(%dma_start3A_325 : memref<5120x128xf32, #tpu.memory_space<vmem_shared>>) offsets(%dma_start3A_322 : memref<128xi32, #tpu.memory_space<vmem>>) semaphore(%arg13 : memref<!tpu.dma_semaphore, #tpu.memory_space<semaphore_mem>>) {add = true}
    %get3A_326 = arith.constant 1 : i32
    %get3A_327 = arith.index_cast %get3A_326 : i32 to index
    %get3A_328 = arith.constant 0 : index
    %get3A_329 = tpu.vector_load %arg6[%get3A_327, %get3A_328] {strides = array<i32>} : memref<157x128xi32, #tpu.memory_space<vmem>>, vector<1x16xi32>,
    %get3A_330 = vector.shape_cast %get3A_329 : vector<1x16xi32> to vector<16xi32>
    %and3A_331 = arith.constant 16383 : i32
    %and3A_332 = vector.broadcast %and3A_331 : i32 to vector<16xi32>
    %and3A_333 = arith.andi %get3A_330, %and3A_332 : vector<16xi32>
    %swap3A_334 = arith.constant 0 : i32
    %swap3A_335 = arith.index_cast %swap3A_334 : i32 to index
    %swap3A_336 = arith.constant 0 : index
    %swap3A_337 = tpu.vector_load %arg7[%swap3A_335, %swap3A_336] {strides = array<i32>} : memref<1x128xi32, #tpu.memory_space<vmem>>, vector<1x16xi32>,
    %swap3A_338 = vector.shape_cast %swap3A_337 : vector<1x16xi32> to vector<16xi32>
    %swap3A_339 = vector.shape_cast %and3A_333 : vector<16xi32> to vector<1x16xi32>
    tpu.vector_store %arg7[%swap3A_335, %swap3A_336], %swap3A_339 {strides = array<i32>} : memref<1x128xi32, #tpu.memory_space<vmem>>, vector<1x16xi32>,
    %shift_right_arithmetic3A_340 = arith.constant 14 : i32
    %shift_right_arithmetic3A_341 = vector.broadcast %shift_right_arithmetic3A_340 : i32 to vector<16xi32>
    %shift_right_arithmetic3A_342 = arith.shrsi %get3A_330, %shift_right_arithmetic3A_341 : vector<16xi32>
    %sub3A_343 = vector.broadcast %mul3A_0 : i32 to vector<16xi32>
    %sub3A_344 = arith.subi %shift_right_arithmetic3A_342, %sub3A_343 : vector<16xi32>
    %ge3A_345 = arith.constant 0 : i32
    %ge3A_346 = vector.broadcast %ge3A_345 : i32 to vector<16xi32>
    %ge3A_347 = arith.cmpi sge, %sub3A_344, %ge3A_346 : vector<16xi32>
    %lt3A_348 = arith.constant 5000 : i32
    %lt3A_349 = vector.broadcast %lt3A_348 : i32 to vector<16xi32>
    %lt3A_350 = arith.cmpi slt, %sub3A_344, %lt3A_349 : vector<16xi32>
    %and3A_351 = arith.andi %ge3A_347, %lt3A_350 : vector<16xi1>
    %jit3A_352 = arith.constant 5000 : i32
    %broadcast_in_dim3A_353 = vector.broadcast %jit3A_352 : i32 to vector<16xi32>
    %select_n3A_354 = arith.select %and3A_351, %sub3A_344, %broadcast_in_dim3A_353 : vector<16xi1>, vector<16xi32>
    %swap3A_355 = arith.constant 1 : i32
    %swap3A_356 = arith.index_cast %swap3A_355 : i32 to index
    %swap3A_357 = arith.constant 0 : index
    %swap3A_358 = tpu.vector_load %arg10[%swap3A_356, %swap3A_357] {strides = array<i32>} : memref<2x128xi32, #tpu.memory_space<vmem>>, vector<1x16xi32>,
    %swap3A_359 = vector.shape_cast %swap3A_358 : vector<1x16xi32> to vector<16xi32>
    %swap3A_360 = vector.shape_cast %select_n3A_354 : vector<16xi32> to vector<1x16xi32>
    tpu.vector_store %arg10[%swap3A_356, %swap3A_357], %swap3A_360 {strides = array<i32>} : memref<2x128xi32, #tpu.memory_space<vmem>>, vector<1x16xi32>,
    %get3A_361 = arith.constant 1 : i32
    %get3A_362 = arith.index_cast %get3A_361 : i32 to index
    %get3A_363 = arith.constant 16 : index
    %get3A_364 = tpu.vector_load %arg6[%get3A_362, %get3A_363] {strides = array<i32>} : memref<157x128xi32, #tpu.memory_space<vmem>>, vector<1x16xi32>,
    %get3A_365 = vector.shape_cast %get3A_364 : vector<1x16xi32> to vector<16xi32>
    %and3A_366 = arith.constant 16383 : i32
    %and3A_367 = vector.broadcast %and3A_366 : i32 to vector<16xi32>
    %and3A_368 = arith.andi %get3A_365, %and3A_367 : vector<16xi32>
    %swap3A_369 = arith.constant 0 : i32
    %swap3A_370 = arith.index_cast %swap3A_369 : i32 to index
    %swap3A_371 = arith.constant 16 : index
    %swap3A_372 = tpu.vector_load %arg7[%swap3A_370, %swap3A_371] {strides = array<i32>} : memref<1x128xi32, #tpu.memory_space<vmem>>, vector<1x16xi32>,
    %swap3A_373 = vector.shape_cast %swap3A_372 : vector<1x16xi32> to vector<16xi32>
    %swap3A_374 = vector.shape_cast %and3A_368 : vector<16xi32> to vector<1x16xi32>
    tpu.vector_store %arg7[%swap3A_370, %swap3A_371], %swap3A_374 {strides = array<i32>} : memref<1x128xi32, #tpu.memory_space<vmem>>, vector<1x16xi32>,
    %shift_right_arithmetic3A_375 = arith.constant 14 : i32
    %shift_right_arithmetic3A_376 = vector.broadcast %shift_right_arithmetic3A_375 : i32 to vector<16xi32>
    %shift_right_arithmetic3A_377 = arith.shrsi %get3A_365, %shift_right_arithmetic3A_376 : vector<16xi32>
    %sub3A_378 = vector.broadcast %mul3A_0 : i32 to vector<16xi32>
    %sub3A_379 = arith.subi %shift_right_arithmetic3A_377, %sub3A_378 : vector<16xi32>
    %ge3A_380 = arith.constant 0 : i32
    %ge3A_381 = vector.broadcast %ge3A_380 : i32 to vector<16xi32>
    %ge3A_382 = arith.cmpi sge, %sub3A_379, %ge3A_381 : vector<16xi32>
    %lt3A_383 = arith.constant 5000 : i32
    %lt3A_384 = vector.broadcast %lt3A_383 : i32 to vector<16xi32>
    %lt3A_385 = arith.cmpi slt, %sub3A_379, %lt3A_384 : vector<16xi32>
    %and3A_386 = arith.andi %ge3A_382, %lt3A_385 : vector<16xi1>
    %jit3A_387 = arith.constant 5000 : i32
    %broadcast_in_dim3A_388 = vector.broadcast %jit3A_387 : i32 to vector<16xi32>
    %select_n3A_389 = arith.select %and3A_386, %sub3A_379, %broadcast_in_dim3A_388 : vector<16xi1>, vector<16xi32>
    %swap3A_390 = arith.constant 1 : i32
    %swap3A_391 = arith.index_cast %swap3A_390 : i32 to index
    %swap3A_392 = arith.constant 16 : index
    %swap3A_393 = tpu.vector_load %arg10[%swap3A_391, %swap3A_392] {strides = array<i32>} : memref<2x128xi32, #tpu.memory_space<vmem>>, vector<1x16xi32>,
    %swap3A_394 = vector.shape_cast %swap3A_393 : vector<1x16xi32> to vector<16xi32>
    %swap3A_395 = vector.shape_cast %select_n3A_389 : vector<16xi32> to vector<1x16xi32>
    tpu.vector_store %arg10[%swap3A_391, %swap3A_392], %swap3A_395 {strides = array<i32>} : memref<2x128xi32, #tpu.memory_space<vmem>>, vector<1x16xi32>,
    %get3A_396 = arith.constant 1 : i32
    %get3A_397 = arith.index_cast %get3A_396 : i32 to index
    %get3A_398 = arith.constant 32 : index
    %get3A_399 = tpu.vector_load %arg6[%get3A_397, %get3A_398] {strides = array<i32>} : memref<157x128xi32, #tpu.memory_space<vmem>>, vector<1x16xi32>,
    %get3A_400 = vector.shape_cast %get3A_399 : vector<1x16xi32> to vector<16xi32>
    %and3A_401 = arith.constant 16383 : i32
    %and3A_402 = vector.broadcast %and3A_401 : i32 to vector<16xi32>
    %and3A_403 = arith.andi %get3A_400, %and3A_402 : vector<16xi32>
    %swap3A_404 = arith.constant 0 : i32
    %swap3A_405 = arith.index_cast %swap3A_404 : i32 to index
    %swap3A_406 = arith.constant 32 : index
    %swap3A_407 = tpu.vector_load %arg7[%swap3A_405, %swap3A_406] {strides = array<i32>} : memref<1x128xi32, #tpu.memory_space<vmem>>, vector<1x16xi32>,
    %swap3A_408 = vector.shape_cast %swap3A_407 : vector<1x16xi32> to vector<16xi32>
    %swap3A_409 = vector.shape_cast %and3A_403 : vector<16xi32> to vector<1x16xi32>
    tpu.vector_store %arg7[%swap3A_405, %swap3A_406], %swap3A_409 {strides = array<i32>} : memref<1x128xi32, #tpu.memory_space<vmem>>, vector<1x16xi32>,
    %shift_right_arithmetic3A_410 = arith.constant 14 : i32
    %shift_right_arithmetic3A_411 = vector.broadcast %shift_right_arithmetic3A_410 : i32 to vector<16xi32>
    %shift_right_arithmetic3A_412 = arith.shrsi %get3A_400, %shift_right_arithmetic3A_411 : vector<16xi32>
    %sub3A_413 = vector.broadcast %mul3A_0 : i32 to vector<16xi32>
    %sub3A_414 = arith.subi %shift_right_arithmetic3A_412, %sub3A_413 : vector<16xi32>
    %ge3A_415 = arith.constant 0 : i32
    %ge3A_416 = vector.broadcast %ge3A_415 : i32 to vector<16xi32>
    %ge3A_417 = arith.cmpi sge, %sub3A_414, %ge3A_416 : vector<16xi32>
    %lt3A_418 = arith.constant 5000 : i32
    %lt3A_419 = vector.broadcast %lt3A_418 : i32 to vector<16xi32>
    %lt3A_420 = arith.cmpi slt, %sub3A_414, %lt3A_419 : vector<16xi32>
    %and3A_421 = arith.andi %ge3A_417, %lt3A_420 : vector<16xi1>
    %jit3A_422 = arith.constant 5000 : i32
    %broadcast_in_dim3A_423 = vector.broadcast %jit3A_422 : i32 to vector<16xi32>
    %select_n3A_424 = arith.select %and3A_421, %sub3A_414, %broadcast_in_dim3A_423 : vector<16xi1>, vector<16xi32>
    %swap3A_425 = arith.constant 1 : i32
    %swap3A_426 = arith.index_cast %swap3A_425 : i32 to index
    %swap3A_427 = arith.constant 32 : index
    %swap3A_428 = tpu.vector_load %arg10[%swap3A_426, %swap3A_427] {strides = array<i32>} : memref<2x128xi32, #tpu.memory_space<vmem>>, vector<1x16xi32>,
    %swap3A_429 = vector.shape_cast %swap3A_428 : vector<1x16xi32> to vector<16xi32>
    %swap3A_430 = vector.shape_cast %select_n3A_424 : vector<16xi32> to vector<1x16xi32>
    tpu.vector_store %arg10[%swap3A_426, %swap3A_427], %swap3A_430 {strides = array<i32>} : memref<2x128xi32, #tpu.memory_space<vmem>>, vector<1x16xi32>,
    %get3A_431 = arith.constant 1 : i32
    %get3A_432 = arith.index_cast %get3A_431 : i32 to index
    %get3A_433 = arith.constant 48 : index
    %get3A_434 = tpu.vector_load %arg6[%get3A_432, %get3A_433] {strides = array<i32>} : memref<157x128xi32, #tpu.memory_space<vmem>>, vector<1x16xi32>,
    %get3A_435 = vector.shape_cast %get3A_434 : vector<1x16xi32> to vector<16xi32>
    %and3A_436 = arith.constant 16383 : i32
    %and3A_437 = vector.broadcast %and3A_436 : i32 to vector<16xi32>
    %and3A_438 = arith.andi %get3A_435, %and3A_437 : vector<16xi32>
    %swap3A_439 = arith.constant 0 : i32
    %swap3A_440 = arith.index_cast %swap3A_439 : i32 to index
    %swap3A_441 = arith.constant 48 : index
    %swap3A_442 = tpu.vector_load %arg7[%swap3A_440, %swap3A_441] {strides = array<i32>} : memref<1x128xi32, #tpu.memory_space<vmem>>, vector<1x16xi32>,
    %swap3A_443 = vector.shape_cast %swap3A_442 : vector<1x16xi32> to vector<16xi32>
    %swap3A_444 = vector.shape_cast %and3A_438 : vector<16xi32> to vector<1x16xi32>
    tpu.vector_store %arg7[%swap3A_440, %swap3A_441], %swap3A_444 {strides = array<i32>} : memref<1x128xi32, #tpu.memory_space<vmem>>, vector<1x16xi32>,
    %shift_right_arithmetic3A_445 = arith.constant 14 : i32
    %shift_right_arithmetic3A_446 = vector.broadcast %shift_right_arithmetic3A_445 : i32 to vector<16xi32>
    %shift_right_arithmetic3A_447 = arith.shrsi %get3A_435, %shift_right_arithmetic3A_446 : vector<16xi32>
    %sub3A_448 = vector.broadcast %mul3A_0 : i32 to vector<16xi32>
    %sub3A_449 = arith.subi %shift_right_arithmetic3A_447, %sub3A_448 : vector<16xi32>
    %ge3A_450 = arith.constant 0 : i32
    %ge3A_451 = vector.broadcast %ge3A_450 : i32 to vector<16xi32>
    %ge3A_452 = arith.cmpi sge, %sub3A_449, %ge3A_451 : vector<16xi32>
    %lt3A_453 = arith.constant 5000 : i32
    %lt3A_454 = vector.broadcast %lt3A_453 : i32 to vector<16xi32>
    %lt3A_455 = arith.cmpi slt, %sub3A_449, %lt3A_454 : vector<16xi32>
    %and3A_456 = arith.andi %ge3A_452, %lt3A_455 : vector<16xi1>
    %jit3A_457 = arith.constant 5000 : i32
    %broadcast_in_dim3A_458 = vector.broadcast %jit3A_457 : i32 to vector<16xi32>
    %select_n3A_459 = arith.select %and3A_456, %sub3A_449, %broadcast_in_dim3A_458 : vector<16xi1>, vector<16xi32>
    %swap3A_460 = arith.constant 1 : i32
    %swap3A_461 = arith.index_cast %swap3A_460 : i32 to index
    %swap3A_462 = arith.constant 48 : index
    %swap3A_463 = tpu.vector_load %arg10[%swap3A_461, %swap3A_462] {strides = array<i32>} : memref<2x128xi32, #tpu.memory_space<vmem>>, vector<1x16xi32>,
    %swap3A_464 = vector.shape_cast %swap3A_463 : vector<1x16xi32> to vector<16xi32>
    %swap3A_465 = vector.shape_cast %select_n3A_459 : vector<16xi32> to vector<1x16xi32>
    tpu.vector_store %arg10[%swap3A_461, %swap3A_462], %swap3A_465 {strides = array<i32>} : memref<2x128xi32, #tpu.memory_space<vmem>>, vector<1x16xi32>,
    %get3A_466 = arith.constant 1 : i32
    %get3A_467 = arith.index_cast %get3A_466 : i32 to index
    %get3A_468 = arith.constant 64 : index
    %get3A_469 = tpu.vector_load %arg6[%get3A_467, %get3A_468] {strides = array<i32>} : memref<157x128xi32, #tpu.memory_space<vmem>>, vector<1x16xi32>,
    %get3A_470 = vector.shape_cast %get3A_469 : vector<1x16xi32> to vector<16xi32>
    %and3A_471 = arith.constant 16383 : i32
    %and3A_472 = vector.broadcast %and3A_471 : i32 to vector<16xi32>
    %and3A_473 = arith.andi %get3A_470, %and3A_472 : vector<16xi32>
    %swap3A_474 = arith.constant 0 : i32
    %swap3A_475 = arith.index_cast %swap3A_474 : i32 to index
    %swap3A_476 = arith.constant 64 : index
    %swap3A_477 = tpu.vector_load %arg7[%swap3A_475, %swap3A_476] {strides = array<i32>} : memref<1x128xi32, #tpu.memory_space<vmem>>, vector<1x16xi32>,
    %swap3A_478 = vector.shape_cast %swap3A_477 : vector<1x16xi32> to vector<16xi32>
    %swap3A_479 = vector.shape_cast %and3A_473 : vector<16xi32> to vector<1x16xi32>
    tpu.vector_store %arg7[%swap3A_475, %swap3A_476], %swap3A_479 {strides = array<i32>} : memref<1x128xi32, #tpu.memory_space<vmem>>, vector<1x16xi32>,
    %shift_right_arithmetic3A_480 = arith.constant 14 : i32
    %shift_right_arithmetic3A_481 = vector.broadcast %shift_right_arithmetic3A_480 : i32 to vector<16xi32>
    %shift_right_arithmetic3A_482 = arith.shrsi %get3A_470, %shift_right_arithmetic3A_481 : vector<16xi32>
    %sub3A_483 = vector.broadcast %mul3A_0 : i32 to vector<16xi32>
    %sub3A_484 = arith.subi %shift_right_arithmetic3A_482, %sub3A_483 : vector<16xi32>
    %ge3A_485 = arith.constant 0 : i32
    %ge3A_486 = vector.broadcast %ge3A_485 : i32 to vector<16xi32>
    %ge3A_487 = arith.cmpi sge, %sub3A_484, %ge3A_486 : vector<16xi32>
    %lt3A_488 = arith.constant 5000 : i32
    %lt3A_489 = vector.broadcast %lt3A_488 : i32 to vector<16xi32>
    %lt3A_490 = arith.cmpi slt, %sub3A_484, %lt3A_489 : vector<16xi32>
    %and3A_491 = arith.andi %ge3A_487, %lt3A_490 : vector<16xi1>
    %jit3A_492 = arith.constant 5000 : i32
    %broadcast_in_dim3A_493 = vector.broadcast %jit3A_492 : i32 to vector<16xi32>
    %select_n3A_494 = arith.select %and3A_491, %sub3A_484, %broadcast_in_dim3A_493 : vector<16xi1>, vector<16xi32>
    %swap3A_495 = arith.constant 1 : i32
    %swap3A_496 = arith.index_cast %swap3A_495 : i32 to index
    %swap3A_497 = arith.constant 64 : index
    %swap3A_498 = tpu.vector_load %arg10[%swap3A_496, %swap3A_497] {strides = array<i32>} : memref<2x128xi32, #tpu.memory_space<vmem>>, vector<1x16xi32>,
    %swap3A_499 = vector.shape_cast %swap3A_498 : vector<1x16xi32> to vector<16xi32>
    %swap3A_500 = vector.shape_cast %select_n3A_494 : vector<16xi32> to vector<1x16xi32>
    tpu.vector_store %arg10[%swap3A_496, %swap3A_497], %swap3A_500 {strides = array<i32>} : memref<2x128xi32, #tpu.memory_space<vmem>>, vector<1x16xi32>,
    %get3A_501 = arith.constant 1 : i32
    %get3A_502 = arith.index_cast %get3A_501 : i32 to index
    %get3A_503 = arith.constant 80 : index
    %get3A_504 = tpu.vector_load %arg6[%get3A_502, %get3A_503] {strides = array<i32>} : memref<157x128xi32, #tpu.memory_space<vmem>>, vector<1x16xi32>,
    %get3A_505 = vector.shape_cast %get3A_504 : vector<1x16xi32> to vector<16xi32>
    %and3A_506 = arith.constant 16383 : i32
    %and3A_507 = vector.broadcast %and3A_506 : i32 to vector<16xi32>
    %and3A_508 = arith.andi %get3A_505, %and3A_507 : vector<16xi32>
    %swap3A_509 = arith.constant 0 : i32
    %swap3A_510 = arith.index_cast %swap3A_509 : i32 to index
    %swap3A_511 = arith.constant 80 : index
    %swap3A_512 = tpu.vector_load %arg7[%swap3A_510, %swap3A_511] {strides = array<i32>} : memref<1x128xi32, #tpu.memory_space<vmem>>, vector<1x16xi32>,
    %swap3A_513 = vector.shape_cast %swap3A_512 : vector<1x16xi32> to vector<16xi32>
    %swap3A_514 = vector.shape_cast %and3A_508 : vector<16xi32> to vector<1x16xi32>
    tpu.vector_store %arg7[%swap3A_510, %swap3A_511], %swap3A_514 {strides = array<i32>} : memref<1x128xi32, #tpu.memory_space<vmem>>, vector<1x16xi32>,
    %shift_right_arithmetic3A_515 = arith.constant 14 : i32
    %shift_right_arithmetic3A_516 = vector.broadcast %shift_right_arithmetic3A_515 : i32 to vector<16xi32>
    %shift_right_arithmetic3A_517 = arith.shrsi %get3A_505, %shift_right_arithmetic3A_516 : vector<16xi32>
    %sub3A_518 = vector.broadcast %mul3A_0 : i32 to vector<16xi32>
    %sub3A_519 = arith.subi %shift_right_arithmetic3A_517, %sub3A_518 : vector<16xi32>
    %ge3A_520 = arith.constant 0 : i32
    %ge3A_521 = vector.broadcast %ge3A_520 : i32 to vector<16xi32>
    %ge3A_522 = arith.cmpi sge, %sub3A_519, %ge3A_521 : vector<16xi32>
    %lt3A_523 = arith.constant 5000 : i32
    %lt3A_524 = vector.broadcast %lt3A_523 : i32 to vector<16xi32>
    %lt3A_525 = arith.cmpi slt, %sub3A_519, %lt3A_524 : vector<16xi32>
    %and3A_526 = arith.andi %ge3A_522, %lt3A_525 : vector<16xi1>
    %jit3A_527 = arith.constant 5000 : i32
    %broadcast_in_dim3A_528 = vector.broadcast %jit3A_527 : i32 to vector<16xi32>
    %select_n3A_529 = arith.select %and3A_526, %sub3A_519, %broadcast_in_dim3A_528 : vector<16xi1>, vector<16xi32>
    %swap3A_530 = arith.constant 1 : i32
    %swap3A_531 = arith.index_cast %swap3A_530 : i32 to index
    %swap3A_532 = arith.constant 80 : index
    %swap3A_533 = tpu.vector_load %arg10[%swap3A_531, %swap3A_532] {strides = array<i32>} : memref<2x128xi32, #tpu.memory_space<vmem>>, vector<1x16xi32>,
    %swap3A_534 = vector.shape_cast %swap3A_533 : vector<1x16xi32> to vector<16xi32>
    %swap3A_535 = vector.shape_cast %select_n3A_529 : vector<16xi32> to vector<1x16xi32>
    tpu.vector_store %arg10[%swap3A_531, %swap3A_532], %swap3A_535 {strides = array<i32>} : memref<2x128xi32, #tpu.memory_space<vmem>>, vector<1x16xi32>,
    %get3A_536 = arith.constant 1 : i32
    %get3A_537 = arith.index_cast %get3A_536 : i32 to index
    %get3A_538 = arith.constant 96 : index
    %get3A_539 = tpu.vector_load %arg6[%get3A_537, %get3A_538] {strides = array<i32>} : memref<157x128xi32, #tpu.memory_space<vmem>>, vector<1x16xi32>,
    %get3A_540 = vector.shape_cast %get3A_539 : vector<1x16xi32> to vector<16xi32>
    %and3A_541 = arith.constant 16383 : i32
    %and3A_542 = vector.broadcast %and3A_541 : i32 to vector<16xi32>
    %and3A_543 = arith.andi %get3A_540, %and3A_542 : vector<16xi32>
    %swap3A_544 = arith.constant 0 : i32
    %swap3A_545 = arith.index_cast %swap3A_544 : i32 to index
    %swap3A_546 = arith.constant 96 : index
    %swap3A_547 = tpu.vector_load %arg7[%swap3A_545, %swap3A_546] {strides = array<i32>} : memref<1x128xi32, #tpu.memory_space<vmem>>, vector<1x16xi32>,
    %swap3A_548 = vector.shape_cast %swap3A_547 : vector<1x16xi32> to vector<16xi32>
    %swap3A_549 = vector.shape_cast %and3A_543 : vector<16xi32> to vector<1x16xi32>
    tpu.vector_store %arg7[%swap3A_545, %swap3A_546], %swap3A_549 {strides = array<i32>} : memref<1x128xi32, #tpu.memory_space<vmem>>, vector<1x16xi32>,
    %shift_right_arithmetic3A_550 = arith.constant 14 : i32
    %shift_right_arithmetic3A_551 = vector.broadcast %shift_right_arithmetic3A_550 : i32 to vector<16xi32>
    %shift_right_arithmetic3A_552 = arith.shrsi %get3A_540, %shift_right_arithmetic3A_551 : vector<16xi32>
    %sub3A_553 = vector.broadcast %mul3A_0 : i32 to vector<16xi32>
    %sub3A_554 = arith.subi %shift_right_arithmetic3A_552, %sub3A_553 : vector<16xi32>
    %ge3A_555 = arith.constant 0 : i32
    %ge3A_556 = vector.broadcast %ge3A_555 : i32 to vector<16xi32>
    %ge3A_557 = arith.cmpi sge, %sub3A_554, %ge3A_556 : vector<16xi32>
    %lt3A_558 = arith.constant 5000 : i32
    %lt3A_559 = vector.broadcast %lt3A_558 : i32 to vector<16xi32>
    %lt3A_560 = arith.cmpi slt, %sub3A_554, %lt3A_559 : vector<16xi32>
    %and3A_561 = arith.andi %ge3A_557, %lt3A_560 : vector<16xi1>
    %jit3A_562 = arith.constant 5000 : i32
    %broadcast_in_dim3A_563 = vector.broadcast %jit3A_562 : i32 to vector<16xi32>
    %select_n3A_564 = arith.select %and3A_561, %sub3A_554, %broadcast_in_dim3A_563 : vector<16xi1>, vector<16xi32>
    %swap3A_565 = arith.constant 1 : i32
    %swap3A_566 = arith.index_cast %swap3A_565 : i32 to index
    %swap3A_567 = arith.constant 96 : index
    %swap3A_568 = tpu.vector_load %arg10[%swap3A_566, %swap3A_567] {strides = array<i32>} : memref<2x128xi32, #tpu.memory_space<vmem>>, vector<1x16xi32>,
    %swap3A_569 = vector.shape_cast %swap3A_568 : vector<1x16xi32> to vector<16xi32>
    %swap3A_570 = vector.shape_cast %select_n3A_564 : vector<16xi32> to vector<1x16xi32>
    tpu.vector_store %arg10[%swap3A_566, %swap3A_567], %swap3A_570 {strides = array<i32>} : memref<2x128xi32, #tpu.memory_space<vmem>>, vector<1x16xi32>,
    %get3A_571 = arith.constant 1 : i32
    %get3A_572 = arith.index_cast %get3A_571 : i32 to index
    %get3A_573 = arith.constant 112 : index
    %get3A_574 = tpu.vector_load %arg6[%get3A_572, %get3A_573] {strides = array<i32>} : memref<157x128xi32, #tpu.memory_space<vmem>>, vector<1x16xi32>,
    %get3A_575 = vector.shape_cast %get3A_574 : vector<1x16xi32> to vector<16xi32>
    %and3A_576 = arith.constant 16383 : i32
    %and3A_577 = vector.broadcast %and3A_576 : i32 to vector<16xi32>
    %and3A_578 = arith.andi %get3A_575, %and3A_577 : vector<16xi32>
    %swap3A_579 = arith.constant 0 : i32
    %swap3A_580 = arith.index_cast %swap3A_579 : i32 to index
    %swap3A_581 = arith.constant 112 : index
    %swap3A_582 = tpu.vector_load %arg7[%swap3A_580, %swap3A_581] {strides = array<i32>} : memref<1x128xi32, #tpu.memory_space<vmem>>, vector<1x16xi32>,
    %swap3A_583 = vector.shape_cast %swap3A_582 : vector<1x16xi32> to vector<16xi32>
    %swap3A_584 = vector.shape_cast %and3A_578 : vector<16xi32> to vector<1x16xi32>
    tpu.vector_store %arg7[%swap3A_580, %swap3A_581], %swap3A_584 {strides = array<i32>} : memref<1x128xi32, #tpu.memory_space<vmem>>, vector<1x16xi32>,
    %shift_right_arithmetic3A_585 = arith.constant 14 : i32
    %shift_right_arithmetic3A_586 = vector.broadcast %shift_right_arithmetic3A_585 : i32 to vector<16xi32>
    %shift_right_arithmetic3A_587 = arith.shrsi %get3A_575, %shift_right_arithmetic3A_586 : vector<16xi32>
    %sub3A_588 = vector.broadcast %mul3A_0 : i32 to vector<16xi32>
    %sub3A_589 = arith.subi %shift_right_arithmetic3A_587, %sub3A_588 : vector<16xi32>
    %ge3A_590 = arith.constant 0 : i32
    %ge3A_591 = vector.broadcast %ge3A_590 : i32 to vector<16xi32>
    %ge3A_592 = arith.cmpi sge, %sub3A_589, %ge3A_591 : vector<16xi32>
    %lt3A_593 = arith.constant 5000 : i32
    %lt3A_594 = vector.broadcast %lt3A_593 : i32 to vector<16xi32>
    %lt3A_595 = arith.cmpi slt, %sub3A_589, %lt3A_594 : vector<16xi32>
    %and3A_596 = arith.andi %ge3A_592, %lt3A_595 : vector<16xi1>
    %jit3A_597 = arith.constant 5000 : i32
    %broadcast_in_dim3A_598 = vector.broadcast %jit3A_597 : i32 to vector<16xi32>
    %select_n3A_599 = arith.select %and3A_596, %sub3A_589, %broadcast_in_dim3A_598 : vector<16xi1>, vector<16xi32>
    %swap3A_600 = arith.constant 1 : i32
    %swap3A_601 = arith.index_cast %swap3A_600 : i32 to index
    %swap3A_602 = arith.constant 112 : index
    %swap3A_603 = tpu.vector_load %arg10[%swap3A_601, %swap3A_602] {strides = array<i32>} : memref<2x128xi32, #tpu.memory_space<vmem>>, vector<1x16xi32>,
    %swap3A_604 = vector.shape_cast %swap3A_603 : vector<1x16xi32> to vector<16xi32>
    %swap3A_605 = vector.shape_cast %select_n3A_599 : vector<16xi32> to vector<1x16xi32>
    tpu.vector_store %arg10[%swap3A_601, %swap3A_602], %swap3A_605 {strides = array<i32>} : memref<2x128xi32, #tpu.memory_space<vmem>>, vector<1x16xi32>,
    %dma_start3A_606 = arith.constant 0 : i32
    %dma_start3A_607 = arith.constant 0 : i32
    %dma_start3A_608 = tpu.memref_slice %arg7[%dma_start3A_606, %dma_start3A_607] : memref<1x128xi32, #tpu.memory_space<vmem>> -> memref<1x128xi32, #tpu.memory_space<vmem>>
    %dma_start3A_609 = tpu.memref_squeeze %dma_start3A_608 : memref<1x128xi32, #tpu.memory_space<vmem>> -> memref<128xi32, #tpu.memory_space<vmem>>
    %dma_start3A_610 = arith.constant 0 : i32
    %dma_start3A_611 = arith.constant 0 : i32
    %dma_start3A_612 = tpu.memref_slice %arg2[%dma_start3A_610, %dma_start3A_611] : memref<10000x128xf32, #tpu.memory_space<hbm>> -> memref<10000x128xf32, #tpu.memory_space<hbm>>
    tpu.enqueue_indirect_dma source(%dma_start3A_612 : memref<10000x128xf32, #tpu.memory_space<hbm>>) target(%arg8 : memref<128x128xf32, #tpu.memory_space<vmem>>) offsets(%dma_start3A_609 : memref<128xi32, #tpu.memory_space<vmem>>) semaphore(%arg12 : memref<!tpu.dma_semaphore, #tpu.memory_space<semaphore_mem>>)
    %add3A_613 = arith.constant 128 : i32
    %add3A_614 = arith.addi %mul3A_21, %add3A_613 : i32
    %run_scoped3A_615 = arith.constant 1 : i32
    "tpu.region"() ({
      %run_scoped3A_1003 = tpu.sem_alloc : memref<!tpu.dma_semaphore, #tpu.memory_space<semaphore_mem>>
      %dma_start3A_1004 = arith.constant 0 : i32
      %dma_start3A_1005 = arith.constant 0 : i32
      %dma_start3A_1006 = tpu.memref_slice %arg9[%run_scoped3A_615, %dma_start3A_1004, %dma_start3A_1005] : memref<2x128x128xf32, #tpu.memory_space<vmem>> -> memref<1x128x128xf32, #tpu.memory_space<vmem>>
      %dma_start3A_1007 = tpu.memref_squeeze %dma_start3A_1006 : memref<1x128x128xf32, #tpu.memory_space<vmem>> -> memref<128x128xf32, #tpu.memory_space<vmem>>
      %dma_start3A_1008 = arith.constant 0 : i32
      %dma_start3A_1009 = tpu.memref_slice %arg3[%add3A_614, %dma_start3A_1008] : memref<321536x128xf32, #tpu.memory_space<hbm>> -> memref<128x128xf32, #tpu.memory_space<hbm>>
      %dma_start3A_1010 = arith.constant 0 : i32
      %dma_start3A_1011 = arith.constant 0 : i32
      %dma_start3A_1012 = tpu.memref_slice %arg9[%run_scoped3A_615, %dma_start3A_1010, %dma_start3A_1011] : memref<2x128x128xf32, #tpu.memory_space<vmem>> -> memref<1x128x128xf32, #tpu.memory_space<vmem>>
      %dma_start3A_1013 = tpu.memref_squeeze %dma_start3A_1012 : memref<1x128x128xf32, #tpu.memory_space<vmem>> -> memref<128x128xf32, #tpu.memory_space<vmem>>
      %dma_start3A_1014 = arith.constant 0 : i32
      %dma_start3A_1015 = tpu.memref_slice %arg3[%add3A_614, %dma_start3A_1014] : memref<321536x128xf32, #tpu.memory_space<hbm>> -> memref<128x128xf32, #tpu.memory_space<hbm>>
      tpu.enqueue_dma source(%dma_start3A_1015 : memref<128x128xf32, #tpu.memory_space<hbm>>) target(%dma_start3A_1013 : memref<128x128xf32, #tpu.memory_space<vmem>>) target_semaphore(%run_scoped3A_1003 : memref<!tpu.dma_semaphore, #tpu.memory_space<semaphore_mem>>)
      %dma_wait3A_1016 = arith.constant 0 : i32
      %dma_wait3A_1017 = arith.constant 0 : i32
      %dma_wait3A_1018 = tpu.memref_slice %arg9[%run_scoped3A_615, %dma_wait3A_1016, %dma_wait3A_1017] : memref<2x128x128xf32, #tpu.memory_space<vmem>> -> memref<1x128x128xf32, #tpu.memory_space<vmem>>
      %dma_wait3A_1019 = tpu.memref_squeeze %dma_wait3A_1018 : memref<1x128x128xf32, #tpu.memory_space<vmem>> -> memref<128x128xf32, #tpu.memory_space<vmem>>
      %dma_wait3A_1020 = arith.constant 0 : i32
      %dma_wait3A_1021 = tpu.memref_slice %arg3[%add3A_614, %dma_wait3A_1020] : memref<321536x128xf32, #tpu.memory_space<hbm>> -> memref<128x128xf32, #tpu.memory_space<hbm>>
      %dma_wait3A_1022 = arith.constant 0 : i32
      %dma_wait3A_1023 = arith.constant 0 : i32
      %dma_wait3A_1024 = tpu.memref_slice %arg9[%run_scoped3A_615, %dma_wait3A_1022, %dma_wait3A_1023] : memref<2x128x128xf32, #tpu.memory_space<vmem>> -> memref<1x128x128xf32, #tpu.memory_space<vmem>>
      %dma_wait3A_1025 = tpu.memref_squeeze %dma_wait3A_1024 : memref<1x128x128xf32, #tpu.memory_space<vmem>> -> memref<128x128xf32, #tpu.memory_space<vmem>>
      %dma_wait3A_1026 = arith.constant 0 : i32
      %dma_wait3A_1027 = tpu.memref_slice %arg3[%add3A_614, %dma_wait3A_1026] : memref<321536x128xf32, #tpu.memory_space<hbm>> -> memref<128x128xf32, #tpu.memory_space<hbm>>
      tpu.wait_dma2 semaphore(%run_scoped3A_1003 : memref<!tpu.dma_semaphore, #tpu.memory_space<semaphore_mem>>) src(%dma_wait3A_1027 : memref<128x128xf32, #tpu.memory_space<hbm>>) dst(%dma_wait3A_1025 : memref<128x128xf32, #tpu.memory_space<vmem>>)
      tpu.yield
    }) : () -> ()
    %dma_wait3A_616 = arith.constant 0 : i32
    %dma_wait3A_617 = arith.constant 0 : i32
    %dma_wait3A_618 = tpu.memref_slice %arg7[%dma_wait3A_616, %dma_wait3A_617] : memref<1x128xi32, #tpu.memory_space<vmem>> -> memref<1x128xi32, #tpu.memory_space<vmem>>
    %dma_wait3A_619 = tpu.memref_squeeze %dma_wait3A_618 : memref<1x128xi32, #tpu.memory_space<vmem>> -> memref<128xi32, #tpu.memory_space<vmem>>
    %dma_wait3A_620 = arith.constant 0 : i32
    %dma_wait3A_621 = arith.constant 0 : i32
    %dma_wait3A_622 = tpu.memref_slice %arg2[%dma_wait3A_620, %dma_wait3A_621] : memref<10000x128xf32, #tpu.memory_space<hbm>> -> memref<10000x128xf32, #tpu.memory_space<hbm>>
    tpu.wait_indirect_dma semaphore(%arg12 : memref<!tpu.dma_semaphore, #tpu.memory_space<semaphore_mem>>) src(%dma_wait3A_622 : memref<10000x128xf32, #tpu.memory_space<hbm>>) dst(%arg8 : memref<128x128xf32, #tpu.memory_space<vmem>>)
    %scan3A_623 = arith.constant 0 : i32
    %scan3A_624 = arith.constant 0 : i32
    %scan3A_625 = arith.constant 128 : i32
    %scan3A_626 = arith.addi %scan3A_624, %scan3A_625 : i32
    %scan3A_627 = arith.constant 1 : i32
    scf.for %scan3A_1003 = %scan3A_624 to %scan3A_626 step %scan3A_627  : i32 {
      %get3A_1004 = arith.constant 1 : i32
      %get3A_1005 = arith.index_cast %get3A_1004 : i32 to index
      %get3A_1006 = arith.index_cast %scan3A_1003 : i32 to index
      %get3A_1007 = arith.constant 0 : index
      %get3A_1008 = tpu.vector_load %arg9[%get3A_1005, %get3A_1006, %get3A_1007] {strides = array<i32>} : memref<2x128x128xf32, #tpu.memory_space<vmem>>, vector<1x1x16xf32>,
      %get3A_1009 = vector.shape_cast %get3A_1008 : vector<1x1x16xf32> to vector<16xf32>
      %get3A_1010 = arith.index_cast %scan3A_1003 : i32 to index
      %get3A_1011 = arith.constant 0 : index
      %get3A_1012 = tpu.vector_load %arg8[%get3A_1010, %get3A_1011] {strides = array<i32>} : memref<128x128xf32, #tpu.memory_space<vmem>>, vector<1x16xf32>,
      %get3A_1013 = vector.shape_cast %get3A_1012 : vector<1x16xf32> to vector<16xf32>
      %mul3A_1014 = arith.mulf %get3A_1009, %get3A_1013 : vector<16xf32>
      %swap3A_1015 = arith.constant 1 : i32
      %swap3A_1016 = arith.index_cast %swap3A_1015 : i32 to index
      %swap3A_1017 = arith.index_cast %scan3A_1003 : i32 to index
      %swap3A_1018 = arith.constant 0 : index
      %swap3A_1019 = tpu.vector_load %arg9[%swap3A_1016, %swap3A_1017, %swap3A_1018] {strides = array<i32>} : memref<2x128x128xf32, #tpu.memory_space<vmem>>, vector<1x1x16xf32>,
      %swap3A_1020 = vector.shape_cast %swap3A_1019 : vector<1x1x16xf32> to vector<16xf32>
      %swap3A_1021 = vector.shape_cast %mul3A_1014 : vector<16xf32> to vector<1x1x16xf32>
      tpu.vector_store %arg9[%swap3A_1016, %swap3A_1017, %swap3A_1018], %swap3A_1021 {strides = array<i32>} : memref<2x128x128xf32, #tpu.memory_space<vmem>>, vector<1x1x16xf32>,
      %get3A_1022 = arith.constant 1 : i32
      %get3A_1023 = arith.index_cast %get3A_1022 : i32 to index
      %get3A_1024 = arith.index_cast %scan3A_1003 : i32 to index
      %get3A_1025 = arith.constant 16 : index
      %get3A_1026 = tpu.vector_load %arg9[%get3A_1023, %get3A_1024, %get3A_1025] {strides = array<i32>} : memref<2x128x128xf32, #tpu.memory_space<vmem>>, vector<1x1x16xf32>,
      %get3A_1027 = vector.shape_cast %get3A_1026 : vector<1x1x16xf32> to vector<16xf32>
      %get3A_1028 = arith.index_cast %scan3A_1003 : i32 to index
      %get3A_1029 = arith.constant 16 : index
      %get3A_1030 = tpu.vector_load %arg8[%get3A_1028, %get3A_1029] {strides = array<i32>} : memref<128x128xf32, #tpu.memory_space<vmem>>, vector<1x16xf32>,
      %get3A_1031 = vector.shape_cast %get3A_1030 : vector<1x16xf32> to vector<16xf32>
      %mul3A_1032 = arith.mulf %get3A_1027, %get3A_1031 : vector<16xf32>
      %swap3A_1033 = arith.constant 1 : i32
      %swap3A_1034 = arith.index_cast %swap3A_1033 : i32 to index
      %swap3A_1035 = arith.index_cast %scan3A_1003 : i32 to index
      %swap3A_1036 = arith.constant 16 : index
      %swap3A_1037 = tpu.vector_load %arg9[%swap3A_1034, %swap3A_1035, %swap3A_1036] {strides = array<i32>} : memref<2x128x128xf32, #tpu.memory_space<vmem>>, vector<1x1x16xf32>,
      %swap3A_1038 = vector.shape_cast %swap3A_1037 : vector<1x1x16xf32> to vector<16xf32>
      %swap3A_1039 = vector.shape_cast %mul3A_1032 : vector<16xf32> to vector<1x1x16xf32>
      tpu.vector_store %arg9[%swap3A_1034, %swap3A_1035, %swap3A_1036], %swap3A_1039 {strides = array<i32>} : memref<2x128x128xf32, #tpu.memory_space<vmem>>, vector<1x1x16xf32>,
      %get3A_1040 = arith.constant 1 : i32
      %get3A_1041 = arith.index_cast %get3A_1040 : i32 to index
      %get3A_1042 = arith.index_cast %scan3A_1003 : i32 to index
      %get3A_1043 = arith.constant 32 : index
      %get3A_1044 = tpu.vector_load %arg9[%get3A_1041, %get3A_1042, %get3A_1043] {strides = array<i32>} : memref<2x128x128xf32, #tpu.memory_space<vmem>>, vector<1x1x16xf32>,
      %get3A_1045 = vector.shape_cast %get3A_1044 : vector<1x1x16xf32> to vector<16xf32>
      %get3A_1046 = arith.index_cast %scan3A_1003 : i32 to index
      %get3A_1047 = arith.constant 32 : index
      %get3A_1048 = tpu.vector_load %arg8[%get3A_1046, %get3A_1047] {strides = array<i32>} : memref<128x128xf32, #tpu.memory_space<vmem>>, vector<1x16xf32>,
      %get3A_1049 = vector.shape_cast %get3A_1048 : vector<1x16xf32> to vector<16xf32>
      %mul3A_1050 = arith.mulf %get3A_1045, %get3A_1049 : vector<16xf32>
      %swap3A_1051 = arith.constant 1 : i32
      %swap3A_1052 = arith.index_cast %swap3A_1051 : i32 to index
      %swap3A_1053 = arith.index_cast %scan3A_1003 : i32 to index
      %swap3A_1054 = arith.constant 32 : index
      %swap3A_1055 = tpu.vector_load %arg9[%swap3A_1052, %swap3A_1053, %swap3A_1054] {strides = array<i32>} : memref<2x128x128xf32, #tpu.memory_space<vmem>>, vector<1x1x16xf32>,
      %swap3A_1056 = vector.shape_cast %swap3A_1055 : vector<1x1x16xf32> to vector<16xf32>
      %swap3A_1057 = vector.shape_cast %mul3A_1050 : vector<16xf32> to vector<1x1x16xf32>
      tpu.vector_store %arg9[%swap3A_1052, %swap3A_1053, %swap3A_1054], %swap3A_1057 {strides = array<i32>} : memref<2x128x128xf32, #tpu.memory_space<vmem>>, vector<1x1x16xf32>,
      %get3A_1058 = arith.constant 1 : i32
      %get3A_1059 = arith.index_cast %get3A_1058 : i32 to index
      %get3A_1060 = arith.index_cast %scan3A_1003 : i32 to index
      %get3A_1061 = arith.constant 48 : index
      %get3A_1062 = tpu.vector_load %arg9[%get3A_1059, %get3A_1060, %get3A_1061] {strides = array<i32>} : memref<2x128x128xf32, #tpu.memory_space<vmem>>, vector<1x1x16xf32>,
      %get3A_1063 = vector.shape_cast %get3A_1062 : vector<1x1x16xf32> to vector<16xf32>
      %get3A_1064 = arith.index_cast %scan3A_1003 : i32 to index
      %get3A_1065 = arith.constant 48 : index
      %get3A_1066 = tpu.vector_load %arg8[%get3A_1064, %get3A_1065] {strides = array<i32>} : memref<128x128xf32, #tpu.memory_space<vmem>>, vector<1x16xf32>,
      %get3A_1067 = vector.shape_cast %get3A_1066 : vector<1x16xf32> to vector<16xf32>
      %mul3A_1068 = arith.mulf %get3A_1063, %get3A_1067 : vector<16xf32>
      %swap3A_1069 = arith.constant 1 : i32
      %swap3A_1070 = arith.index_cast %swap3A_1069 : i32 to index
      %swap3A_1071 = arith.index_cast %scan3A_1003 : i32 to index
      %swap3A_1072 = arith.constant 48 : index
      %swap3A_1073 = tpu.vector_load %arg9[%swap3A_1070, %swap3A_1071, %swap3A_1072] {strides = array<i32>} : memref<2x128x128xf32, #tpu.memory_space<vmem>>, vector<1x1x16xf32>,
      %swap3A_1074 = vector.shape_cast %swap3A_1073 : vector<1x1x16xf32> to vector<16xf32>
      %swap3A_1075 = vector.shape_cast %mul3A_1068 : vector<16xf32> to vector<1x1x16xf32>
      tpu.vector_store %arg9[%swap3A_1070, %swap3A_1071, %swap3A_1072], %swap3A_1075 {strides = array<i32>} : memref<2x128x128xf32, #tpu.memory_space<vmem>>, vector<1x1x16xf32>,
      %get3A_1076 = arith.constant 1 : i32
      %get3A_1077 = arith.index_cast %get3A_1076 : i32 to index
      %get3A_1078 = arith.index_cast %scan3A_1003 : i32 to index
      %get3A_1079 = arith.constant 64 : index
      %get3A_1080 = tpu.vector_load %arg9[%get3A_1077, %get3A_1078, %get3A_1079] {strides = array<i32>} : memref<2x128x128xf32, #tpu.memory_space<vmem>>, vector<1x1x16xf32>,
      %get3A_1081 = vector.shape_cast %get3A_1080 : vector<1x1x16xf32> to vector<16xf32>
      %get3A_1082 = arith.index_cast %scan3A_1003 : i32 to index
      %get3A_1083 = arith.constant 64 : index
      %get3A_1084 = tpu.vector_load %arg8[%get3A_1082, %get3A_1083] {strides = array<i32>} : memref<128x128xf32, #tpu.memory_space<vmem>>, vector<1x16xf32>,
      %get3A_1085 = vector.shape_cast %get3A_1084 : vector<1x16xf32> to vector<16xf32>
      %mul3A_1086 = arith.mulf %get3A_1081, %get3A_1085 : vector<16xf32>
      %swap3A_1087 = arith.constant 1 : i32
      %swap3A_1088 = arith.index_cast %swap3A_1087 : i32 to index
      %swap3A_1089 = arith.index_cast %scan3A_1003 : i32 to index
      %swap3A_1090 = arith.constant 64 : index
      %swap3A_1091 = tpu.vector_load %arg9[%swap3A_1088, %swap3A_1089, %swap3A_1090] {strides = array<i32>} : memref<2x128x128xf32, #tpu.memory_space<vmem>>, vector<1x1x16xf32>,
      %swap3A_1092 = vector.shape_cast %swap3A_1091 : vector<1x1x16xf32> to vector<16xf32>
      %swap3A_1093 = vector.shape_cast %mul3A_1086 : vector<16xf32> to vector<1x1x16xf32>
      tpu.vector_store %arg9[%swap3A_1088, %swap3A_1089, %swap3A_1090], %swap3A_1093 {strides = array<i32>} : memref<2x128x128xf32, #tpu.memory_space<vmem>>, vector<1x1x16xf32>,
      %get3A_1094 = arith.constant 1 : i32
      %get3A_1095 = arith.index_cast %get3A_1094 : i32 to index
      %get3A_1096 = arith.index_cast %scan3A_1003 : i32 to index
      %get3A_1097 = arith.constant 80 : index
      %get3A_1098 = tpu.vector_load %arg9[%get3A_1095, %get3A_1096, %get3A_1097] {strides = array<i32>} : memref<2x128x128xf32, #tpu.memory_space<vmem>>, vector<1x1x16xf32>,
      %get3A_1099 = vector.shape_cast %get3A_1098 : vector<1x1x16xf32> to vector<16xf32>
      %get3A_1100 = arith.index_cast %scan3A_1003 : i32 to index
      %get3A_1101 = arith.constant 80 : index
      %get3A_1102 = tpu.vector_load %arg8[%get3A_1100, %get3A_1101] {strides = array<i32>} : memref<128x128xf32, #tpu.memory_space<vmem>>, vector<1x16xf32>,
      %get3A_1103 = vector.shape_cast %get3A_1102 : vector<1x16xf32> to vector<16xf32>
      %mul3A_1104 = arith.mulf %get3A_1099, %get3A_1103 : vector<16xf32>
      %swap3A_1105 = arith.constant 1 : i32
      %swap3A_1106 = arith.index_cast %swap3A_1105 : i32 to index
      %swap3A_1107 = arith.index_cast %scan3A_1003 : i32 to index
      %swap3A_1108 = arith.constant 80 : index
      %swap3A_1109 = tpu.vector_load %arg9[%swap3A_1106, %swap3A_1107, %swap3A_1108] {strides = array<i32>} : memref<2x128x128xf32, #tpu.memory_space<vmem>>, vector<1x1x16xf32>,
      %swap3A_1110 = vector.shape_cast %swap3A_1109 : vector<1x1x16xf32> to vector<16xf32>
      %swap3A_1111 = vector.shape_cast %mul3A_1104 : vector<16xf32> to vector<1x1x16xf32>
      tpu.vector_store %arg9[%swap3A_1106, %swap3A_1107, %swap3A_1108], %swap3A_1111 {strides = array<i32>} : memref<2x128x128xf32, #tpu.memory_space<vmem>>, vector<1x1x16xf32>,
      %get3A_1112 = arith.constant 1 : i32
      %get3A_1113 = arith.index_cast %get3A_1112 : i32 to index
      %get3A_1114 = arith.index_cast %scan3A_1003 : i32 to index
      %get3A_1115 = arith.constant 96 : index
      %get3A_1116 = tpu.vector_load %arg9[%get3A_1113, %get3A_1114, %get3A_1115] {strides = array<i32>} : memref<2x128x128xf32, #tpu.memory_space<vmem>>, vector<1x1x16xf32>,
      %get3A_1117 = vector.shape_cast %get3A_1116 : vector<1x1x16xf32> to vector<16xf32>
      %get3A_1118 = arith.index_cast %scan3A_1003 : i32 to index
      %get3A_1119 = arith.constant 96 : index
      %get3A_1120 = tpu.vector_load %arg8[%get3A_1118, %get3A_1119] {strides = array<i32>} : memref<128x128xf32, #tpu.memory_space<vmem>>, vector<1x16xf32>,
      %get3A_1121 = vector.shape_cast %get3A_1120 : vector<1x16xf32> to vector<16xf32>
      %mul3A_1122 = arith.mulf %get3A_1117, %get3A_1121 : vector<16xf32>
      %swap3A_1123 = arith.constant 1 : i32
      %swap3A_1124 = arith.index_cast %swap3A_1123 : i32 to index
      %swap3A_1125 = arith.index_cast %scan3A_1003 : i32 to index
      %swap3A_1126 = arith.constant 96 : index
      %swap3A_1127 = tpu.vector_load %arg9[%swap3A_1124, %swap3A_1125, %swap3A_1126] {strides = array<i32>} : memref<2x128x128xf32, #tpu.memory_space<vmem>>, vector<1x1x16xf32>,
      %swap3A_1128 = vector.shape_cast %swap3A_1127 : vector<1x1x16xf32> to vector<16xf32>
      %swap3A_1129 = vector.shape_cast %mul3A_1122 : vector<16xf32> to vector<1x1x16xf32>
      tpu.vector_store %arg9[%swap3A_1124, %swap3A_1125, %swap3A_1126], %swap3A_1129 {strides = array<i32>} : memref<2x128x128xf32, #tpu.memory_space<vmem>>, vector<1x1x16xf32>,
      %get3A_1130 = arith.constant 1 : i32
      %get3A_1131 = arith.index_cast %get3A_1130 : i32 to index
      %get3A_1132 = arith.index_cast %scan3A_1003 : i32 to index
      %get3A_1133 = arith.constant 112 : index
      %get3A_1134 = tpu.vector_load %arg9[%get3A_1131, %get3A_1132, %get3A_1133] {strides = array<i32>} : memref<2x128x128xf32, #tpu.memory_space<vmem>>, vector<1x1x16xf32>,
      %get3A_1135 = vector.shape_cast %get3A_1134 : vector<1x1x16xf32> to vector<16xf32>
      %get3A_1136 = arith.index_cast %scan3A_1003 : i32 to index
      %get3A_1137 = arith.constant 112 : index
      %get3A_1138 = tpu.vector_load %arg8[%get3A_1136, %get3A_1137] {strides = array<i32>} : memref<128x128xf32, #tpu.memory_space<vmem>>, vector<1x16xf32>,
      %get3A_1139 = vector.shape_cast %get3A_1138 : vector<1x16xf32> to vector<16xf32>
      %mul3A_1140 = arith.mulf %get3A_1135, %get3A_1139 : vector<16xf32>
      %swap3A_1141 = arith.constant 1 : i32
      %swap3A_1142 = arith.index_cast %swap3A_1141 : i32 to index
      %swap3A_1143 = arith.index_cast %scan3A_1003 : i32 to index
      %swap3A_1144 = arith.constant 112 : index
      %swap3A_1145 = tpu.vector_load %arg9[%swap3A_1142, %swap3A_1143, %swap3A_1144] {strides = array<i32>} : memref<2x128x128xf32, #tpu.memory_space<vmem>>, vector<1x1x16xf32>,
      %swap3A_1146 = vector.shape_cast %swap3A_1145 : vector<1x1x16xf32> to vector<16xf32>
      %swap3A_1147 = vector.shape_cast %mul3A_1140 : vector<16xf32> to vector<1x1x16xf32>
      tpu.vector_store %arg9[%swap3A_1142, %swap3A_1143, %swap3A_1144], %swap3A_1147 {strides = array<i32>} : memref<2x128x128xf32, #tpu.memory_space<vmem>>, vector<1x1x16xf32>,
    }
    %scan3A_628 = arith.constant 128 : i32
    %dma_start3A_629 = arith.constant 1 : i32
    %dma_start3A_630 = arith.constant 1 : i32
    %dma_start3A_631 = arith.constant 0 : i32
    %dma_start3A_632 = arith.constant 0 : i32
    %dma_start3A_633 = tpu.memref_slice %arg9[%dma_start3A_629, %dma_start3A_631, %dma_start3A_632] : memref<2x128x128xf32, #tpu.memory_space<vmem>> -> memref<1x128x128xf32, #tpu.memory_space<vmem>>
    %dma_start3A_634 = tpu.memref_squeeze %dma_start3A_633 : memref<1x128x128xf32, #tpu.memory_space<vmem>> -> memref<128x128xf32, #tpu.memory_space<vmem>>
    %dma_start3A_635 = arith.constant 0 : i32
    %dma_start3A_636 = tpu.memref_slice %arg10[%dma_start3A_630, %dma_start3A_635] : memref<2x128xi32, #tpu.memory_space<vmem>> -> memref<1x128xi32, #tpu.memory_space<vmem>>
    %dma_start3A_637 = tpu.memref_squeeze %dma_start3A_636 : memref<1x128xi32, #tpu.memory_space<vmem>> -> memref<128xi32, #tpu.memory_space<vmem>>
    %dma_start3A_638 = arith.constant 0 : i32
    %dma_start3A_639 = arith.constant 0 : i32
    %dma_start3A_640 = tpu.memref_slice %arg11[%dma_start3A_638, %dma_start3A_639] : memref<5120x128xf32, #tpu.memory_space<vmem_shared>> -> memref<5120x128xf32, #tpu.memory_space<vmem_shared>>
    tpu.enqueue_indirect_dma source(%dma_start3A_634 : memref<128x128xf32, #tpu.memory_space<vmem>>) target(%dma_start3A_640 : memref<5120x128xf32, #tpu.memory_space<vmem_shared>>) offsets(%dma_start3A_637 : memref<128xi32, #tpu.memory_space<vmem>>) semaphore(%arg14 : memref<!tpu.dma_semaphore, #tpu.memory_space<semaphore_mem>>) {add = true}
    %get3A_641 = arith.constant 2 : i32
    %get3A_642 = arith.index_cast %get3A_641 : i32 to index
    %get3A_643 = arith.constant 0 : index
    %get3A_644 = tpu.vector_load %arg6[%get3A_642, %get3A_643] {strides = array<i32>} : memref<157x128xi32, #tpu.memory_space<vmem>>, vector<1x16xi32>,
    %get3A_645 = vector.shape_cast %get3A_644 : vector<1x16xi32> to vector<16xi32>
    %and3A_646 = arith.constant 16383 : i32
    %and3A_647 = vector.broadcast %and3A_646 : i32 to vector<16xi32>
    %and3A_648 = arith.andi %get3A_645, %and3A_647 : vector<16xi32>
    %swap3A_649 = arith.constant 0 : i32
    %swap3A_650 = arith.index_cast %swap3A_649 : i32 to index
    %swap3A_651 = arith.constant 0 : index
    %swap3A_652 = tpu.vector_load %arg7[%swap3A_650, %swap3A_651] {strides = array<i32>} : memref<1x128xi32, #tpu.memory_space<vmem>>, vector<1x16xi32>,
    %swap3A_653 = vector.shape_cast %swap3A_652 : vector<1x16xi32> to vector<16xi32>
    %swap3A_654 = vector.shape_cast %and3A_648 : vector<16xi32> to vector<1x16xi32>
    tpu.vector_store %arg7[%swap3A_650, %swap3A_651], %swap3A_654 {strides = array<i32>} : memref<1x128xi32, #tpu.memory_space<vmem>>, vector<1x16xi32>,
    %shift_right_arithmetic3A_655 = arith.constant 14 : i32
    %shift_right_arithmetic3A_656 = vector.broadcast %shift_right_arithmetic3A_655 : i32 to vector<16xi32>
    %shift_right_arithmetic3A_657 = arith.shrsi %get3A_645, %shift_right_arithmetic3A_656 : vector<16xi32>
    %sub3A_658 = vector.broadcast %mul3A_0 : i32 to vector<16xi32>
    %sub3A_659 = arith.subi %shift_right_arithmetic3A_657, %sub3A_658 : vector<16xi32>
    %ge3A_660 = arith.constant 0 : i32
    %ge3A_661 = vector.broadcast %ge3A_660 : i32 to vector<16xi32>
    %ge3A_662 = arith.cmpi sge, %sub3A_659, %ge3A_661 : vector<16xi32>
    %lt3A_663 = arith.constant 5000 : i32
    %lt3A_664 = vector.broadcast %lt3A_663 : i32 to vector<16xi32>
    %lt3A_665 = arith.cmpi slt, %sub3A_659, %lt3A_664 : vector<16xi32>
    %and3A_666 = arith.andi %ge3A_662, %lt3A_665 : vector<16xi1>
    %jit3A_667 = arith.constant 5000 : i32
    %broadcast_in_dim3A_668 = vector.broadcast %jit3A_667 : i32 to vector<16xi32>
    %select_n3A_669 = arith.select %and3A_666, %sub3A_659, %broadcast_in_dim3A_668 : vector<16xi1>, vector<16xi32>
    %swap3A_670 = arith.constant 0 : i32
    %swap3A_671 = arith.index_cast %swap3A_670 : i32 to index
    %swap3A_672 = arith.constant 0 : index
    %swap3A_673 = tpu.vector_load %arg10[%swap3A_671, %swap3A_672] {strides = array<i32>} : memref<2x128xi32, #tpu.memory_space<vmem>>, vector<1x16xi32>,
    %swap3A_674 = vector.shape_cast %swap3A_673 : vector<1x16xi32> to vector<16xi32>
    %swap3A_675 = vector.shape_cast %select_n3A_669 : vector<16xi32> to vector<1x16xi32>
    tpu.vector_store %arg10[%swap3A_671, %swap3A_672], %swap3A_675 {strides = array<i32>} : memref<2x128xi32, #tpu.memory_space<vmem>>, vector<1x16xi32>,
    %get3A_676 = arith.constant 2 : i32
    %get3A_677 = arith.index_cast %get3A_676 : i32 to index
    %get3A_678 = arith.constant 16 : index
    %get3A_679 = tpu.vector_load %arg6[%get3A_677, %get3A_678] {strides = array<i32>} : memref<157x128xi32, #tpu.memory_space<vmem>>, vector<1x16xi32>,
    %get3A_680 = vector.shape_cast %get3A_679 : vector<1x16xi32> to vector<16xi32>
    %and3A_681 = arith.constant 16383 : i32
    %and3A_682 = vector.broadcast %and3A_681 : i32 to vector<16xi32>
    %and3A_683 = arith.andi %get3A_680, %and3A_682 : vector<16xi32>
    %swap3A_684 = arith.constant 0 : i32
    %swap3A_685 = arith.index_cast %swap3A_684 : i32 to index
    %swap3A_686 = arith.constant 16 : index
    %swap3A_687 = tpu.vector_load %arg7[%swap3A_685, %swap3A_686] {strides = array<i32>} : memref<1x128xi32, #tpu.memory_space<vmem>>, vector<1x16xi32>,
    %swap3A_688 = vector.shape_cast %swap3A_687 : vector<1x16xi32> to vector<16xi32>
    %swap3A_689 = vector.shape_cast %and3A_683 : vector<16xi32> to vector<1x16xi32>
    tpu.vector_store %arg7[%swap3A_685, %swap3A_686], %swap3A_689 {strides = array<i32>} : memref<1x128xi32, #tpu.memory_space<vmem>>, vector<1x16xi32>,
    %shift_right_arithmetic3A_690 = arith.constant 14 : i32
    %shift_right_arithmetic3A_691 = vector.broadcast %shift_right_arithmetic3A_690 : i32 to vector<16xi32>
    %shift_right_arithmetic3A_692 = arith.shrsi %get3A_680, %shift_right_arithmetic3A_691 : vector<16xi32>
    %sub3A_693 = vector.broadcast %mul3A_0 : i32 to vector<16xi32>
    %sub3A_694 = arith.subi %shift_right_arithmetic3A_692, %sub3A_693 : vector<16xi32>
    %ge3A_695 = arith.constant 0 : i32
    %ge3A_696 = vector.broadcast %ge3A_695 : i32 to vector<16xi32>
    %ge3A_697 = arith.cmpi sge, %sub3A_694, %ge3A_696 : vector<16xi32>
    %lt3A_698 = arith.constant 5000 : i32
    %lt3A_699 = vector.broadcast %lt3A_698 : i32 to vector<16xi32>
    %lt3A_700 = arith.cmpi slt, %sub3A_694, %lt3A_699 : vector<16xi32>
    %and3A_701 = arith.andi %ge3A_697, %lt3A_700 : vector<16xi1>
    %jit3A_702 = arith.constant 5000 : i32
    %broadcast_in_dim3A_703 = vector.broadcast %jit3A_702 : i32 to vector<16xi32>
    %select_n3A_704 = arith.select %and3A_701, %sub3A_694, %broadcast_in_dim3A_703 : vector<16xi1>, vector<16xi32>
    %swap3A_705 = arith.constant 0 : i32
    %swap3A_706 = arith.index_cast %swap3A_705 : i32 to index
    %swap3A_707 = arith.constant 16 : index
    %swap3A_708 = tpu.vector_load %arg10[%swap3A_706, %swap3A_707] {strides = array<i32>} : memref<2x128xi32, #tpu.memory_space<vmem>>, vector<1x16xi32>,
    %swap3A_709 = vector.shape_cast %swap3A_708 : vector<1x16xi32> to vector<16xi32>
    %swap3A_710 = vector.shape_cast %select_n3A_704 : vector<16xi32> to vector<1x16xi32>
    tpu.vector_store %arg10[%swap3A_706, %swap3A_707], %swap3A_710 {strides = array<i32>} : memref<2x128xi32, #tpu.memory_space<vmem>>, vector<1x16xi32>,
    %get3A_711 = arith.constant 2 : i32
    %get3A_712 = arith.index_cast %get3A_711 : i32 to index
    %get3A_713 = arith.constant 32 : index
    %get3A_714 = tpu.vector_load %arg6[%get3A_712, %get3A_713] {strides = array<i32>} : memref<157x128xi32, #tpu.memory_space<vmem>>, vector<1x16xi32>,
    %get3A_715 = vector.shape_cast %get3A_714 : vector<1x16xi32> to vector<16xi32>
    %and3A_716 = arith.constant 16383 : i32
    %and3A_717 = vector.broadcast %and3A_716 : i32 to vector<16xi32>
    %and3A_718 = arith.andi %get3A_715, %and3A_717 : vector<16xi32>
    %swap3A_719 = arith.constant 0 : i32
    %swap3A_720 = arith.index_cast %swap3A_719 : i32 to index
    %swap3A_721 = arith.constant 32 : index
    %swap3A_722 = tpu.vector_load %arg7[%swap3A_720, %swap3A_721] {strides = array<i32>} : memref<1x128xi32, #tpu.memory_space<vmem>>, vector<1x16xi32>,
    %swap3A_723 = vector.shape_cast %swap3A_722 : vector<1x16xi32> to vector<16xi32>
    %swap3A_724 = vector.shape_cast %and3A_718 : vector<16xi32> to vector<1x16xi32>
    tpu.vector_store %arg7[%swap3A_720, %swap3A_721], %swap3A_724 {strides = array<i32>} : memref<1x128xi32, #tpu.memory_space<vmem>>, vector<1x16xi32>,
    %shift_right_arithmetic3A_725 = arith.constant 14 : i32
    %shift_right_arithmetic3A_726 = vector.broadcast %shift_right_arithmetic3A_725 : i32 to vector<16xi32>
    %shift_right_arithmetic3A_727 = arith.shrsi %get3A_715, %shift_right_arithmetic3A_726 : vector<16xi32>
    %sub3A_728 = vector.broadcast %mul3A_0 : i32 to vector<16xi32>
    %sub3A_729 = arith.subi %shift_right_arithmetic3A_727, %sub3A_728 : vector<16xi32>
    %ge3A_730 = arith.constant 0 : i32
    %ge3A_731 = vector.broadcast %ge3A_730 : i32 to vector<16xi32>
    %ge3A_732 = arith.cmpi sge, %sub3A_729, %ge3A_731 : vector<16xi32>
    %lt3A_733 = arith.constant 5000 : i32
    %lt3A_734 = vector.broadcast %lt3A_733 : i32 to vector<16xi32>
    %lt3A_735 = arith.cmpi slt, %sub3A_729, %lt3A_734 : vector<16xi32>
    %and3A_736 = arith.andi %ge3A_732, %lt3A_735 : vector<16xi1>
    %jit3A_737 = arith.constant 5000 : i32
    %broadcast_in_dim3A_738 = vector.broadcast %jit3A_737 : i32 to vector<16xi32>
    %select_n3A_739 = arith.select %and3A_736, %sub3A_729, %broadcast_in_dim3A_738 : vector<16xi1>, vector<16xi32>
    %swap3A_740 = arith.constant 0 : i32
    %swap3A_741 = arith.index_cast %swap3A_740 : i32 to index
    %swap3A_742 = arith.constant 32 : index
    %swap3A_743 = tpu.vector_load %arg10[%swap3A_741, %swap3A_742] {strides = array<i32>} : memref<2x128xi32, #tpu.memory_space<vmem>>, vector<1x16xi32>,
    %swap3A_744 = vector.shape_cast %swap3A_743 : vector<1x16xi32> to vector<16xi32>
    %swap3A_745 = vector.shape_cast %select_n3A_739 : vector<16xi32> to vector<1x16xi32>
    tpu.vector_store %arg10[%swap3A_741, %swap3A_742], %swap3A_745 {strides = array<i32>} : memref<2x128xi32, #tpu.memory_space<vmem>>, vector<1x16xi32>,
    %get3A_746 = arith.constant 2 : i32
    %get3A_747 = arith.index_cast %get3A_746 : i32 to index
    %get3A_748 = arith.constant 48 : index
    %get3A_749 = tpu.vector_load %arg6[%get3A_747, %get3A_748] {strides = array<i32>} : memref<157x128xi32, #tpu.memory_space<vmem>>, vector<1x16xi32>,
    %get3A_750 = vector.shape_cast %get3A_749 : vector<1x16xi32> to vector<16xi32>
    %and3A_751 = arith.constant 16383 : i32
    %and3A_752 = vector.broadcast %and3A_751 : i32 to vector<16xi32>
    %and3A_753 = arith.andi %get3A_750, %and3A_752 : vector<16xi32>
    %swap3A_754 = arith.constant 0 : i32
    %swap3A_755 = arith.index_cast %swap3A_754 : i32 to index
    %swap3A_756 = arith.constant 48 : index
    %swap3A_757 = tpu.vector_load %arg7[%swap3A_755, %swap3A_756] {strides = array<i32>} : memref<1x128xi32, #tpu.memory_space<vmem>>, vector<1x16xi32>,
    %swap3A_758 = vector.shape_cast %swap3A_757 : vector<1x16xi32> to vector<16xi32>
    %swap3A_759 = vector.shape_cast %and3A_753 : vector<16xi32> to vector<1x16xi32>
    tpu.vector_store %arg7[%swap3A_755, %swap3A_756], %swap3A_759 {strides = array<i32>} : memref<1x128xi32, #tpu.memory_space<vmem>>, vector<1x16xi32>,
    %shift_right_arithmetic3A_760 = arith.constant 14 : i32
    %shift_right_arithmetic3A_761 = vector.broadcast %shift_right_arithmetic3A_760 : i32 to vector<16xi32>
    %shift_right_arithmetic3A_762 = arith.shrsi %get3A_750, %shift_right_arithmetic3A_761 : vector<16xi32>
    %sub3A_763 = vector.broadcast %mul3A_0 : i32 to vector<16xi32>
    %sub3A_764 = arith.subi %shift_right_arithmetic3A_762, %sub3A_763 : vector<16xi32>
    %ge3A_765 = arith.constant 0 : i32
    %ge3A_766 = vector.broadcast %ge3A_765 : i32 to vector<16xi32>
    %ge3A_767 = arith.cmpi sge, %sub3A_764, %ge3A_766 : vector<16xi32>
    %lt3A_768 = arith.constant 5000 : i32
    %lt3A_769 = vector.broadcast %lt3A_768 : i32 to vector<16xi32>
    %lt3A_770 = arith.cmpi slt, %sub3A_764, %lt3A_769 : vector<16xi32>
    %and3A_771 = arith.andi %ge3A_767, %lt3A_770 : vector<16xi1>
    %jit3A_772 = arith.constant 5000 : i32
    %broadcast_in_dim3A_773 = vector.broadcast %jit3A_772 : i32 to vector<16xi32>
    %select_n3A_774 = arith.select %and3A_771, %sub3A_764, %broadcast_in_dim3A_773 : vector<16xi1>, vector<16xi32>
    %swap3A_775 = arith.constant 0 : i32
    %swap3A_776 = arith.index_cast %swap3A_775 : i32 to index
    %swap3A_777 = arith.constant 48 : index
    %swap3A_778 = tpu.vector_load %arg10[%swap3A_776, %swap3A_777] {strides = array<i32>} : memref<2x128xi32, #tpu.memory_space<vmem>>, vector<1x16xi32>,
    %swap3A_779 = vector.shape_cast %swap3A_778 : vector<1x16xi32> to vector<16xi32>
    %swap3A_780 = vector.shape_cast %select_n3A_774 : vector<16xi32> to vector<1x16xi32>
    tpu.vector_store %arg10[%swap3A_776, %swap3A_777], %swap3A_780 {strides = array<i32>} : memref<2x128xi32, #tpu.memory_space<vmem>>, vector<1x16xi32>,
    %get3A_781 = arith.constant 2 : i32
    %get3A_782 = arith.index_cast %get3A_781 : i32 to index
    %get3A_783 = arith.constant 64 : index
    %get3A_784 = tpu.vector_load %arg6[%get3A_782, %get3A_783] {strides = array<i32>} : memref<157x128xi32, #tpu.memory_space<vmem>>, vector<1x16xi32>,
    %get3A_785 = vector.shape_cast %get3A_784 : vector<1x16xi32> to vector<16xi32>
    %and3A_786 = arith.constant 16383 : i32
    %and3A_787 = vector.broadcast %and3A_786 : i32 to vector<16xi32>
    %and3A_788 = arith.andi %get3A_785, %and3A_787 : vector<16xi32>
    %swap3A_789 = arith.constant 0 : i32
    %swap3A_790 = arith.index_cast %swap3A_789 : i32 to index
    %swap3A_791 = arith.constant 64 : index
    %swap3A_792 = tpu.vector_load %arg7[%swap3A_790, %swap3A_791] {strides = array<i32>} : memref<1x128xi32, #tpu.memory_space<vmem>>, vector<1x16xi32>,
    %swap3A_793 = vector.shape_cast %swap3A_792 : vector<1x16xi32> to vector<16xi32>
    %swap3A_794 = vector.shape_cast %and3A_788 : vector<16xi32> to vector<1x16xi32>
    tpu.vector_store %arg7[%swap3A_790, %swap3A_791], %swap3A_794 {strides = array<i32>} : memref<1x128xi32, #tpu.memory_space<vmem>>, vector<1x16xi32>,
    %shift_right_arithmetic3A_795 = arith.constant 14 : i32
    %shift_right_arithmetic3A_796 = vector.broadcast %shift_right_arithmetic3A_795 : i32 to vector<16xi32>
    %shift_right_arithmetic3A_797 = arith.shrsi %get3A_785, %shift_right_arithmetic3A_796 : vector<16xi32>
    %sub3A_798 = vector.broadcast %mul3A_0 : i32 to vector<16xi32>
    %sub3A_799 = arith.subi %shift_right_arithmetic3A_797, %sub3A_798 : vector<16xi32>
    %ge3A_800 = arith.constant 0 : i32
    %ge3A_801 = vector.broadcast %ge3A_800 : i32 to vector<16xi32>
    %ge3A_802 = arith.cmpi sge, %sub3A_799, %ge3A_801 : vector<16xi32>
    %lt3A_803 = arith.constant 5000 : i32
    %lt3A_804 = vector.broadcast %lt3A_803 : i32 to vector<16xi32>
    %lt3A_805 = arith.cmpi slt, %sub3A_799, %lt3A_804 : vector<16xi32>
    %and3A_806 = arith.andi %ge3A_802, %lt3A_805 : vector<16xi1>
    %jit3A_807 = arith.constant 5000 : i32
    %broadcast_in_dim3A_808 = vector.broadcast %jit3A_807 : i32 to vector<16xi32>
    %select_n3A_809 = arith.select %and3A_806, %sub3A_799, %broadcast_in_dim3A_808 : vector<16xi1>, vector<16xi32>
    %swap3A_810 = arith.constant 0 : i32
    %swap3A_811 = arith.index_cast %swap3A_810 : i32 to index
    %swap3A_812 = arith.constant 64 : index
    %swap3A_813 = tpu.vector_load %arg10[%swap3A_811, %swap3A_812] {strides = array<i32>} : memref<2x128xi32, #tpu.memory_space<vmem>>, vector<1x16xi32>,
    %swap3A_814 = vector.shape_cast %swap3A_813 : vector<1x16xi32> to vector<16xi32>
    %swap3A_815 = vector.shape_cast %select_n3A_809 : vector<16xi32> to vector<1x16xi32>
    tpu.vector_store %arg10[%swap3A_811, %swap3A_812], %swap3A_815 {strides = array<i32>} : memref<2x128xi32, #tpu.memory_space<vmem>>, vector<1x16xi32>,
    %get3A_816 = arith.constant 2 : i32
    %get3A_817 = arith.index_cast %get3A_816 : i32 to index
    %get3A_818 = arith.constant 80 : index
    %get3A_819 = tpu.vector_load %arg6[%get3A_817, %get3A_818] {strides = array<i32>} : memref<157x128xi32, #tpu.memory_space<vmem>>, vector<1x16xi32>,
    %get3A_820 = vector.shape_cast %get3A_819 : vector<1x16xi32> to vector<16xi32>
    %and3A_821 = arith.constant 16383 : i32
    %and3A_822 = vector.broadcast %and3A_821 : i32 to vector<16xi32>
    %and3A_823 = arith.andi %get3A_820, %and3A_822 : vector<16xi32>
    %swap3A_824 = arith.constant 0 : i32
    %swap3A_825 = arith.index_cast %swap3A_824 : i32 to index
    %swap3A_826 = arith.constant 80 : index
    %swap3A_827 = tpu.vector_load %arg7[%swap3A_825, %swap3A_826] {strides = array<i32>} : memref<1x128xi32, #tpu.memory_space<vmem>>, vector<1x16xi32>,
    %swap3A_828 = vector.shape_cast %swap3A_827 : vector<1x16xi32> to vector<16xi32>
    %swap3A_829 = vector.shape_cast %and3A_823 : vector<16xi32> to vector<1x16xi32>
    tpu.vector_store %arg7[%swap3A_825, %swap3A_826], %swap3A_829 {strides = array<i32>} : memref<1x128xi32, #tpu.memory_space<vmem>>, vector<1x16xi32>,
    %shift_right_arithmetic3A_830 = arith.constant 14 : i32
    %shift_right_arithmetic3A_831 = vector.broadcast %shift_right_arithmetic3A_830 : i32 to vector<16xi32>
    %shift_right_arithmetic3A_832 = arith.shrsi %get3A_820, %shift_right_arithmetic3A_831 : vector<16xi32>
    %sub3A_833 = vector.broadcast %mul3A_0 : i32 to vector<16xi32>
    %sub3A_834 = arith.subi %shift_right_arithmetic3A_832, %sub3A_833 : vector<16xi32>
    %ge3A_835 = arith.constant 0 : i32
    %ge3A_836 = vector.broadcast %ge3A_835 : i32 to vector<16xi32>
    %ge3A_837 = arith.cmpi sge, %sub3A_834, %ge3A_836 : vector<16xi32>
    %lt3A_838 = arith.constant 5000 : i32
    %lt3A_839 = vector.broadcast %lt3A_838 : i32 to vector<16xi32>
    %lt3A_840 = arith.cmpi slt, %sub3A_834, %lt3A_839 : vector<16xi32>
    %and3A_841 = arith.andi %ge3A_837, %lt3A_840 : vector<16xi1>
    %jit3A_842 = arith.constant 5000 : i32
    %broadcast_in_dim3A_843 = vector.broadcast %jit3A_842 : i32 to vector<16xi32>
    %select_n3A_844 = arith.select %and3A_841, %sub3A_834, %broadcast_in_dim3A_843 : vector<16xi1>, vector<16xi32>
    %swap3A_845 = arith.constant 0 : i32
    %swap3A_846 = arith.index_cast %swap3A_845 : i32 to index
    %swap3A_847 = arith.constant 80 : index
    %swap3A_848 = tpu.vector_load %arg10[%swap3A_846, %swap3A_847] {strides = array<i32>} : memref<2x128xi32, #tpu.memory_space<vmem>>, vector<1x16xi32>,
    %swap3A_849 = vector.shape_cast %swap3A_848 : vector<1x16xi32> to vector<16xi32>
    %swap3A_850 = vector.shape_cast %select_n3A_844 : vector<16xi32> to vector<1x16xi32>
    tpu.vector_store %arg10[%swap3A_846, %swap3A_847], %swap3A_850 {strides = array<i32>} : memref<2x128xi32, #tpu.memory_space<vmem>>, vector<1x16xi32>,
    %get3A_851 = arith.constant 2 : i32
    %get3A_852 = arith.index_cast %get3A_851 : i32 to index
    %get3A_853 = arith.constant 96 : index
    %get3A_854 = tpu.vector_load %arg6[%get3A_852, %get3A_853] {strides = array<i32>} : memref<157x128xi32, #tpu.memory_space<vmem>>, vector<1x16xi32>,
    %get3A_855 = vector.shape_cast %get3A_854 : vector<1x16xi32> to vector<16xi32>
    %and3A_856 = arith.constant 16383 : i32
    %and3A_857 = vector.broadcast %and3A_856 : i32 to vector<16xi32>
    %and3A_858 = arith.andi %get3A_855, %and3A_857 : vector<16xi32>
    %swap3A_859 = arith.constant 0 : i32
    %swap3A_860 = arith.index_cast %swap3A_859 : i32 to index
    %swap3A_861 = arith.constant 96 : index
    %swap3A_862 = tpu.vector_load %arg7[%swap3A_860, %swap3A_861] {strides = array<i32>} : memref<1x128xi32, #tpu.memory_space<vmem>>, vector<1x16xi32>,
    %swap3A_863 = vector.shape_cast %swap3A_862 : vector<1x16xi32> to vector<16xi32>
    %swap3A_864 = vector.shape_cast %and3A_858 : vector<16xi32> to vector<1x16xi32>
    tpu.vector_store %arg7[%swap3A_860, %swap3A_861], %swap3A_864 {strides = array<i32>} : memref<1x128xi32, #tpu.memory_space<vmem>>, vector<1x16xi32>,
    %shift_right_arithmetic3A_865 = arith.constant 14 : i32
    %shift_right_arithmetic3A_866 = vector.broadcast %shift_right_arithmetic3A_865 : i32 to vector<16xi32>
    %shift_right_arithmetic3A_867 = arith.shrsi %get3A_855, %shift_right_arithmetic3A_866 : vector<16xi32>
    %sub3A_868 = vector.broadcast %mul3A_0 : i32 to vector<16xi32>
    %sub3A_869 = arith.subi %shift_right_arithmetic3A_867, %sub3A_868 : vector<16xi32>
    %ge3A_870 = arith.constant 0 : i32
    %ge3A_871 = vector.broadcast %ge3A_870 : i32 to vector<16xi32>
    %ge3A_872 = arith.cmpi sge, %sub3A_869, %ge3A_871 : vector<16xi32>
    %lt3A_873 = arith.constant 5000 : i32
    %lt3A_874 = vector.broadcast %lt3A_873 : i32 to vector<16xi32>
    %lt3A_875 = arith.cmpi slt, %sub3A_869, %lt3A_874 : vector<16xi32>
    %and3A_876 = arith.andi %ge3A_872, %lt3A_875 : vector<16xi1>
    %jit3A_877 = arith.constant 5000 : i32
    %broadcast_in_dim3A_878 = vector.broadcast %jit3A_877 : i32 to vector<16xi32>
    %select_n3A_879 = arith.select %and3A_876, %sub3A_869, %broadcast_in_dim3A_878 : vector<16xi1>, vector<16xi32>
    %swap3A_880 = arith.constant 0 : i32
    %swap3A_881 = arith.index_cast %swap3A_880 : i32 to index
    %swap3A_882 = arith.constant 96 : index
    %swap3A_883 = tpu.vector_load %arg10[%swap3A_881, %swap3A_882] {strides = array<i32>} : memref<2x128xi32, #tpu.memory_space<vmem>>, vector<1x16xi32>,
    %swap3A_884 = vector.shape_cast %swap3A_883 : vector<1x16xi32> to vector<16xi32>
    %swap3A_885 = vector.shape_cast %select_n3A_879 : vector<16xi32> to vector<1x16xi32>
    tpu.vector_store %arg10[%swap3A_881, %swap3A_882], %swap3A_885 {strides = array<i32>} : memref<2x128xi32, #tpu.memory_space<vmem>>, vector<1x16xi32>,
    %get3A_886 = arith.constant 2 : i32
    %get3A_887 = arith.index_cast %get3A_886 : i32 to index
    %get3A_888 = arith.constant 112 : index
    %get3A_889 = tpu.vector_load %arg6[%get3A_887, %get3A_888] {strides = array<i32>} : memref<157x128xi32, #tpu.memory_space<vmem>>, vector<1x16xi32>,
    %get3A_890 = vector.shape_cast %get3A_889 : vector<1x16xi32> to vector<16xi32>
    %and3A_891 = arith.constant 16383 : i32
    %and3A_892 = vector.broadcast %and3A_891 : i32 to vector<16xi32>
    %and3A_893 = arith.andi %get3A_890, %and3A_892 : vector<16xi32>
    %swap3A_894 = arith.constant 0 : i32
    %swap3A_895 = arith.index_cast %swap3A_894 : i32 to index
    %swap3A_896 = arith.constant 112 : index
    %swap3A_897 = tpu.vector_load %arg7[%swap3A_895, %swap3A_896] {strides = array<i32>} : memref<1x128xi32, #tpu.memory_space<vmem>>, vector<1x16xi32>,
    %swap3A_898 = vector.shape_cast %swap3A_897 : vector<1x16xi32> to vector<16xi32>
    %swap3A_899 = vector.shape_cast %and3A_893 : vector<16xi32> to vector<1x16xi32>
    tpu.vector_store %arg7[%swap3A_895, %swap3A_896], %swap3A_899 {strides = array<i32>} : memref<1x128xi32, #tpu.memory_space<vmem>>, vector<1x16xi32>,
    %shift_right_arithmetic3A_900 = arith.constant 14 : i32
    %shift_right_arithmetic3A_901 = vector.broadcast %shift_right_arithmetic3A_900 : i32 to vector<16xi32>
    %shift_right_arithmetic3A_902 = arith.shrsi %get3A_890, %shift_right_arithmetic3A_901 : vector<16xi32>
    %sub3A_903 = vector.broadcast %mul3A_0 : i32 to vector<16xi32>
    %sub3A_904 = arith.subi %shift_right_arithmetic3A_902, %sub3A_903 : vector<16xi32>
    %ge3A_905 = arith.constant 0 : i32
    %ge3A_906 = vector.broadcast %ge3A_905 : i32 to vector<16xi32>
    %ge3A_907 = arith.cmpi sge, %sub3A_904, %ge3A_906 : vector<16xi32>
    %lt3A_908 = arith.constant 5000 : i32
    %lt3A_909 = vector.broadcast %lt3A_908 : i32 to vector<16xi32>
    %lt3A_910 = arith.cmpi slt, %sub3A_904, %lt3A_909 : vector<16xi32>
    %and3A_911 = arith.andi %ge3A_907, %lt3A_910 : vector<16xi1>
    %jit3A_912 = arith.constant 5000 : i32
    %broadcast_in_dim3A_913 = vector.broadcast %jit3A_912 : i32 to vector<16xi32>
    %select_n3A_914 = arith.select %and3A_911, %sub3A_904, %broadcast_in_dim3A_913 : vector<16xi1>, vector<16xi32>
    %swap3A_915 = arith.constant 0 : i32
    %swap3A_916 = arith.index_cast %swap3A_915 : i32 to index
    %swap3A_917 = arith.constant 112 : index
    %swap3A_918 = tpu.vector_load %arg10[%swap3A_916, %swap3A_917] {strides = array<i32>} : memref<2x128xi32, #tpu.memory_space<vmem>>, vector<1x16xi32>,
    %swap3A_919 = vector.shape_cast %swap3A_918 : vector<1x16xi32> to vector<16xi32>
    %swap3A_920 = vector.shape_cast %select_n3A_914 : vector<16xi32> to vector<1x16xi32>
    tpu.vector_store %arg10[%swap3A_916, %swap3A_917], %swap3A_920 {strides = array<i32>} : memref<2x128xi32, #tpu.memory_space<vmem>>, vector<1x16xi32>,
    %dma_start3A_921 = arith.constant 0 : i32
    %dma_start3A_922 = arith.constant 0 : i32
    %dma_start3A_923 = tpu.memref_slice %arg7[%dma_start3A_921, %dma_start3A_922] : memref<1x128xi32, #tpu.memory_space<vmem>> -> memref<1x128xi32, #tpu.memory_space<vmem>>
    %dma_start3A_924 = tpu.memref_squeeze %dma_start3A_923 : memref<1x128xi32, #tpu.memory_space<vmem>> -> memref<128xi32, #tpu.memory_space<vmem>>
    %dma_start3A_925 = arith.constant 0 : i32
    %dma_start3A_926 = arith.constant 0 : i32
    %dma_start3A_927 = tpu.memref_slice %arg2[%dma_start3A_925, %dma_start3A_926] : memref<10000x128xf32, #tpu.memory_space<hbm>> -> memref<10000x128xf32, #tpu.memory_space<hbm>>
    tpu.enqueue_indirect_dma source(%dma_start3A_927 : memref<10000x128xf32, #tpu.memory_space<hbm>>) target(%arg8 : memref<128x128xf32, #tpu.memory_space<vmem>>) offsets(%dma_start3A_924 : memref<128xi32, #tpu.memory_space<vmem>>) semaphore(%arg12 : memref<!tpu.dma_semaphore, #tpu.memory_space<semaphore_mem>>)
    %dma_wait3A_928 = arith.constant 0 : i32
    %dma_wait3A_929 = arith.constant 0 : i32
    %dma_wait3A_930 = arith.constant 0 : i32
    %dma_wait3A_931 = arith.constant 0 : i32
    %dma_wait3A_932 = tpu.memref_slice %arg9[%dma_wait3A_928, %dma_wait3A_930, %dma_wait3A_931] : memref<2x128x128xf32, #tpu.memory_space<vmem>> -> memref<1x128x128xf32, #tpu.memory_space<vmem>>
    %dma_wait3A_933 = tpu.memref_squeeze %dma_wait3A_932 : memref<1x128x128xf32, #tpu.memory_space<vmem>> -> memref<128x128xf32, #tpu.memory_space<vmem>>
    %dma_wait3A_934 = arith.constant 0 : i32
    %dma_wait3A_935 = tpu.memref_slice %arg10[%dma_wait3A_929, %dma_wait3A_934] : memref<2x128xi32, #tpu.memory_space<vmem>> -> memref<1x128xi32, #tpu.memory_space<vmem>>
    %dma_wait3A_936 = tpu.memref_squeeze %dma_wait3A_935 : memref<1x128xi32, #tpu.memory_space<vmem>> -> memref<128xi32, #tpu.memory_space<vmem>>
    %dma_wait3A_937 = arith.constant 0 : i32
    %dma_wait3A_938 = arith.constant 0 : i32
    %dma_wait3A_939 = tpu.memref_slice %arg11[%dma_wait3A_937, %dma_wait3A_938] : memref<5120x128xf32, #tpu.memory_space<vmem_shared>> -> memref<5120x128xf32, #tpu.memory_space<vmem_shared>>
    tpu.wait_indirect_dma semaphore(%arg13 : memref<!tpu.dma_semaphore, #tpu.memory_space<semaphore_mem>>) src(%dma_wait3A_933 : memref<128x128xf32, #tpu.memory_space<vmem>>) dst(%dma_wait3A_939 : memref<5120x128xf32, #tpu.memory_space<vmem_shared>>)
    %add3A_940 = arith.constant 256 : i32
    %add3A_941 = arith.addi %mul3A_21, %add3A_940 : i32
    %run_scoped3A_942 = arith.constant 0 : i32
    "tpu.region"() ({
      %run_scoped3A_1003 = tpu.sem_alloc : memref<!tpu.dma_semaphore, #tpu.memory_space<semaphore_mem>>
      %dma_start3A_1004 = arith.constant 0 : i32
      %dma_start3A_1005 = arith.constant 0 : i32
      %dma_start3A_1006 = tpu.memref_slice %arg9[%run_scoped3A_942, %dma_start3A_1004, %dma_start3A_1005] : memref<2x128x128xf32, #tpu.memory_space<vmem>> -> memref<1x128x128xf32, #tpu.memory_space<vmem>>
      %dma_start3A_1007 = tpu.memref_squeeze %dma_start3A_1006 : memref<1x128x128xf32, #tpu.memory_space<vmem>> -> memref<128x128xf32, #tpu.memory_space<vmem>>
      %dma_start3A_1008 = arith.constant 0 : i32
      %dma_start3A_1009 = tpu.memref_slice %arg3[%add3A_941, %dma_start3A_1008] : memref<321536x128xf32, #tpu.memory_space<hbm>> -> memref<128x128xf32, #tpu.memory_space<hbm>>
      %dma_start3A_1010 = arith.constant 0 : i32
      %dma_start3A_1011 = arith.constant 0 : i32
      %dma_start3A_1012 = tpu.memref_slice %arg9[%run_scoped3A_942, %dma_start3A_1010, %dma_start3A_1011] : memref<2x128x128xf32, #tpu.memory_space<vmem>> -> memref<1x128x128xf32, #tpu.memory_space<vmem>>
      %dma_start3A_1013 = tpu.memref_squeeze %dma_start3A_1012 : memref<1x128x128xf32, #tpu.memory_space<vmem>> -> memref<128x128xf32, #tpu.memory_space<vmem>>
      %dma_start3A_1014 = arith.constant 0 : i32
      %dma_start3A_1015 = tpu.memref_slice %arg3[%add3A_941, %dma_start3A_1014] : memref<321536x128xf32, #tpu.memory_space<hbm>> -> memref<128x128xf32, #tpu.memory_space<hbm>>
      tpu.enqueue_dma source(%dma_start3A_1015 : memref<128x128xf32, #tpu.memory_space<hbm>>) target(%dma_start3A_1013 : memref<128x128xf32, #tpu.memory_space<vmem>>) target_semaphore(%run_scoped3A_1003 : memref<!tpu.dma_semaphore, #tpu.memory_space<semaphore_mem>>)
      %dma_wait3A_1016 = arith.constant 0 : i32
      %dma_wait3A_1017 = arith.constant 0 : i32
      %dma_wait3A_1018 = tpu.memref_slice %arg9[%run_scoped3A_942, %dma_wait3A_1016, %dma_wait3A_1017] : memref<2x128x128xf32, #tpu.memory_space<vmem>> -> memref<1x128x128xf32, #tpu.memory_space<vmem>>
      %dma_wait3A_1019 = tpu.memref_squeeze %dma_wait3A_1018 : memref<1x128x128xf32, #tpu.memory_space<vmem>> -> memref<128x128xf32, #tpu.memory_space<vmem>>
      %dma_wait3A_1020 = arith.constant 0 : i32
      %dma_wait3A_1021 = tpu.memref_slice %arg3[%add3A_941, %dma_wait3A_1020] : memref<321536x128xf32, #tpu.memory_space<hbm>> -> memref<128x128xf32, #tpu.memory_space<hbm>>
      %dma_wait3A_1022 = arith.constant 0 : i32
      %dma_wait3A_1023 = arith.constant 0 : i32
      %dma_wait3A_1024 = tpu.memref_slice %arg9[%run_scoped3A_942, %dma_wait3A_1022, %dma_wait3A_1023] : memref<2x128x128xf32, #tpu.memory_space<vmem>> -> memref<1x128x128xf32, #tpu.memory_space<vmem>>
      %dma_wait3A_1025 = tpu.memref_squeeze %dma_wait3A_1024 : memref<1x128x128xf32, #tpu.memory_space<vmem>> -> memref<128x128xf32, #tpu.memory_space<vmem>>
      %dma_wait3A_1026 = arith.constant 0 : i32
      %dma_wait3A_1027 = tpu.memref_slice %arg3[%add3A_941, %dma_wait3A_1026] : memref<321536x128xf32, #tpu.memory_space<hbm>> -> memref<128x128xf32, #tpu.memory_space<hbm>>
      tpu.wait_dma2 semaphore(%run_scoped3A_1003 : memref<!tpu.dma_semaphore, #tpu.memory_space<semaphore_mem>>) src(%dma_wait3A_1027 : memref<128x128xf32, #tpu.memory_space<hbm>>) dst(%dma_wait3A_1025 : memref<128x128xf32, #tpu.memory_space<vmem>>)
      tpu.yield
    }) : () -> ()
    %dma_wait3A_943 = arith.constant 0 : i32
    %dma_wait3A_944 = arith.constant 0 : i32
    %dma_wait3A_945 = tpu.memref_slice %arg7[%dma_wait3A_943, %dma_wait3A_944] : memref<1x128xi32, #tpu.memory_space<vmem>> -> memref<1x128xi32, #tpu.memory_space<vmem>>
    %dma_wait3A_946 = tpu.memref_squeeze %dma_wait3A_945 : memref<1x128xi32, #tpu.memory_space<vmem>> -> memref<128xi32, #tpu.memory_space<vmem>>
    %dma_wait3A_947 = arith.constant 0 : i32
    %dma_wait3A_948 = arith.constant 0 : i32
    %dma_wait3A_949 = tpu.memref_slice %arg2[%dma_wait3A_947, %dma_wait3A_948] : memref<10000x128xf32, #tpu.memory_space<hbm>> -> memref<10000x128xf32, #tpu.memory_space<hbm>>
    tpu.wait_indirect_dma semaphore(%arg12 : memref<!tpu.dma_semaphore, #tpu.memory_space<semaphore_mem>>) src(%dma_wait3A_949 : memref<10000x128xf32, #tpu.memory_space<hbm>>) dst(%arg8 : memref<128x128xf32, #tpu.memory_space<vmem>>)
    %scan3A_950 = arith.constant 0 : i32
    %scan3A_951 = arith.constant 0 : i32
    %scan3A_952 = arith.constant 128 : i32
    %scan3A_953 = arith.addi %scan3A_951, %scan3A_952 : i32
    %scan3A_954 = arith.constant 1 : i32
    scf.for %scan3A_1003 = %scan3A_951 to %scan3A_953 step %scan3A_954  : i32 {
      %get3A_1004 = arith.constant 0 : i32
      %get3A_1005 = arith.index_cast %get3A_1004 : i32 to index
      %get3A_1006 = arith.index_cast %scan3A_1003 : i32 to index
      %get3A_1007 = arith.constant 0 : index
      %get3A_1008 = tpu.vector_load %arg9[%get3A_1005, %get3A_1006, %get3A_1007] {strides = array<i32>} : memref<2x128x128xf32, #tpu.memory_space<vmem>>, vector<1x1x16xf32>,
      %get3A_1009 = vector.shape_cast %get3A_1008 : vector<1x1x16xf32> to vector<16xf32>
      %get3A_1010 = arith.index_cast %scan3A_1003 : i32 to index
      %get3A_1011 = arith.constant 0 : index
      %get3A_1012 = tpu.vector_load %arg8[%get3A_1010, %get3A_1011] {strides = array<i32>} : memref<128x128xf32, #tpu.memory_space<vmem>>, vector<1x16xf32>,
      %get3A_1013 = vector.shape_cast %get3A_1012 : vector<1x16xf32> to vector<16xf32>
      %mul3A_1014 = arith.mulf %get3A_1009, %get3A_1013 : vector<16xf32>
      %swap3A_1015 = arith.constant 0 : i32
      %swap3A_1016 = arith.index_cast %swap3A_1015 : i32 to index
      %swap3A_1017 = arith.index_cast %scan3A_1003 : i32 to index
      %swap3A_1018 = arith.constant 0 : index
      %swap3A_1019 = tpu.vector_load %arg9[%swap3A_1016, %swap3A_1017, %swap3A_1018] {strides = array<i32>} : memref<2x128x128xf32, #tpu.memory_space<vmem>>, vector<1x1x16xf32>,
      %swap3A_1020 = vector.shape_cast %swap3A_1019 : vector<1x1x16xf32> to vector<16xf32>
      %swap3A_1021 = vector.shape_cast %mul3A_1014 : vector<16xf32> to vector<1x1x16xf32>
      tpu.vector_store %arg9[%swap3A_1016, %swap3A_1017, %swap3A_1018], %swap3A_1021 {strides = array<i32>} : memref<2x128x128xf32, #tpu.memory_space<vmem>>, vector<1x1x16xf32>,
      %get3A_1022 = arith.constant 0 : i32
      %get3A_1023 = arith.index_cast %get3A_1022 : i32 to index
      %get3A_1024 = arith.index_cast %scan3A_1003 : i32 to index
      %get3A_1025 = arith.constant 16 : index
      %get3A_1026 = tpu.vector_load %arg9[%get3A_1023, %get3A_1024, %get3A_1025] {strides = array<i32>} : memref<2x128x128xf32, #tpu.memory_space<vmem>>, vector<1x1x16xf32>,
      %get3A_1027 = vector.shape_cast %get3A_1026 : vector<1x1x16xf32> to vector<16xf32>
      %get3A_1028 = arith.index_cast %scan3A_1003 : i32 to index
      %get3A_1029 = arith.constant 16 : index
      %get3A_1030 = tpu.vector_load %arg8[%get3A_1028, %get3A_1029] {strides = array<i32>} : memref<128x128xf32, #tpu.memory_space<vmem>>, vector<1x16xf32>,
      %get3A_1031 = vector.shape_cast %get3A_1030 : vector<1x16xf32> to vector<16xf32>
      %mul3A_1032 = arith.mulf %get3A_1027, %get3A_1031 : vector<16xf32>
      %swap3A_1033 = arith.constant 0 : i32
      %swap3A_1034 = arith.index_cast %swap3A_1033 : i32 to index
      %swap3A_1035 = arith.index_cast %scan3A_1003 : i32 to index
      %swap3A_1036 = arith.constant 16 : index
      %swap3A_1037 = tpu.vector_load %arg9[%swap3A_1034, %swap3A_1035, %swap3A_1036] {strides = array<i32>} : memref<2x128x128xf32, #tpu.memory_space<vmem>>, vector<1x1x16xf32>,
      %swap3A_1038 = vector.shape_cast %swap3A_1037 : vector<1x1x16xf32> to vector<16xf32>
      %swap3A_1039 = vector.shape_cast %mul3A_1032 : vector<16xf32> to vector<1x1x16xf32>
      tpu.vector_store %arg9[%swap3A_1034, %swap3A_1035, %swap3A_1036], %swap3A_1039 {strides = array<i32>} : memref<2x128x128xf32, #tpu.memory_space<vmem>>, vector<1x1x16xf32>,
      %get3A_1040 = arith.constant 0 : i32
      %get3A_1041 = arith.index_cast %get3A_1040 : i32 to index
      %get3A_1042 = arith.index_cast %scan3A_1003 : i32 to index
      %get3A_1043 = arith.constant 32 : index
      %get3A_1044 = tpu.vector_load %arg9[%get3A_1041, %get3A_1042, %get3A_1043] {strides = array<i32>} : memref<2x128x128xf32, #tpu.memory_space<vmem>>, vector<1x1x16xf32>,
      %get3A_1045 = vector.shape_cast %get3A_1044 : vector<1x1x16xf32> to vector<16xf32>
      %get3A_1046 = arith.index_cast %scan3A_1003 : i32 to index
      %get3A_1047 = arith.constant 32 : index
      %get3A_1048 = tpu.vector_load %arg8[%get3A_1046, %get3A_1047] {strides = array<i32>} : memref<128x128xf32, #tpu.memory_space<vmem>>, vector<1x16xf32>,
      %get3A_1049 = vector.shape_cast %get3A_1048 : vector<1x16xf32> to vector<16xf32>
      %mul3A_1050 = arith.mulf %get3A_1045, %get3A_1049 : vector<16xf32>
      %swap3A_1051 = arith.constant 0 : i32
      %swap3A_1052 = arith.index_cast %swap3A_1051 : i32 to index
      %swap3A_1053 = arith.index_cast %scan3A_1003 : i32 to index
      %swap3A_1054 = arith.constant 32 : index
      %swap3A_1055 = tpu.vector_load %arg9[%swap3A_1052, %swap3A_1053, %swap3A_1054] {strides = array<i32>} : memref<2x128x128xf32, #tpu.memory_space<vmem>>, vector<1x1x16xf32>,
      %swap3A_1056 = vector.shape_cast %swap3A_1055 : vector<1x1x16xf32> to vector<16xf32>
      %swap3A_1057 = vector.shape_cast %mul3A_1050 : vector<16xf32> to vector<1x1x16xf32>
      tpu.vector_store %arg9[%swap3A_1052, %swap3A_1053, %swap3A_1054], %swap3A_1057 {strides = array<i32>} : memref<2x128x128xf32, #tpu.memory_space<vmem>>, vector<1x1x16xf32>,
      %get3A_1058 = arith.constant 0 : i32
      %get3A_1059 = arith.index_cast %get3A_1058 : i32 to index
      %get3A_1060 = arith.index_cast %scan3A_1003 : i32 to index
      %get3A_1061 = arith.constant 48 : index
      %get3A_1062 = tpu.vector_load %arg9[%get3A_1059, %get3A_1060, %get3A_1061] {strides = array<i32>} : memref<2x128x128xf32, #tpu.memory_space<vmem>>, vector<1x1x16xf32>,
      %get3A_1063 = vector.shape_cast %get3A_1062 : vector<1x1x16xf32> to vector<16xf32>
      %get3A_1064 = arith.index_cast %scan3A_1003 : i32 to index
      %get3A_1065 = arith.constant 48 : index
      %get3A_1066 = tpu.vector_load %arg8[%get3A_1064, %get3A_1065] {strides = array<i32>} : memref<128x128xf32, #tpu.memory_space<vmem>>, vector<1x16xf32>,
      %get3A_1067 = vector.shape_cast %get3A_1066 : vector<1x16xf32> to vector<16xf32>
      %mul3A_1068 = arith.mulf %get3A_1063, %get3A_1067 : vector<16xf32>
      %swap3A_1069 = arith.constant 0 : i32
      %swap3A_1070 = arith.index_cast %swap3A_1069 : i32 to index
      %swap3A_1071 = arith.index_cast %scan3A_1003 : i32 to index
      %swap3A_1072 = arith.constant 48 : index
      %swap3A_1073 = tpu.vector_load %arg9[%swap3A_1070, %swap3A_1071, %swap3A_1072] {strides = array<i32>} : memref<2x128x128xf32, #tpu.memory_space<vmem>>, vector<1x1x16xf32>,
      %swap3A_1074 = vector.shape_cast %swap3A_1073 : vector<1x1x16xf32> to vector<16xf32>
      %swap3A_1075 = vector.shape_cast %mul3A_1068 : vector<16xf32> to vector<1x1x16xf32>
      tpu.vector_store %arg9[%swap3A_1070, %swap3A_1071, %swap3A_1072], %swap3A_1075 {strides = array<i32>} : memref<2x128x128xf32, #tpu.memory_space<vmem>>, vector<1x1x16xf32>,
      %get3A_1076 = arith.constant 0 : i32
      %get3A_1077 = arith.index_cast %get3A_1076 : i32 to index
      %get3A_1078 = arith.index_cast %scan3A_1003 : i32 to index
      %get3A_1079 = arith.constant 64 : index
      %get3A_1080 = tpu.vector_load %arg9[%get3A_1077, %get3A_1078, %get3A_1079] {strides = array<i32>} : memref<2x128x128xf32, #tpu.memory_space<vmem>>, vector<1x1x16xf32>,
      %get3A_1081 = vector.shape_cast %get3A_1080 : vector<1x1x16xf32> to vector<16xf32>
      %get3A_1082 = arith.index_cast %scan3A_1003 : i32 to index
      %get3A_1083 = arith.constant 64 : index
      %get3A_1084 = tpu.vector_load %arg8[%get3A_1082, %get3A_1083] {strides = array<i32>} : memref<128x128xf32, #tpu.memory_space<vmem>>, vector<1x16xf32>,
      %get3A_1085 = vector.shape_cast %get3A_1084 : vector<1x16xf32> to vector<16xf32>
      %mul3A_1086 = arith.mulf %get3A_1081, %get3A_1085 : vector<16xf32>
      %swap3A_1087 = arith.constant 0 : i32
      %swap3A_1088 = arith.index_cast %swap3A_1087 : i32 to index
      %swap3A_1089 = arith.index_cast %scan3A_1003 : i32 to index
      %swap3A_1090 = arith.constant 64 : index
      %swap3A_1091 = tpu.vector_load %arg9[%swap3A_1088, %swap3A_1089, %swap3A_1090] {strides = array<i32>} : memref<2x128x128xf32, #tpu.memory_space<vmem>>, vector<1x1x16xf32>,
      %swap3A_1092 = vector.shape_cast %swap3A_1091 : vector<1x1x16xf32> to vector<16xf32>
      %swap3A_1093 = vector.shape_cast %mul3A_1086 : vector<16xf32> to vector<1x1x16xf32>
      tpu.vector_store %arg9[%swap3A_1088, %swap3A_1089, %swap3A_1090], %swap3A_1093 {strides = array<i32>} : memref<2x128x128xf32, #tpu.memory_space<vmem>>, vector<1x1x16xf32>,
      %get3A_1094 = arith.constant 0 : i32
      %get3A_1095 = arith.index_cast %get3A_1094 : i32 to index
      %get3A_1096 = arith.index_cast %scan3A_1003 : i32 to index
      %get3A_1097 = arith.constant 80 : index
      %get3A_1098 = tpu.vector_load %arg9[%get3A_1095, %get3A_1096, %get3A_1097] {strides = array<i32>} : memref<2x128x128xf32, #tpu.memory_space<vmem>>, vector<1x1x16xf32>,
      %get3A_1099 = vector.shape_cast %get3A_1098 : vector<1x1x16xf32> to vector<16xf32>
      %get3A_1100 = arith.index_cast %scan3A_1003 : i32 to index
      %get3A_1101 = arith.constant 80 : index
      %get3A_1102 = tpu.vector_load %arg8[%get3A_1100, %get3A_1101] {strides = array<i32>} : memref<128x128xf32, #tpu.memory_space<vmem>>, vector<1x16xf32>,
      %get3A_1103 = vector.shape_cast %get3A_1102 : vector<1x16xf32> to vector<16xf32>
      %mul3A_1104 = arith.mulf %get3A_1099, %get3A_1103 : vector<16xf32>
      %swap3A_1105 = arith.constant 0 : i32
      %swap3A_1106 = arith.index_cast %swap3A_1105 : i32 to index
      %swap3A_1107 = arith.index_cast %scan3A_1003 : i32 to index
      %swap3A_1108 = arith.constant 80 : index
      %swap3A_1109 = tpu.vector_load %arg9[%swap3A_1106, %swap3A_1107, %swap3A_1108] {strides = array<i32>} : memref<2x128x128xf32, #tpu.memory_space<vmem>>, vector<1x1x16xf32>,
      %swap3A_1110 = vector.shape_cast %swap3A_1109 : vector<1x1x16xf32> to vector<16xf32>
      %swap3A_1111 = vector.shape_cast %mul3A_1104 : vector<16xf32> to vector<1x1x16xf32>
      tpu.vector_store %arg9[%swap3A_1106, %swap3A_1107, %swap3A_1108], %swap3A_1111 {strides = array<i32>} : memref<2x128x128xf32, #tpu.memory_space<vmem>>, vector<1x1x16xf32>,
      %get3A_1112 = arith.constant 0 : i32
      %get3A_1113 = arith.index_cast %get3A_1112 : i32 to index
      %get3A_1114 = arith.index_cast %scan3A_1003 : i32 to index
      %get3A_1115 = arith.constant 96 : index
      %get3A_1116 = tpu.vector_load %arg9[%get3A_1113, %get3A_1114, %get3A_1115] {strides = array<i32>} : memref<2x128x128xf32, #tpu.memory_space<vmem>>, vector<1x1x16xf32>,
      %get3A_1117 = vector.shape_cast %get3A_1116 : vector<1x1x16xf32> to vector<16xf32>
      %get3A_1118 = arith.index_cast %scan3A_1003 : i32 to index
      %get3A_1119 = arith.constant 96 : index
      %get3A_1120 = tpu.vector_load %arg8[%get3A_1118, %get3A_1119] {strides = array<i32>} : memref<128x128xf32, #tpu.memory_space<vmem>>, vector<1x16xf32>,
      %get3A_1121 = vector.shape_cast %get3A_1120 : vector<1x16xf32> to vector<16xf32>
      %mul3A_1122 = arith.mulf %get3A_1117, %get3A_1121 : vector<16xf32>
      %swap3A_1123 = arith.constant 0 : i32
      %swap3A_1124 = arith.index_cast %swap3A_1123 : i32 to index
      %swap3A_1125 = arith.index_cast %scan3A_1003 : i32 to index
      %swap3A_1126 = arith.constant 96 : index
      %swap3A_1127 = tpu.vector_load %arg9[%swap3A_1124, %swap3A_1125, %swap3A_1126] {strides = array<i32>} : memref<2x128x128xf32, #tpu.memory_space<vmem>>, vector<1x1x16xf32>,
      %swap3A_1128 = vector.shape_cast %swap3A_1127 : vector<1x1x16xf32> to vector<16xf32>
      %swap3A_1129 = vector.shape_cast %mul3A_1122 : vector<16xf32> to vector<1x1x16xf32>
      tpu.vector_store %arg9[%swap3A_1124, %swap3A_1125, %swap3A_1126], %swap3A_1129 {strides = array<i32>} : memref<2x128x128xf32, #tpu.memory_space<vmem>>, vector<1x1x16xf32>,
      %get3A_1130 = arith.constant 0 : i32
      %get3A_1131 = arith.index_cast %get3A_1130 : i32 to index
      %get3A_1132 = arith.index_cast %scan3A_1003 : i32 to index
      %get3A_1133 = arith.constant 112 : index
      %get3A_1134 = tpu.vector_load %arg9[%get3A_1131, %get3A_1132, %get3A_1133] {strides = array<i32>} : memref<2x128x128xf32, #tpu.memory_space<vmem>>, vector<1x1x16xf32>,
      %get3A_1135 = vector.shape_cast %get3A_1134 : vector<1x1x16xf32> to vector<16xf32>
      %get3A_1136 = arith.index_cast %scan3A_1003 : i32 to index
      %get3A_1137 = arith.constant 112 : index
      %get3A_1138 = tpu.vector_load %arg8[%get3A_1136, %get3A_1137] {strides = array<i32>} : memref<128x128xf32, #tpu.memory_space<vmem>>, vector<1x16xf32>,
      %get3A_1139 = vector.shape_cast %get3A_1138 : vector<1x16xf32> to vector<16xf32>
      %mul3A_1140 = arith.mulf %get3A_1135, %get3A_1139 : vector<16xf32>
      %swap3A_1141 = arith.constant 0 : i32
      %swap3A_1142 = arith.index_cast %swap3A_1141 : i32 to index
      %swap3A_1143 = arith.index_cast %scan3A_1003 : i32 to index
      %swap3A_1144 = arith.constant 112 : index
      %swap3A_1145 = tpu.vector_load %arg9[%swap3A_1142, %swap3A_1143, %swap3A_1144] {strides = array<i32>} : memref<2x128x128xf32, #tpu.memory_space<vmem>>, vector<1x1x16xf32>,
      %swap3A_1146 = vector.shape_cast %swap3A_1145 : vector<1x1x16xf32> to vector<16xf32>
      %swap3A_1147 = vector.shape_cast %mul3A_1140 : vector<16xf32> to vector<1x1x16xf32>
      tpu.vector_store %arg9[%swap3A_1142, %swap3A_1143, %swap3A_1144], %swap3A_1147 {strides = array<i32>} : memref<2x128x128xf32, #tpu.memory_space<vmem>>, vector<1x1x16xf32>,
    }
    %scan3A_955 = arith.constant 128 : i32
    %dma_start3A_956 = arith.constant 0 : i32
    %dma_start3A_957 = arith.constant 0 : i32
    %dma_start3A_958 = arith.constant 0 : i32
    %dma_start3A_959 = arith.constant 0 : i32
    %dma_start3A_960 = tpu.memref_slice %arg9[%dma_start3A_956, %dma_start3A_958, %dma_start3A_959] : memref<2x128x128xf32, #tpu.memory_space<vmem>> -> memref<1x128x128xf32, #tpu.memory_space<vmem>>
    %dma_start3A_961 = tpu.memref_squeeze %dma_start3A_960 : memref<1x128x128xf32, #tpu.memory_space<vmem>> -> memref<128x128xf32, #tpu.memory_space<vmem>>
    %dma_start3A_962 = arith.constant 0 : i32
    %dma_start3A_963 = tpu.memref_slice %arg10[%dma_start3A_957, %dma_start3A_962] : memref<2x128xi32, #tpu.memory_space<vmem>> -> memref<1x128xi32, #tpu.memory_space<vmem>>
    %dma_start3A_964 = tpu.memref_squeeze %dma_start3A_963 : memref<1x128xi32, #tpu.memory_space<vmem>> -> memref<128xi32, #tpu.memory_space<vmem>>
    %dma_start3A_965 = arith.constant 0 : i32
    %dma_start3A_966 = arith.constant 0 : i32
    %dma_start3A_967 = tpu.memref_slice %arg11[%dma_start3A_965, %dma_start3A_966] : memref<5120x128xf32, #tpu.memory_space<vmem_shared>> -> memref<5120x128xf32, #tpu.memory_space<vmem_shared>>
    tpu.enqueue_indirect_dma source(%dma_start3A_961 : memref<128x128xf32, #tpu.memory_space<vmem>>) target(%dma_start3A_967 : memref<5120x128xf32, #tpu.memory_space<vmem_shared>>) offsets(%dma_start3A_964 : memref<128xi32, #tpu.memory_space<vmem>>) semaphore(%arg13 : memref<!tpu.dma_semaphore, #tpu.memory_space<semaphore_mem>>) {add = true}
    %scan3A_968 = arith.constant 0 : i32
    %scan3A_969 = arith.constant 0 : i32
    %scan3A_970 = arith.constant 77 : i32
    %scan3A_971 = arith.addi %scan3A_969, %scan3A_970 : i32
    %scan3A_972 = arith.constant 1 : i32
    scf.for %scan3A_1003 = %scan3A_969 to %scan3A_971 step %scan3A_972  : i32 {
      %mul3A_1004 = arith.constant 2 : i32
      %mul3A_1005 = arith.muli %mul3A_1004, %scan3A_1003 : i32
      %add3A_1006 = arith.constant 3 : i32
      %add3A_1007 = arith.addi %add3A_1006, %mul3A_1005 : i32
      %get3A_1008 = arith.index_cast %add3A_1007 : i32 to index
      %get3A_1009 = arith.constant 0 : index
      %get3A_1010 = tpu.vector_load %arg6[%get3A_1008, %get3A_1009] {strides = array<i32>} : memref<157x128xi32, #tpu.memory_space<vmem>>, vector<1x16xi32>,
      %get3A_1011 = vector.shape_cast %get3A_1010 : vector<1x16xi32> to vector<16xi32>
      %and3A_1012 = arith.constant 16383 : i32
      %and3A_1013 = vector.broadcast %and3A_1012 : i32 to vector<16xi32>
      %and3A_1014 = arith.andi %get3A_1011, %and3A_1013 : vector<16xi32>
      %swap3A_1015 = arith.constant 0 : i32
      %swap3A_1016 = arith.index_cast %swap3A_1015 : i32 to index
      %swap3A_1017 = arith.constant 0 : index
      %swap3A_1018 = tpu.vector_load %arg7[%swap3A_1016, %swap3A_1017] {strides = array<i32>} : memref<1x128xi32, #tpu.memory_space<vmem>>, vector<1x16xi32>,
      %swap3A_1019 = vector.shape_cast %swap3A_1018 : vector<1x16xi32> to vector<16xi32>
      %swap3A_1020 = vector.shape_cast %and3A_1014 : vector<16xi32> to vector<1x16xi32>
      tpu.vector_store %arg7[%swap3A_1016, %swap3A_1017], %swap3A_1020 {strides = array<i32>} : memref<1x128xi32, #tpu.memory_space<vmem>>, vector<1x16xi32>,
      %shift_right_arithmetic3A_1021 = arith.constant 14 : i32
      %shift_right_arithmetic3A_1022 = vector.broadcast %shift_right_arithmetic3A_1021 : i32 to vector<16xi32>
      %shift_right_arithmetic3A_1023 = arith.shrsi %get3A_1011, %shift_right_arithmetic3A_1022 : vector<16xi32>
      %sub3A_1024 = vector.broadcast %mul3A_0 : i32 to vector<16xi32>
      %sub3A_1025 = arith.subi %shift_right_arithmetic3A_1023, %sub3A_1024 : vector<16xi32>
      %ge3A_1026 = arith.constant 0 : i32
      %ge3A_1027 = vector.broadcast %ge3A_1026 : i32 to vector<16xi32>
      %ge3A_1028 = arith.cmpi sge, %sub3A_1025, %ge3A_1027 : vector<16xi32>
      %lt3A_1029 = arith.constant 5000 : i32
      %lt3A_1030 = vector.broadcast %lt3A_1029 : i32 to vector<16xi32>
      %lt3A_1031 = arith.cmpi slt, %sub3A_1025, %lt3A_1030 : vector<16xi32>
      %and3A_1032 = arith.andi %ge3A_1028, %lt3A_1031 : vector<16xi1>
      %jit3A_1033 = arith.constant 5000 : i32
      %broadcast_in_dim3A_1034 = vector.broadcast %jit3A_1033 : i32 to vector<16xi32>
      %select_n3A_1035 = arith.select %and3A_1032, %sub3A_1025, %broadcast_in_dim3A_1034 : vector<16xi1>, vector<16xi32>
      %swap3A_1036 = arith.constant 1 : i32
      %swap3A_1037 = arith.index_cast %swap3A_1036 : i32 to index
      %swap3A_1038 = arith.constant 0 : index
      %swap3A_1039 = tpu.vector_load %arg10[%swap3A_1037, %swap3A_1038] {strides = array<i32>} : memref<2x128xi32, #tpu.memory_space<vmem>>, vector<1x16xi32>,
      %swap3A_1040 = vector.shape_cast %swap3A_1039 : vector<1x16xi32> to vector<16xi32>
      %swap3A_1041 = vector.shape_cast %select_n3A_1035 : vector<16xi32> to vector<1x16xi32>
      tpu.vector_store %arg10[%swap3A_1037, %swap3A_1038], %swap3A_1041 {strides = array<i32>} : memref<2x128xi32, #tpu.memory_space<vmem>>, vector<1x16xi32>,
      %get3A_1042 = arith.index_cast %add3A_1007 : i32 to index
      %get3A_1043 = arith.constant 16 : index
      %get3A_1044 = tpu.vector_load %arg6[%get3A_1042, %get3A_1043] {strides = array<i32>} : memref<157x128xi32, #tpu.memory_space<vmem>>, vector<1x16xi32>,
      %get3A_1045 = vector.shape_cast %get3A_1044 : vector<1x16xi32> to vector<16xi32>
      %and3A_1046 = arith.constant 16383 : i32
      %and3A_1047 = vector.broadcast %and3A_1046 : i32 to vector<16xi32>
      %and3A_1048 = arith.andi %get3A_1045, %and3A_1047 : vector<16xi32>
      %swap3A_1049 = arith.constant 0 : i32
      %swap3A_1050 = arith.index_cast %swap3A_1049 : i32 to index
      %swap3A_1051 = arith.constant 16 : index
      %swap3A_1052 = tpu.vector_load %arg7[%swap3A_1050, %swap3A_1051] {strides = array<i32>} : memref<1x128xi32, #tpu.memory_space<vmem>>, vector<1x16xi32>,
      %swap3A_1053 = vector.shape_cast %swap3A_1052 : vector<1x16xi32> to vector<16xi32>
      %swap3A_1054 = vector.shape_cast %and3A_1048 : vector<16xi32> to vector<1x16xi32>
      tpu.vector_store %arg7[%swap3A_1050, %swap3A_1051], %swap3A_1054 {strides = array<i32>} : memref<1x128xi32, #tpu.memory_space<vmem>>, vector<1x16xi32>,
      %shift_right_arithmetic3A_1055 = arith.constant 14 : i32
      %shift_right_arithmetic3A_1056 = vector.broadcast %shift_right_arithmetic3A_1055 : i32 to vector<16xi32>
      %shift_right_arithmetic3A_1057 = arith.shrsi %get3A_1045, %shift_right_arithmetic3A_1056 : vector<16xi32>
      %sub3A_1058 = vector.broadcast %mul3A_0 : i32 to vector<16xi32>
      %sub3A_1059 = arith.subi %shift_right_arithmetic3A_1057, %sub3A_1058 : vector<16xi32>
      %ge3A_1060 = arith.constant 0 : i32
      %ge3A_1061 = vector.broadcast %ge3A_1060 : i32 to vector<16xi32>
      %ge3A_1062 = arith.cmpi sge, %sub3A_1059, %ge3A_1061 : vector<16xi32>
      %lt3A_1063 = arith.constant 5000 : i32
      %lt3A_1064 = vector.broadcast %lt3A_1063 : i32 to vector<16xi32>
      %lt3A_1065 = arith.cmpi slt, %sub3A_1059, %lt3A_1064 : vector<16xi32>
      %and3A_1066 = arith.andi %ge3A_1062, %lt3A_1065 : vector<16xi1>
      %jit3A_1067 = arith.constant 5000 : i32
      %broadcast_in_dim3A_1068 = vector.broadcast %jit3A_1067 : i32 to vector<16xi32>
      %select_n3A_1069 = arith.select %and3A_1066, %sub3A_1059, %broadcast_in_dim3A_1068 : vector<16xi1>, vector<16xi32>
      %swap3A_1070 = arith.constant 1 : i32
      %swap3A_1071 = arith.index_cast %swap3A_1070 : i32 to index
      %swap3A_1072 = arith.constant 16 : index
      %swap3A_1073 = tpu.vector_load %arg10[%swap3A_1071, %swap3A_1072] {strides = array<i32>} : memref<2x128xi32, #tpu.memory_space<vmem>>, vector<1x16xi32>,
      %swap3A_1074 = vector.shape_cast %swap3A_1073 : vector<1x16xi32> to vector<16xi32>
      %swap3A_1075 = vector.shape_cast %select_n3A_1069 : vector<16xi32> to vector<1x16xi32>
      tpu.vector_store %arg10[%swap3A_1071, %swap3A_1072], %swap3A_1075 {strides = array<i32>} : memref<2x128xi32, #tpu.memory_space<vmem>>, vector<1x16xi32>,
      %get3A_1076 = arith.index_cast %add3A_1007 : i32 to index
      %get3A_1077 = arith.constant 32 : index
      %get3A_1078 = tpu.vector_load %arg6[%get3A_1076, %get3A_1077] {strides = array<i32>} : memref<157x128xi32, #tpu.memory_space<vmem>>, vector<1x16xi32>,
      %get3A_1079 = vector.shape_cast %get3A_1078 : vector<1x16xi32> to vector<16xi32>
      %and3A_1080 = arith.constant 16383 : i32
      %and3A_1081 = vector.broadcast %and3A_1080 : i32 to vector<16xi32>
      %and3A_1082 = arith.andi %get3A_1079, %and3A_1081 : vector<16xi32>
      %swap3A_1083 = arith.constant 0 : i32
      %swap3A_1084 = arith.index_cast %swap3A_1083 : i32 to index
      %swap3A_1085 = arith.constant 32 : index
      %swap3A_1086 = tpu.vector_load %arg7[%swap3A_1084, %swap3A_1085] {strides = array<i32>} : memref<1x128xi32, #tpu.memory_space<vmem>>, vector<1x16xi32>,
      %swap3A_1087 = vector.shape_cast %swap3A_1086 : vector<1x16xi32> to vector<16xi32>
      %swap3A_1088 = vector.shape_cast %and3A_1082 : vector<16xi32> to vector<1x16xi32>
      tpu.vector_store %arg7[%swap3A_1084, %swap3A_1085], %swap3A_1088 {strides = array<i32>} : memref<1x128xi32, #tpu.memory_space<vmem>>, vector<1x16xi32>,
      %shift_right_arithmetic3A_1089 = arith.constant 14 : i32
      %shift_right_arithmetic3A_1090 = vector.broadcast %shift_right_arithmetic3A_1089 : i32 to vector<16xi32>
      %shift_right_arithmetic3A_1091 = arith.shrsi %get3A_1079, %shift_right_arithmetic3A_1090 : vector<16xi32>
      %sub3A_1092 = vector.broadcast %mul3A_0 : i32 to vector<16xi32>
      %sub3A_1093 = arith.subi %shift_right_arithmetic3A_1091, %sub3A_1092 : vector<16xi32>
      %ge3A_1094 = arith.constant 0 : i32
      %ge3A_1095 = vector.broadcast %ge3A_1094 : i32 to vector<16xi32>
      %ge3A_1096 = arith.cmpi sge, %sub3A_1093, %ge3A_1095 : vector<16xi32>
      %lt3A_1097 = arith.constant 5000 : i32
      %lt3A_1098 = vector.broadcast %lt3A_1097 : i32 to vector<16xi32>
      %lt3A_1099 = arith.cmpi slt, %sub3A_1093, %lt3A_1098 : vector<16xi32>
      %and3A_1100 = arith.andi %ge3A_1096, %lt3A_1099 : vector<16xi1>
      %jit3A_1101 = arith.constant 5000 : i32
      %broadcast_in_dim3A_1102 = vector.broadcast %jit3A_1101 : i32 to vector<16xi32>
      %select_n3A_1103 = arith.select %and3A_1100, %sub3A_1093, %broadcast_in_dim3A_1102 : vector<16xi1>, vector<16xi32>
      %swap3A_1104 = arith.constant 1 : i32
      %swap3A_1105 = arith.index_cast %swap3A_1104 : i32 to index
      %swap3A_1106 = arith.constant 32 : index
      %swap3A_1107 = tpu.vector_load %arg10[%swap3A_1105, %swap3A_1106] {strides = array<i32>} : memref<2x128xi32, #tpu.memory_space<vmem>>, vector<1x16xi32>,
      %swap3A_1108 = vector.shape_cast %swap3A_1107 : vector<1x16xi32> to vector<16xi32>
      %swap3A_1109 = vector.shape_cast %select_n3A_1103 : vector<16xi32> to vector<1x16xi32>
      tpu.vector_store %arg10[%swap3A_1105, %swap3A_1106], %swap3A_1109 {strides = array<i32>} : memref<2x128xi32, #tpu.memory_space<vmem>>, vector<1x16xi32>,
      %get3A_1110 = arith.index_cast %add3A_1007 : i32 to index
      %get3A_1111 = arith.constant 48 : index
      %get3A_1112 = tpu.vector_load %arg6[%get3A_1110, %get3A_1111] {strides = array<i32>} : memref<157x128xi32, #tpu.memory_space<vmem>>, vector<1x16xi32>,
      %get3A_1113 = vector.shape_cast %get3A_1112 : vector<1x16xi32> to vector<16xi32>
      %and3A_1114 = arith.constant 16383 : i32
      %and3A_1115 = vector.broadcast %and3A_1114 : i32 to vector<16xi32>
      %and3A_1116 = arith.andi %get3A_1113, %and3A_1115 : vector<16xi32>
      %swap3A_1117 = arith.constant 0 : i32
      %swap3A_1118 = arith.index_cast %swap3A_1117 : i32 to index
      %swap3A_1119 = arith.constant 48 : index
      %swap3A_1120 = tpu.vector_load %arg7[%swap3A_1118, %swap3A_1119] {strides = array<i32>} : memref<1x128xi32, #tpu.memory_space<vmem>>, vector<1x16xi32>,
      %swap3A_1121 = vector.shape_cast %swap3A_1120 : vector<1x16xi32> to vector<16xi32>
      %swap3A_1122 = vector.shape_cast %and3A_1116 : vector<16xi32> to vector<1x16xi32>
      tpu.vector_store %arg7[%swap3A_1118, %swap3A_1119], %swap3A_1122 {strides = array<i32>} : memref<1x128xi32, #tpu.memory_space<vmem>>, vector<1x16xi32>,
      %shift_right_arithmetic3A_1123 = arith.constant 14 : i32
      %shift_right_arithmetic3A_1124 = vector.broadcast %shift_right_arithmetic3A_1123 : i32 to vector<16xi32>
      %shift_right_arithmetic3A_1125 = arith.shrsi %get3A_1113, %shift_right_arithmetic3A_1124 : vector<16xi32>
      %sub3A_1126 = vector.broadcast %mul3A_0 : i32 to vector<16xi32>
      %sub3A_1127 = arith.subi %shift_right_arithmetic3A_1125, %sub3A_1126 : vector<16xi32>
      %ge3A_1128 = arith.constant 0 : i32
      %ge3A_1129 = vector.broadcast %ge3A_1128 : i32 to vector<16xi32>
      %ge3A_1130 = arith.cmpi sge, %sub3A_1127, %ge3A_1129 : vector<16xi32>
      %lt3A_1131 = arith.constant 5000 : i32
      %lt3A_1132 = vector.broadcast %lt3A_1131 : i32 to vector<16xi32>
      %lt3A_1133 = arith.cmpi slt, %sub3A_1127, %lt3A_1132 : vector<16xi32>
      %and3A_1134 = arith.andi %ge3A_1130, %lt3A_1133 : vector<16xi1>
      %jit3A_1135 = arith.constant 5000 : i32
      %broadcast_in_dim3A_1136 = vector.broadcast %jit3A_1135 : i32 to vector<16xi32>
      %select_n3A_1137 = arith.select %and3A_1134, %sub3A_1127, %broadcast_in_dim3A_1136 : vector<16xi1>, vector<16xi32>
      %swap3A_1138 = arith.constant 1 : i32
      %swap3A_1139 = arith.index_cast %swap3A_1138 : i32 to index
      %swap3A_1140 = arith.constant 48 : index
      %swap3A_1141 = tpu.vector_load %arg10[%swap3A_1139, %swap3A_1140] {strides = array<i32>} : memref<2x128xi32, #tpu.memory_space<vmem>>, vector<1x16xi32>,
      %swap3A_1142 = vector.shape_cast %swap3A_1141 : vector<1x16xi32> to vector<16xi32>
      %swap3A_1143 = vector.shape_cast %select_n3A_1137 : vector<16xi32> to vector<1x16xi32>
      tpu.vector_store %arg10[%swap3A_1139, %swap3A_1140], %swap3A_1143 {strides = array<i32>} : memref<2x128xi32, #tpu.memory_space<vmem>>, vector<1x16xi32>,
      %get3A_1144 = arith.index_cast %add3A_1007 : i32 to index
      %get3A_1145 = arith.constant 64 : index
      %get3A_1146 = tpu.vector_load %arg6[%get3A_1144, %get3A_1145] {strides = array<i32>} : memref<157x128xi32, #tpu.memory_space<vmem>>, vector<1x16xi32>,
      %get3A_1147 = vector.shape_cast %get3A_1146 : vector<1x16xi32> to vector<16xi32>
      %and3A_1148 = arith.constant 16383 : i32
      %and3A_1149 = vector.broadcast %and3A_1148 : i32 to vector<16xi32>
      %and3A_1150 = arith.andi %get3A_1147, %and3A_1149 : vector<16xi32>
      %swap3A_1151 = arith.constant 0 : i32
      %swap3A_1152 = arith.index_cast %swap3A_1151 : i32 to index
      %swap3A_1153 = arith.constant 64 : index
      %swap3A_1154 = tpu.vector_load %arg7[%swap3A_1152, %swap3A_1153] {strides = array<i32>} : memref<1x128xi32, #tpu.memory_space<vmem>>, vector<1x16xi32>,
      %swap3A_1155 = vector.shape_cast %swap3A_1154 : vector<1x16xi32> to vector<16xi32>
      %swap3A_1156 = vector.shape_cast %and3A_1150 : vector<16xi32> to vector<1x16xi32>
      tpu.vector_store %arg7[%swap3A_1152, %swap3A_1153], %swap3A_1156 {strides = array<i32>} : memref<1x128xi32, #tpu.memory_space<vmem>>, vector<1x16xi32>,
      %shift_right_arithmetic3A_1157 = arith.constant 14 : i32
      %shift_right_arithmetic3A_1158 = vector.broadcast %shift_right_arithmetic3A_1157 : i32 to vector<16xi32>
      %shift_right_arithmetic3A_1159 = arith.shrsi %get3A_1147, %shift_right_arithmetic3A_1158 : vector<16xi32>
      %sub3A_1160 = vector.broadcast %mul3A_0 : i32 to vector<16xi32>
      %sub3A_1161 = arith.subi %shift_right_arithmetic3A_1159, %sub3A_1160 : vector<16xi32>
      %ge3A_1162 = arith.constant 0 : i32
      %ge3A_1163 = vector.broadcast %ge3A_1162 : i32 to vector<16xi32>
      %ge3A_1164 = arith.cmpi sge, %sub3A_1161, %ge3A_1163 : vector<16xi32>
      %lt3A_1165 = arith.constant 5000 : i32
      %lt3A_1166 = vector.broadcast %lt3A_1165 : i32 to vector<16xi32>
      %lt3A_1167 = arith.cmpi slt, %sub3A_1161, %lt3A_1166 : vector<16xi32>
      %and3A_1168 = arith.andi %ge3A_1164, %lt3A_1167 : vector<16xi1>
      %jit3A_1169 = arith.constant 5000 : i32
      %broadcast_in_dim3A_1170 = vector.broadcast %jit3A_1169 : i32 to vector<16xi32>
      %select_n3A_1171 = arith.select %and3A_1168, %sub3A_1161, %broadcast_in_dim3A_1170 : vector<16xi1>, vector<16xi32>
      %swap3A_1172 = arith.constant 1 : i32
      %swap3A_1173 = arith.index_cast %swap3A_1172 : i32 to index
      %swap3A_1174 = arith.constant 64 : index
      %swap3A_1175 = tpu.vector_load %arg10[%swap3A_1173, %swap3A_1174] {strides = array<i32>} : memref<2x128xi32, #tpu.memory_space<vmem>>, vector<1x16xi32>,
      %swap3A_1176 = vector.shape_cast %swap3A_1175 : vector<1x16xi32> to vector<16xi32>
      %swap3A_1177 = vector.shape_cast %select_n3A_1171 : vector<16xi32> to vector<1x16xi32>
      tpu.vector_store %arg10[%swap3A_1173, %swap3A_1174], %swap3A_1177 {strides = array<i32>} : memref<2x128xi32, #tpu.memory_space<vmem>>, vector<1x16xi32>,
      %get3A_1178 = arith.index_cast %add3A_1007 : i32 to index
      %get3A_1179 = arith.constant 80 : index
      %get3A_1180 = tpu.vector_load %arg6[%get3A_1178, %get3A_1179] {strides = array<i32>} : memref<157x128xi32, #tpu.memory_space<vmem>>, vector<1x16xi32>,
      %get3A_1181 = vector.shape_cast %get3A_1180 : vector<1x16xi32> to vector<16xi32>
      %and3A_1182 = arith.constant 16383 : i32
      %and3A_1183 = vector.broadcast %and3A_1182 : i32 to vector<16xi32>
      %and3A_1184 = arith.andi %get3A_1181, %and3A_1183 : vector<16xi32>
      %swap3A_1185 = arith.constant 0 : i32
      %swap3A_1186 = arith.index_cast %swap3A_1185 : i32 to index
      %swap3A_1187 = arith.constant 80 : index
      %swap3A_1188 = tpu.vector_load %arg7[%swap3A_1186, %swap3A_1187] {strides = array<i32>} : memref<1x128xi32, #tpu.memory_space<vmem>>, vector<1x16xi32>,
      %swap3A_1189 = vector.shape_cast %swap3A_1188 : vector<1x16xi32> to vector<16xi32>
      %swap3A_1190 = vector.shape_cast %and3A_1184 : vector<16xi32> to vector<1x16xi32>
      tpu.vector_store %arg7[%swap3A_1186, %swap3A_1187], %swap3A_1190 {strides = array<i32>} : memref<1x128xi32, #tpu.memory_space<vmem>>, vector<1x16xi32>,
      %shift_right_arithmetic3A_1191 = arith.constant 14 : i32
      %shift_right_arithmetic3A_1192 = vector.broadcast %shift_right_arithmetic3A_1191 : i32 to vector<16xi32>
      %shift_right_arithmetic3A_1193 = arith.shrsi %get3A_1181, %shift_right_arithmetic3A_1192 : vector<16xi32>
      %sub3A_1194 = vector.broadcast %mul3A_0 : i32 to vector<16xi32>
      %sub3A_1195 = arith.subi %shift_right_arithmetic3A_1193, %sub3A_1194 : vector<16xi32>
      %ge3A_1196 = arith.constant 0 : i32
      %ge3A_1197 = vector.broadcast %ge3A_1196 : i32 to vector<16xi32>
      %ge3A_1198 = arith.cmpi sge, %sub3A_1195, %ge3A_1197 : vector<16xi32>
      %lt3A_1199 = arith.constant 5000 : i32
      %lt3A_1200 = vector.broadcast %lt3A_1199 : i32 to vector<16xi32>
      %lt3A_1201 = arith.cmpi slt, %sub3A_1195, %lt3A_1200 : vector<16xi32>
      %and3A_1202 = arith.andi %ge3A_1198, %lt3A_1201 : vector<16xi1>
      %jit3A_1203 = arith.constant 5000 : i32
      %broadcast_in_dim3A_1204 = vector.broadcast %jit3A_1203 : i32 to vector<16xi32>
      %select_n3A_1205 = arith.select %and3A_1202, %sub3A_1195, %broadcast_in_dim3A_1204 : vector<16xi1>, vector<16xi32>
      %swap3A_1206 = arith.constant 1 : i32
      %swap3A_1207 = arith.index_cast %swap3A_1206 : i32 to index
      %swap3A_1208 = arith.constant 80 : index
      %swap3A_1209 = tpu.vector_load %arg10[%swap3A_1207, %swap3A_1208] {strides = array<i32>} : memref<2x128xi32, #tpu.memory_space<vmem>>, vector<1x16xi32>,
      %swap3A_1210 = vector.shape_cast %swap3A_1209 : vector<1x16xi32> to vector<16xi32>
      %swap3A_1211 = vector.shape_cast %select_n3A_1205 : vector<16xi32> to vector<1x16xi32>
      tpu.vector_store %arg10[%swap3A_1207, %swap3A_1208], %swap3A_1211 {strides = array<i32>} : memref<2x128xi32, #tpu.memory_space<vmem>>, vector<1x16xi32>,
      %get3A_1212 = arith.index_cast %add3A_1007 : i32 to index
      %get3A_1213 = arith.constant 96 : index
      %get3A_1214 = tpu.vector_load %arg6[%get3A_1212, %get3A_1213] {strides = array<i32>} : memref<157x128xi32, #tpu.memory_space<vmem>>, vector<1x16xi32>,
      %get3A_1215 = vector.shape_cast %get3A_1214 : vector<1x16xi32> to vector<16xi32>
      %and3A_1216 = arith.constant 16383 : i32
      %and3A_1217 = vector.broadcast %and3A_1216 : i32 to vector<16xi32>
      %and3A_1218 = arith.andi %get3A_1215, %and3A_1217 : vector<16xi32>
      %swap3A_1219 = arith.constant 0 : i32
      %swap3A_1220 = arith.index_cast %swap3A_1219 : i32 to index
      %swap3A_1221 = arith.constant 96 : index
      %swap3A_1222 = tpu.vector_load %arg7[%swap3A_1220, %swap3A_1221] {strides = array<i32>} : memref<1x128xi32, #tpu.memory_space<vmem>>, vector<1x16xi32>,
      %swap3A_1223 = vector.shape_cast %swap3A_1222 : vector<1x16xi32> to vector<16xi32>
      %swap3A_1224 = vector.shape_cast %and3A_1218 : vector<16xi32> to vector<1x16xi32>
      tpu.vector_store %arg7[%swap3A_1220, %swap3A_1221], %swap3A_1224 {strides = array<i32>} : memref<1x128xi32, #tpu.memory_space<vmem>>, vector<1x16xi32>,
      %shift_right_arithmetic3A_1225 = arith.constant 14 : i32
      %shift_right_arithmetic3A_1226 = vector.broadcast %shift_right_arithmetic3A_1225 : i32 to vector<16xi32>
      %shift_right_arithmetic3A_1227 = arith.shrsi %get3A_1215, %shift_right_arithmetic3A_1226 : vector<16xi32>
      %sub3A_1228 = vector.broadcast %mul3A_0 : i32 to vector<16xi32>
      %sub3A_1229 = arith.subi %shift_right_arithmetic3A_1227, %sub3A_1228 : vector<16xi32>
      %ge3A_1230 = arith.constant 0 : i32
      %ge3A_1231 = vector.broadcast %ge3A_1230 : i32 to vector<16xi32>
      %ge3A_1232 = arith.cmpi sge, %sub3A_1229, %ge3A_1231 : vector<16xi32>
      %lt3A_1233 = arith.constant 5000 : i32
      %lt3A_1234 = vector.broadcast %lt3A_1233 : i32 to vector<16xi32>
      %lt3A_1235 = arith.cmpi slt, %sub3A_1229, %lt3A_1234 : vector<16xi32>
      %and3A_1236 = arith.andi %ge3A_1232, %lt3A_1235 : vector<16xi1>
      %jit3A_1237 = arith.constant 5000 : i32
      %broadcast_in_dim3A_1238 = vector.broadcast %jit3A_1237 : i32 to vector<16xi32>
      %select_n3A_1239 = arith.select %and3A_1236, %sub3A_1229, %broadcast_in_dim3A_1238 : vector<16xi1>, vector<16xi32>
      %swap3A_1240 = arith.constant 1 : i32
      %swap3A_1241 = arith.index_cast %swap3A_1240 : i32 to index
      %swap3A_1242 = arith.constant 96 : index
      %swap3A_1243 = tpu.vector_load %arg10[%swap3A_1241, %swap3A_1242] {strides = array<i32>} : memref<2x128xi32, #tpu.memory_space<vmem>>, vector<1x16xi32>,
      %swap3A_1244 = vector.shape_cast %swap3A_1243 : vector<1x16xi32> to vector<16xi32>
      %swap3A_1245 = vector.shape_cast %select_n3A_1239 : vector<16xi32> to vector<1x16xi32>
      tpu.vector_store %arg10[%swap3A_1241, %swap3A_1242], %swap3A_1245 {strides = array<i32>} : memref<2x128xi32, #tpu.memory_space<vmem>>, vector<1x16xi32>,
      %get3A_1246 = arith.index_cast %add3A_1007 : i32 to index
      %get3A_1247 = arith.constant 112 : index
      %get3A_1248 = tpu.vector_load %arg6[%get3A_1246, %get3A_1247] {strides = array<i32>} : memref<157x128xi32, #tpu.memory_space<vmem>>, vector<1x16xi32>,
      %get3A_1249 = vector.shape_cast %get3A_1248 : vector<1x16xi32> to vector<16xi32>
      %and3A_1250 = arith.constant 16383 : i32
      %and3A_1251 = vector.broadcast %and3A_1250 : i32 to vector<16xi32>
      %and3A_1252 = arith.andi %get3A_1249, %and3A_1251 : vector<16xi32>
      %swap3A_1253 = arith.constant 0 : i32
      %swap3A_1254 = arith.index_cast %swap3A_1253 : i32 to index
      %swap3A_1255 = arith.constant 112 : index
      %swap3A_1256 = tpu.vector_load %arg7[%swap3A_1254, %swap3A_1255] {strides = array<i32>} : memref<1x128xi32, #tpu.memory_space<vmem>>, vector<1x16xi32>,
      %swap3A_1257 = vector.shape_cast %swap3A_1256 : vector<1x16xi32> to vector<16xi32>
      %swap3A_1258 = vector.shape_cast %and3A_1252 : vector<16xi32> to vector<1x16xi32>
      tpu.vector_store %arg7[%swap3A_1254, %swap3A_1255], %swap3A_1258 {strides = array<i32>} : memref<1x128xi32, #tpu.memory_space<vmem>>, vector<1x16xi32>,
      %shift_right_arithmetic3A_1259 = arith.constant 14 : i32
      %shift_right_arithmetic3A_1260 = vector.broadcast %shift_right_arithmetic3A_1259 : i32 to vector<16xi32>
      %shift_right_arithmetic3A_1261 = arith.shrsi %get3A_1249, %shift_right_arithmetic3A_1260 : vector<16xi32>
      %sub3A_1262 = vector.broadcast %mul3A_0 : i32 to vector<16xi32>
      %sub3A_1263 = arith.subi %shift_right_arithmetic3A_1261, %sub3A_1262 : vector<16xi32>
      %ge3A_1264 = arith.constant 0 : i32
      %ge3A_1265 = vector.broadcast %ge3A_1264 : i32 to vector<16xi32>
      %ge3A_1266 = arith.cmpi sge, %sub3A_1263, %ge3A_1265 : vector<16xi32>
      %lt3A_1267 = arith.constant 5000 : i32
      %lt3A_1268 = vector.broadcast %lt3A_1267 : i32 to vector<16xi32>
      %lt3A_1269 = arith.cmpi slt, %sub3A_1263, %lt3A_1268 : vector<16xi32>
      %and3A_1270 = arith.andi %ge3A_1266, %lt3A_1269 : vector<16xi1>
      %jit3A_1271 = arith.constant 5000 : i32
      %broadcast_in_dim3A_1272 = vector.broadcast %jit3A_1271 : i32 to vector<16xi32>
      %select_n3A_1273 = arith.select %and3A_1270, %sub3A_1263, %broadcast_in_dim3A_1272 : vector<16xi1>, vector<16xi32>
      %swap3A_1274 = arith.constant 1 : i32
      %swap3A_1275 = arith.index_cast %swap3A_1274 : i32 to index
      %swap3A_1276 = arith.constant 112 : index
      %swap3A_1277 = tpu.vector_load %arg10[%swap3A_1275, %swap3A_1276] {strides = array<i32>} : memref<2x128xi32, #tpu.memory_space<vmem>>, vector<1x16xi32>,
      %swap3A_1278 = vector.shape_cast %swap3A_1277 : vector<1x16xi32> to vector<16xi32>
      %swap3A_1279 = vector.shape_cast %select_n3A_1273 : vector<16xi32> to vector<1x16xi32>
      tpu.vector_store %arg10[%swap3A_1275, %swap3A_1276], %swap3A_1279 {strides = array<i32>} : memref<2x128xi32, #tpu.memory_space<vmem>>, vector<1x16xi32>,
      %dma_start3A_1280 = arith.constant 0 : i32
      %dma_start3A_1281 = arith.constant 0 : i32
      %dma_start3A_1282 = tpu.memref_slice %arg7[%dma_start3A_1280, %dma_start3A_1281] : memref<1x128xi32, #tpu.memory_space<vmem>> -> memref<1x128xi32, #tpu.memory_space<vmem>>
      %dma_start3A_1283 = tpu.memref_squeeze %dma_start3A_1282 : memref<1x128xi32, #tpu.memory_space<vmem>> -> memref<128xi32, #tpu.memory_space<vmem>>
      %dma_start3A_1284 = arith.constant 0 : i32
      %dma_start3A_1285 = arith.constant 0 : i32
      %dma_start3A_1286 = tpu.memref_slice %arg2[%dma_start3A_1284, %dma_start3A_1285] : memref<10000x128xf32, #tpu.memory_space<hbm>> -> memref<10000x128xf32, #tpu.memory_space<hbm>>
      tpu.enqueue_indirect_dma source(%dma_start3A_1286 : memref<10000x128xf32, #tpu.memory_space<hbm>>) target(%arg8 : memref<128x128xf32, #tpu.memory_space<vmem>>) offsets(%dma_start3A_1283 : memref<128xi32, #tpu.memory_space<vmem>>) semaphore(%arg12 : memref<!tpu.dma_semaphore, #tpu.memory_space<semaphore_mem>>)
      %dma_wait3A_1287 = arith.constant 1 : i32
      %dma_wait3A_1288 = arith.constant 1 : i32
      %dma_wait3A_1289 = arith.constant 0 : i32
      %dma_wait3A_1290 = arith.constant 0 : i32
      %dma_wait3A_1291 = tpu.memref_slice %arg9[%dma_wait3A_1287, %dma_wait3A_1289, %dma_wait3A_1290] : memref<2x128x128xf32, #tpu.memory_space<vmem>> -> memref<1x128x128xf32, #tpu.memory_space<vmem>>
      %dma_wait3A_1292 = tpu.memref_squeeze %dma_wait3A_1291 : memref<1x128x128xf32, #tpu.memory_space<vmem>> -> memref<128x128xf32, #tpu.memory_space<vmem>>
      %dma_wait3A_1293 = arith.constant 0 : i32
      %dma_wait3A_1294 = tpu.memref_slice %arg10[%dma_wait3A_1288, %dma_wait3A_1293] : memref<2x128xi32, #tpu.memory_space<vmem>> -> memref<1x128xi32, #tpu.memory_space<vmem>>
      %dma_wait3A_1295 = tpu.memref_squeeze %dma_wait3A_1294 : memref<1x128xi32, #tpu.memory_space<vmem>> -> memref<128xi32, #tpu.memory_space<vmem>>
      %dma_wait3A_1296 = arith.constant 0 : i32
      %dma_wait3A_1297 = arith.constant 0 : i32
      %dma_wait3A_1298 = tpu.memref_slice %arg11[%dma_wait3A_1296, %dma_wait3A_1297] : memref<5120x128xf32, #tpu.memory_space<vmem_shared>> -> memref<5120x128xf32, #tpu.memory_space<vmem_shared>>
      tpu.wait_indirect_dma semaphore(%arg14 : memref<!tpu.dma_semaphore, #tpu.memory_space<semaphore_mem>>) src(%dma_wait3A_1292 : memref<128x128xf32, #tpu.memory_space<vmem>>) dst(%dma_wait3A_1298 : memref<5120x128xf32, #tpu.memory_space<vmem_shared>>)
      %mul3A_1299 = arith.constant 128 : i32
      %mul3A_1300 = arith.muli %add3A_1007, %mul3A_1299 : i32
      %add3A_1301 = arith.addi %mul3A_21, %mul3A_1300 : i32
      %run_scoped3A_1302 = arith.constant 1 : i32
      "tpu.region"() ({
        %run_scoped3A_1652 = tpu.sem_alloc : memref<!tpu.dma_semaphore, #tpu.memory_space<semaphore_mem>>
        %dma_start3A_1653 = arith.constant 0 : i32
        %dma_start3A_1654 = arith.constant 0 : i32
        %dma_start3A_1655 = tpu.memref_slice %arg9[%run_scoped3A_1302, %dma_start3A_1653, %dma_start3A_1654] : memref<2x128x128xf32, #tpu.memory_space<vmem>> -> memref<1x128x128xf32, #tpu.memory_space<vmem>>
        %dma_start3A_1656 = tpu.memref_squeeze %dma_start3A_1655 : memref<1x128x128xf32, #tpu.memory_space<vmem>> -> memref<128x128xf32, #tpu.memory_space<vmem>>
        %dma_start3A_1657 = arith.constant 0 : i32
        %dma_start3A_1658 = tpu.memref_slice %arg3[%add3A_1301, %dma_start3A_1657] : memref<321536x128xf32, #tpu.memory_space<hbm>> -> memref<128x128xf32, #tpu.memory_space<hbm>>
        %dma_start3A_1659 = arith.constant 0 : i32
        %dma_start3A_1660 = arith.constant 0 : i32
        %dma_start3A_1661 = tpu.memref_slice %arg9[%run_scoped3A_1302, %dma_start3A_1659, %dma_start3A_1660] : memref<2x128x128xf32, #tpu.memory_space<vmem>> -> memref<1x128x128xf32, #tpu.memory_space<vmem>>
        %dma_start3A_1662 = tpu.memref_squeeze %dma_start3A_1661 : memref<1x128x128xf32, #tpu.memory_space<vmem>> -> memref<128x128xf32, #tpu.memory_space<vmem>>
        %dma_start3A_1663 = arith.constant 0 : i32
        %dma_start3A_1664 = tpu.memref_slice %arg3[%add3A_1301, %dma_start3A_1663] : memref<321536x128xf32, #tpu.memory_space<hbm>> -> memref<128x128xf32, #tpu.memory_space<hbm>>
        tpu.enqueue_dma source(%dma_start3A_1664 : memref<128x128xf32, #tpu.memory_space<hbm>>) target(%dma_start3A_1662 : memref<128x128xf32, #tpu.memory_space<vmem>>) target_semaphore(%run_scoped3A_1652 : memref<!tpu.dma_semaphore, #tpu.memory_space<semaphore_mem>>)
        %dma_wait3A_1665 = arith.constant 0 : i32
        %dma_wait3A_1666 = arith.constant 0 : i32
        %dma_wait3A_1667 = tpu.memref_slice %arg9[%run_scoped3A_1302, %dma_wait3A_1665, %dma_wait3A_1666] : memref<2x128x128xf32, #tpu.memory_space<vmem>> -> memref<1x128x128xf32, #tpu.memory_space<vmem>>
        %dma_wait3A_1668 = tpu.memref_squeeze %dma_wait3A_1667 : memref<1x128x128xf32, #tpu.memory_space<vmem>> -> memref<128x128xf32, #tpu.memory_space<vmem>>
        %dma_wait3A_1669 = arith.constant 0 : i32
        %dma_wait3A_1670 = tpu.memref_slice %arg3[%add3A_1301, %dma_wait3A_1669] : memref<321536x128xf32, #tpu.memory_space<hbm>> -> memref<128x128xf32, #tpu.memory_space<hbm>>
        %dma_wait3A_1671 = arith.constant 0 : i32
        %dma_wait3A_1672 = arith.constant 0 : i32
        %dma_wait3A_1673 = tpu.memref_slice %arg9[%run_scoped3A_1302, %dma_wait3A_1671, %dma_wait3A_1672] : memref<2x128x128xf32, #tpu.memory_space<vmem>> -> memref<1x128x128xf32, #tpu.memory_space<vmem>>
        %dma_wait3A_1674 = tpu.memref_squeeze %dma_wait3A_1673 : memref<1x128x128xf32, #tpu.memory_space<vmem>> -> memref<128x128xf32, #tpu.memory_space<vmem>>
        %dma_wait3A_1675 = arith.constant 0 : i32
        %dma_wait3A_1676 = tpu.memref_slice %arg3[%add3A_1301, %dma_wait3A_1675] : memref<321536x128xf32, #tpu.memory_space<hbm>> -> memref<128x128xf32, #tpu.memory_space<hbm>>
        tpu.wait_dma2 semaphore(%run_scoped3A_1652 : memref<!tpu.dma_semaphore, #tpu.memory_space<semaphore_mem>>) src(%dma_wait3A_1676 : memref<128x128xf32, #tpu.memory_space<hbm>>) dst(%dma_wait3A_1674 : memref<128x128xf32, #tpu.memory_space<vmem>>)
        tpu.yield
      }) : () -> ()
      %dma_wait3A_1303 = arith.constant 0 : i32
      %dma_wait3A_1304 = arith.constant 0 : i32
      %dma_wait3A_1305 = tpu.memref_slice %arg7[%dma_wait3A_1303, %dma_wait3A_1304] : memref<1x128xi32, #tpu.memory_space<vmem>> -> memref<1x128xi32, #tpu.memory_space<vmem>>
      %dma_wait3A_1306 = tpu.memref_squeeze %dma_wait3A_1305 : memref<1x128xi32, #tpu.memory_space<vmem>> -> memref<128xi32, #tpu.memory_space<vmem>>
      %dma_wait3A_1307 = arith.constant 0 : i32
      %dma_wait3A_1308 = arith.constant 0 : i32
      %dma_wait3A_1309 = tpu.memref_slice %arg2[%dma_wait3A_1307, %dma_wait3A_1308] : memref<10000x128xf32, #tpu.memory_space<hbm>> -> memref<10000x128xf32, #tpu.memory_space<hbm>>
      tpu.wait_indirect_dma semaphore(%arg12 : memref<!tpu.dma_semaphore, #tpu.memory_space<semaphore_mem>>) src(%dma_wait3A_1309 : memref<10000x128xf32, #tpu.memory_space<hbm>>) dst(%arg8 : memref<128x128xf32, #tpu.memory_space<vmem>>)
      %scan3A_1310 = arith.constant 0 : i32
      %scan3A_1311 = arith.constant 0 : i32
      %scan3A_1312 = arith.constant 128 : i32
      %scan3A_1313 = arith.addi %scan3A_1311, %scan3A_1312 : i32
      %scan3A_1314 = arith.constant 1 : i32
      scf.for %scan3A_1652 = %scan3A_1311 to %scan3A_1313 step %scan3A_1314  : i32 {
        %get3A_1653 = arith.constant 1 : i32
        %get3A_1654 = arith.index_cast %get3A_1653 : i32 to index
        %get3A_1655 = arith.index_cast %scan3A_1652 : i32 to index
        %get3A_1656 = arith.constant 0 : index
        %get3A_1657 = tpu.vector_load %arg9[%get3A_1654, %get3A_1655, %get3A_1656] {strides = array<i32>} : memref<2x128x128xf32, #tpu.memory_space<vmem>>, vector<1x1x16xf32>,
        %get3A_1658 = vector.shape_cast %get3A_1657 : vector<1x1x16xf32> to vector<16xf32>
        %get3A_1659 = arith.index_cast %scan3A_1652 : i32 to index
        %get3A_1660 = arith.constant 0 : index
        %get3A_1661 = tpu.vector_load %arg8[%get3A_1659, %get3A_1660] {strides = array<i32>} : memref<128x128xf32, #tpu.memory_space<vmem>>, vector<1x16xf32>,
        %get3A_1662 = vector.shape_cast %get3A_1661 : vector<1x16xf32> to vector<16xf32>
        %mul3A_1663 = arith.mulf %get3A_1658, %get3A_1662 : vector<16xf32>
        %swap3A_1664 = arith.constant 1 : i32
        %swap3A_1665 = arith.index_cast %swap3A_1664 : i32 to index
        %swap3A_1666 = arith.index_cast %scan3A_1652 : i32 to index
        %swap3A_1667 = arith.constant 0 : index
        %swap3A_1668 = tpu.vector_load %arg9[%swap3A_1665, %swap3A_1666, %swap3A_1667] {strides = array<i32>} : memref<2x128x128xf32, #tpu.memory_space<vmem>>, vector<1x1x16xf32>,
        %swap3A_1669 = vector.shape_cast %swap3A_1668 : vector<1x1x16xf32> to vector<16xf32>
        %swap3A_1670 = vector.shape_cast %mul3A_1663 : vector<16xf32> to vector<1x1x16xf32>
        tpu.vector_store %arg9[%swap3A_1665, %swap3A_1666, %swap3A_1667], %swap3A_1670 {strides = array<i32>} : memref<2x128x128xf32, #tpu.memory_space<vmem>>, vector<1x1x16xf32>,
        %get3A_1671 = arith.constant 1 : i32
        %get3A_1672 = arith.index_cast %get3A_1671 : i32 to index
        %get3A_1673 = arith.index_cast %scan3A_1652 : i32 to index
        %get3A_1674 = arith.constant 16 : index
        %get3A_1675 = tpu.vector_load %arg9[%get3A_1672, %get3A_1673, %get3A_1674] {strides = array<i32>} : memref<2x128x128xf32, #tpu.memory_space<vmem>>, vector<1x1x16xf32>,
        %get3A_1676 = vector.shape_cast %get3A_1675 : vector<1x1x16xf32> to vector<16xf32>
        %get3A_1677 = arith.index_cast %scan3A_1652 : i32 to index
        %get3A_1678 = arith.constant 16 : index
        %get3A_1679 = tpu.vector_load %arg8[%get3A_1677, %get3A_1678] {strides = array<i32>} : memref<128x128xf32, #tpu.memory_space<vmem>>, vector<1x16xf32>,
        %get3A_1680 = vector.shape_cast %get3A_1679 : vector<1x16xf32> to vector<16xf32>
        %mul3A_1681 = arith.mulf %get3A_1676, %get3A_1680 : vector<16xf32>
        %swap3A_1682 = arith.constant 1 : i32
        %swap3A_1683 = arith.index_cast %swap3A_1682 : i32 to index
        %swap3A_1684 = arith.index_cast %scan3A_1652 : i32 to index
        %swap3A_1685 = arith.constant 16 : index
        %swap3A_1686 = tpu.vector_load %arg9[%swap3A_1683, %swap3A_1684, %swap3A_1685] {strides = array<i32>} : memref<2x128x128xf32, #tpu.memory_space<vmem>>, vector<1x1x16xf32>,
        %swap3A_1687 = vector.shape_cast %swap3A_1686 : vector<1x1x16xf32> to vector<16xf32>
        %swap3A_1688 = vector.shape_cast %mul3A_1681 : vector<16xf32> to vector<1x1x16xf32>
        tpu.vector_store %arg9[%swap3A_1683, %swap3A_1684, %swap3A_1685], %swap3A_1688 {strides = array<i32>} : memref<2x128x128xf32, #tpu.memory_space<vmem>>, vector<1x1x16xf32>,
        %get3A_1689 = arith.constant 1 : i32
        %get3A_1690 = arith.index_cast %get3A_1689 : i32 to index
        %get3A_1691 = arith.index_cast %scan3A_1652 : i32 to index
        %get3A_1692 = arith.constant 32 : index
        %get3A_1693 = tpu.vector_load %arg9[%get3A_1690, %get3A_1691, %get3A_1692] {strides = array<i32>} : memref<2x128x128xf32, #tpu.memory_space<vmem>>, vector<1x1x16xf32>,
        %get3A_1694 = vector.shape_cast %get3A_1693 : vector<1x1x16xf32> to vector<16xf32>
        %get3A_1695 = arith.index_cast %scan3A_1652 : i32 to index
        %get3A_1696 = arith.constant 32 : index
        %get3A_1697 = tpu.vector_load %arg8[%get3A_1695, %get3A_1696] {strides = array<i32>} : memref<128x128xf32, #tpu.memory_space<vmem>>, vector<1x16xf32>,
        %get3A_1698 = vector.shape_cast %get3A_1697 : vector<1x16xf32> to vector<16xf32>
        %mul3A_1699 = arith.mulf %get3A_1694, %get3A_1698 : vector<16xf32>
        %swap3A_1700 = arith.constant 1 : i32
        %swap3A_1701 = arith.index_cast %swap3A_1700 : i32 to index
        %swap3A_1702 = arith.index_cast %scan3A_1652 : i32 to index
        %swap3A_1703 = arith.constant 32 : index
        %swap3A_1704 = tpu.vector_load %arg9[%swap3A_1701, %swap3A_1702, %swap3A_1703] {strides = array<i32>} : memref<2x128x128xf32, #tpu.memory_space<vmem>>, vector<1x1x16xf32>,
        %swap3A_1705 = vector.shape_cast %swap3A_1704 : vector<1x1x16xf32> to vector<16xf32>
        %swap3A_1706 = vector.shape_cast %mul3A_1699 : vector<16xf32> to vector<1x1x16xf32>
        tpu.vector_store %arg9[%swap3A_1701, %swap3A_1702, %swap3A_1703], %swap3A_1706 {strides = array<i32>} : memref<2x128x128xf32, #tpu.memory_space<vmem>>, vector<1x1x16xf32>,
        %get3A_1707 = arith.constant 1 : i32
        %get3A_1708 = arith.index_cast %get3A_1707 : i32 to index
        %get3A_1709 = arith.index_cast %scan3A_1652 : i32 to index
        %get3A_1710 = arith.constant 48 : index
        %get3A_1711 = tpu.vector_load %arg9[%get3A_1708, %get3A_1709, %get3A_1710] {strides = array<i32>} : memref<2x128x128xf32, #tpu.memory_space<vmem>>, vector<1x1x16xf32>,
        %get3A_1712 = vector.shape_cast %get3A_1711 : vector<1x1x16xf32> to vector<16xf32>
        %get3A_1713 = arith.index_cast %scan3A_1652 : i32 to index
        %get3A_1714 = arith.constant 48 : index
        %get3A_1715 = tpu.vector_load %arg8[%get3A_1713, %get3A_1714] {strides = array<i32>} : memref<128x128xf32, #tpu.memory_space<vmem>>, vector<1x16xf32>,
        %get3A_1716 = vector.shape_cast %get3A_1715 : vector<1x16xf32> to vector<16xf32>
        %mul3A_1717 = arith.mulf %get3A_1712, %get3A_1716 : vector<16xf32>
        %swap3A_1718 = arith.constant 1 : i32
        %swap3A_1719 = arith.index_cast %swap3A_1718 : i32 to index
        %swap3A_1720 = arith.index_cast %scan3A_1652 : i32 to index
        %swap3A_1721 = arith.constant 48 : index
        %swap3A_1722 = tpu.vector_load %arg9[%swap3A_1719, %swap3A_1720, %swap3A_1721] {strides = array<i32>} : memref<2x128x128xf32, #tpu.memory_space<vmem>>, vector<1x1x16xf32>,
        %swap3A_1723 = vector.shape_cast %swap3A_1722 : vector<1x1x16xf32> to vector<16xf32>
        %swap3A_1724 = vector.shape_cast %mul3A_1717 : vector<16xf32> to vector<1x1x16xf32>
        tpu.vector_store %arg9[%swap3A_1719, %swap3A_1720, %swap3A_1721], %swap3A_1724 {strides = array<i32>} : memref<2x128x128xf32, #tpu.memory_space<vmem>>, vector<1x1x16xf32>,
        %get3A_1725 = arith.constant 1 : i32
        %get3A_1726 = arith.index_cast %get3A_1725 : i32 to index
        %get3A_1727 = arith.index_cast %scan3A_1652 : i32 to index
        %get3A_1728 = arith.constant 64 : index
        %get3A_1729 = tpu.vector_load %arg9[%get3A_1726, %get3A_1727, %get3A_1728] {strides = array<i32>} : memref<2x128x128xf32, #tpu.memory_space<vmem>>, vector<1x1x16xf32>,
        %get3A_1730 = vector.shape_cast %get3A_1729 : vector<1x1x16xf32> to vector<16xf32>
        %get3A_1731 = arith.index_cast %scan3A_1652 : i32 to index
        %get3A_1732 = arith.constant 64 : index
        %get3A_1733 = tpu.vector_load %arg8[%get3A_1731, %get3A_1732] {strides = array<i32>} : memref<128x128xf32, #tpu.memory_space<vmem>>, vector<1x16xf32>,
        %get3A_1734 = vector.shape_cast %get3A_1733 : vector<1x16xf32> to vector<16xf32>
        %mul3A_1735 = arith.mulf %get3A_1730, %get3A_1734 : vector<16xf32>
        %swap3A_1736 = arith.constant 1 : i32
        %swap3A_1737 = arith.index_cast %swap3A_1736 : i32 to index
        %swap3A_1738 = arith.index_cast %scan3A_1652 : i32 to index
        %swap3A_1739 = arith.constant 64 : index
        %swap3A_1740 = tpu.vector_load %arg9[%swap3A_1737, %swap3A_1738, %swap3A_1739] {strides = array<i32>} : memref<2x128x128xf32, #tpu.memory_space<vmem>>, vector<1x1x16xf32>,
        %swap3A_1741 = vector.shape_cast %swap3A_1740 : vector<1x1x16xf32> to vector<16xf32>
        %swap3A_1742 = vector.shape_cast %mul3A_1735 : vector<16xf32> to vector<1x1x16xf32>
        tpu.vector_store %arg9[%swap3A_1737, %swap3A_1738, %swap3A_1739], %swap3A_1742 {strides = array<i32>} : memref<2x128x128xf32, #tpu.memory_space<vmem>>, vector<1x1x16xf32>,
        %get3A_1743 = arith.constant 1 : i32
        %get3A_1744 = arith.index_cast %get3A_1743 : i32 to index
        %get3A_1745 = arith.index_cast %scan3A_1652 : i32 to index
        %get3A_1746 = arith.constant 80 : index
        %get3A_1747 = tpu.vector_load %arg9[%get3A_1744, %get3A_1745, %get3A_1746] {strides = array<i32>} : memref<2x128x128xf32, #tpu.memory_space<vmem>>, vector<1x1x16xf32>,
        %get3A_1748 = vector.shape_cast %get3A_1747 : vector<1x1x16xf32> to vector<16xf32>
        %get3A_1749 = arith.index_cast %scan3A_1652 : i32 to index
        %get3A_1750 = arith.constant 80 : index
        %get3A_1751 = tpu.vector_load %arg8[%get3A_1749, %get3A_1750] {strides = array<i32>} : memref<128x128xf32, #tpu.memory_space<vmem>>, vector<1x16xf32>,
        %get3A_1752 = vector.shape_cast %get3A_1751 : vector<1x16xf32> to vector<16xf32>
        %mul3A_1753 = arith.mulf %get3A_1748, %get3A_1752 : vector<16xf32>
        %swap3A_1754 = arith.constant 1 : i32
        %swap3A_1755 = arith.index_cast %swap3A_1754 : i32 to index
        %swap3A_1756 = arith.index_cast %scan3A_1652 : i32 to index
        %swap3A_1757 = arith.constant 80 : index
        %swap3A_1758 = tpu.vector_load %arg9[%swap3A_1755, %swap3A_1756, %swap3A_1757] {strides = array<i32>} : memref<2x128x128xf32, #tpu.memory_space<vmem>>, vector<1x1x16xf32>,
        %swap3A_1759 = vector.shape_cast %swap3A_1758 : vector<1x1x16xf32> to vector<16xf32>
        %swap3A_1760 = vector.shape_cast %mul3A_1753 : vector<16xf32> to vector<1x1x16xf32>
        tpu.vector_store %arg9[%swap3A_1755, %swap3A_1756, %swap3A_1757], %swap3A_1760 {strides = array<i32>} : memref<2x128x128xf32, #tpu.memory_space<vmem>>, vector<1x1x16xf32>,
        %get3A_1761 = arith.constant 1 : i32
        %get3A_1762 = arith.index_cast %get3A_1761 : i32 to index
        %get3A_1763 = arith.index_cast %scan3A_1652 : i32 to index
        %get3A_1764 = arith.constant 96 : index
        %get3A_1765 = tpu.vector_load %arg9[%get3A_1762, %get3A_1763, %get3A_1764] {strides = array<i32>} : memref<2x128x128xf32, #tpu.memory_space<vmem>>, vector<1x1x16xf32>,
        %get3A_1766 = vector.shape_cast %get3A_1765 : vector<1x1x16xf32> to vector<16xf32>
        %get3A_1767 = arith.index_cast %scan3A_1652 : i32 to index
        %get3A_1768 = arith.constant 96 : index
        %get3A_1769 = tpu.vector_load %arg8[%get3A_1767, %get3A_1768] {strides = array<i32>} : memref<128x128xf32, #tpu.memory_space<vmem>>, vector<1x16xf32>,
        %get3A_1770 = vector.shape_cast %get3A_1769 : vector<1x16xf32> to vector<16xf32>
        %mul3A_1771 = arith.mulf %get3A_1766, %get3A_1770 : vector<16xf32>
        %swap3A_1772 = arith.constant 1 : i32
        %swap3A_1773 = arith.index_cast %swap3A_1772 : i32 to index
        %swap3A_1774 = arith.index_cast %scan3A_1652 : i32 to index
        %swap3A_1775 = arith.constant 96 : index
        %swap3A_1776 = tpu.vector_load %arg9[%swap3A_1773, %swap3A_1774, %swap3A_1775] {strides = array<i32>} : memref<2x128x128xf32, #tpu.memory_space<vmem>>, vector<1x1x16xf32>,
        %swap3A_1777 = vector.shape_cast %swap3A_1776 : vector<1x1x16xf32> to vector<16xf32>
        %swap3A_1778 = vector.shape_cast %mul3A_1771 : vector<16xf32> to vector<1x1x16xf32>
        tpu.vector_store %arg9[%swap3A_1773, %swap3A_1774, %swap3A_1775], %swap3A_1778 {strides = array<i32>} : memref<2x128x128xf32, #tpu.memory_space<vmem>>, vector<1x1x16xf32>,
        %get3A_1779 = arith.constant 1 : i32
        %get3A_1780 = arith.index_cast %get3A_1779 : i32 to index
        %get3A_1781 = arith.index_cast %scan3A_1652 : i32 to index
        %get3A_1782 = arith.constant 112 : index
        %get3A_1783 = tpu.vector_load %arg9[%get3A_1780, %get3A_1781, %get3A_1782] {strides = array<i32>} : memref<2x128x128xf32, #tpu.memory_space<vmem>>, vector<1x1x16xf32>,
        %get3A_1784 = vector.shape_cast %get3A_1783 : vector<1x1x16xf32> to vector<16xf32>
        %get3A_1785 = arith.index_cast %scan3A_1652 : i32 to index
        %get3A_1786 = arith.constant 112 : index
        %get3A_1787 = tpu.vector_load %arg8[%get3A_1785, %get3A_1786] {strides = array<i32>} : memref<128x128xf32, #tpu.memory_space<vmem>>, vector<1x16xf32>,
        %get3A_1788 = vector.shape_cast %get3A_1787 : vector<1x16xf32> to vector<16xf32>
        %mul3A_1789 = arith.mulf %get3A_1784, %get3A_1788 : vector<16xf32>
        %swap3A_1790 = arith.constant 1 : i32
        %swap3A_1791 = arith.index_cast %swap3A_1790 : i32 to index
        %swap3A_1792 = arith.index_cast %scan3A_1652 : i32 to index
        %swap3A_1793 = arith.constant 112 : index
        %swap3A_1794 = tpu.vector_load %arg9[%swap3A_1791, %swap3A_1792, %swap3A_1793] {strides = array<i32>} : memref<2x128x128xf32, #tpu.memory_space<vmem>>, vector<1x1x16xf32>,
        %swap3A_1795 = vector.shape_cast %swap3A_1794 : vector<1x1x16xf32> to vector<16xf32>
        %swap3A_1796 = vector.shape_cast %mul3A_1789 : vector<16xf32> to vector<1x1x16xf32>
        tpu.vector_store %arg9[%swap3A_1791, %swap3A_1792, %swap3A_1793], %swap3A_1796 {strides = array<i32>} : memref<2x128x128xf32, #tpu.memory_space<vmem>>, vector<1x1x16xf32>,
      }
      %scan3A_1315 = arith.constant 128 : i32
      %dma_start3A_1316 = arith.constant 1 : i32
      %dma_start3A_1317 = arith.constant 1 : i32
      %dma_start3A_1318 = arith.constant 0 : i32
      %dma_start3A_1319 = arith.constant 0 : i32
      %dma_start3A_1320 = tpu.memref_slice %arg9[%dma_start3A_1316, %dma_start3A_1318, %dma_start3A_1319] : memref<2x128x128xf32, #tpu.memory_space<vmem>> -> memref<1x128x128xf32, #tpu.memory_space<vmem>>
      %dma_start3A_1321 = tpu.memref_squeeze %dma_start3A_1320 : memref<1x128x128xf32, #tpu.memory_space<vmem>> -> memref<128x128xf32, #tpu.memory_space<vmem>>
      %dma_start3A_1322 = arith.constant 0 : i32
      %dma_start3A_1323 = tpu.memref_slice %arg10[%dma_start3A_1317, %dma_start3A_1322] : memref<2x128xi32, #tpu.memory_space<vmem>> -> memref<1x128xi32, #tpu.memory_space<vmem>>
      %dma_start3A_1324 = tpu.memref_squeeze %dma_start3A_1323 : memref<1x128xi32, #tpu.memory_space<vmem>> -> memref<128xi32, #tpu.memory_space<vmem>>
      %dma_start3A_1325 = arith.constant 0 : i32
      %dma_start3A_1326 = arith.constant 0 : i32
      %dma_start3A_1327 = tpu.memref_slice %arg11[%dma_start3A_1325, %dma_start3A_1326] : memref<5120x128xf32, #tpu.memory_space<vmem_shared>> -> memref<5120x128xf32, #tpu.memory_space<vmem_shared>>
      tpu.enqueue_indirect_dma source(%dma_start3A_1321 : memref<128x128xf32, #tpu.memory_space<vmem>>) target(%dma_start3A_1327 : memref<5120x128xf32, #tpu.memory_space<vmem_shared>>) offsets(%dma_start3A_1324 : memref<128xi32, #tpu.memory_space<vmem>>) semaphore(%arg14 : memref<!tpu.dma_semaphore, #tpu.memory_space<semaphore_mem>>) {add = true}
      %mul3A_1328 = arith.constant 2 : i32
      %mul3A_1329 = arith.muli %mul3A_1328, %scan3A_1003 : i32
      %add3A_1330 = arith.constant 4 : i32
      %add3A_1331 = arith.addi %add3A_1330, %mul3A_1329 : i32
      %get3A_1332 = arith.index_cast %add3A_1331 : i32 to index
      %get3A_1333 = arith.constant 0 : index
      %get3A_1334 = tpu.vector_load %arg6[%get3A_1332, %get3A_1333] {strides = array<i32>} : memref<157x128xi32, #tpu.memory_space<vmem>>, vector<1x16xi32>,
      %get3A_1335 = vector.shape_cast %get3A_1334 : vector<1x16xi32> to vector<16xi32>
      %and3A_1336 = arith.constant 16383 : i32
      %and3A_1337 = vector.broadcast %and3A_1336 : i32 to vector<16xi32>
      %and3A_1338 = arith.andi %get3A_1335, %and3A_1337 : vector<16xi32>
      %swap3A_1339 = arith.constant 0 : i32
      %swap3A_1340 = arith.index_cast %swap3A_1339 : i32 to index
      %swap3A_1341 = arith.constant 0 : index
      %swap3A_1342 = tpu.vector_load %arg7[%swap3A_1340, %swap3A_1341] {strides = array<i32>} : memref<1x128xi32, #tpu.memory_space<vmem>>, vector<1x16xi32>,
      %swap3A_1343 = vector.shape_cast %swap3A_1342 : vector<1x16xi32> to vector<16xi32>
      %swap3A_1344 = vector.shape_cast %and3A_1338 : vector<16xi32> to vector<1x16xi32>
      tpu.vector_store %arg7[%swap3A_1340, %swap3A_1341], %swap3A_1344 {strides = array<i32>} : memref<1x128xi32, #tpu.memory_space<vmem>>, vector<1x16xi32>,
      %shift_right_arithmetic3A_1345 = arith.constant 14 : i32
      %shift_right_arithmetic3A_1346 = vector.broadcast %shift_right_arithmetic3A_1345 : i32 to vector<16xi32>
      %shift_right_arithmetic3A_1347 = arith.shrsi %get3A_1335, %shift_right_arithmetic3A_1346 : vector<16xi32>
      %sub3A_1348 = vector.broadcast %mul3A_0 : i32 to vector<16xi32>
      %sub3A_1349 = arith.subi %shift_right_arithmetic3A_1347, %sub3A_1348 : vector<16xi32>
      %ge3A_1350 = arith.constant 0 : i32
      %ge3A_1351 = vector.broadcast %ge3A_1350 : i32 to vector<16xi32>
      %ge3A_1352 = arith.cmpi sge, %sub3A_1349, %ge3A_1351 : vector<16xi32>
      %lt3A_1353 = arith.constant 5000 : i32
      %lt3A_1354 = vector.broadcast %lt3A_1353 : i32 to vector<16xi32>
      %lt3A_1355 = arith.cmpi slt, %sub3A_1349, %lt3A_1354 : vector<16xi32>
      %and3A_1356 = arith.andi %ge3A_1352, %lt3A_1355 : vector<16xi1>
      %jit3A_1357 = arith.constant 5000 : i32
      %broadcast_in_dim3A_1358 = vector.broadcast %jit3A_1357 : i32 to vector<16xi32>
      %select_n3A_1359 = arith.select %and3A_1356, %sub3A_1349, %broadcast_in_dim3A_1358 : vector<16xi1>, vector<16xi32>
      %swap3A_1360 = arith.constant 0 : i32
      %swap3A_1361 = arith.index_cast %swap3A_1360 : i32 to index
      %swap3A_1362 = arith.constant 0 : index
      %swap3A_1363 = tpu.vector_load %arg10[%swap3A_1361, %swap3A_1362] {strides = array<i32>} : memref<2x128xi32, #tpu.memory_space<vmem>>, vector<1x16xi32>,
      %swap3A_1364 = vector.shape_cast %swap3A_1363 : vector<1x16xi32> to vector<16xi32>
      %swap3A_1365 = vector.shape_cast %select_n3A_1359 : vector<16xi32> to vector<1x16xi32>
      tpu.vector_store %arg10[%swap3A_1361, %swap3A_1362], %swap3A_1365 {strides = array<i32>} : memref<2x128xi32, #tpu.memory_space<vmem>>, vector<1x16xi32>,
      %get3A_1366 = arith.index_cast %add3A_1331 : i32 to index
      %get3A_1367 = arith.constant 16 : index
      %get3A_1368 = tpu.vector_load %arg6[%get3A_1366, %get3A_1367] {strides = array<i32>} : memref<157x128xi32, #tpu.memory_space<vmem>>, vector<1x16xi32>,
      %get3A_1369 = vector.shape_cast %get3A_1368 : vector<1x16xi32> to vector<16xi32>
      %and3A_1370 = arith.constant 16383 : i32
      %and3A_1371 = vector.broadcast %and3A_1370 : i32 to vector<16xi32>
      %and3A_1372 = arith.andi %get3A_1369, %and3A_1371 : vector<16xi32>
      %swap3A_1373 = arith.constant 0 : i32
      %swap3A_1374 = arith.index_cast %swap3A_1373 : i32 to index
      %swap3A_1375 = arith.constant 16 : index
      %swap3A_1376 = tpu.vector_load %arg7[%swap3A_1374, %swap3A_1375] {strides = array<i32>} : memref<1x128xi32, #tpu.memory_space<vmem>>, vector<1x16xi32>,
      %swap3A_1377 = vector.shape_cast %swap3A_1376 : vector<1x16xi32> to vector<16xi32>
      %swap3A_1378 = vector.shape_cast %and3A_1372 : vector<16xi32> to vector<1x16xi32>
      tpu.vector_store %arg7[%swap3A_1374, %swap3A_1375], %swap3A_1378 {strides = array<i32>} : memref<1x128xi32, #tpu.memory_space<vmem>>, vector<1x16xi32>,
      %shift_right_arithmetic3A_1379 = arith.constant 14 : i32
      %shift_right_arithmetic3A_1380 = vector.broadcast %shift_right_arithmetic3A_1379 : i32 to vector<16xi32>
      %shift_right_arithmetic3A_1381 = arith.shrsi %get3A_1369, %shift_right_arithmetic3A_1380 : vector<16xi32>
      %sub3A_1382 = vector.broadcast %mul3A_0 : i32 to vector<16xi32>
      %sub3A_1383 = arith.subi %shift_right_arithmetic3A_1381, %sub3A_1382 : vector<16xi32>
      %ge3A_1384 = arith.constant 0 : i32
      %ge3A_1385 = vector.broadcast %ge3A_1384 : i32 to vector<16xi32>
      %ge3A_1386 = arith.cmpi sge, %sub3A_1383, %ge3A_1385 : vector<16xi32>
      %lt3A_1387 = arith.constant 5000 : i32
      %lt3A_1388 = vector.broadcast %lt3A_1387 : i32 to vector<16xi32>
      %lt3A_1389 = arith.cmpi slt, %sub3A_1383, %lt3A_1388 : vector<16xi32>
      %and3A_1390 = arith.andi %ge3A_1386, %lt3A_1389 : vector<16xi1>
      %jit3A_1391 = arith.constant 5000 : i32
      %broadcast_in_dim3A_1392 = vector.broadcast %jit3A_1391 : i32 to vector<16xi32>
      %select_n3A_1393 = arith.select %and3A_1390, %sub3A_1383, %broadcast_in_dim3A_1392 : vector<16xi1>, vector<16xi32>
      %swap3A_1394 = arith.constant 0 : i32
      %swap3A_1395 = arith.index_cast %swap3A_1394 : i32 to index
      %swap3A_1396 = arith.constant 16 : index
      %swap3A_1397 = tpu.vector_load %arg10[%swap3A_1395, %swap3A_1396] {strides = array<i32>} : memref<2x128xi32, #tpu.memory_space<vmem>>, vector<1x16xi32>,
      %swap3A_1398 = vector.shape_cast %swap3A_1397 : vector<1x16xi32> to vector<16xi32>
      %swap3A_1399 = vector.shape_cast %select_n3A_1393 : vector<16xi32> to vector<1x16xi32>
      tpu.vector_store %arg10[%swap3A_1395, %swap3A_1396], %swap3A_1399 {strides = array<i32>} : memref<2x128xi32, #tpu.memory_space<vmem>>, vector<1x16xi32>,
      %get3A_1400 = arith.index_cast %add3A_1331 : i32 to index
      %get3A_1401 = arith.constant 32 : index
      %get3A_1402 = tpu.vector_load %arg6[%get3A_1400, %get3A_1401] {strides = array<i32>} : memref<157x128xi32, #tpu.memory_space<vmem>>, vector<1x16xi32>,
      %get3A_1403 = vector.shape_cast %get3A_1402 : vector<1x16xi32> to vector<16xi32>
      %and3A_1404 = arith.constant 16383 : i32
      %and3A_1405 = vector.broadcast %and3A_1404 : i32 to vector<16xi32>
      %and3A_1406 = arith.andi %get3A_1403, %and3A_1405 : vector<16xi32>
      %swap3A_1407 = arith.constant 0 : i32
      %swap3A_1408 = arith.index_cast %swap3A_1407 : i32 to index
      %swap3A_1409 = arith.constant 32 : index
      %swap3A_1410 = tpu.vector_load %arg7[%swap3A_1408, %swap3A_1409] {strides = array<i32>} : memref<1x128xi32, #tpu.memory_space<vmem>>, vector<1x16xi32>,
      %swap3A_1411 = vector.shape_cast %swap3A_1410 : vector<1x16xi32> to vector<16xi32>
      %swap3A_1412 = vector.shape_cast %and3A_1406 : vector<16xi32> to vector<1x16xi32>
      tpu.vector_store %arg7[%swap3A_1408, %swap3A_1409], %swap3A_1412 {strides = array<i32>} : memref<1x128xi32, #tpu.memory_space<vmem>>, vector<1x16xi32>,
      %shift_right_arithmetic3A_1413 = arith.constant 14 : i32
      %shift_right_arithmetic3A_1414 = vector.broadcast %shift_right_arithmetic3A_1413 : i32 to vector<16xi32>
      %shift_right_arithmetic3A_1415 = arith.shrsi %get3A_1403, %shift_right_arithmetic3A_1414 : vector<16xi32>
      %sub3A_1416 = vector.broadcast %mul3A_0 : i32 to vector<16xi32>
      %sub3A_1417 = arith.subi %shift_right_arithmetic3A_1415, %sub3A_1416 : vector<16xi32>
      %ge3A_1418 = arith.constant 0 : i32
      %ge3A_1419 = vector.broadcast %ge3A_1418 : i32 to vector<16xi32>
      %ge3A_1420 = arith.cmpi sge, %sub3A_1417, %ge3A_1419 : vector<16xi32>
      %lt3A_1421 = arith.constant 5000 : i32
      %lt3A_1422 = vector.broadcast %lt3A_1421 : i32 to vector<16xi32>
      %lt3A_1423 = arith.cmpi slt, %sub3A_1417, %lt3A_1422 : vector<16xi32>
      %and3A_1424 = arith.andi %ge3A_1420, %lt3A_1423 : vector<16xi1>
      %jit3A_1425 = arith.constant 5000 : i32
      %broadcast_in_dim3A_1426 = vector.broadcast %jit3A_1425 : i32 to vector<16xi32>
      %select_n3A_1427 = arith.select %and3A_1424, %sub3A_1417, %broadcast_in_dim3A_1426 : vector<16xi1>, vector<16xi32>
      %swap3A_1428 = arith.constant 0 : i32
      %swap3A_1429 = arith.index_cast %swap3A_1428 : i32 to index
      %swap3A_1430 = arith.constant 32 : index
      %swap3A_1431 = tpu.vector_load %arg10[%swap3A_1429, %swap3A_1430] {strides = array<i32>} : memref<2x128xi32, #tpu.memory_space<vmem>>, vector<1x16xi32>,
      %swap3A_1432 = vector.shape_cast %swap3A_1431 : vector<1x16xi32> to vector<16xi32>
      %swap3A_1433 = vector.shape_cast %select_n3A_1427 : vector<16xi32> to vector<1x16xi32>
      tpu.vector_store %arg10[%swap3A_1429, %swap3A_1430], %swap3A_1433 {strides = array<i32>} : memref<2x128xi32, #tpu.memory_space<vmem>>, vector<1x16xi32>,
      %get3A_1434 = arith.index_cast %add3A_1331 : i32 to index
      %get3A_1435 = arith.constant 48 : index
      %get3A_1436 = tpu.vector_load %arg6[%get3A_1434, %get3A_1435] {strides = array<i32>} : memref<157x128xi32, #tpu.memory_space<vmem>>, vector<1x16xi32>,
      %get3A_1437 = vector.shape_cast %get3A_1436 : vector<1x16xi32> to vector<16xi32>
      %and3A_1438 = arith.constant 16383 : i32
      %and3A_1439 = vector.broadcast %and3A_1438 : i32 to vector<16xi32>
      %and3A_1440 = arith.andi %get3A_1437, %and3A_1439 : vector<16xi32>
      %swap3A_1441 = arith.constant 0 : i32
      %swap3A_1442 = arith.index_cast %swap3A_1441 : i32 to index
      %swap3A_1443 = arith.constant 48 : index
      %swap3A_1444 = tpu.vector_load %arg7[%swap3A_1442, %swap3A_1443] {strides = array<i32>} : memref<1x128xi32, #tpu.memory_space<vmem>>, vector<1x16xi32>,
      %swap3A_1445 = vector.shape_cast %swap3A_1444 : vector<1x16xi32> to vector<16xi32>
      %swap3A_1446 = vector.shape_cast %and3A_1440 : vector<16xi32> to vector<1x16xi32>
      tpu.vector_store %arg7[%swap3A_1442, %swap3A_1443], %swap3A_1446 {strides = array<i32>} : memref<1x128xi32, #tpu.memory_space<vmem>>, vector<1x16xi32>,
      %shift_right_arithmetic3A_1447 = arith.constant 14 : i32
      %shift_right_arithmetic3A_1448 = vector.broadcast %shift_right_arithmetic3A_1447 : i32 to vector<16xi32>
      %shift_right_arithmetic3A_1449 = arith.shrsi %get3A_1437, %shift_right_arithmetic3A_1448 : vector<16xi32>
      %sub3A_1450 = vector.broadcast %mul3A_0 : i32 to vector<16xi32>
      %sub3A_1451 = arith.subi %shift_right_arithmetic3A_1449, %sub3A_1450 : vector<16xi32>
      %ge3A_1452 = arith.constant 0 : i32
      %ge3A_1453 = vector.broadcast %ge3A_1452 : i32 to vector<16xi32>
      %ge3A_1454 = arith.cmpi sge, %sub3A_1451, %ge3A_1453 : vector<16xi32>
      %lt3A_1455 = arith.constant 5000 : i32
      %lt3A_1456 = vector.broadcast %lt3A_1455 : i32 to vector<16xi32>
      %lt3A_1457 = arith.cmpi slt, %sub3A_1451, %lt3A_1456 : vector<16xi32>
      %and3A_1458 = arith.andi %ge3A_1454, %lt3A_1457 : vector<16xi1>
      %jit3A_1459 = arith.constant 5000 : i32
      %broadcast_in_dim3A_1460 = vector.broadcast %jit3A_1459 : i32 to vector<16xi32>
      %select_n3A_1461 = arith.select %and3A_1458, %sub3A_1451, %broadcast_in_dim3A_1460 : vector<16xi1>, vector<16xi32>
      %swap3A_1462 = arith.constant 0 : i32
      %swap3A_1463 = arith.index_cast %swap3A_1462 : i32 to index
      %swap3A_1464 = arith.constant 48 : index
      %swap3A_1465 = tpu.vector_load %arg10[%swap3A_1463, %swap3A_1464] {strides = array<i32>} : memref<2x128xi32, #tpu.memory_space<vmem>>, vector<1x16xi32>,
      %swap3A_1466 = vector.shape_cast %swap3A_1465 : vector<1x16xi32> to vector<16xi32>
      %swap3A_1467 = vector.shape_cast %select_n3A_1461 : vector<16xi32> to vector<1x16xi32>
      tpu.vector_store %arg10[%swap3A_1463, %swap3A_1464], %swap3A_1467 {strides = array<i32>} : memref<2x128xi32, #tpu.memory_space<vmem>>, vector<1x16xi32>,
      %get3A_1468 = arith.index_cast %add3A_1331 : i32 to index
      %get3A_1469 = arith.constant 64 : index
      %get3A_1470 = tpu.vector_load %arg6[%get3A_1468, %get3A_1469] {strides = array<i32>} : memref<157x128xi32, #tpu.memory_space<vmem>>, vector<1x16xi32>,
      %get3A_1471 = vector.shape_cast %get3A_1470 : vector<1x16xi32> to vector<16xi32>
      %and3A_1472 = arith.constant 16383 : i32
      %and3A_1473 = vector.broadcast %and3A_1472 : i32 to vector<16xi32>
      %and3A_1474 = arith.andi %get3A_1471, %and3A_1473 : vector<16xi32>
      %swap3A_1475 = arith.constant 0 : i32
      %swap3A_1476 = arith.index_cast %swap3A_1475 : i32 to index
      %swap3A_1477 = arith.constant 64 : index
      %swap3A_1478 = tpu.vector_load %arg7[%swap3A_1476, %swap3A_1477] {strides = array<i32>} : memref<1x128xi32, #tpu.memory_space<vmem>>, vector<1x16xi32>,
      %swap3A_1479 = vector.shape_cast %swap3A_1478 : vector<1x16xi32> to vector<16xi32>
      %swap3A_1480 = vector.shape_cast %and3A_1474 : vector<16xi32> to vector<1x16xi32>
      tpu.vector_store %arg7[%swap3A_1476, %swap3A_1477], %swap3A_1480 {strides = array<i32>} : memref<1x128xi32, #tpu.memory_space<vmem>>, vector<1x16xi32>,
      %shift_right_arithmetic3A_1481 = arith.constant 14 : i32
      %shift_right_arithmetic3A_1482 = vector.broadcast %shift_right_arithmetic3A_1481 : i32 to vector<16xi32>
      %shift_right_arithmetic3A_1483 = arith.shrsi %get3A_1471, %shift_right_arithmetic3A_1482 : vector<16xi32>
      %sub3A_1484 = vector.broadcast %mul3A_0 : i32 to vector<16xi32>
      %sub3A_1485 = arith.subi %shift_right_arithmetic3A_1483, %sub3A_1484 : vector<16xi32>
      %ge3A_1486 = arith.constant 0 : i32
      %ge3A_1487 = vector.broadcast %ge3A_1486 : i32 to vector<16xi32>
      %ge3A_1488 = arith.cmpi sge, %sub3A_1485, %ge3A_1487 : vector<16xi32>
      %lt3A_1489 = arith.constant 5000 : i32
      %lt3A_1490 = vector.broadcast %lt3A_1489 : i32 to vector<16xi32>
      %lt3A_1491 = arith.cmpi slt, %sub3A_1485, %lt3A_1490 : vector<16xi32>
      %and3A_1492 = arith.andi %ge3A_1488, %lt3A_1491 : vector<16xi1>
      %jit3A_1493 = arith.constant 5000 : i32
      %broadcast_in_dim3A_1494 = vector.broadcast %jit3A_1493 : i32 to vector<16xi32>
      %select_n3A_1495 = arith.select %and3A_1492, %sub3A_1485, %broadcast_in_dim3A_1494 : vector<16xi1>, vector<16xi32>
      %swap3A_1496 = arith.constant 0 : i32
      %swap3A_1497 = arith.index_cast %swap3A_1496 : i32 to index
      %swap3A_1498 = arith.constant 64 : index
      %swap3A_1499 = tpu.vector_load %arg10[%swap3A_1497, %swap3A_1498] {strides = array<i32>} : memref<2x128xi32, #tpu.memory_space<vmem>>, vector<1x16xi32>,
      %swap3A_1500 = vector.shape_cast %swap3A_1499 : vector<1x16xi32> to vector<16xi32>
      %swap3A_1501 = vector.shape_cast %select_n3A_1495 : vector<16xi32> to vector<1x16xi32>
      tpu.vector_store %arg10[%swap3A_1497, %swap3A_1498], %swap3A_1501 {strides = array<i32>} : memref<2x128xi32, #tpu.memory_space<vmem>>, vector<1x16xi32>,
      %get3A_1502 = arith.index_cast %add3A_1331 : i32 to index
      %get3A_1503 = arith.constant 80 : index
      %get3A_1504 = tpu.vector_load %arg6[%get3A_1502, %get3A_1503] {strides = array<i32>} : memref<157x128xi32, #tpu.memory_space<vmem>>, vector<1x16xi32>,
      %get3A_1505 = vector.shape_cast %get3A_1504 : vector<1x16xi32> to vector<16xi32>
      %and3A_1506 = arith.constant 16383 : i32
      %and3A_1507 = vector.broadcast %and3A_1506 : i32 to vector<16xi32>
      %and3A_1508 = arith.andi %get3A_1505, %and3A_1507 : vector<16xi32>
      %swap3A_1509 = arith.constant 0 : i32
      %swap3A_1510 = arith.index_cast %swap3A_1509 : i32 to index
      %swap3A_1511 = arith.constant 80 : index
      %swap3A_1512 = tpu.vector_load %arg7[%swap3A_1510, %swap3A_1511] {strides = array<i32>} : memref<1x128xi32, #tpu.memory_space<vmem>>, vector<1x16xi32>,
      %swap3A_1513 = vector.shape_cast %swap3A_1512 : vector<1x16xi32> to vector<16xi32>
      %swap3A_1514 = vector.shape_cast %and3A_1508 : vector<16xi32> to vector<1x16xi32>
      tpu.vector_store %arg7[%swap3A_1510, %swap3A_1511], %swap3A_1514 {strides = array<i32>} : memref<1x128xi32, #tpu.memory_space<vmem>>, vector<1x16xi32>,
      %shift_right_arithmetic3A_1515 = arith.constant 14 : i32
      %shift_right_arithmetic3A_1516 = vector.broadcast %shift_right_arithmetic3A_1515 : i32 to vector<16xi32>
      %shift_right_arithmetic3A_1517 = arith.shrsi %get3A_1505, %shift_right_arithmetic3A_1516 : vector<16xi32>
      %sub3A_1518 = vector.broadcast %mul3A_0 : i32 to vector<16xi32>
      %sub3A_1519 = arith.subi %shift_right_arithmetic3A_1517, %sub3A_1518 : vector<16xi32>
      %ge3A_1520 = arith.constant 0 : i32
      %ge3A_1521 = vector.broadcast %ge3A_1520 : i32 to vector<16xi32>
      %ge3A_1522 = arith.cmpi sge, %sub3A_1519, %ge3A_1521 : vector<16xi32>
      %lt3A_1523 = arith.constant 5000 : i32
      %lt3A_1524 = vector.broadcast %lt3A_1523 : i32 to vector<16xi32>
      %lt3A_1525 = arith.cmpi slt, %sub3A_1519, %lt3A_1524 : vector<16xi32>
      %and3A_1526 = arith.andi %ge3A_1522, %lt3A_1525 : vector<16xi1>
      %jit3A_1527 = arith.constant 5000 : i32
      %broadcast_in_dim3A_1528 = vector.broadcast %jit3A_1527 : i32 to vector<16xi32>
      %select_n3A_1529 = arith.select %and3A_1526, %sub3A_1519, %broadcast_in_dim3A_1528 : vector<16xi1>, vector<16xi32>
      %swap3A_1530 = arith.constant 0 : i32
      %swap3A_1531 = arith.index_cast %swap3A_1530 : i32 to index
      %swap3A_1532 = arith.constant 80 : index
      %swap3A_1533 = tpu.vector_load %arg10[%swap3A_1531, %swap3A_1532] {strides = array<i32>} : memref<2x128xi32, #tpu.memory_space<vmem>>, vector<1x16xi32>,
      %swap3A_1534 = vector.shape_cast %swap3A_1533 : vector<1x16xi32> to vector<16xi32>
      %swap3A_1535 = vector.shape_cast %select_n3A_1529 : vector<16xi32> to vector<1x16xi32>
      tpu.vector_store %arg10[%swap3A_1531, %swap3A_1532], %swap3A_1535 {strides = array<i32>} : memref<2x128xi32, #tpu.memory_space<vmem>>, vector<1x16xi32>,
      %get3A_1536 = arith.index_cast %add3A_1331 : i32 to index
      %get3A_1537 = arith.constant 96 : index
      %get3A_1538 = tpu.vector_load %arg6[%get3A_1536, %get3A_1537] {strides = array<i32>} : memref<157x128xi32, #tpu.memory_space<vmem>>, vector<1x16xi32>,
      %get3A_1539 = vector.shape_cast %get3A_1538 : vector<1x16xi32> to vector<16xi32>
      %and3A_1540 = arith.constant 16383 : i32
      %and3A_1541 = vector.broadcast %and3A_1540 : i32 to vector<16xi32>
      %and3A_1542 = arith.andi %get3A_1539, %and3A_1541 : vector<16xi32>
      %swap3A_1543 = arith.constant 0 : i32
      %swap3A_1544 = arith.index_cast %swap3A_1543 : i32 to index
      %swap3A_1545 = arith.constant 96 : index
      %swap3A_1546 = tpu.vector_load %arg7[%swap3A_1544, %swap3A_1545] {strides = array<i32>} : memref<1x128xi32, #tpu.memory_space<vmem>>, vector<1x16xi32>,
      %swap3A_1547 = vector.shape_cast %swap3A_1546 : vector<1x16xi32> to vector<16xi32>
      %swap3A_1548 = vector.shape_cast %and3A_1542 : vector<16xi32> to vector<1x16xi32>
      tpu.vector_store %arg7[%swap3A_1544, %swap3A_1545], %swap3A_1548 {strides = array<i32>} : memref<1x128xi32, #tpu.memory_space<vmem>>, vector<1x16xi32>,
      %shift_right_arithmetic3A_1549 = arith.constant 14 : i32
      %shift_right_arithmetic3A_1550 = vector.broadcast %shift_right_arithmetic3A_1549 : i32 to vector<16xi32>
      %shift_right_arithmetic3A_1551 = arith.shrsi %get3A_1539, %shift_right_arithmetic3A_1550 : vector<16xi32>
      %sub3A_1552 = vector.broadcast %mul3A_0 : i32 to vector<16xi32>
      %sub3A_1553 = arith.subi %shift_right_arithmetic3A_1551, %sub3A_1552 : vector<16xi32>
      %ge3A_1554 = arith.constant 0 : i32
      %ge3A_1555 = vector.broadcast %ge3A_1554 : i32 to vector<16xi32>
      %ge3A_1556 = arith.cmpi sge, %sub3A_1553, %ge3A_1555 : vector<16xi32>
      %lt3A_1557 = arith.constant 5000 : i32
      %lt3A_1558 = vector.broadcast %lt3A_1557 : i32 to vector<16xi32>
      %lt3A_1559 = arith.cmpi slt, %sub3A_1553, %lt3A_1558 : vector<16xi32>
      %and3A_1560 = arith.andi %ge3A_1556, %lt3A_1559 : vector<16xi1>
      %jit3A_1561 = arith.constant 5000 : i32
      %broadcast_in_dim3A_1562 = vector.broadcast %jit3A_1561 : i32 to vector<16xi32>
      %select_n3A_1563 = arith.select %and3A_1560, %sub3A_1553, %broadcast_in_dim3A_1562 : vector<16xi1>, vector<16xi32>
      %swap3A_1564 = arith.constant 0 : i32
      %swap3A_1565 = arith.index_cast %swap3A_1564 : i32 to index
      %swap3A_1566 = arith.constant 96 : index
      %swap3A_1567 = tpu.vector_load %arg10[%swap3A_1565, %swap3A_1566] {strides = array<i32>} : memref<2x128xi32, #tpu.memory_space<vmem>>, vector<1x16xi32>,
      %swap3A_1568 = vector.shape_cast %swap3A_1567 : vector<1x16xi32> to vector<16xi32>
      %swap3A_1569 = vector.shape_cast %select_n3A_1563 : vector<16xi32> to vector<1x16xi32>
      tpu.vector_store %arg10[%swap3A_1565, %swap3A_1566], %swap3A_1569 {strides = array<i32>} : memref<2x128xi32, #tpu.memory_space<vmem>>, vector<1x16xi32>,
      %get3A_1570 = arith.index_cast %add3A_1331 : i32 to index
      %get3A_1571 = arith.constant 112 : index
      %get3A_1572 = tpu.vector_load %arg6[%get3A_1570, %get3A_1571] {strides = array<i32>} : memref<157x128xi32, #tpu.memory_space<vmem>>, vector<1x16xi32>,
      %get3A_1573 = vector.shape_cast %get3A_1572 : vector<1x16xi32> to vector<16xi32>
      %and3A_1574 = arith.constant 16383 : i32
      %and3A_1575 = vector.broadcast %and3A_1574 : i32 to vector<16xi32>
      %and3A_1576 = arith.andi %get3A_1573, %and3A_1575 : vector<16xi32>
      %swap3A_1577 = arith.constant 0 : i32
      %swap3A_1578 = arith.index_cast %swap3A_1577 : i32 to index
      %swap3A_1579 = arith.constant 112 : index
      %swap3A_1580 = tpu.vector_load %arg7[%swap3A_1578, %swap3A_1579] {strides = array<i32>} : memref<1x128xi32, #tpu.memory_space<vmem>>, vector<1x16xi32>,
      %swap3A_1581 = vector.shape_cast %swap3A_1580 : vector<1x16xi32> to vector<16xi32>
      %swap3A_1582 = vector.shape_cast %and3A_1576 : vector<16xi32> to vector<1x16xi32>
      tpu.vector_store %arg7[%swap3A_1578, %swap3A_1579], %swap3A_1582 {strides = array<i32>} : memref<1x128xi32, #tpu.memory_space<vmem>>, vector<1x16xi32>,
      %shift_right_arithmetic3A_1583 = arith.constant 14 : i32
      %shift_right_arithmetic3A_1584 = vector.broadcast %shift_right_arithmetic3A_1583 : i32 to vector<16xi32>
      %shift_right_arithmetic3A_1585 = arith.shrsi %get3A_1573, %shift_right_arithmetic3A_1584 : vector<16xi32>
      %sub3A_1586 = vector.broadcast %mul3A_0 : i32 to vector<16xi32>
      %sub3A_1587 = arith.subi %shift_right_arithmetic3A_1585, %sub3A_1586 : vector<16xi32>
      %ge3A_1588 = arith.constant 0 : i32
      %ge3A_1589 = vector.broadcast %ge3A_1588 : i32 to vector<16xi32>
      %ge3A_1590 = arith.cmpi sge, %sub3A_1587, %ge3A_1589 : vector<16xi32>
      %lt3A_1591 = arith.constant 5000 : i32
      %lt3A_1592 = vector.broadcast %lt3A_1591 : i32 to vector<16xi32>
      %lt3A_1593 = arith.cmpi slt, %sub3A_1587, %lt3A_1592 : vector<16xi32>
      %and3A_1594 = arith.andi %ge3A_1590, %lt3A_1593 : vector<16xi1>
      %jit3A_1595 = arith.constant 5000 : i32
      %broadcast_in_dim3A_1596 = vector.broadcast %jit3A_1595 : i32 to vector<16xi32>
      %select_n3A_1597 = arith.select %and3A_1594, %sub3A_1587, %broadcast_in_dim3A_1596 : vector<16xi1>, vector<16xi32>
      %swap3A_1598 = arith.constant 0 : i32
      %swap3A_1599 = arith.index_cast %swap3A_1598 : i32 to index
      %swap3A_1600 = arith.constant 112 : index
      %swap3A_1601 = tpu.vector_load %arg10[%swap3A_1599, %swap3A_1600] {strides = array<i32>} : memref<2x128xi32, #tpu.memory_space<vmem>>, vector<1x16xi32>,
      %swap3A_1602 = vector.shape_cast %swap3A_1601 : vector<1x16xi32> to vector<16xi32>
      %swap3A_1603 = vector.shape_cast %select_n3A_1597 : vector<16xi32> to vector<1x16xi32>
      tpu.vector_store %arg10[%swap3A_1599, %swap3A_1600], %swap3A_1603 {strides = array<i32>} : memref<2x128xi32, #tpu.memory_space<vmem>>, vector<1x16xi32>,
      %dma_start3A_1604 = arith.constant 0 : i32
      %dma_start3A_1605 = arith.constant 0 : i32
      %dma_start3A_1606 = tpu.memref_slice %arg7[%dma_start3A_1604, %dma_start3A_1605] : memref<1x128xi32, #tpu.memory_space<vmem>> -> memref<1x128xi32, #tpu.memory_space<vmem>>
      %dma_start3A_1607 = tpu.memref_squeeze %dma_start3A_1606 : memref<1x128xi32, #tpu.memory_space<vmem>> -> memref<128xi32, #tpu.memory_space<vmem>>
      %dma_start3A_1608 = arith.constant 0 : i32
      %dma_start3A_1609 = arith.constant 0 : i32
      %dma_start3A_1610 = tpu.memref_slice %arg2[%dma_start3A_1608, %dma_start3A_1609] : memref<10000x128xf32, #tpu.memory_space<hbm>> -> memref<10000x128xf32, #tpu.memory_space<hbm>>
      tpu.enqueue_indirect_dma source(%dma_start3A_1610 : memref<10000x128xf32, #tpu.memory_space<hbm>>) target(%arg8 : memref<128x128xf32, #tpu.memory_space<vmem>>) offsets(%dma_start3A_1607 : memref<128xi32, #tpu.memory_space<vmem>>) semaphore(%arg12 : memref<!tpu.dma_semaphore, #tpu.memory_space<semaphore_mem>>)
      %dma_wait3A_1611 = arith.constant 0 : i32
      %dma_wait3A_1612 = arith.constant 0 : i32
      %dma_wait3A_1613 = arith.constant 0 : i32
      %dma_wait3A_1614 = arith.constant 0 : i32
      %dma_wait3A_1615 = tpu.memref_slice %arg9[%dma_wait3A_1611, %dma_wait3A_1613, %dma_wait3A_1614] : memref<2x128x128xf32, #tpu.memory_space<vmem>> -> memref<1x128x128xf32, #tpu.memory_space<vmem>>
      %dma_wait3A_1616 = tpu.memref_squeeze %dma_wait3A_1615 : memref<1x128x128xf32, #tpu.memory_space<vmem>> -> memref<128x128xf32, #tpu.memory_space<vmem>>
      %dma_wait3A_1617 = arith.constant 0 : i32
      %dma_wait3A_1618 = tpu.memref_slice %arg10[%dma_wait3A_1612, %dma_wait3A_1617] : memref<2x128xi32, #tpu.memory_space<vmem>> -> memref<1x128xi32, #tpu.memory_space<vmem>>
      %dma_wait3A_1619 = tpu.memref_squeeze %dma_wait3A_1618 : memref<1x128xi32, #tpu.memory_space<vmem>> -> memref<128xi32, #tpu.memory_space<vmem>>
      %dma_wait3A_1620 = arith.constant 0 : i32
      %dma_wait3A_1621 = arith.constant 0 : i32
      %dma_wait3A_1622 = tpu.memref_slice %arg11[%dma_wait3A_1620, %dma_wait3A_1621] : memref<5120x128xf32, #tpu.memory_space<vmem_shared>> -> memref<5120x128xf32, #tpu.memory_space<vmem_shared>>
      tpu.wait_indirect_dma semaphore(%arg13 : memref<!tpu.dma_semaphore, #tpu.memory_space<semaphore_mem>>) src(%dma_wait3A_1616 : memref<128x128xf32, #tpu.memory_space<vmem>>) dst(%dma_wait3A_1622 : memref<5120x128xf32, #tpu.memory_space<vmem_shared>>)
      %mul3A_1623 = arith.constant 128 : i32
      %mul3A_1624 = arith.muli %add3A_1331, %mul3A_1623 : i32
      %add3A_1625 = arith.addi %mul3A_21, %mul3A_1624 : i32
      %run_scoped3A_1626 = arith.constant 0 : i32
      "tpu.region"() ({
        %run_scoped3A_1652 = tpu.sem_alloc : memref<!tpu.dma_semaphore, #tpu.memory_space<semaphore_mem>>
        %dma_start3A_1653 = arith.constant 0 : i32
        %dma_start3A_1654 = arith.constant 0 : i32
        %dma_start3A_1655 = tpu.memref_slice %arg9[%run_scoped3A_1626, %dma_start3A_1653, %dma_start3A_1654] : memref<2x128x128xf32, #tpu.memory_space<vmem>> -> memref<1x128x128xf32, #tpu.memory_space<vmem>>
        %dma_start3A_1656 = tpu.memref_squeeze %dma_start3A_1655 : memref<1x128x128xf32, #tpu.memory_space<vmem>> -> memref<128x128xf32, #tpu.memory_space<vmem>>
        %dma_start3A_1657 = arith.constant 0 : i32
        %dma_start3A_1658 = tpu.memref_slice %arg3[%add3A_1625, %dma_start3A_1657] : memref<321536x128xf32, #tpu.memory_space<hbm>> -> memref<128x128xf32, #tpu.memory_space<hbm>>
        %dma_start3A_1659 = arith.constant 0 : i32
        %dma_start3A_1660 = arith.constant 0 : i32
        %dma_start3A_1661 = tpu.memref_slice %arg9[%run_scoped3A_1626, %dma_start3A_1659, %dma_start3A_1660] : memref<2x128x128xf32, #tpu.memory_space<vmem>> -> memref<1x128x128xf32, #tpu.memory_space<vmem>>
        %dma_start3A_1662 = tpu.memref_squeeze %dma_start3A_1661 : memref<1x128x128xf32, #tpu.memory_space<vmem>> -> memref<128x128xf32, #tpu.memory_space<vmem>>
        %dma_start3A_1663 = arith.constant 0 : i32
        %dma_start3A_1664 = tpu.memref_slice %arg3[%add3A_1625, %dma_start3A_1663] : memref<321536x128xf32, #tpu.memory_space<hbm>> -> memref<128x128xf32, #tpu.memory_space<hbm>>
        tpu.enqueue_dma source(%dma_start3A_1664 : memref<128x128xf32, #tpu.memory_space<hbm>>) target(%dma_start3A_1662 : memref<128x128xf32, #tpu.memory_space<vmem>>) target_semaphore(%run_scoped3A_1652 : memref<!tpu.dma_semaphore, #tpu.memory_space<semaphore_mem>>)
        %dma_wait3A_1665 = arith.constant 0 : i32
        %dma_wait3A_1666 = arith.constant 0 : i32
        %dma_wait3A_1667 = tpu.memref_slice %arg9[%run_scoped3A_1626, %dma_wait3A_1665, %dma_wait3A_1666] : memref<2x128x128xf32, #tpu.memory_space<vmem>> -> memref<1x128x128xf32, #tpu.memory_space<vmem>>
        %dma_wait3A_1668 = tpu.memref_squeeze %dma_wait3A_1667 : memref<1x128x128xf32, #tpu.memory_space<vmem>> -> memref<128x128xf32, #tpu.memory_space<vmem>>
        %dma_wait3A_1669 = arith.constant 0 : i32
        %dma_wait3A_1670 = tpu.memref_slice %arg3[%add3A_1625, %dma_wait3A_1669] : memref<321536x128xf32, #tpu.memory_space<hbm>> -> memref<128x128xf32, #tpu.memory_space<hbm>>
        %dma_wait3A_1671 = arith.constant 0 : i32
        %dma_wait3A_1672 = arith.constant 0 : i32
        %dma_wait3A_1673 = tpu.memref_slice %arg9[%run_scoped3A_1626, %dma_wait3A_1671, %dma_wait3A_1672] : memref<2x128x128xf32, #tpu.memory_space<vmem>> -> memref<1x128x128xf32, #tpu.memory_space<vmem>>
        %dma_wait3A_1674 = tpu.memref_squeeze %dma_wait3A_1673 : memref<1x128x128xf32, #tpu.memory_space<vmem>> -> memref<128x128xf32, #tpu.memory_space<vmem>>
        %dma_wait3A_1675 = arith.constant 0 : i32
        %dma_wait3A_1676 = tpu.memref_slice %arg3[%add3A_1625, %dma_wait3A_1675] : memref<321536x128xf32, #tpu.memory_space<hbm>> -> memref<128x128xf32, #tpu.memory_space<hbm>>
        tpu.wait_dma2 semaphore(%run_scoped3A_1652 : memref<!tpu.dma_semaphore, #tpu.memory_space<semaphore_mem>>) src(%dma_wait3A_1676 : memref<128x128xf32, #tpu.memory_space<hbm>>) dst(%dma_wait3A_1674 : memref<128x128xf32, #tpu.memory_space<vmem>>)
        tpu.yield
      }) : () -> ()
      %dma_wait3A_1627 = arith.constant 0 : i32
      %dma_wait3A_1628 = arith.constant 0 : i32
      %dma_wait3A_1629 = tpu.memref_slice %arg7[%dma_wait3A_1627, %dma_wait3A_1628] : memref<1x128xi32, #tpu.memory_space<vmem>> -> memref<1x128xi32, #tpu.memory_space<vmem>>
      %dma_wait3A_1630 = tpu.memref_squeeze %dma_wait3A_1629 : memref<1x128xi32, #tpu.memory_space<vmem>> -> memref<128xi32, #tpu.memory_space<vmem>>
      %dma_wait3A_1631 = arith.constant 0 : i32
      %dma_wait3A_1632 = arith.constant 0 : i32
      %dma_wait3A_1633 = tpu.memref_slice %arg2[%dma_wait3A_1631, %dma_wait3A_1632] : memref<10000x128xf32, #tpu.memory_space<hbm>> -> memref<10000x128xf32, #tpu.memory_space<hbm>>
      tpu.wait_indirect_dma semaphore(%arg12 : memref<!tpu.dma_semaphore, #tpu.memory_space<semaphore_mem>>) src(%dma_wait3A_1633 : memref<10000x128xf32, #tpu.memory_space<hbm>>) dst(%arg8 : memref<128x128xf32, #tpu.memory_space<vmem>>)
      %scan3A_1634 = arith.constant 0 : i32
      %scan3A_1635 = arith.constant 0 : i32
      %scan3A_1636 = arith.constant 128 : i32
      %scan3A_1637 = arith.addi %scan3A_1635, %scan3A_1636 : i32
      %scan3A_1638 = arith.constant 1 : i32
      scf.for %scan3A_1652 = %scan3A_1635 to %scan3A_1637 step %scan3A_1638  : i32 {
        %get3A_1653 = arith.constant 0 : i32
        %get3A_1654 = arith.index_cast %get3A_1653 : i32 to index
        %get3A_1655 = arith.index_cast %scan3A_1652 : i32 to index
        %get3A_1656 = arith.constant 0 : index
        %get3A_1657 = tpu.vector_load %arg9[%get3A_1654, %get3A_1655, %get3A_1656] {strides = array<i32>} : memref<2x128x128xf32, #tpu.memory_space<vmem>>, vector<1x1x16xf32>,
        %get3A_1658 = vector.shape_cast %get3A_1657 : vector<1x1x16xf32> to vector<16xf32>
        %get3A_1659 = arith.index_cast %scan3A_1652 : i32 to index
        %get3A_1660 = arith.constant 0 : index
        %get3A_1661 = tpu.vector_load %arg8[%get3A_1659, %get3A_1660] {strides = array<i32>} : memref<128x128xf32, #tpu.memory_space<vmem>>, vector<1x16xf32>,
        %get3A_1662 = vector.shape_cast %get3A_1661 : vector<1x16xf32> to vector<16xf32>
        %mul3A_1663 = arith.mulf %get3A_1658, %get3A_1662 : vector<16xf32>
        %swap3A_1664 = arith.constant 0 : i32
        %swap3A_1665 = arith.index_cast %swap3A_1664 : i32 to index
        %swap3A_1666 = arith.index_cast %scan3A_1652 : i32 to index
        %swap3A_1667 = arith.constant 0 : index
        %swap3A_1668 = tpu.vector_load %arg9[%swap3A_1665, %swap3A_1666, %swap3A_1667] {strides = array<i32>} : memref<2x128x128xf32, #tpu.memory_space<vmem>>, vector<1x1x16xf32>,
        %swap3A_1669 = vector.shape_cast %swap3A_1668 : vector<1x1x16xf32> to vector<16xf32>
        %swap3A_1670 = vector.shape_cast %mul3A_1663 : vector<16xf32> to vector<1x1x16xf32>
        tpu.vector_store %arg9[%swap3A_1665, %swap3A_1666, %swap3A_1667], %swap3A_1670 {strides = array<i32>} : memref<2x128x128xf32, #tpu.memory_space<vmem>>, vector<1x1x16xf32>,
        %get3A_1671 = arith.constant 0 : i32
        %get3A_1672 = arith.index_cast %get3A_1671 : i32 to index
        %get3A_1673 = arith.index_cast %scan3A_1652 : i32 to index
        %get3A_1674 = arith.constant 16 : index
        %get3A_1675 = tpu.vector_load %arg9[%get3A_1672, %get3A_1673, %get3A_1674] {strides = array<i32>} : memref<2x128x128xf32, #tpu.memory_space<vmem>>, vector<1x1x16xf32>,
        %get3A_1676 = vector.shape_cast %get3A_1675 : vector<1x1x16xf32> to vector<16xf32>
        %get3A_1677 = arith.index_cast %scan3A_1652 : i32 to index
        %get3A_1678 = arith.constant 16 : index
        %get3A_1679 = tpu.vector_load %arg8[%get3A_1677, %get3A_1678] {strides = array<i32>} : memref<128x128xf32, #tpu.memory_space<vmem>>, vector<1x16xf32>,
        %get3A_1680 = vector.shape_cast %get3A_1679 : vector<1x16xf32> to vector<16xf32>
        %mul3A_1681 = arith.mulf %get3A_1676, %get3A_1680 : vector<16xf32>
        %swap3A_1682 = arith.constant 0 : i32
        %swap3A_1683 = arith.index_cast %swap3A_1682 : i32 to index
        %swap3A_1684 = arith.index_cast %scan3A_1652 : i32 to index
        %swap3A_1685 = arith.constant 16 : index
        %swap3A_1686 = tpu.vector_load %arg9[%swap3A_1683, %swap3A_1684, %swap3A_1685] {strides = array<i32>} : memref<2x128x128xf32, #tpu.memory_space<vmem>>, vector<1x1x16xf32>,
        %swap3A_1687 = vector.shape_cast %swap3A_1686 : vector<1x1x16xf32> to vector<16xf32>
        %swap3A_1688 = vector.shape_cast %mul3A_1681 : vector<16xf32> to vector<1x1x16xf32>
        tpu.vector_store %arg9[%swap3A_1683, %swap3A_1684, %swap3A_1685], %swap3A_1688 {strides = array<i32>} : memref<2x128x128xf32, #tpu.memory_space<vmem>>, vector<1x1x16xf32>,
        %get3A_1689 = arith.constant 0 : i32
        %get3A_1690 = arith.index_cast %get3A_1689 : i32 to index
        %get3A_1691 = arith.index_cast %scan3A_1652 : i32 to index
        %get3A_1692 = arith.constant 32 : index
        %get3A_1693 = tpu.vector_load %arg9[%get3A_1690, %get3A_1691, %get3A_1692] {strides = array<i32>} : memref<2x128x128xf32, #tpu.memory_space<vmem>>, vector<1x1x16xf32>,
        %get3A_1694 = vector.shape_cast %get3A_1693 : vector<1x1x16xf32> to vector<16xf32>
        %get3A_1695 = arith.index_cast %scan3A_1652 : i32 to index
        %get3A_1696 = arith.constant 32 : index
        %get3A_1697 = tpu.vector_load %arg8[%get3A_1695, %get3A_1696] {strides = array<i32>} : memref<128x128xf32, #tpu.memory_space<vmem>>, vector<1x16xf32>,
        %get3A_1698 = vector.shape_cast %get3A_1697 : vector<1x16xf32> to vector<16xf32>
        %mul3A_1699 = arith.mulf %get3A_1694, %get3A_1698 : vector<16xf32>
        %swap3A_1700 = arith.constant 0 : i32
        %swap3A_1701 = arith.index_cast %swap3A_1700 : i32 to index
        %swap3A_1702 = arith.index_cast %scan3A_1652 : i32 to index
        %swap3A_1703 = arith.constant 32 : index
        %swap3A_1704 = tpu.vector_load %arg9[%swap3A_1701, %swap3A_1702, %swap3A_1703] {strides = array<i32>} : memref<2x128x128xf32, #tpu.memory_space<vmem>>, vector<1x1x16xf32>,
        %swap3A_1705 = vector.shape_cast %swap3A_1704 : vector<1x1x16xf32> to vector<16xf32>
        %swap3A_1706 = vector.shape_cast %mul3A_1699 : vector<16xf32> to vector<1x1x16xf32>
        tpu.vector_store %arg9[%swap3A_1701, %swap3A_1702, %swap3A_1703], %swap3A_1706 {strides = array<i32>} : memref<2x128x128xf32, #tpu.memory_space<vmem>>, vector<1x1x16xf32>,
        %get3A_1707 = arith.constant 0 : i32
        %get3A_1708 = arith.index_cast %get3A_1707 : i32 to index
        %get3A_1709 = arith.index_cast %scan3A_1652 : i32 to index
        %get3A_1710 = arith.constant 48 : index
        %get3A_1711 = tpu.vector_load %arg9[%get3A_1708, %get3A_1709, %get3A_1710] {strides = array<i32>} : memref<2x128x128xf32, #tpu.memory_space<vmem>>, vector<1x1x16xf32>,
        %get3A_1712 = vector.shape_cast %get3A_1711 : vector<1x1x16xf32> to vector<16xf32>
        %get3A_1713 = arith.index_cast %scan3A_1652 : i32 to index
        %get3A_1714 = arith.constant 48 : index
        %get3A_1715 = tpu.vector_load %arg8[%get3A_1713, %get3A_1714] {strides = array<i32>} : memref<128x128xf32, #tpu.memory_space<vmem>>, vector<1x16xf32>,
        %get3A_1716 = vector.shape_cast %get3A_1715 : vector<1x16xf32> to vector<16xf32>
        %mul3A_1717 = arith.mulf %get3A_1712, %get3A_1716 : vector<16xf32>
        %swap3A_1718 = arith.constant 0 : i32
        %swap3A_1719 = arith.index_cast %swap3A_1718 : i32 to index
        %swap3A_1720 = arith.index_cast %scan3A_1652 : i32 to index
        %swap3A_1721 = arith.constant 48 : index
        %swap3A_1722 = tpu.vector_load %arg9[%swap3A_1719, %swap3A_1720, %swap3A_1721] {strides = array<i32>} : memref<2x128x128xf32, #tpu.memory_space<vmem>>, vector<1x1x16xf32>,
        %swap3A_1723 = vector.shape_cast %swap3A_1722 : vector<1x1x16xf32> to vector<16xf32>
        %swap3A_1724 = vector.shape_cast %mul3A_1717 : vector<16xf32> to vector<1x1x16xf32>
        tpu.vector_store %arg9[%swap3A_1719, %swap3A_1720, %swap3A_1721], %swap3A_1724 {strides = array<i32>} : memref<2x128x128xf32, #tpu.memory_space<vmem>>, vector<1x1x16xf32>,
        %get3A_1725 = arith.constant 0 : i32
        %get3A_1726 = arith.index_cast %get3A_1725 : i32 to index
        %get3A_1727 = arith.index_cast %scan3A_1652 : i32 to index
        %get3A_1728 = arith.constant 64 : index
        %get3A_1729 = tpu.vector_load %arg9[%get3A_1726, %get3A_1727, %get3A_1728] {strides = array<i32>} : memref<2x128x128xf32, #tpu.memory_space<vmem>>, vector<1x1x16xf32>,
        %get3A_1730 = vector.shape_cast %get3A_1729 : vector<1x1x16xf32> to vector<16xf32>
        %get3A_1731 = arith.index_cast %scan3A_1652 : i32 to index
        %get3A_1732 = arith.constant 64 : index
        %get3A_1733 = tpu.vector_load %arg8[%get3A_1731, %get3A_1732] {strides = array<i32>} : memref<128x128xf32, #tpu.memory_space<vmem>>, vector<1x16xf32>,
        %get3A_1734 = vector.shape_cast %get3A_1733 : vector<1x16xf32> to vector<16xf32>
        %mul3A_1735 = arith.mulf %get3A_1730, %get3A_1734 : vector<16xf32>
        %swap3A_1736 = arith.constant 0 : i32
        %swap3A_1737 = arith.index_cast %swap3A_1736 : i32 to index
        %swap3A_1738 = arith.index_cast %scan3A_1652 : i32 to index
        %swap3A_1739 = arith.constant 64 : index
        %swap3A_1740 = tpu.vector_load %arg9[%swap3A_1737, %swap3A_1738, %swap3A_1739] {strides = array<i32>} : memref<2x128x128xf32, #tpu.memory_space<vmem>>, vector<1x1x16xf32>,
        %swap3A_1741 = vector.shape_cast %swap3A_1740 : vector<1x1x16xf32> to vector<16xf32>
        %swap3A_1742 = vector.shape_cast %mul3A_1735 : vector<16xf32> to vector<1x1x16xf32>
        tpu.vector_store %arg9[%swap3A_1737, %swap3A_1738, %swap3A_1739], %swap3A_1742 {strides = array<i32>} : memref<2x128x128xf32, #tpu.memory_space<vmem>>, vector<1x1x16xf32>,
        %get3A_1743 = arith.constant 0 : i32
        %get3A_1744 = arith.index_cast %get3A_1743 : i32 to index
        %get3A_1745 = arith.index_cast %scan3A_1652 : i32 to index
        %get3A_1746 = arith.constant 80 : index
        %get3A_1747 = tpu.vector_load %arg9[%get3A_1744, %get3A_1745, %get3A_1746] {strides = array<i32>} : memref<2x128x128xf32, #tpu.memory_space<vmem>>, vector<1x1x16xf32>,
        %get3A_1748 = vector.shape_cast %get3A_1747 : vector<1x1x16xf32> to vector<16xf32>
        %get3A_1749 = arith.index_cast %scan3A_1652 : i32 to index
        %get3A_1750 = arith.constant 80 : index
        %get3A_1751 = tpu.vector_load %arg8[%get3A_1749, %get3A_1750] {strides = array<i32>} : memref<128x128xf32, #tpu.memory_space<vmem>>, vector<1x16xf32>,
        %get3A_1752 = vector.shape_cast %get3A_1751 : vector<1x16xf32> to vector<16xf32>
        %mul3A_1753 = arith.mulf %get3A_1748, %get3A_1752 : vector<16xf32>
        %swap3A_1754 = arith.constant 0 : i32
        %swap3A_1755 = arith.index_cast %swap3A_1754 : i32 to index
        %swap3A_1756 = arith.index_cast %scan3A_1652 : i32 to index
        %swap3A_1757 = arith.constant 80 : index
        %swap3A_1758 = tpu.vector_load %arg9[%swap3A_1755, %swap3A_1756, %swap3A_1757] {strides = array<i32>} : memref<2x128x128xf32, #tpu.memory_space<vmem>>, vector<1x1x16xf32>,
        %swap3A_1759 = vector.shape_cast %swap3A_1758 : vector<1x1x16xf32> to vector<16xf32>
        %swap3A_1760 = vector.shape_cast %mul3A_1753 : vector<16xf32> to vector<1x1x16xf32>
        tpu.vector_store %arg9[%swap3A_1755, %swap3A_1756, %swap3A_1757], %swap3A_1760 {strides = array<i32>} : memref<2x128x128xf32, #tpu.memory_space<vmem>>, vector<1x1x16xf32>,
        %get3A_1761 = arith.constant 0 : i32
        %get3A_1762 = arith.index_cast %get3A_1761 : i32 to index
        %get3A_1763 = arith.index_cast %scan3A_1652 : i32 to index
        %get3A_1764 = arith.constant 96 : index
        %get3A_1765 = tpu.vector_load %arg9[%get3A_1762, %get3A_1763, %get3A_1764] {strides = array<i32>} : memref<2x128x128xf32, #tpu.memory_space<vmem>>, vector<1x1x16xf32>,
        %get3A_1766 = vector.shape_cast %get3A_1765 : vector<1x1x16xf32> to vector<16xf32>
        %get3A_1767 = arith.index_cast %scan3A_1652 : i32 to index
        %get3A_1768 = arith.constant 96 : index
        %get3A_1769 = tpu.vector_load %arg8[%get3A_1767, %get3A_1768] {strides = array<i32>} : memref<128x128xf32, #tpu.memory_space<vmem>>, vector<1x16xf32>,
        %get3A_1770 = vector.shape_cast %get3A_1769 : vector<1x16xf32> to vector<16xf32>
        %mul3A_1771 = arith.mulf %get3A_1766, %get3A_1770 : vector<16xf32>
        %swap3A_1772 = arith.constant 0 : i32
        %swap3A_1773 = arith.index_cast %swap3A_1772 : i32 to index
        %swap3A_1774 = arith.index_cast %scan3A_1652 : i32 to index
        %swap3A_1775 = arith.constant 96 : index
        %swap3A_1776 = tpu.vector_load %arg9[%swap3A_1773, %swap3A_1774, %swap3A_1775] {strides = array<i32>} : memref<2x128x128xf32, #tpu.memory_space<vmem>>, vector<1x1x16xf32>,
        %swap3A_1777 = vector.shape_cast %swap3A_1776 : vector<1x1x16xf32> to vector<16xf32>
        %swap3A_1778 = vector.shape_cast %mul3A_1771 : vector<16xf32> to vector<1x1x16xf32>
        tpu.vector_store %arg9[%swap3A_1773, %swap3A_1774, %swap3A_1775], %swap3A_1778 {strides = array<i32>} : memref<2x128x128xf32, #tpu.memory_space<vmem>>, vector<1x1x16xf32>,
        %get3A_1779 = arith.constant 0 : i32
        %get3A_1780 = arith.index_cast %get3A_1779 : i32 to index
        %get3A_1781 = arith.index_cast %scan3A_1652 : i32 to index
        %get3A_1782 = arith.constant 112 : index
        %get3A_1783 = tpu.vector_load %arg9[%get3A_1780, %get3A_1781, %get3A_1782] {strides = array<i32>} : memref<2x128x128xf32, #tpu.memory_space<vmem>>, vector<1x1x16xf32>,
        %get3A_1784 = vector.shape_cast %get3A_1783 : vector<1x1x16xf32> to vector<16xf32>
        %get3A_1785 = arith.index_cast %scan3A_1652 : i32 to index
        %get3A_1786 = arith.constant 112 : index
        %get3A_1787 = tpu.vector_load %arg8[%get3A_1785, %get3A_1786] {strides = array<i32>} : memref<128x128xf32, #tpu.memory_space<vmem>>, vector<1x16xf32>,
        %get3A_1788 = vector.shape_cast %get3A_1787 : vector<1x16xf32> to vector<16xf32>
        %mul3A_1789 = arith.mulf %get3A_1784, %get3A_1788 : vector<16xf32>
        %swap3A_1790 = arith.constant 0 : i32
        %swap3A_1791 = arith.index_cast %swap3A_1790 : i32 to index
        %swap3A_1792 = arith.index_cast %scan3A_1652 : i32 to index
        %swap3A_1793 = arith.constant 112 : index
        %swap3A_1794 = tpu.vector_load %arg9[%swap3A_1791, %swap3A_1792, %swap3A_1793] {strides = array<i32>} : memref<2x128x128xf32, #tpu.memory_space<vmem>>, vector<1x1x16xf32>,
        %swap3A_1795 = vector.shape_cast %swap3A_1794 : vector<1x1x16xf32> to vector<16xf32>
        %swap3A_1796 = vector.shape_cast %mul3A_1789 : vector<16xf32> to vector<1x1x16xf32>
        tpu.vector_store %arg9[%swap3A_1791, %swap3A_1792, %swap3A_1793], %swap3A_1796 {strides = array<i32>} : memref<2x128x128xf32, #tpu.memory_space<vmem>>, vector<1x1x16xf32>,
      }
      %scan3A_1639 = arith.constant 128 : i32
      %dma_start3A_1640 = arith.constant 0 : i32
      %dma_start3A_1641 = arith.constant 0 : i32
      %dma_start3A_1642 = arith.constant 0 : i32
      %dma_start3A_1643 = arith.constant 0 : i32
      %dma_start3A_1644 = tpu.memref_slice %arg9[%dma_start3A_1640, %dma_start3A_1642, %dma_start3A_1643] : memref<2x128x128xf32, #tpu.memory_space<vmem>> -> memref<1x128x128xf32, #tpu.memory_space<vmem>>
      %dma_start3A_1645 = tpu.memref_squeeze %dma_start3A_1644 : memref<1x128x128xf32, #tpu.memory_space<vmem>> -> memref<128x128xf32, #tpu.memory_space<vmem>>
      %dma_start3A_1646 = arith.constant 0 : i32
      %dma_start3A_1647 = tpu.memref_slice %arg10[%dma_start3A_1641, %dma_start3A_1646] : memref<2x128xi32, #tpu.memory_space<vmem>> -> memref<1x128xi32, #tpu.memory_space<vmem>>
      %dma_start3A_1648 = tpu.memref_squeeze %dma_start3A_1647 : memref<1x128xi32, #tpu.memory_space<vmem>> -> memref<128xi32, #tpu.memory_space<vmem>>
      %dma_start3A_1649 = arith.constant 0 : i32
      %dma_start3A_1650 = arith.constant 0 : i32
      %dma_start3A_1651 = tpu.memref_slice %arg11[%dma_start3A_1649, %dma_start3A_1650] : memref<5120x128xf32, #tpu.memory_space<vmem_shared>> -> memref<5120x128xf32, #tpu.memory_space<vmem_shared>>
      tpu.enqueue_indirect_dma source(%dma_start3A_1645 : memref<128x128xf32, #tpu.memory_space<vmem>>) target(%dma_start3A_1651 : memref<5120x128xf32, #tpu.memory_space<vmem_shared>>) offsets(%dma_start3A_1648 : memref<128xi32, #tpu.memory_space<vmem>>) semaphore(%arg13 : memref<!tpu.dma_semaphore, #tpu.memory_space<semaphore_mem>>) {add = true}
    }
    %scan3A_973 = arith.constant 77 : i32
    %dma_wait3A_974 = arith.constant 0 : i32
    %dma_wait3A_975 = arith.constant 0 : i32
    %dma_wait3A_976 = arith.constant 0 : i32
    %dma_wait3A_977 = arith.constant 0 : i32
    %dma_wait3A_978 = tpu.memref_slice %arg9[%dma_wait3A_974, %dma_wait3A_976, %dma_wait3A_977] : memref<2x128x128xf32, #tpu.memory_space<vmem>> -> memref<1x128x128xf32, #tpu.memory_space<vmem>>
    %dma_wait3A_979 = tpu.memref_squeeze %dma_wait3A_978 : memref<1x128x128xf32, #tpu.memory_space<vmem>> -> memref<128x128xf32, #tpu.memory_space<vmem>>
    %dma_wait3A_980 = arith.constant 0 : i32
    %dma_wait3A_981 = tpu.memref_slice %arg10[%dma_wait3A_975, %dma_wait3A_980] : memref<2x128xi32, #tpu.memory_space<vmem>> -> memref<1x128xi32, #tpu.memory_space<vmem>>
    %dma_wait3A_982 = tpu.memref_squeeze %dma_wait3A_981 : memref<1x128xi32, #tpu.memory_space<vmem>> -> memref<128xi32, #tpu.memory_space<vmem>>
    %dma_wait3A_983 = arith.constant 0 : i32
    %dma_wait3A_984 = arith.constant 0 : i32
    %dma_wait3A_985 = tpu.memref_slice %arg11[%dma_wait3A_983, %dma_wait3A_984] : memref<5120x128xf32, #tpu.memory_space<vmem_shared>> -> memref<5120x128xf32, #tpu.memory_space<vmem_shared>>
    tpu.wait_indirect_dma semaphore(%arg13 : memref<!tpu.dma_semaphore, #tpu.memory_space<semaphore_mem>>) src(%dma_wait3A_979 : memref<128x128xf32, #tpu.memory_space<vmem>>) dst(%dma_wait3A_985 : memref<5120x128xf32, #tpu.memory_space<vmem_shared>>)
    %dma_wait3A_986 = arith.constant 1 : i32
    %dma_wait3A_987 = arith.constant 1 : i32
    %dma_wait3A_988 = arith.constant 0 : i32
    %dma_wait3A_989 = arith.constant 0 : i32
    %dma_wait3A_990 = tpu.memref_slice %arg9[%dma_wait3A_986, %dma_wait3A_988, %dma_wait3A_989] : memref<2x128x128xf32, #tpu.memory_space<vmem>> -> memref<1x128x128xf32, #tpu.memory_space<vmem>>
    %dma_wait3A_991 = tpu.memref_squeeze %dma_wait3A_990 : memref<1x128x128xf32, #tpu.memory_space<vmem>> -> memref<128x128xf32, #tpu.memory_space<vmem>>
    %dma_wait3A_992 = arith.constant 0 : i32
    %dma_wait3A_993 = tpu.memref_slice %arg10[%dma_wait3A_987, %dma_wait3A_992] : memref<2x128xi32, #tpu.memory_space<vmem>> -> memref<1x128xi32, #tpu.memory_space<vmem>>
    %dma_wait3A_994 = tpu.memref_squeeze %dma_wait3A_993 : memref<1x128xi32, #tpu.memory_space<vmem>> -> memref<128xi32, #tpu.memory_space<vmem>>
    %dma_wait3A_995 = arith.constant 0 : i32
    %dma_wait3A_996 = arith.constant 0 : i32
    %dma_wait3A_997 = tpu.memref_slice %arg11[%dma_wait3A_995, %dma_wait3A_996] : memref<5120x128xf32, #tpu.memory_space<vmem_shared>> -> memref<5120x128xf32, #tpu.memory_space<vmem_shared>>
    tpu.wait_indirect_dma semaphore(%arg14 : memref<!tpu.dma_semaphore, #tpu.memory_space<semaphore_mem>>) src(%dma_wait3A_991 : memref<128x128xf32, #tpu.memory_space<vmem>>) dst(%dma_wait3A_997 : memref<5120x128xf32, #tpu.memory_space<vmem_shared>>)
    %barrier3A_998 = arith.constant 0 : index
    tpu.barrier barrier_id(%barrier3A_998)
    %mul3A_999 = arith.constant 320 : i32
    %mul3A_1000 = arith.muli %arg1, %mul3A_999 : i32
    %mul3A_1001 = arith.constant 320 : i32
    %mul3A_1002 = arith.muli %arg1, %mul3A_1001 : i32
    "tpu.region"() ({
      %run_scoped3A_1003 = tpu.sem_alloc : memref<!tpu.dma_semaphore, #tpu.memory_space<semaphore_mem>>
      %dma_start3A_1004 = arith.constant 0 : i32
      %dma_start3A_1005 = arith.constant 0 : i32
      %dma_start3A_1006 = tpu.memref_slice %arg5[%arg0, %dma_start3A_1004, %dma_start3A_1005] : memref<2x5120x128xf32, #tpu.memory_space<hbm>> -> memref<1x5120x128xf32, #tpu.memory_space<hbm>>
      %dma_start3A_1007 = tpu.memref_squeeze %dma_start3A_1006 : memref<1x5120x128xf32, #tpu.memory_space<hbm>> -> memref<5120x128xf32, #tpu.memory_space<hbm>>
      %dma_start3A_1008 = arith.constant 0 : i32
      %dma_start3A_1009 = tpu.memref_slice %dma_start3A_1007[%mul3A_1002, %dma_start3A_1008] : memref<5120x128xf32, #tpu.memory_space<hbm>> -> memref<320x128xf32, #tpu.memory_space<hbm>>
      %dma_start3A_1010 = arith.constant 0 : i32
      %dma_start3A_1011 = tpu.memref_slice %arg11[%mul3A_1000, %dma_start3A_1010] : memref<5120x128xf32, #tpu.memory_space<vmem_shared>> -> memref<320x128xf32, #tpu.memory_space<vmem_shared>>
      tpu.enqueue_dma source(%dma_start3A_1011 : memref<320x128xf32, #tpu.memory_space<vmem_shared>>) target(%dma_start3A_1009 : memref<320x128xf32, #tpu.memory_space<hbm>>) target_semaphore(%run_scoped3A_1003 : memref<!tpu.dma_semaphore, #tpu.memory_space<semaphore_mem>>)
      %dma_wait3A_1012 = arith.constant 0 : i32
      %dma_wait3A_1013 = arith.constant 0 : i32
      %dma_wait3A_1014 = tpu.memref_slice %arg5[%arg0, %dma_wait3A_1012, %dma_wait3A_1013] : memref<2x5120x128xf32, #tpu.memory_space<hbm>> -> memref<1x5120x128xf32, #tpu.memory_space<hbm>>
      %dma_wait3A_1015 = tpu.memref_squeeze %dma_wait3A_1014 : memref<1x5120x128xf32, #tpu.memory_space<hbm>> -> memref<5120x128xf32, #tpu.memory_space<hbm>>
      %dma_wait3A_1016 = arith.constant 0 : i32
      %dma_wait3A_1017 = tpu.memref_slice %dma_wait3A_1015[%mul3A_1002, %dma_wait3A_1016] : memref<5120x128xf32, #tpu.memory_space<hbm>> -> memref<320x128xf32, #tpu.memory_space<hbm>>
      %dma_wait3A_1018 = arith.constant 0 : i32
      %dma_wait3A_1019 = tpu.memref_slice %arg11[%mul3A_1000, %dma_wait3A_1018] : memref<5120x128xf32, #tpu.memory_space<vmem_shared>> -> memref<320x128xf32, #tpu.memory_space<vmem_shared>>
      tpu.wait_dma2 semaphore(%run_scoped3A_1003 : memref<!tpu.dma_semaphore, #tpu.memory_space<semaphore_mem>>) src(%dma_wait3A_1019 : memref<320x128xf32, #tpu.memory_space<vmem_shared>>) dst(%dma_wait3A_1017 : memref<320x128xf32, #tpu.memory_space<hbm>>)
      tpu.yield
    }) : () -> ()
    return
  }
}

module attributes {stable_mosaic.version = 14 : i64} {
  func.func @_node_fctp_body(%arg0: i32, %arg1: memref<1000x128xf32, #tpu.memory_space<vmem>>, %arg2: memref<1000x8xf32, #tpu.memory_space<vmem>>, %arg3: memref<1000x1xf32, #tpu.memory_space<vmem>>, %arg4: memref<8x128x128xf32, #tpu.memory_space<vmem>>, %arg5: memref<8x128x128xf32, #tpu.memory_space<vmem>>, %arg6: memref<1000x128xf32, #tpu.memory_space<vmem>>, %arg7: memref<1000x128xf32, #tpu.memory_space<vmem>>) attributes {dimension_semantics = [#tpu.dimension_semantics<arbitrary>], iteration_bounds = array<i64: 10>, scalar_prefetch = 0 : i64, scratch_operands = 0 : i64, tpu.core_type = #tpu.core_type<tc>, window_params = [{transform_indices = @transform_0, window_bounds = array<i64: 1000, 128>}, {transform_indices = @transform_1, window_bounds = array<i64: 1000, 8>}, {transform_indices = @transform_2, window_bounds = array<i64: 1000, 1>}, {pipeline_mode = #tpu.pipeline_mode<synchronous>, transform_indices = @transform_3, window_bounds = array<i64: 8, 128, 128>}, {pipeline_mode = #tpu.pipeline_mode<synchronous>, transform_indices = @transform_4, window_bounds = array<i64: 8, 128, 128>}, {transform_indices = @transform_5, window_bounds = array<i64: 1000, 128>}, {transform_indices = @transform_6, window_bounds = array<i64: 1000, 128>}]} {
    %get3A = arith.constant 0 : index
    %get3A_0 = arith.constant 0 : index
    %get3A_1 = vector.load %arg1[%get3A, %get3A_0] : memref<1000x128xf32, #tpu.memory_space<vmem>>, vector<1000x128xf32>
    %get3A_2 = arith.constant 0 : index
    %get3A_3 = arith.constant 0 : index
    %get3A_4 = vector.load %arg2[%get3A_2, %get3A_3] : memref<1000x8xf32, #tpu.memory_space<vmem>>, vector<1000x8xf32>
    %broadcast_in_dim3A = arith.constant 0.000000e+00 : f32
    %broadcast_in_dim3A_5 = vector.broadcast %broadcast_in_dim3A : f32 to vector<1000x128xf32>
    %broadcast_in_dim3A_6 = arith.constant 0.000000e+00 : f32
    %broadcast_in_dim3A_7 = vector.broadcast %broadcast_in_dim3A_6 : f32 to vector<1000x128xf32>
    %slice3A = vector.extract_strided_slice %get3A_4 {offsets = [0, 0], sizes = [1000, 1], strides = [1, 1]} : vector<1000x8xf32> to vector<1000x1xf32>
    %mul3A = vector.broadcast %slice3A : vector<1000x1xf32> to vector<1000x128xf32>
    %mul3A_8 = arith.mulf %get3A_1, %mul3A : vector<1000x128xf32>
    %get3A_9 = arith.constant 0 : index
    %get3A_10 = arith.constant 0 : index
    %get3A_11 = arith.constant 0 : index
    %get3A_12 = vector.load %arg4[%get3A_9, %get3A_10, %get3A_11] : memref<8x128x128xf32, #tpu.memory_space<vmem>>, vector<1x128x128xf32>
    %get3A_13 = vector.shape_cast %get3A_12 : vector<1x128x128xf32> to vector<128x128xf32>
    %dot_general3A = arith.constant dense<0.000000e+00> : vector<1000x128xf32>
    %dot_general3A_14 = tpu.matmul %mul3A_8, %get3A_13, %dot_general3A {dimension_numbers = #tpu.dot_dimension_numbers<[1], [0], [0], [1], [0, 0, 1, 1], [], []>, transpose_lhs_hint = false} : vector<1000x128xf32>, vector<128x128xf32>, vector<1000x128xf32> -> vector<1000x128xf32>
    %add3A = arith.addf %broadcast_in_dim3A_5, %dot_general3A_14 : vector<1000x128xf32>
    %get3A_15 = arith.constant 0 : index
    %get3A_16 = arith.constant 0 : index
    %get3A_17 = arith.constant 0 : index
    %get3A_18 = vector.load %arg5[%get3A_15, %get3A_16, %get3A_17] : memref<8x128x128xf32, #tpu.memory_space<vmem>>, vector<1x128x128xf32>
    %get3A_19 = vector.shape_cast %get3A_18 : vector<1x128x128xf32> to vector<128x128xf32>
    %dot_general3A_20 = arith.constant dense<0.000000e+00> : vector<1000x128xf32>
    %dot_general3A_21 = tpu.matmul %mul3A_8, %get3A_19, %dot_general3A_20 {dimension_numbers = #tpu.dot_dimension_numbers<[1], [0], [0], [1], [0, 0, 1, 1], [], []>, transpose_lhs_hint = false} : vector<1000x128xf32>, vector<128x128xf32>, vector<1000x128xf32> -> vector<1000x128xf32>
    %add3A_22 = arith.addf %broadcast_in_dim3A_7, %dot_general3A_21 : vector<1000x128xf32>
    %slice3A_23 = vector.extract_strided_slice %get3A_4 {offsets = [0, 1], sizes = [1000, 1], strides = [1, 1]} : vector<1000x8xf32> to vector<1000x1xf32>
    %mul3A_24 = vector.broadcast %slice3A_23 : vector<1000x1xf32> to vector<1000x128xf32>
    %mul3A_25 = arith.mulf %get3A_1, %mul3A_24 : vector<1000x128xf32>
    %get3A_26 = arith.constant 1 : index
    %get3A_27 = arith.constant 0 : index
    %get3A_28 = arith.constant 0 : index
    %get3A_29 = vector.load %arg4[%get3A_26, %get3A_27, %get3A_28] : memref<8x128x128xf32, #tpu.memory_space<vmem>>, vector<1x128x128xf32>
    %get3A_30 = vector.shape_cast %get3A_29 : vector<1x128x128xf32> to vector<128x128xf32>
    %dot_general3A_31 = arith.constant dense<0.000000e+00> : vector<1000x128xf32>
    %dot_general3A_32 = tpu.matmul %mul3A_25, %get3A_30, %dot_general3A_31 {dimension_numbers = #tpu.dot_dimension_numbers<[1], [0], [0], [1], [0, 0, 1, 1], [], []>, transpose_lhs_hint = false} : vector<1000x128xf32>, vector<128x128xf32>, vector<1000x128xf32> -> vector<1000x128xf32>
    %add3A_33 = arith.addf %add3A, %dot_general3A_32 : vector<1000x128xf32>
    %get3A_34 = arith.constant 1 : index
    %get3A_35 = arith.constant 0 : index
    %get3A_36 = arith.constant 0 : index
    %get3A_37 = vector.load %arg5[%get3A_34, %get3A_35, %get3A_36] : memref<8x128x128xf32, #tpu.memory_space<vmem>>, vector<1x128x128xf32>
    %get3A_38 = vector.shape_cast %get3A_37 : vector<1x128x128xf32> to vector<128x128xf32>
    %dot_general3A_39 = arith.constant dense<0.000000e+00> : vector<1000x128xf32>
    %dot_general3A_40 = tpu.matmul %mul3A_25, %get3A_38, %dot_general3A_39 {dimension_numbers = #tpu.dot_dimension_numbers<[1], [0], [0], [1], [0, 0, 1, 1], [], []>, transpose_lhs_hint = false} : vector<1000x128xf32>, vector<128x128xf32>, vector<1000x128xf32> -> vector<1000x128xf32>
    %add3A_41 = arith.addf %add3A_22, %dot_general3A_40 : vector<1000x128xf32>
    %slice3A_42 = vector.extract_strided_slice %get3A_4 {offsets = [0, 2], sizes = [1000, 1], strides = [1, 1]} : vector<1000x8xf32> to vector<1000x1xf32>
    %mul3A_43 = vector.broadcast %slice3A_42 : vector<1000x1xf32> to vector<1000x128xf32>
    %mul3A_44 = arith.mulf %get3A_1, %mul3A_43 : vector<1000x128xf32>
    %get3A_45 = arith.constant 2 : index
    %get3A_46 = arith.constant 0 : index
    %get3A_47 = arith.constant 0 : index
    %get3A_48 = vector.load %arg4[%get3A_45, %get3A_46, %get3A_47] : memref<8x128x128xf32, #tpu.memory_space<vmem>>, vector<1x128x128xf32>
    %get3A_49 = vector.shape_cast %get3A_48 : vector<1x128x128xf32> to vector<128x128xf32>
    %dot_general3A_50 = arith.constant dense<0.000000e+00> : vector<1000x128xf32>
    %dot_general3A_51 = tpu.matmul %mul3A_44, %get3A_49, %dot_general3A_50 {dimension_numbers = #tpu.dot_dimension_numbers<[1], [0], [0], [1], [0, 0, 1, 1], [], []>, transpose_lhs_hint = false} : vector<1000x128xf32>, vector<128x128xf32>, vector<1000x128xf32> -> vector<1000x128xf32>
    %add3A_52 = arith.addf %add3A_33, %dot_general3A_51 : vector<1000x128xf32>
    %get3A_53 = arith.constant 2 : index
    %get3A_54 = arith.constant 0 : index
    %get3A_55 = arith.constant 0 : index
    %get3A_56 = vector.load %arg5[%get3A_53, %get3A_54, %get3A_55] : memref<8x128x128xf32, #tpu.memory_space<vmem>>, vector<1x128x128xf32>
    %get3A_57 = vector.shape_cast %get3A_56 : vector<1x128x128xf32> to vector<128x128xf32>
    %dot_general3A_58 = arith.constant dense<0.000000e+00> : vector<1000x128xf32>
    %dot_general3A_59 = tpu.matmul %mul3A_44, %get3A_57, %dot_general3A_58 {dimension_numbers = #tpu.dot_dimension_numbers<[1], [0], [0], [1], [0, 0, 1, 1], [], []>, transpose_lhs_hint = false} : vector<1000x128xf32>, vector<128x128xf32>, vector<1000x128xf32> -> vector<1000x128xf32>
    %add3A_60 = arith.addf %add3A_41, %dot_general3A_59 : vector<1000x128xf32>
    %slice3A_61 = vector.extract_strided_slice %get3A_4 {offsets = [0, 3], sizes = [1000, 1], strides = [1, 1]} : vector<1000x8xf32> to vector<1000x1xf32>
    %mul3A_62 = vector.broadcast %slice3A_61 : vector<1000x1xf32> to vector<1000x128xf32>
    %mul3A_63 = arith.mulf %get3A_1, %mul3A_62 : vector<1000x128xf32>
    %get3A_64 = arith.constant 3 : index
    %get3A_65 = arith.constant 0 : index
    %get3A_66 = arith.constant 0 : index
    %get3A_67 = vector.load %arg4[%get3A_64, %get3A_65, %get3A_66] : memref<8x128x128xf32, #tpu.memory_space<vmem>>, vector<1x128x128xf32>
    %get3A_68 = vector.shape_cast %get3A_67 : vector<1x128x128xf32> to vector<128x128xf32>
    %dot_general3A_69 = arith.constant dense<0.000000e+00> : vector<1000x128xf32>
    %dot_general3A_70 = tpu.matmul %mul3A_63, %get3A_68, %dot_general3A_69 {dimension_numbers = #tpu.dot_dimension_numbers<[1], [0], [0], [1], [0, 0, 1, 1], [], []>, transpose_lhs_hint = false} : vector<1000x128xf32>, vector<128x128xf32>, vector<1000x128xf32> -> vector<1000x128xf32>
    %add3A_71 = arith.addf %add3A_52, %dot_general3A_70 : vector<1000x128xf32>
    %get3A_72 = arith.constant 3 : index
    %get3A_73 = arith.constant 0 : index
    %get3A_74 = arith.constant 0 : index
    %get3A_75 = vector.load %arg5[%get3A_72, %get3A_73, %get3A_74] : memref<8x128x128xf32, #tpu.memory_space<vmem>>, vector<1x128x128xf32>
    %get3A_76 = vector.shape_cast %get3A_75 : vector<1x128x128xf32> to vector<128x128xf32>
    %dot_general3A_77 = arith.constant dense<0.000000e+00> : vector<1000x128xf32>
    %dot_general3A_78 = tpu.matmul %mul3A_63, %get3A_76, %dot_general3A_77 {dimension_numbers = #tpu.dot_dimension_numbers<[1], [0], [0], [1], [0, 0, 1, 1], [], []>, transpose_lhs_hint = false} : vector<1000x128xf32>, vector<128x128xf32>, vector<1000x128xf32> -> vector<1000x128xf32>
    %add3A_79 = arith.addf %add3A_60, %dot_general3A_78 : vector<1000x128xf32>
    %slice3A_80 = vector.extract_strided_slice %get3A_4 {offsets = [0, 4], sizes = [1000, 1], strides = [1, 1]} : vector<1000x8xf32> to vector<1000x1xf32>
    %mul3A_81 = vector.broadcast %slice3A_80 : vector<1000x1xf32> to vector<1000x128xf32>
    %mul3A_82 = arith.mulf %get3A_1, %mul3A_81 : vector<1000x128xf32>
    %get3A_83 = arith.constant 4 : index
    %get3A_84 = arith.constant 0 : index
    %get3A_85 = arith.constant 0 : index
    %get3A_86 = vector.load %arg4[%get3A_83, %get3A_84, %get3A_85] : memref<8x128x128xf32, #tpu.memory_space<vmem>>, vector<1x128x128xf32>
    %get3A_87 = vector.shape_cast %get3A_86 : vector<1x128x128xf32> to vector<128x128xf32>
    %dot_general3A_88 = arith.constant dense<0.000000e+00> : vector<1000x128xf32>
    %dot_general3A_89 = tpu.matmul %mul3A_82, %get3A_87, %dot_general3A_88 {dimension_numbers = #tpu.dot_dimension_numbers<[1], [0], [0], [1], [0, 0, 1, 1], [], []>, transpose_lhs_hint = false} : vector<1000x128xf32>, vector<128x128xf32>, vector<1000x128xf32> -> vector<1000x128xf32>
    %add3A_90 = arith.addf %add3A_71, %dot_general3A_89 : vector<1000x128xf32>
    %get3A_91 = arith.constant 4 : index
    %get3A_92 = arith.constant 0 : index
    %get3A_93 = arith.constant 0 : index
    %get3A_94 = vector.load %arg5[%get3A_91, %get3A_92, %get3A_93] : memref<8x128x128xf32, #tpu.memory_space<vmem>>, vector<1x128x128xf32>
    %get3A_95 = vector.shape_cast %get3A_94 : vector<1x128x128xf32> to vector<128x128xf32>
    %dot_general3A_96 = arith.constant dense<0.000000e+00> : vector<1000x128xf32>
    %dot_general3A_97 = tpu.matmul %mul3A_82, %get3A_95, %dot_general3A_96 {dimension_numbers = #tpu.dot_dimension_numbers<[1], [0], [0], [1], [0, 0, 1, 1], [], []>, transpose_lhs_hint = false} : vector<1000x128xf32>, vector<128x128xf32>, vector<1000x128xf32> -> vector<1000x128xf32>
    %add3A_98 = arith.addf %add3A_79, %dot_general3A_97 : vector<1000x128xf32>
    %slice3A_99 = vector.extract_strided_slice %get3A_4 {offsets = [0, 5], sizes = [1000, 1], strides = [1, 1]} : vector<1000x8xf32> to vector<1000x1xf32>
    %mul3A_100 = vector.broadcast %slice3A_99 : vector<1000x1xf32> to vector<1000x128xf32>
    %mul3A_101 = arith.mulf %get3A_1, %mul3A_100 : vector<1000x128xf32>
    %get3A_102 = arith.constant 5 : index
    %get3A_103 = arith.constant 0 : index
    %get3A_104 = arith.constant 0 : index
    %get3A_105 = vector.load %arg4[%get3A_102, %get3A_103, %get3A_104] : memref<8x128x128xf32, #tpu.memory_space<vmem>>, vector<1x128x128xf32>
    %get3A_106 = vector.shape_cast %get3A_105 : vector<1x128x128xf32> to vector<128x128xf32>
    %dot_general3A_107 = arith.constant dense<0.000000e+00> : vector<1000x128xf32>
    %dot_general3A_108 = tpu.matmul %mul3A_101, %get3A_106, %dot_general3A_107 {dimension_numbers = #tpu.dot_dimension_numbers<[1], [0], [0], [1], [0, 0, 1, 1], [], []>, transpose_lhs_hint = false} : vector<1000x128xf32>, vector<128x128xf32>, vector<1000x128xf32> -> vector<1000x128xf32>
    %add3A_109 = arith.addf %add3A_90, %dot_general3A_108 : vector<1000x128xf32>
    %get3A_110 = arith.constant 5 : index
    %get3A_111 = arith.constant 0 : index
    %get3A_112 = arith.constant 0 : index
    %get3A_113 = vector.load %arg5[%get3A_110, %get3A_111, %get3A_112] : memref<8x128x128xf32, #tpu.memory_space<vmem>>, vector<1x128x128xf32>
    %get3A_114 = vector.shape_cast %get3A_113 : vector<1x128x128xf32> to vector<128x128xf32>
    %dot_general3A_115 = arith.constant dense<0.000000e+00> : vector<1000x128xf32>
    %dot_general3A_116 = tpu.matmul %mul3A_101, %get3A_114, %dot_general3A_115 {dimension_numbers = #tpu.dot_dimension_numbers<[1], [0], [0], [1], [0, 0, 1, 1], [], []>, transpose_lhs_hint = false} : vector<1000x128xf32>, vector<128x128xf32>, vector<1000x128xf32> -> vector<1000x128xf32>
    %add3A_117 = arith.addf %add3A_98, %dot_general3A_116 : vector<1000x128xf32>
    %slice3A_118 = vector.extract_strided_slice %get3A_4 {offsets = [0, 6], sizes = [1000, 1], strides = [1, 1]} : vector<1000x8xf32> to vector<1000x1xf32>
    %mul3A_119 = vector.broadcast %slice3A_118 : vector<1000x1xf32> to vector<1000x128xf32>
    %mul3A_120 = arith.mulf %get3A_1, %mul3A_119 : vector<1000x128xf32>
    %get3A_121 = arith.constant 6 : index
    %get3A_122 = arith.constant 0 : index
    %get3A_123 = arith.constant 0 : index
    %get3A_124 = vector.load %arg4[%get3A_121, %get3A_122, %get3A_123] : memref<8x128x128xf32, #tpu.memory_space<vmem>>, vector<1x128x128xf32>
    %get3A_125 = vector.shape_cast %get3A_124 : vector<1x128x128xf32> to vector<128x128xf32>
    %dot_general3A_126 = arith.constant dense<0.000000e+00> : vector<1000x128xf32>
    %dot_general3A_127 = tpu.matmul %mul3A_120, %get3A_125, %dot_general3A_126 {dimension_numbers = #tpu.dot_dimension_numbers<[1], [0], [0], [1], [0, 0, 1, 1], [], []>, transpose_lhs_hint = false} : vector<1000x128xf32>, vector<128x128xf32>, vector<1000x128xf32> -> vector<1000x128xf32>
    %add3A_128 = arith.addf %add3A_109, %dot_general3A_127 : vector<1000x128xf32>
    %get3A_129 = arith.constant 6 : index
    %get3A_130 = arith.constant 0 : index
    %get3A_131 = arith.constant 0 : index
    %get3A_132 = vector.load %arg5[%get3A_129, %get3A_130, %get3A_131] : memref<8x128x128xf32, #tpu.memory_space<vmem>>, vector<1x128x128xf32>
    %get3A_133 = vector.shape_cast %get3A_132 : vector<1x128x128xf32> to vector<128x128xf32>
    %dot_general3A_134 = arith.constant dense<0.000000e+00> : vector<1000x128xf32>
    %dot_general3A_135 = tpu.matmul %mul3A_120, %get3A_133, %dot_general3A_134 {dimension_numbers = #tpu.dot_dimension_numbers<[1], [0], [0], [1], [0, 0, 1, 1], [], []>, transpose_lhs_hint = false} : vector<1000x128xf32>, vector<128x128xf32>, vector<1000x128xf32> -> vector<1000x128xf32>
    %add3A_136 = arith.addf %add3A_117, %dot_general3A_135 : vector<1000x128xf32>
    %slice3A_137 = vector.extract_strided_slice %get3A_4 {offsets = [0, 7], sizes = [1000, 1], strides = [1, 1]} : vector<1000x8xf32> to vector<1000x1xf32>
    %mul3A_138 = vector.broadcast %slice3A_137 : vector<1000x1xf32> to vector<1000x128xf32>
    %mul3A_139 = arith.mulf %get3A_1, %mul3A_138 : vector<1000x128xf32>
    %get3A_140 = arith.constant 7 : index
    %get3A_141 = arith.constant 0 : index
    %get3A_142 = arith.constant 0 : index
    %get3A_143 = vector.load %arg4[%get3A_140, %get3A_141, %get3A_142] : memref<8x128x128xf32, #tpu.memory_space<vmem>>, vector<1x128x128xf32>
    %get3A_144 = vector.shape_cast %get3A_143 : vector<1x128x128xf32> to vector<128x128xf32>
    %dot_general3A_145 = arith.constant dense<0.000000e+00> : vector<1000x128xf32>
    %dot_general3A_146 = tpu.matmul %mul3A_139, %get3A_144, %dot_general3A_145 {dimension_numbers = #tpu.dot_dimension_numbers<[1], [0], [0], [1], [0, 0, 1, 1], [], []>, transpose_lhs_hint = false} : vector<1000x128xf32>, vector<128x128xf32>, vector<1000x128xf32> -> vector<1000x128xf32>
    %add3A_147 = arith.addf %add3A_128, %dot_general3A_146 : vector<1000x128xf32>
    %get3A_148 = arith.constant 7 : index
    %get3A_149 = arith.constant 0 : index
    %get3A_150 = arith.constant 0 : index
    %get3A_151 = vector.load %arg5[%get3A_148, %get3A_149, %get3A_150] : memref<8x128x128xf32, #tpu.memory_space<vmem>>, vector<1x128x128xf32>
    %get3A_152 = vector.shape_cast %get3A_151 : vector<1x128x128xf32> to vector<128x128xf32>
    %dot_general3A_153 = arith.constant dense<0.000000e+00> : vector<1000x128xf32>
    %dot_general3A_154 = tpu.matmul %mul3A_139, %get3A_152, %dot_general3A_153 {dimension_numbers = #tpu.dot_dimension_numbers<[1], [0], [0], [1], [0, 0, 1, 1], [], []>, transpose_lhs_hint = false} : vector<1000x128xf32>, vector<128x128xf32>, vector<1000x128xf32> -> vector<1000x128xf32>
    %add3A_155 = arith.addf %add3A_136, %dot_general3A_154 : vector<1000x128xf32>
    %mul3A_156 = arith.constant 3.125000e-02 : f32
    %mul3A_157 = vector.broadcast %mul3A_156 : f32 to vector<1000x128xf32>
    %mul3A_158 = arith.mulf %add3A_147, %mul3A_157 : vector<1000x128xf32>
    %get3A_159 = arith.constant 0 : index
    %get3A_160 = arith.constant 0 : index
    %get3A_161 = vector.load %arg3[%get3A_159, %get3A_160] : memref<1000x1xf32, #tpu.memory_space<vmem>>, vector<1000x1xf32>
    %rsqrt3A = math.rsqrt %get3A_161 : vector<1000x1xf32>
    %mul3A_162 = vector.broadcast %rsqrt3A : vector<1000x1xf32> to vector<1000x128xf32>
    %mul3A_163 = arith.mulf %mul3A_158, %mul3A_162 : vector<1000x128xf32>
    %swap3A = arith.constant 0 : index
    %swap3A_164 = arith.constant 0 : index
    %swap3A_165 = vector.load %arg6[%swap3A, %swap3A_164] : memref<1000x128xf32, #tpu.memory_space<vmem>>, vector<1000x128xf32>
    tpu.vector_store %arg6[%swap3A, %swap3A_164], %mul3A_163 {strides = array<i32>} : memref<1000x128xf32, #tpu.memory_space<vmem>>, vector<1000x128xf32>,
    %mul3A_166 = arith.constant 3.125000e-02 : f32
    %mul3A_167 = vector.broadcast %mul3A_166 : f32 to vector<1000x128xf32>
    %mul3A_168 = arith.mulf %add3A_155, %mul3A_167 : vector<1000x128xf32>
    %swap3A_169 = arith.constant 0 : index
    %swap3A_170 = arith.constant 0 : index
    %swap3A_171 = vector.load %arg7[%swap3A_169, %swap3A_170] : memref<1000x128xf32, #tpu.memory_space<vmem>>, vector<1000x128xf32>
    tpu.vector_store %arg7[%swap3A_169, %swap3A_170], %mul3A_168 {strides = array<i32>} : memref<1000x128xf32, #tpu.memory_space<vmem>>, vector<1000x128xf32>,
    return
  }
  func.func @transform_0(%arg0: i32) -> (i32, i32) {
    %c0_i32 = arith.constant 0 : i32
    %c0_i32_0 = arith.constant 0 : i32
    return %arg0, %c0_i32 : i32, i32
  }
  func.func @transform_1(%arg0: i32) -> (i32, i32) {
    %c0_i32 = arith.constant 0 : i32
    %c0_i32_0 = arith.constant 0 : i32
    return %arg0, %c0_i32 : i32, i32
  }
  func.func @transform_2(%arg0: i32) -> (i32, i32) {
    %c0_i32 = arith.constant 0 : i32
    %c0_i32_0 = arith.constant 0 : i32
    return %arg0, %c0_i32 : i32, i32
  }
  func.func @transform_3(%arg0: i32) -> (i32, i32, i32) {
    %c0_i32 = arith.constant 0 : i32
    %c0_i32_0 = arith.constant 0 : i32
    %c0_i32_1 = arith.constant 0 : i32
    %c0_i32_2 = arith.constant 0 : i32
    return %c0_i32, %c0_i32_0, %c0_i32_1 : i32, i32, i32
  }
  func.func @transform_4(%arg0: i32) -> (i32, i32, i32) {
    %c0_i32 = arith.constant 0 : i32
    %c0_i32_0 = arith.constant 0 : i32
    %c0_i32_1 = arith.constant 0 : i32
    %c0_i32_2 = arith.constant 0 : i32
    return %c0_i32, %c0_i32_0, %c0_i32_1 : i32, i32, i32
  }
  func.func @transform_5(%arg0: i32) -> (i32, i32) {
    %c0_i32 = arith.constant 0 : i32
    %c0_i32_0 = arith.constant 0 : i32
    return %arg0, %c0_i32 : i32, i32
  }
  func.func @transform_6(%arg0: i32) -> (i32, i32) {
    %c0_i32 = arith.constant 0 : i32
    %c0_i32_0 = arith.constant 0 : i32
    return %arg0, %c0_i32 : i32, i32
  }
}

module attributes {stable_mosaic.version = 14 : i64} {
  func.func @_edge_mlp_body(%arg0: i32, %arg1: memref<2048x16xf32, #tpu.memory_space<vmem>>, %arg2: memref<2048x4xf32, #tpu.memory_space<vmem>>, %arg3: memref<16x64xbf16, #tpu.memory_space<vmem>>, %arg4: memref<64x64xbf16, #tpu.memory_space<vmem>>, %arg5: memref<256x128xbf16, #tpu.memory_space<vmem>>, %arg6: memref<2048x128xf32, #tpu.memory_space<vmem>>) attributes {dimension_semantics = [#tpu.dimension_semantics<arbitrary>], iteration_bounds = array<i64: 157>, scalar_prefetch = 0 : i64, scratch_operands = 0 : i64, tpu.core_type = #tpu.core_type<tc>, window_params = [{transform_indices = @transform_0, window_bounds = array<i64: 2048, 16>}, {transform_indices = @transform_1, window_bounds = array<i64: 2048, 4>}, {pipeline_mode = #tpu.pipeline_mode<synchronous>, transform_indices = @transform_2, window_bounds = array<i64: 16, 64>}, {pipeline_mode = #tpu.pipeline_mode<synchronous>, transform_indices = @transform_3, window_bounds = array<i64: 64, 64>}, {pipeline_mode = #tpu.pipeline_mode<synchronous>, transform_indices = @transform_4, window_bounds = array<i64: 256, 128>}, {transform_indices = @transform_5, window_bounds = array<i64: 2048, 128>}]} {
    %get3A = arith.constant 0 : index
    %get3A_0 = arith.constant 0 : index
    %get3A_1 = vector.load %arg1[%get3A, %get3A_0] : memref<2048x16xf32, #tpu.memory_space<vmem>>, vector<2048x16xf32>
    %convert_element_type3A = arith.truncf %get3A_1 : vector<2048x16xf32> to vector<2048x16xbf16>
    %get3A_2 = arith.constant 0 : index
    %get3A_3 = arith.constant 0 : index
    %get3A_4 = vector.load %arg3[%get3A_2, %get3A_3] : memref<16x64xbf16, #tpu.memory_space<vmem>>, vector<16x64xbf16>
    %dot_general3A = arith.constant dense<0.000000e+00> : vector<2048x64xf32>
    %dot_general3A_5 = tpu.matmul %convert_element_type3A, %get3A_4, %dot_general3A {dimension_numbers = #tpu.dot_dimension_numbers<[1], [0], [0], [1], [0, 0, 1, 1], [], []>, transpose_lhs_hint = false} : vector<2048x16xbf16>, vector<16x64xbf16>, vector<2048x64xf32> -> vector<2048x64xf32>
    %mul3A = arith.constant 2.500000e-01 : f32
    %mul3A_6 = vector.broadcast %mul3A : f32 to vector<2048x64xf32>
    %mul3A_7 = arith.mulf %dot_general3A_5, %mul3A_6 : vector<2048x64xf32>
    %neg3A = arith.constant 0.000000e+00 : f32
    %neg3A_8 = vector.broadcast %neg3A : f32 to vector<2048x64xf32>
    %neg3A_9 = arith.subf %neg3A_8, %mul3A_7 : vector<2048x64xf32>
    %exp3A = math.exp %neg3A_9 : vector<2048x64xf32>
    %add3A = arith.constant 1.000000e+00 : f32
    %add3A_10 = vector.broadcast %add3A : f32 to vector<2048x64xf32>
    %add3A_11 = arith.addf %add3A_10, %exp3A : vector<2048x64xf32>
    %div3A = arith.constant 1.000000e+00 : f32
    %div3A_12 = vector.broadcast %div3A : f32 to vector<2048x64xf32>
    %div3A_13 = arith.divf %div3A_12, %add3A_11 : vector<2048x64xf32>
    %mul3A_14 = arith.mulf %mul3A_7, %div3A_13 : vector<2048x64xf32>
    %convert_element_type3A_15 = arith.truncf %mul3A_14 : vector<2048x64xf32> to vector<2048x64xbf16>
    %get3A_16 = arith.constant 0 : index
    %get3A_17 = arith.constant 0 : index
    %get3A_18 = vector.load %arg4[%get3A_16, %get3A_17] : memref<64x64xbf16, #tpu.memory_space<vmem>>, vector<64x64xbf16>
    %dot_general3A_19 = arith.constant dense<0.000000e+00> : vector<2048x64xf32>
    %dot_general3A_20 = tpu.matmul %convert_element_type3A_15, %get3A_18, %dot_general3A_19 {dimension_numbers = #tpu.dot_dimension_numbers<[1], [0], [0], [1], [0, 0, 1, 1], [], []>, transpose_lhs_hint = false} : vector<2048x64xbf16>, vector<64x64xbf16>, vector<2048x64xf32> -> vector<2048x64xf32>
    %mul3A_21 = arith.constant 1.250000e-01 : f32
    %mul3A_22 = vector.broadcast %mul3A_21 : f32 to vector<2048x64xf32>
    %mul3A_23 = arith.mulf %dot_general3A_20, %mul3A_22 : vector<2048x64xf32>
    %neg3A_24 = arith.constant 0.000000e+00 : f32
    %neg3A_25 = vector.broadcast %neg3A_24 : f32 to vector<2048x64xf32>
    %neg3A_26 = arith.subf %neg3A_25, %mul3A_23 : vector<2048x64xf32>
    %exp3A_27 = math.exp %neg3A_26 : vector<2048x64xf32>
    %add3A_28 = arith.constant 1.000000e+00 : f32
    %add3A_29 = vector.broadcast %add3A_28 : f32 to vector<2048x64xf32>
    %add3A_30 = arith.addf %add3A_29, %exp3A_27 : vector<2048x64xf32>
    %div3A_31 = arith.constant 1.000000e+00 : f32
    %div3A_32 = vector.broadcast %div3A_31 : f32 to vector<2048x64xf32>
    %div3A_33 = arith.divf %div3A_32, %add3A_30 : vector<2048x64xf32>
    %mul3A_34 = arith.mulf %mul3A_23, %div3A_33 : vector<2048x64xf32>
    %convert_element_type3A_35 = arith.truncf %mul3A_34 : vector<2048x64xf32> to vector<2048x64xbf16>
    %get3A_36 = arith.constant 0 : index
    %get3A_37 = arith.constant 0 : index
    %get3A_38 = vector.load %arg2[%get3A_36, %get3A_37] : memref<2048x4xf32, #tpu.memory_space<vmem>>, vector<2048x4xf32>
    %convert_element_type3A_39 = arith.truncf %get3A_38 : vector<2048x4xf32> to vector<2048x4xbf16>
    %slice3A = vector.extract_strided_slice %convert_element_type3A_39 {offsets = [0, 0], sizes = [2048, 1], strides = [1, 1]} : vector<2048x4xbf16> to vector<2048x1xbf16>
    %mul3A_40 = vector.broadcast %slice3A : vector<2048x1xbf16> to vector<2048x64xbf16>
    %mul3A_41 = arith.mulf %convert_element_type3A_35, %mul3A_40 : vector<2048x64xbf16>
    %slice3A_42 = vector.extract_strided_slice %convert_element_type3A_39 {offsets = [0, 1], sizes = [2048, 1], strides = [1, 1]} : vector<2048x4xbf16> to vector<2048x1xbf16>
    %mul3A_43 = vector.broadcast %slice3A_42 : vector<2048x1xbf16> to vector<2048x64xbf16>
    %mul3A_44 = arith.mulf %convert_element_type3A_35, %mul3A_43 : vector<2048x64xbf16>
    %slice3A_45 = vector.extract_strided_slice %convert_element_type3A_39 {offsets = [0, 2], sizes = [2048, 1], strides = [1, 1]} : vector<2048x4xbf16> to vector<2048x1xbf16>
    %mul3A_46 = vector.broadcast %slice3A_45 : vector<2048x1xbf16> to vector<2048x64xbf16>
    %mul3A_47 = arith.mulf %convert_element_type3A_35, %mul3A_46 : vector<2048x64xbf16>
    %slice3A_48 = vector.extract_strided_slice %convert_element_type3A_39 {offsets = [0, 3], sizes = [2048, 1], strides = [1, 1]} : vector<2048x4xbf16> to vector<2048x1xbf16>
    %mul3A_49 = vector.broadcast %slice3A_48 : vector<2048x1xbf16> to vector<2048x64xbf16>
    %mul3A_50 = arith.mulf %convert_element_type3A_35, %mul3A_49 : vector<2048x64xbf16>
    %concatenate3A = tpu.concatenate %mul3A_41, %mul3A_44, %mul3A_47, %mul3A_50 in 1 : vector<2048x64xbf16>, vector<2048x64xbf16>, vector<2048x64xbf16>, vector<2048x64xbf16> -> vector<2048x256xbf16>
    %get3A_51 = arith.constant 0 : index
    %get3A_52 = arith.constant 0 : index
    %get3A_53 = vector.load %arg5[%get3A_51, %get3A_52] : memref<256x128xbf16, #tpu.memory_space<vmem>>, vector<256x128xbf16>
    %dot_general3A_54 = arith.constant dense<0.000000e+00> : vector<2048x128xf32>
    %dot_general3A_55 = tpu.matmul %concatenate3A, %get3A_53, %dot_general3A_54 {dimension_numbers = #tpu.dot_dimension_numbers<[1], [0], [0], [1], [0, 0, 1, 1], [], []>, transpose_lhs_hint = false} : vector<2048x256xbf16>, vector<256x128xbf16>, vector<2048x128xf32> -> vector<2048x128xf32>
    %mul3A_56 = arith.constant 6.250000e-02 : f32
    %mul3A_57 = vector.broadcast %mul3A_56 : f32 to vector<2048x128xf32>
    %mul3A_58 = arith.mulf %dot_general3A_55, %mul3A_57 : vector<2048x128xf32>
    %swap3A = arith.constant 0 : index
    %swap3A_59 = arith.constant 0 : index
    %swap3A_60 = vector.load %arg6[%swap3A, %swap3A_59] : memref<2048x128xf32, #tpu.memory_space<vmem>>, vector<2048x128xf32>
    tpu.vector_store %arg6[%swap3A, %swap3A_59], %mul3A_58 {strides = array<i32>} : memref<2048x128xf32, #tpu.memory_space<vmem>>, vector<2048x128xf32>,
    return
  }
  func.func @transform_0(%arg0: i32) -> (i32, i32) {
    %min3A = arith.constant 156 : i32
    %min3A_0 = arith.minsi %arg0, %min3A : i32
    %c0_i32 = arith.constant 0 : i32
    %c0_i32_1 = arith.constant 0 : i32
    return %min3A_0, %c0_i32 : i32, i32
  }
  func.func @transform_1(%arg0: i32) -> (i32, i32) {
    %min3A = arith.constant 156 : i32
    %min3A_0 = arith.minsi %arg0, %min3A : i32
    %c0_i32 = arith.constant 0 : i32
    %c0_i32_1 = arith.constant 0 : i32
    return %min3A_0, %c0_i32 : i32, i32
  }
  func.func @transform_2(%arg0: i32) -> (i32, i32) {
    %c0_i32 = arith.constant 0 : i32
    %c0_i32_0 = arith.constant 0 : i32
    %c0_i32_1 = arith.constant 0 : i32
    return %c0_i32, %c0_i32_0 : i32, i32
  }
  func.func @transform_3(%arg0: i32) -> (i32, i32) {
    %c0_i32 = arith.constant 0 : i32
    %c0_i32_0 = arith.constant 0 : i32
    %c0_i32_1 = arith.constant 0 : i32
    return %c0_i32, %c0_i32_0 : i32, i32
  }
  func.func @transform_4(%arg0: i32) -> (i32, i32) {
    %c0_i32 = arith.constant 0 : i32
    %c0_i32_0 = arith.constant 0 : i32
    %c0_i32_1 = arith.constant 0 : i32
    return %c0_i32, %c0_i32_0 : i32, i32
  }
  func.func @transform_5(%arg0: i32) -> (i32, i32) {
    %c0_i32 = arith.constant 0 : i32
    %c0_i32_0 = arith.constant 0 : i32
    return %arg0, %c0_i32 : i32, i32
  }
}

module attributes {stable_mosaic.version = 14 : i64} {
  func.func @_out_fctp_body(%arg0: i32, %arg1: memref<1x1000x128xf32, #tpu.memory_space<vmem>>, %arg2: memref<1000x8xf32, #tpu.memory_space<vmem>>, %arg3: memref<1000x1xf32, #tpu.memory_space<vmem>>, %arg4: memref<1000x128xf32, #tpu.memory_space<vmem>>, %arg5: memref<8x128x128xf32, #tpu.memory_space<vmem>>, %arg6: memref<1000x128xf32, #tpu.memory_space<vmem>>) attributes {dimension_semantics = [#tpu.dimension_semantics<arbitrary>], iteration_bounds = array<i64: 10>, scalar_prefetch = 0 : i64, scratch_operands = 0 : i64, tpu.core_type = #tpu.core_type<tc>, window_params = [{transform_indices = @transform_0, window_bounds = array<i64: 1, 1000, 128>}, {transform_indices = @transform_1, window_bounds = array<i64: 1000, 8>}, {transform_indices = @transform_2, window_bounds = array<i64: 1000, 1>}, {transform_indices = @transform_3, window_bounds = array<i64: 1000, 128>}, {pipeline_mode = #tpu.pipeline_mode<synchronous>, transform_indices = @transform_4, window_bounds = array<i64: 8, 128, 128>}, {transform_indices = @transform_5, window_bounds = array<i64: 1000, 128>}]} {
    %get3A = arith.constant 0 : index
    %get3A_0 = arith.constant 0 : index
    %get3A_1 = arith.constant 0 : index
    %get3A_2 = vector.load %arg1[%get3A, %get3A_0, %get3A_1] : memref<1x1000x128xf32, #tpu.memory_space<vmem>>, vector<1x1000x128xf32>
    %get3A_3 = vector.shape_cast %get3A_2 : vector<1x1000x128xf32> to vector<1000x128xf32>
    %get3A_4 = arith.constant 0 : index
    %get3A_5 = arith.constant 0 : index
    %get3A_6 = vector.load %arg3[%get3A_4, %get3A_5] : memref<1000x1xf32, #tpu.memory_space<vmem>>, vector<1000x1xf32>
    %rsqrt3A = math.rsqrt %get3A_6 : vector<1000x1xf32>
    %mul3A = vector.broadcast %rsqrt3A : vector<1000x1xf32> to vector<1000x128xf32>
    %mul3A_7 = arith.mulf %get3A_3, %mul3A : vector<1000x128xf32>
    %get3A_8 = arith.constant 0 : index
    %get3A_9 = arith.constant 0 : index
    %get3A_10 = vector.load %arg2[%get3A_8, %get3A_9] : memref<1000x8xf32, #tpu.memory_space<vmem>>, vector<1000x8xf32>
    %broadcast_in_dim3A = arith.constant 0.000000e+00 : f32
    %broadcast_in_dim3A_11 = vector.broadcast %broadcast_in_dim3A : f32 to vector<1000x128xf32>
    %slice3A = vector.extract_strided_slice %get3A_10 {offsets = [0, 0], sizes = [1000, 1], strides = [1, 1]} : vector<1000x8xf32> to vector<1000x1xf32>
    %mul3A_12 = vector.broadcast %slice3A : vector<1000x1xf32> to vector<1000x128xf32>
    %mul3A_13 = arith.mulf %mul3A_7, %mul3A_12 : vector<1000x128xf32>
    %get3A_14 = arith.constant 0 : index
    %get3A_15 = arith.constant 0 : index
    %get3A_16 = arith.constant 0 : index
    %get3A_17 = vector.load %arg5[%get3A_14, %get3A_15, %get3A_16] : memref<8x128x128xf32, #tpu.memory_space<vmem>>, vector<1x128x128xf32>
    %get3A_18 = vector.shape_cast %get3A_17 : vector<1x128x128xf32> to vector<128x128xf32>
    %dot_general3A = arith.constant dense<0.000000e+00> : vector<1000x128xf32>
    %dot_general3A_19 = tpu.matmul %mul3A_13, %get3A_18, %dot_general3A {dimension_numbers = #tpu.dot_dimension_numbers<[1], [0], [0], [1], [0, 0, 1, 1], [], []>, transpose_lhs_hint = false} : vector<1000x128xf32>, vector<128x128xf32>, vector<1000x128xf32> -> vector<1000x128xf32>
    %add3A = arith.addf %broadcast_in_dim3A_11, %dot_general3A_19 : vector<1000x128xf32>
    %slice3A_20 = vector.extract_strided_slice %get3A_10 {offsets = [0, 1], sizes = [1000, 1], strides = [1, 1]} : vector<1000x8xf32> to vector<1000x1xf32>
    %mul3A_21 = vector.broadcast %slice3A_20 : vector<1000x1xf32> to vector<1000x128xf32>
    %mul3A_22 = arith.mulf %mul3A_7, %mul3A_21 : vector<1000x128xf32>
    %get3A_23 = arith.constant 1 : index
    %get3A_24 = arith.constant 0 : index
    %get3A_25 = arith.constant 0 : index
    %get3A_26 = vector.load %arg5[%get3A_23, %get3A_24, %get3A_25] : memref<8x128x128xf32, #tpu.memory_space<vmem>>, vector<1x128x128xf32>
    %get3A_27 = vector.shape_cast %get3A_26 : vector<1x128x128xf32> to vector<128x128xf32>
    %dot_general3A_28 = arith.constant dense<0.000000e+00> : vector<1000x128xf32>
    %dot_general3A_29 = tpu.matmul %mul3A_22, %get3A_27, %dot_general3A_28 {dimension_numbers = #tpu.dot_dimension_numbers<[1], [0], [0], [1], [0, 0, 1, 1], [], []>, transpose_lhs_hint = false} : vector<1000x128xf32>, vector<128x128xf32>, vector<1000x128xf32> -> vector<1000x128xf32>
    %add3A_30 = arith.addf %add3A, %dot_general3A_29 : vector<1000x128xf32>
    %slice3A_31 = vector.extract_strided_slice %get3A_10 {offsets = [0, 2], sizes = [1000, 1], strides = [1, 1]} : vector<1000x8xf32> to vector<1000x1xf32>
    %mul3A_32 = vector.broadcast %slice3A_31 : vector<1000x1xf32> to vector<1000x128xf32>
    %mul3A_33 = arith.mulf %mul3A_7, %mul3A_32 : vector<1000x128xf32>
    %get3A_34 = arith.constant 2 : index
    %get3A_35 = arith.constant 0 : index
    %get3A_36 = arith.constant 0 : index
    %get3A_37 = vector.load %arg5[%get3A_34, %get3A_35, %get3A_36] : memref<8x128x128xf32, #tpu.memory_space<vmem>>, vector<1x128x128xf32>
    %get3A_38 = vector.shape_cast %get3A_37 : vector<1x128x128xf32> to vector<128x128xf32>
    %dot_general3A_39 = arith.constant dense<0.000000e+00> : vector<1000x128xf32>
    %dot_general3A_40 = tpu.matmul %mul3A_33, %get3A_38, %dot_general3A_39 {dimension_numbers = #tpu.dot_dimension_numbers<[1], [0], [0], [1], [0, 0, 1, 1], [], []>, transpose_lhs_hint = false} : vector<1000x128xf32>, vector<128x128xf32>, vector<1000x128xf32> -> vector<1000x128xf32>
    %add3A_41 = arith.addf %add3A_30, %dot_general3A_40 : vector<1000x128xf32>
    %slice3A_42 = vector.extract_strided_slice %get3A_10 {offsets = [0, 3], sizes = [1000, 1], strides = [1, 1]} : vector<1000x8xf32> to vector<1000x1xf32>
    %mul3A_43 = vector.broadcast %slice3A_42 : vector<1000x1xf32> to vector<1000x128xf32>
    %mul3A_44 = arith.mulf %mul3A_7, %mul3A_43 : vector<1000x128xf32>
    %get3A_45 = arith.constant 3 : index
    %get3A_46 = arith.constant 0 : index
    %get3A_47 = arith.constant 0 : index
    %get3A_48 = vector.load %arg5[%get3A_45, %get3A_46, %get3A_47] : memref<8x128x128xf32, #tpu.memory_space<vmem>>, vector<1x128x128xf32>
    %get3A_49 = vector.shape_cast %get3A_48 : vector<1x128x128xf32> to vector<128x128xf32>
    %dot_general3A_50 = arith.constant dense<0.000000e+00> : vector<1000x128xf32>
    %dot_general3A_51 = tpu.matmul %mul3A_44, %get3A_49, %dot_general3A_50 {dimension_numbers = #tpu.dot_dimension_numbers<[1], [0], [0], [1], [0, 0, 1, 1], [], []>, transpose_lhs_hint = false} : vector<1000x128xf32>, vector<128x128xf32>, vector<1000x128xf32> -> vector<1000x128xf32>
    %add3A_52 = arith.addf %add3A_41, %dot_general3A_51 : vector<1000x128xf32>
    %slice3A_53 = vector.extract_strided_slice %get3A_10 {offsets = [0, 4], sizes = [1000, 1], strides = [1, 1]} : vector<1000x8xf32> to vector<1000x1xf32>
    %mul3A_54 = vector.broadcast %slice3A_53 : vector<1000x1xf32> to vector<1000x128xf32>
    %mul3A_55 = arith.mulf %mul3A_7, %mul3A_54 : vector<1000x128xf32>
    %get3A_56 = arith.constant 4 : index
    %get3A_57 = arith.constant 0 : index
    %get3A_58 = arith.constant 0 : index
    %get3A_59 = vector.load %arg5[%get3A_56, %get3A_57, %get3A_58] : memref<8x128x128xf32, #tpu.memory_space<vmem>>, vector<1x128x128xf32>
    %get3A_60 = vector.shape_cast %get3A_59 : vector<1x128x128xf32> to vector<128x128xf32>
    %dot_general3A_61 = arith.constant dense<0.000000e+00> : vector<1000x128xf32>
    %dot_general3A_62 = tpu.matmul %mul3A_55, %get3A_60, %dot_general3A_61 {dimension_numbers = #tpu.dot_dimension_numbers<[1], [0], [0], [1], [0, 0, 1, 1], [], []>, transpose_lhs_hint = false} : vector<1000x128xf32>, vector<128x128xf32>, vector<1000x128xf32> -> vector<1000x128xf32>
    %add3A_63 = arith.addf %add3A_52, %dot_general3A_62 : vector<1000x128xf32>
    %slice3A_64 = vector.extract_strided_slice %get3A_10 {offsets = [0, 5], sizes = [1000, 1], strides = [1, 1]} : vector<1000x8xf32> to vector<1000x1xf32>
    %mul3A_65 = vector.broadcast %slice3A_64 : vector<1000x1xf32> to vector<1000x128xf32>
    %mul3A_66 = arith.mulf %mul3A_7, %mul3A_65 : vector<1000x128xf32>
    %get3A_67 = arith.constant 5 : index
    %get3A_68 = arith.constant 0 : index
    %get3A_69 = arith.constant 0 : index
    %get3A_70 = vector.load %arg5[%get3A_67, %get3A_68, %get3A_69] : memref<8x128x128xf32, #tpu.memory_space<vmem>>, vector<1x128x128xf32>
    %get3A_71 = vector.shape_cast %get3A_70 : vector<1x128x128xf32> to vector<128x128xf32>
    %dot_general3A_72 = arith.constant dense<0.000000e+00> : vector<1000x128xf32>
    %dot_general3A_73 = tpu.matmul %mul3A_66, %get3A_71, %dot_general3A_72 {dimension_numbers = #tpu.dot_dimension_numbers<[1], [0], [0], [1], [0, 0, 1, 1], [], []>, transpose_lhs_hint = false} : vector<1000x128xf32>, vector<128x128xf32>, vector<1000x128xf32> -> vector<1000x128xf32>
    %add3A_74 = arith.addf %add3A_63, %dot_general3A_73 : vector<1000x128xf32>
    %slice3A_75 = vector.extract_strided_slice %get3A_10 {offsets = [0, 6], sizes = [1000, 1], strides = [1, 1]} : vector<1000x8xf32> to vector<1000x1xf32>
    %mul3A_76 = vector.broadcast %slice3A_75 : vector<1000x1xf32> to vector<1000x128xf32>
    %mul3A_77 = arith.mulf %mul3A_7, %mul3A_76 : vector<1000x128xf32>
    %get3A_78 = arith.constant 6 : index
    %get3A_79 = arith.constant 0 : index
    %get3A_80 = arith.constant 0 : index
    %get3A_81 = vector.load %arg5[%get3A_78, %get3A_79, %get3A_80] : memref<8x128x128xf32, #tpu.memory_space<vmem>>, vector<1x128x128xf32>
    %get3A_82 = vector.shape_cast %get3A_81 : vector<1x128x128xf32> to vector<128x128xf32>
    %dot_general3A_83 = arith.constant dense<0.000000e+00> : vector<1000x128xf32>
    %dot_general3A_84 = tpu.matmul %mul3A_77, %get3A_82, %dot_general3A_83 {dimension_numbers = #tpu.dot_dimension_numbers<[1], [0], [0], [1], [0, 0, 1, 1], [], []>, transpose_lhs_hint = false} : vector<1000x128xf32>, vector<128x128xf32>, vector<1000x128xf32> -> vector<1000x128xf32>
    %add3A_85 = arith.addf %add3A_74, %dot_general3A_84 : vector<1000x128xf32>
    %slice3A_86 = vector.extract_strided_slice %get3A_10 {offsets = [0, 7], sizes = [1000, 1], strides = [1, 1]} : vector<1000x8xf32> to vector<1000x1xf32>
    %mul3A_87 = vector.broadcast %slice3A_86 : vector<1000x1xf32> to vector<1000x128xf32>
    %mul3A_88 = arith.mulf %mul3A_7, %mul3A_87 : vector<1000x128xf32>
    %get3A_89 = arith.constant 7 : index
    %get3A_90 = arith.constant 0 : index
    %get3A_91 = arith.constant 0 : index
    %get3A_92 = vector.load %arg5[%get3A_89, %get3A_90, %get3A_91] : memref<8x128x128xf32, #tpu.memory_space<vmem>>, vector<1x128x128xf32>
    %get3A_93 = vector.shape_cast %get3A_92 : vector<1x128x128xf32> to vector<128x128xf32>
    %dot_general3A_94 = arith.constant dense<0.000000e+00> : vector<1000x128xf32>
    %dot_general3A_95 = tpu.matmul %mul3A_88, %get3A_93, %dot_general3A_94 {dimension_numbers = #tpu.dot_dimension_numbers<[1], [0], [0], [1], [0, 0, 1, 1], [], []>, transpose_lhs_hint = false} : vector<1000x128xf32>, vector<128x128xf32>, vector<1000x128xf32> -> vector<1000x128xf32>
    %add3A_96 = arith.addf %add3A_85, %dot_general3A_95 : vector<1000x128xf32>
    %get3A_97 = arith.constant 0 : index
    %get3A_98 = arith.constant 0 : index
    %get3A_99 = vector.load %arg4[%get3A_97, %get3A_98] : memref<1000x128xf32, #tpu.memory_space<vmem>>, vector<1000x128xf32>
    %mul3A_100 = arith.constant 0.382683426 : f32
    %mul3A_101 = vector.broadcast %mul3A_100 : f32 to vector<1000x128xf32>
    %mul3A_102 = arith.mulf %mul3A_101, %get3A_99 : vector<1000x128xf32>
    %mul3A_103 = arith.constant 0.0288712345 : f32
    %mul3A_104 = vector.broadcast %mul3A_103 : f32 to vector<1000x128xf32>
    %mul3A_105 = arith.mulf %mul3A_104, %add3A_96 : vector<1000x128xf32>
    %add3A_106 = arith.addf %mul3A_102, %mul3A_105 : vector<1000x128xf32>
    %swap3A = arith.constant 0 : index
    %swap3A_107 = arith.constant 0 : index
    %swap3A_108 = vector.load %arg6[%swap3A, %swap3A_107] : memref<1000x128xf32, #tpu.memory_space<vmem>>, vector<1000x128xf32>
    tpu.vector_store %arg6[%swap3A, %swap3A_107], %add3A_106 {strides = array<i32>} : memref<1000x128xf32, #tpu.memory_space<vmem>>, vector<1000x128xf32>,
    return
  }
  func.func @transform_0(%arg0: i32) -> (i32, i32, i32) {
    %jit3A = arith.constant 5 : i32
    %div3A = arith.divsi %arg0, %jit3A : i32
    %sign3A = arith.constant 0 : i32
    %sign3A_0 = arith.cmpi sgt, %arg0, %sign3A : i32
    %sign3A_1 = arith.extui %sign3A_0 : i1 to i32
    %sign3A_2 = arith.constant 0 : i32
    %sign3A_3 = arith.cmpi slt, %arg0, %sign3A_2 : i32
    %sign3A_4 = arith.extui %sign3A_3 : i1 to i32
    %sign3A_5 = arith.subi %sign3A_1, %sign3A_4 : i32
    %sign3A_6 = arith.constant 0 : i32
    %sign3A_7 = arith.cmpi sgt, %jit3A, %sign3A_6 : i32
    %sign3A_8 = arith.extui %sign3A_7 : i1 to i32
    %sign3A_9 = arith.constant 0 : i32
    %sign3A_10 = arith.cmpi slt, %jit3A, %sign3A_9 : i32
    %sign3A_11 = arith.extui %sign3A_10 : i1 to i32
    %sign3A_12 = arith.subi %sign3A_8, %sign3A_11 : i32
    %ne3A = arith.cmpi ne, %sign3A_5, %sign3A_12 : i32
    %rem3A = arith.remsi %arg0, %jit3A : i32
    %ne3A_13 = arith.constant 0 : i32
    %ne3A_14 = arith.cmpi ne, %rem3A, %ne3A_13 : i32
    %and3A = arith.andi %ne3A, %ne3A_14 : i1
    %sub3A = arith.constant 1 : i32
    %sub3A_15 = arith.subi %div3A, %sub3A : i32
    %select_n3A = arith.select %and3A, %sub3A_15, %div3A : i32
    %jit3A_16 = arith.constant 5 : i32
    %eq3A = arith.constant 0 : i32
    %eq3A_17 = arith.cmpi eq, %jit3A_16, %eq3A : i32
    %jit3A_18 = arith.constant 1 : i32
    %select_n3A_19 = arith.select %eq3A_17, %jit3A_18, %jit3A_16 : i32
    %rem3A_20 = arith.remsi %arg0, %select_n3A_19 : i32
    %ne3A_21 = arith.constant 0 : i32
    %ne3A_22 = arith.cmpi ne, %rem3A_20, %ne3A_21 : i32
    %lt3A = arith.constant 0 : i32
    %lt3A_23 = arith.cmpi slt, %rem3A_20, %lt3A : i32
    %lt3A_24 = arith.constant 0 : i32
    %lt3A_25 = arith.cmpi slt, %select_n3A_19, %lt3A_24 : i32
    %ne3A_26 = arith.xori %lt3A_23, %lt3A_25 : i1
    %and3A_27 = arith.andi %ne3A_26, %ne3A_22 : i1
    %add3A = arith.addi %rem3A_20, %select_n3A_19 : i32
    %select_n3A_28 = arith.select %and3A_27, %add3A, %rem3A_20 : i32
    %c0_i32 = arith.constant 0 : i32
    %c0_i32_29 = arith.constant 0 : i32
    return %select_n3A, %select_n3A_28, %c0_i32 : i32, i32, i32
  }
  func.func @transform_1(%arg0: i32) -> (i32, i32) {
    %c0_i32 = arith.constant 0 : i32
    %c0_i32_0 = arith.constant 0 : i32
    return %arg0, %c0_i32 : i32, i32
  }
  func.func @transform_2(%arg0: i32) -> (i32, i32) {
    %c0_i32 = arith.constant 0 : i32
    %c0_i32_0 = arith.constant 0 : i32
    return %arg0, %c0_i32 : i32, i32
  }
  func.func @transform_3(%arg0: i32) -> (i32, i32) {
    %c0_i32 = arith.constant 0 : i32
    %c0_i32_0 = arith.constant 0 : i32
    return %arg0, %c0_i32 : i32, i32
  }
  func.func @transform_4(%arg0: i32) -> (i32, i32, i32) {
    %c0_i32 = arith.constant 0 : i32
    %c0_i32_0 = arith.constant 0 : i32
    %c0_i32_1 = arith.constant 0 : i32
    %c0_i32_2 = arith.constant 0 : i32
    return %c0_i32, %c0_i32_0, %c0_i32_1 : i32, i32, i32
  }
  func.func @transform_5(%arg0: i32) -> (i32, i32) {
    %c0_i32 = arith.constant 0 : i32
    %c0_i32_0 = arith.constant 0 : i32
    return %arg0, %c0_i32 : i32, i32
  }
}

</mosaic_0001>

<sc_bundles>
// kernel: kernel.6.cloned.1.call-start
scs
__scs_entry_jumppad:
0x0: {  	(pc) =	sbr.rel $0x88, $3  }
0x1: {  	(tag) =	ssettag $0x0;
	lr =	simm.s32 $0x1  }
0x2: {  	[smem:$0x3F94] =	sst lr;
	_ =	strace $0xD0000000  }
0x3: {  	_ = 	snop  }
0x4: {  	_ = 	snop  }
0x5: {  	_ = 	snop  }
0x6: {  	_ = 	snop  }
0x7: {  	_ = 	snop  }
__scs_overlays_trampoline_lowered:
0x8: {  	[smem:$0x3FA3] =	sst s0  }
0x9: {  	[smem:$0x3FA4] =	sst s1  }
0xa: {  	[smem:$0x3FA5] =	sst s2  }
0xb: {  	[smem:$0x3FA6] =	sst s3  }
0xc: {  	[smem:$0x3FA7] =	sst s4  }
0xd: {  	[smem:$0x3FA8] =	sst s5  }
0xe: {  	[smem:$0x3FA9] =	sst s6  }
0xf: {  	[smem:$0x3FAA] =	sst s7  }
0x10: {  	[smem:$0x3FAB] =	sst s8  }
0x11: {  	[smem:$0x3FAC] =	sst s9;
	s0 =	simm.s32 @!p0 $0x0  }
0x12: {  	s1 =	sld [smem:$0x3F92];
	s0 =	simm.s32 @p0 $0x1  }
0x13: {  	[smem:$0x3FAD] =	sst s0;
	s0 =	simm.s32 @!p1 $0x0  }
0x14: {  	s2 =	sld [smem:$0x3F91];
	s0 =	simm.s32 @p1 $0x1  }
0x15: {  	[smem:$0x3FAE] =	sst s0;
	s0 =	simm.s32 @!p2 $0x0  }
0x16: {  	s3 =	sld [smem:$0x3FDB];
	s0 =	simm.s32 @p2 $0x1  }
0x17: {  	s4 =	simm.s32 $0x1BF5;
	[smem:$0x3FB0] =	sst s0  }
0x18: {  	s0 =	sld [smem:$0x3F93];
	_ =	swait.ge [sflag:s4], $0x0  }
0x19: {  	s7 =	sld [smem:$0x3F94]  }
0x1a: {  	s8 =	sadd.s32 $0xFFFFE003, lr  }
0x1b: {  	s9 =	sadd.s32 $0xFFFFFEF7, lr;
	s5 =	simm.s32 $0xFFFFFFFF;
	p2 =	slt.u32 s8, $0xFFFFF086  }
0x1c: {  	p1 =	slt.u32 s9, $0xF7A;
	s5 =	simm.s32 @!p2 $0x0  }
0x1d: {  	s5 =	simm.s32 @p1 $0x1;
	p0 =	seq.s32 s7, s2  }
0x1e: {  	s7 =	smul.u32 @!p0 $0xF7A, s2;
	p2 =	seq.s32 @!p0 s5, $0x0  }
0x1f: {  	s9 =	smul.u32 $0xF7A, s1;
	s8 =	simm.s32 @!p0 $0x1BF5;
	p2 =	por !p2, p0  }
0x20: {  	[sflag:s8] =	ssyncset.s32 @!p0 $0xFFFFF086;
	s6 =	sadd.s32 @!p0 s3, s7;
	s7 =	simm.s32 @!p0 $0x108  }
0x21: {  	s3 =	sadd.s32 s3, s9;
	s6 =	sadd.s32 @!p0 $0x88, s6;
	s7 =	simm.s32 @p2 $0x1082  }
0x22: {  	[simem:s7], [sflag:s8] =	dma.local @!p0 [hbm:s6], $0xF7A  }
0x23: {  	s9 =	sor.u32 $0xD0000000, s2;
	s6 =	simm.s32 $0x108;
	_ =	swait.ge @!p0 [sflag:s8], $0x0  }
0x24: {  	s3 =	sadd.s32 $0x88, s3;
	s6 =	simm.s32 @!p1 $0x1082;
	[sflag:s4] =	ssyncset.s32 $0xFFFFF086  }
0x25: {  	[simem:s6], [sflag:s4] =	dma.local [hbm:s3], $0xF7A  }
0x26: {  	[smem:$0x3F94] =	sst s1;
	(tag) =	ssettag s2;
	_ =	strace s9  }
0x27: {  	s1 =	sld [smem:$0x3FA4]  }
0x28: {  	s2 =	sld [smem:$0x3FA5]  }
0x29: {  	s4 =	sld [smem:$0x3FA7]  }
0x2a: {  	p0 =	seq.s32 s5, $0x0;
	s5 =	sld [smem:$0x3FA8]  }
0x2b: {  	s6 =	sld [smem:$0x3FA9]  }
0x2c: {  	s7 =	sld [smem:$0x3FAA]  }
0x2d: {  	s3 =	simm.s32 $0x108;
	s8 =	sld [smem:$0x3FAB]  }
0x2e: {  	s3 =	simm.s32 @!p0 $0x1082;
	s9 =	sld [smem:$0x3FAC]  }
0x2f: {  	lr =	sadd.s32 s0, s3;
	s0 =	sld [smem:$0x3FA3]  }
0x30: {  	s3 =	sld [smem:$0x3FA6]  }
0x31: {  	[smem:$0x3FAF] =	sst s10  }
0x32: {  	s10 =	sld [smem:$0x3FAD];
	_ =	sdelay $0x3  }
0x33: {  	p0 =	seq.s32 s10, $0x1;
	s10 =	sld [smem:$0x3FAF];
	_ =	sdelay $0x3  }
0x34: {  	[smem:$0x3FAF] =	sst s10  }
0x35: {  	s10 =	sld [smem:$0x3FAE];
	_ =	sdelay $0x3  }
0x36: {  	p1 =	seq.s32 s10, $0x1;
	s10 =	sld [smem:$0x3FAF];
	_ =	sdelay $0x3  }
0x37: {  	[smem:$0x3FAF] =	sst s10  }
0x38: {  	s10 =	sld [smem:$0x3FB0]  }
0x39: {  	_ = 	snop;
	(pc) =	sbr.ind lr, $3  }
0x3a: {  	_ = 	snop  }
0x3b: {  	_ = 	snop  }
0x3c: {  	p2 =	seq.s32 s10, $0x1;
	s10 =	sld [smem:$0x3FAF]  }
0x3d: {  	_ =	shalt  }
0x3e: {  	_ =	shalt  }
0x3f: {  	_ =	shalt  }
0x40: {  	_ =	shalt  }
0x41: {  	_ =	shalt  }
0x42: {  	_ =	shalt  }
0x43: {  	_ =	shalt  }
0x44: {  	_ =	shalt  }
0x45: {  	_ =	shalt  }
0x46: {  	_ =	shalt  }
0x47: {  	_ =	shalt  }
0x48: {  	_ =	shalt  }
0x49: {  	_ =	shalt  }
0x4a: {  	_ =	shalt  }
0x4b: {  	_ =	shalt  }
0x4c: {  	_ =	shalt  }
0x4d: {  	_ =	shalt  }
0x4e: {  	_ =	shalt  }
0x4f: {  	_ =	shalt  }
0x50: {  	_ =	shalt  }
0x51: {  	_ =	shalt  }
0x52: {  	_ =	shalt  }
0x53: {  	_ =	shalt  }
0x54: {  	_ =	shalt  }
0x55: {  	_ =	shalt  }
0x56: {  	_ =	shalt  }
0x57: {  	_ =	shalt  }
0x58: {  	_ =	shalt  }
0x59: {  	_ =	shalt  }
0x5a: {  	_ =	shalt  }
0x5b: {  	_ =	shalt  }
0x5c: {  	_ =	shalt  }
0x5d: {  	_ =	shalt  }
0x5e: {  	_ =	shalt  }
0x5f: {  	_ =	shalt  }
0x60: {  	_ =	shalt  }
0x61: {  	_ =	shalt  }
0x62: {  	_ =	shalt  }
0x63: {  	_ =	shalt  }
0x64: {  	_ =	shalt  }
0x65: {  	_ =	shalt  }
0x66: {  	_ =	shalt  }
0x67: {  	_ =	shalt  }
0x68: {  	_ =	shalt  }
0x69: {  	_ =	shalt  }
0x6a: {  	_ =	shalt  }
0x6b: {  	_ =	shalt  }
0x6c: {  	_ =	shalt  }
0x6d: {  	_ =	shalt  }
0x6e: {  	_ =	shalt  }
0x6f: {  	_ =	shalt  }
0x70: {  	_ =	shalt  }
0x71: {  	_ =	shalt  }
0x72: {  	_ =	shalt  }
0x73: {  	_ =	shalt  }
0x74: {  	_ =	shalt  }
0x75: {  	_ =	shalt  }
0x76: {  	_ =	shalt  }
0x77: {  	_ =	shalt  }
0x78: {  	_ =	shalt  }
0x79: {  	_ =	shalt  }
0x7a: {  	_ =	shalt  }
0x7b: {  	_ =	shalt  }
0x7c: {  	_ =	shalt  }
0x7d: {  	_ =	shalt  }
0x7e: {  	_ =	shalt  }
0x7f: {  	_ =	shalt  }
0x80: {  	_ =	shalt  }
0x81: {  	_ =	shalt  }
0x82: {  	_ =	shalt  }
0x83: {  	_ =	shalt  }
0x84: {  	_ =	shalt  }
0x85: {  	_ =	shalt  }
0x86: {  	_ =	shalt  }
0x87: {  	_ =	shalt  }
.Lfunc_end0:
.L_simem_size_0:
called_computation_lowered:
.L_overlay_start_0:
0x88: {  	s2 =	sld [smem:$0x3FD9]  }
0x89: {  	s3 =	sld [smem:$0x3FFE];
	_ =	sdelay $0x1  }
0x8a: {  	s1 =	srdreg.scid  }
0x8b: {  	s0 =	sand.u32 $0x1, s1  }
0x8c: {  	s16 =	sshll.u32 s0, $0xA;
	s2 =	sadd.s32 s3, s2  }
0x8d: {  	s2 =	sadd.s32 s2, s16  }
0x8e: {  	[smem:$0x3FBB] =	sst s2  }
0x8f: {  	_ = 	snop  }
0x90: {  	(tm) =	ssettm $0x1  }
0x91: {  	s17 =	sld [smem:$0x3FFB];
	_ =	sdelay $0x3  }
0x92: {  	_ =	strace s17  }
0x93: {  	s2 =	sld [smem:$0x3FFC];
	_ =	sdelay $0x3  }
0x94: {  	_ =	strace s2  }
0x95: {  	s2 =	sld [smem:$0x3FFD];
	_ =	sdelay $0x3  }
0x96: {  	_ =	strace s2  }
0x97: {  	_ =	strace $0x8FFFFFFF  }
0x98: {  	s18 =	sld [smem:$0x3FDB];
	_ =	sdelay $0x1  }
0x99: {  	s19 =	simm.s32 $_scs_section_size  }
0x9a: {  	s4 =	simm.s32 $_size__tile_overlayer_lowered;
	s5 =	simm.s32 $_tile_overlayer_lowered  }
0x9b: {  	s22 =	simm.s32 $0x1BFF;
	s21 =	sshll.u32 s5, $0x1;
	s2 =	sadd.s32 s19, s18  }
0x9c: {  	s6 =	simm.s32 $0x0;
	s20 =	sshll.u32 s4, $0x1;
	s4 =	sadd.s32 s21, s2  }
0x9d: {  	[timem:s6], [sflag:s22] =	dma.local [hbm:s4], s20  }
0x9e: {  	_ =	swait.ge [sflag:s22], s20  }
0x9f: {  	s3 =	ssub.s32 $0x0, s20;
	[sflag:s22] =	ssyncset.done $0x0  }
0xa0: {  	[sflag:s22] =	ssyncadd.s32 s3;
	_ =	sdelay $0x1  }
0xa1: {  	s23 =	simm.s32 $0x1B8B  }
0xa2: {  	_ =	swait.ge [sflag:s23], $0x1  }
0xa3: {  	[sflag:s23] =	ssyncset.done $0x0  }
0xa4: {  	s25 =	simm.s32 $0x1B8E;
	s24 =	sld [smem:$0x3FFE];
	[sflag:s23] =	ssyncadd.s32 $0xFFFFFFFF  }
0xa5: {  	s26 =	simm.s32 $execute0_lowered;
	[smem:$0x3FD2] =	sst s25  }
0xa6: {  	s4 =	sshll.u32 s26, $0x1;
	_ =	strace $0x80000046;
	[dreg:$0x1] =	wrdreg $0xFFFFFFFF  }
0xa7: {  	s28 =	simm.s32 $_size_execute0_lowered;
	s2 =	sadd.s32 s2, s4;
	[dreg:$0x0] =	wrdreg $0x0  }
0xa8: {  	s4 =	sshll.u32 s28, $0x1;
	[dreg:$0x2] =	wrdreg s2  }
0xa9: {  	[dreg:$0x3] =	wrdreg s4  }
0xaa: {  	[dreg:$0x4] =	wrdreg $0xC0  }
0xab: {  	_ =	task [dreg:s6], $0x5FFFF  }
0xac: {  	[dreg:$0x1] =	wrdreg $0xFFFFFFFF  }
0xad: {  	[dreg:$0x0] =	wrdreg $0x60  }
0xae: {  	[dreg:$0x2] =	wrdreg s24  }
0xaf: {  	[dreg:$0x3] =	wrdreg $0x111800  }
0xb0: {  	[dreg:$0x4] =	wrdreg $0x9  }
0xb1: {  	_ =	task.clear_ibuf [dreg:s6], $0x5FFFF;
	_ =	strace $0x90000046  }
0xb2: {  	s29 =	simm.s32 $0x9;
	_ =	strace $0x80000048  }
0xb3: {  	_ =	swait.ge [sflag:s29], $0x1  }
0xb4: {  	[sflag:s29] =	ssyncadd.s32 $0xFFFFFFFF  }
0xb5: {  	_ =	strace $0x90000048  }
0xb6: {  	_ =	sfence  }
0xb7: {  	s30 =	sld [smem:$0x0];
	_ =	sdelay $0x2  }
0xb8: {  	s31 =	sshll.u32 s1, $0xD;
	s1 =	sshrl.u32 s1, $0x2  }
0xb9: {  	s3 =	sand.u32 $0x4000, s31;
	s1 =	sadd.s32 s1, s30  }
0xba: {  	s0 =	sor.u32 s3, s0;
	s1 =	sshll.u32 s1, $0x11  }
0xbb: {  	s0 =	sor.u32 s1, s0  }
0xbc: {  	s0 =	sadd.s32 $0x8F2B, s0  }
0xbd: {  	[sflag:s0] =	ssyncadd.remote.s32 $0x1  }
0xbe: {  	_ =	sfence.sel $0xFFFF  }
0xbf: {  	[dreg:$0x0] =	wrdreg $0xFFFFFFFF;
	(pc) =	sbr.abs _section_cstart, $3  }
0xc0: {  	[dreg:$0x1] =	wrdreg $0xFFFFFFFF  }
0xc1: {  	_ =	task.clear_ibuf [dreg:s6], $0x2FFFF;
	_ =	strace $0x9FFFFFFF  }
0xc2: {  	(tm) =	ssettm $0x7FFFFFFF  }
0xc3: {  	_ =	shalt  }
tec
execute0_lowered:
.L_overlay_start_1:
0x0: {  	(tag) =	ssettag $0x1  }
0x1: {  	s0 =	rddreg [dreg:$0x0]  }
0x2: {  	s2 =	rddreg [dreg:$0x1]  }
0x3: {  	s1 =	stileid.u32;
	s4 =	srdreg.scid;
	s3 =	simm.s32 $0x0  }
0x4: {  	s15 =	simm.s32 $0x9080;
	s16 =	simm.s32 $0x4;
	s17 =	simm.s32 $0x80  }
0x5: {  	s18 =	simm.s32 $0x5000;
	s19 =	simm.s32 $0x5080;
	s6 =	smul.u32 $0xA00, s1  }
0x6: {  	s20 =	simm.s32 $0x1;
	s21 =	simm.s32 $0x11080;
	s9 =	smul.u32 $0x28000, s1  }
0x7: {  	s22 =	simm.s32 $0xD080;
	s23 =	simm.s32 $0x11100;
	s11 =	smul.u32 $0x274000, s1  }
0x8: {  	s7 =	sand.u32 $0x1, s4;
	s4 =	sadd.s32 $0x9F8A00, s0;
	s12 =	smul.u32 $0x4E800, s1  }
0x9: {  	[smem:$0x7FF] =	sst s3;
	s5 =	sadd.s32 $0xA46E00, s0;
	s25 =	smul.u32 $0x1400, s1  }
0xa: {  	s26 =	simm.s32 $0x3;
	s8 =	smul.u32 $0x14000, s7;
	_ =	strace $0x80000047  }
0xb: {  	s29 =	ssub.s32 $0x2, s7;
	s24 =	smul.u32 $0x1388, s7;
	s10 =	sadd.s32 s6, s0  }
0xc: {  	s30 =	sshrl.u32 s9, $0x2;
	s31 =	sshrl.u32 s29, $0x1;
	s11 =	sshrl.u32 s11, $0x3  }
0xd: {  	s0 =	sadd.s32 s8, s0;
	s6 =	sadd.s32 s30, s2;
	s14 =	ssub.s32 s29, s31  }
0xe: {  	s9 =	sadd.s32 $0x9EEA00, s10;
	s10 =	smul.u32 $0x4E80, s1;
	s13 =	sadd.s32 s5, s11  }
0xf: {  	s11 =	sadd.s32 s5, s12;
	s7 =	sadd.s32 $0x4000, s6;
	s8 =	sadd.s32 $0x8000, s6  }
0x10: {  	s12 =	sadd.s32 $0x800, s13;
	s13 =	sadd.s32 $0x1000, s13;
	s0 =	sadd.s32 $0x2AA00, s0  }
0x11: {  	v1 =	vimm.f32 $0.0e+00;
	v0 =	vmov s24;
	s14 =	smax.u32 s14, $0x1;
	s24 =	sadd.s32 s25, s0;
	s25 =	simm.s32 $0x2  }
.LBB2_1:
0x12: {  	s0 =	simm.s32 $0x0;
	s28 =	simm.s32 $0x200  }
.LBB2_2:
0x13: {  	p0 =	sne.s32 s28, $0xFE00;
	[tilespmem:s0+$0x90F0] =	vst v1  }
0x14: {  	[tilespmem:s0+$0x9080] =	vst v1  }
0x15: {  	[tilespmem:s0+$0x9090] =	vst v1  }
.Ltmp0:
0x16: {  	[tilespmem:s0+$0x90A0] =	vst v1;
	(pc) =	sbr.rel @p0 .LBB2_2-.Ltmp0, $4  }
0x17: {  	[tilespmem:s0+$0x90B0] =	vst v1  }
0x18: {  	[tilespmem:s0+$0x90C0] =	vst v1  }
0x19: {  	[tilespmem:s0+$0x90D0] =	vst v1  }
0x1a: {  	[tilespmem:s0+$0x90E0] =	vst v1;
	s0 =	sshra.s32 s28, $0x2;
	s28 =	sadd.s32 $0x200, s28  }
0x1b: {  	[tilespmem:s0+$0x90F0] =	vst v1  }
0x1c: {  	[tilespmem:s0+$0x9080] =	vst v1  }
0x1d: {  	[tilespmem:s0+$0x9090] =	vst v1  }
0x1e: {  	[tilespmem:s0+$0x90A0] =	vst v1  }
0x1f: {  	[tilespmem:s0+$0x90B0] =	vst v1  }
0x20: {  	[tilespmem:s0+$0x90C0] =	vst v1  }
0x21: {  	[tilespmem:s0+$0x90D0] =	vst v1  }
0x22: {  	[tilespmem:s0+$0x90E0] =	vst v1  }
0x23: {  	[spmem:s6] =	stream.linear.scatter [tilespmem:s15], [sflag:$0x4], $0x4000, $0x38;
	[tilespmem:$0x1B180] =	vst v63  }
0x24: {  	_ =	swait.ge [sflag:s16], $0x4000  }
0x25: {  	[sflag:s16] =	ssyncset.done $0x0  }
0x26: {  	[sflag:s16] =	ssyncadd.s32 $0xFFFFC000  }
0x27: {  	[spmem:s7] =	stream.linear.scatter [tilespmem:s15], [sflag:$0x4], $0x4000, $0x38;
	[tilespmem:$0x1B180] =	vst v63  }
0x28: {  	_ =	swait.ge [sflag:s16], $0x4000  }
0x29: {  	[sflag:s16] =	ssyncset.done $0x0  }
0x2a: {  	[sflag:s16] =	ssyncadd.s32 $0xFFFFC000  }
0x2b: {  	[spmem:s8] =	stream.linear.scatter [tilespmem:s15], [sflag:$0x4], $0x2000, $0x38;
	[tilespmem:$0x1B180] =	vst v63  }
0x2c: {  	_ =	swait.ge [sflag:s16], $0x2000  }
0x2d: {  	[sflag:s16] =	ssyncset.done $0x0  }
0x2e: {  	[sflag:s16] =	ssyncadd.s32 $0xFFFFE000  }
0x2f: {  	s31 =	simm.s32 $0x0;
	[bflag:$0x0] =	sbarrier.arrive $0xFFFF  }
0x30: {  	[tilespmem:s31], [sflag:$0x4] =	stream.linear.gather [hbm4b:s9+s31], $0x4E80, $0x38;
	[tilespmem:$0x1B180] =	vst v63  }
0x31: {  	_ =	swait.ge [sflag:s16], $0x4E80  }
0x32: {  	[sflag:s16] =	ssyncset.done $0x0  }
0x33: {  	[sflag:s16] =	ssyncadd.s32 $0xFFFFB180  }
0x34: {  	v2 =	vld [tilespmem:$0x0];
	_ =	sdelay $0x1  }
0x35: {  	v3 =	vld [tilespmem:$0x10];
	_ =	sdelay $0x1  }
0x36: {  	v4 =	vld [tilespmem:$0x20]  }
0x37: {  	v5 =	vshra.s32 v2, $0xE  }
0x38: {  	v6 =	vld [tilespmem:$0x30];
	v2 =	vand.u32 $0x3FFF, v2;
	v5 =	vsub.s32 v5, v0  }
0x39: {  	[tilespmem:$0x5000] =	vst v2;
	v2 =	vmin.u32 v5, $0x1388;
	v5 =	vshra.s32 v3, $0xE  }
0x3a: {  	[tilespmem:$0x11080] =	vst v2;
	v2 =	vand.u32 $0x3FFF, v3;
	v3 =	vsub.s32 v5, v0;
	v5 =	vld [tilespmem:$0x40]  }
0x3b: {  	[tilespmem:$0x5010] =	vst v2;
	v2 =	vmin.u32 v3, $0x1388;
	v3 =	vshra.s32 v4, $0xE  }
0x3c: {  	[tilespmem:$0x11090] =	vst v2;
	v2 =	vand.u32 $0x3FFF, v4;
	v3 =	vsub.s32 v3, v0;
	v4 =	vld [tilespmem:$0x50]  }
0x3d: {  	[tilespmem:$0x5020] =	vst v2;
	v2 =	vmin.u32 v3, $0x1388;
	v3 =	vshra.s32 v6, $0xE  }
0x3e: {  	[tilespmem:$0x110A0] =	vst v2;
	v2 =	vand.u32 $0x3FFF, v6;
	v3 =	vsub.s32 v3, v0;
	v6 =	vld [tilespmem:$0x60]  }
0x3f: {  	[tilespmem:$0x5030] =	vst v2;
	v2 =	vmin.u32 v3, $0x1388;
	v3 =	vshra.s32 v5, $0xE  }
0x40: {  	[tilespmem:$0x110B0] =	vst v2;
	v2 =	vand.u32 $0x3FFF, v5;
	v3 =	vsub.s32 v3, v0;
	v5 =	vld [tilespmem:$0x70]  }
0x41: {  	[tilespmem:$0x5040] =	vst v2;
	v2 =	vmin.u32 v3, $0x1388;
	v3 =	vshra.s32 v4, $0xE  }
0x42: {  	[tilespmem:$0x110C0] =	vst v2;
	v2 =	vand.u32 $0x3FFF, v4;
	v3 =	vsub.s32 v3, v0  }
0x43: {  	[tilespmem:$0x5050] =	vst v2;
	v2 =	vmin.u32 v3, $0x1388;
	v3 =	vshra.s32 v6, $0xE  }
0x44: {  	[tilespmem:$0x110D0] =	vst v2;
	v2 =	vand.u32 $0x3FFF, v6;
	v3 =	vsub.s32 v3, v0  }
0x45: {  	[tilespmem:$0x5060] =	vst v2;
	v2 =	vmin.u32 v3, $0x1388;
	v3 =	vshra.s32 v5, $0xE  }
0x46: {  	[tilespmem:$0x110E0] =	vst v2;
	v2 =	vand.u32 $0x3FFF, v5;
	v3 =	vsub.s32 v3, v0  }
0x47: {  	[tilespmem:$0x5070] =	vst v2;
	v2 =	vmin.u32 v3, $0x1388  }
0x48: {  	[tilespmem:$0x110F0] =	vst v2  }
0x49: {  	[tilespmem:s19], [sflag:$0x1] =	stream.indirect.gather [hbm4b:s4+s17], $0x80, s18, s17, $0xb8;
	[tilespmem:$0x1B180] =	vst v63  }
0x4a: {  	_ = 	snop  }
0x4b: {  	[tilespmem:s15], [sflag:$0x4] =	stream.linear.gather [hbm4b:s11+s31], $0x4000, $0x38;
	[tilespmem:$0x1B180] =	vst v63  }
0x4c: {  	_ =	swait.ge [sflag:s16], $0x4000  }
0x4d: {  	[sflag:s16] =	ssyncset.done $0x0  }
0x4e: {  	[sflag:s16] =	ssyncadd.s32 $0xFFFFC000  }
0x4f: {  	_ =	swait.ge [sflag:s20], $0x4000  }
0x50: {  	[sflag:s20] =	ssyncset.done $0x0  }
0x51: {  	s28 =	simm.s32 $0x0;
	[sflag:s20] =	ssyncadd.s32 $0xFFFFC000  }
0x52: {  	v9 =	vld [tilespmem:s28+$0x5080]  }
0x53: {  	v13 =	vld [tilespmem:s28+$0x5090]  }
0x54: {  	v7 =	vld [tilespmem:s28+$0x50A0]  }
0x55: {  	v6 =	vld [tilespmem:s28+$0x50B0]  }
0x56: {  	v5 =	vld [tilespmem:s28+$0x50C0]  }
0x57: {  	v4 =	vld [tilespmem:s28+$0x50D0]  }
0x58: {  	v3 =	vld [tilespmem:s28+$0x50E0]  }
0x59: {  	v2 =	vld [tilespmem:s28+$0x50F0]  }
0x5a: {  	v14 =	vld [tilespmem:s28+$0x9080]  }
0x5b: {  	v15 =	vld [tilespmem:s28+$0x9090]  }
0x5c: {  	v12 =	vld [tilespmem:s28+$0x90A0]  }
0x5d: {  	v11 =	vld [tilespmem:s28+$0x90B0]  }
0x5e: {  	v10 =	vld [tilespmem:s28+$0x90C0]  }
0x5f: {  	v8 =	vld [tilespmem:s28+$0x90D0];
	v14 =	vmul.f32 v9, v14  }
0x60: {  	s29 =	simm.s32 $0x200;
	v13 =	vmul.f32 v13, v15;
	v9 =	vld [tilespmem:s28+$0x90E0]  }
.LBB2_4:
0x61: {  	s0 =	sshra.s32 s29, $0x2;
	p0 =	sne.s32 s29, $0xFE00;
	[tilespmem:s28+$0x9080] =	vst v14;
	v7 =	vmul.f32 v7, v12;
	v12 =	vld [tilespmem:s28+$0x90F0]  }
0x62: {  	v14 =	vld [tilespmem:s0+$0x5080];
	[tilespmem:s28+$0x9090] =	vst v13;
	v6 =	vmul.f32 v6, v11  }
0x63: {  	v13 =	vld [tilespmem:s0+$0x5090];
	[tilespmem:s28+$0x90A0] =	vst v7;
	v5 =	vmul.f32 v5, v10  }
0x64: {  	v7 =	vld [tilespmem:s0+$0x50A0];
	[tilespmem:s28+$0x90B0] =	vst v6;
	v4 =	vmul.f32 v4, v8  }
0x65: {  	v6 =	vld [tilespmem:s0+$0x50B0];
	[tilespmem:s28+$0x90C0] =	vst v5;
	v3 =	vmul.f32 v3, v9  }
0x66: {  	v5 =	vld [tilespmem:s0+$0x50C0];
	[tilespmem:s28+$0x90D0] =	vst v4;
	v2 =	vmul.f32 v2, v12  }
0x67: {  	v4 =	vld [tilespmem:s0+$0x50D0];
	[tilespmem:s28+$0x90E0] =	vst v3  }
0x68: {  	v3 =	vld [tilespmem:s0+$0x50E0];
	[tilespmem:s28+$0x90F0] =	vst v2;
	s28 =	smov.u32 s0  }
0x69: {  	v2 =	vld [tilespmem:s28+$0x50F0]  }
0x6a: {  	v8 =	vld [tilespmem:s28+$0x9080]  }
0x6b: {  	v9 =	vld [tilespmem:s28+$0x9090]  }
.Ltmp1:
0x6c: {  	v12 =	vld [tilespmem:s28+$0x90A0];
	(pc) =	sbr.rel @p0 .LBB2_4-.Ltmp1, $4  }
0x6d: {  	v11 =	vld [tilespmem:s28+$0x90B0]  }
0x6e: {  	v10 =	vld [tilespmem:s28+$0x90C0]  }
0x6f: {  	v14 =	vmul.f32 v14, v8;
	v8 =	vld [tilespmem:s28+$0x90D0]  }
0x70: {  	s29 =	sadd.s32 $0x200, s29;
	v13 =	vmul.f32 v13, v9;
	v9 =	vld [tilespmem:s28+$0x90E0]  }
0x71: {  	[tilespmem:s28+$0x9080] =	vst v14;
	v7 =	vmul.f32 v7, v12;
	v12 =	vld [tilespmem:s28+$0x90F0]  }
0x72: {  	[tilespmem:s28+$0x9090] =	vst v13;
	v6 =	vmul.f32 v6, v11  }
0x73: {  	[tilespmem:s28+$0x90A0] =	vst v7;
	v5 =	vmul.f32 v5, v10  }
0x74: {  	[tilespmem:s28+$0x90B0] =	vst v6;
	v4 =	vmul.f32 v4, v8  }
0x75: {  	[tilespmem:s28+$0x90C0] =	vst v5;
	v3 =	vmul.f32 v3, v9  }
0x76: {  	[tilespmem:s28+$0x90D0] =	vst v4;
	v2 =	vmul.f32 v2, v12  }
0x77: {  	[tilespmem:s28+$0x90E0] =	vst v3  }
0x78: {  	[tilespmem:s28+$0x90F0] =	vst v2  }
0x79: {  	[spmem:s2] =	stream.indirect.scatter.add.f32 [tilespmem:s15], [sflag:$0x2], $0x80, s21, s17, $0xb8;
	[tilespmem:$0x1B180] =	vst v63  }
0x7a: {  	v2 =	vld [tilespmem:$0x80];
	_ =	sdelay $0x1  }
0x7b: {  	v3 =	vld [tilespmem:$0x90];
	_ =	sdelay $0x1  }
0x7c: {  	v4 =	vld [tilespmem:$0xA0]  }
0x7d: {  	v5 =	vshra.s32 v2, $0xE  }
0x7e: {  	v6 =	vld [tilespmem:$0xB0];
	v2 =	vand.u32 $0x3FFF, v2;
	v5 =	vsub.s32 v5, v0  }
0x7f: {  	[tilespmem:$0x5000] =	vst v2;
	v2 =	vmin.u32 v5, $0x1388;
	v5 =	vshra.s32 v3, $0xE  }
0x80: {  	[tilespmem:$0x11100] =	vst v2;
	v2 =	vand.u32 $0x3FFF, v3;
	v3 =	vsub.s32 v5, v0;
	v5 =	vld [tilespmem:$0xC0]  }
0x81: {  	[tilespmem:$0x5010] =	vst v2;
	v2 =	vmin.u32 v3, $0x1388;
	v3 =	vshra.s32 v4, $0xE  }
0x82: {  	[tilespmem:$0x11110] =	vst v2;
	v2 =	vand.u32 $0x3FFF, v4;
	v3 =	vsub.s32 v3, v0;
	v4 =	vld [tilespmem:$0xD0]  }
0x83: {  	[tilespmem:$0x5020] =	vst v2;
	v2 =	vmin.u32 v3, $0x1388;
	v3 =	vshra.s32 v6, $0xE  }
0x84: {  	[tilespmem:$0x11120] =	vst v2;
	v2 =	vand.u32 $0x3FFF, v6;
	v3 =	vsub.s32 v3, v0;
	v6 =	vld [tilespmem:$0xE0]  }
0x85: {  	[tilespmem:$0x5030] =	vst v2;
	v2 =	vmin.u32 v3, $0x1388;
	v3 =	vshra.s32 v5, $0xE  }
0x86: {  	[tilespmem:$0x11130] =	vst v2;
	v2 =	vand.u32 $0x3FFF, v5;
	v3 =	vsub.s32 v3, v0;
	v5 =	vld [tilespmem:$0xF0]  }
0x87: {  	[tilespmem:$0x5040] =	vst v2;
	v2 =	vmin.u32 v3, $0x1388;
	v3 =	vshra.s32 v4, $0xE  }
0x88: {  	[tilespmem:$0x11140] =	vst v2;
	v2 =	vand.u32 $0x3FFF, v4;
	v3 =	vsub.s32 v3, v0  }
0x89: {  	[tilespmem:$0x5050] =	vst v2;
	v2 =	vmin.u32 v3, $0x1388;
	v3 =	vshra.s32 v6, $0xE  }
0x8a: {  	[tilespmem:$0x11150] =	vst v2;
	v2 =	vand.u32 $0x3FFF, v6;
	v3 =	vsub.s32 v3, v0  }
0x8b: {  	[tilespmem:$0x5060] =	vst v2;
	v2 =	vmin.u32 v3, $0x1388;
	v3 =	vshra.s32 v5, $0xE  }
0x8c: {  	[tilespmem:$0x11160] =	vst v2;
	v2 =	vand.u32 $0x3FFF, v5;
	v3 =	vsub.s32 v3, v0  }
0x8d: {  	[tilespmem:$0x5070] =	vst v2;
	v2 =	vmin.u32 v3, $0x1388  }
0x8e: {  	[tilespmem:$0x11170] =	vst v2  }
0x8f: {  	[tilespmem:s19], [sflag:$0x1] =	stream.indirect.gather [hbm4b:s4+s17], $0x80, s18, s17, $0xb8;
	[tilespmem:$0x1B180] =	vst v63  }
0x90: {  	s0 =	simm.s32 $0x0  }
0x91: {  	[tilespmem:s22], [sflag:$0x4] =	stream.linear.gather [hbm4b:s12+s0], $0x4000, $0x38;
	[tilespmem:$0x1B180] =	vst v63  }
0x92: {  	_ =	swait.ge [sflag:s16], $0x4000  }
0x93: {  	[sflag:s16] =	ssyncset.done $0x0  }
0x94: {  	[sflag:s16] =	ssyncadd.s32 $0xFFFFC000  }
0x95: {  	_ =	swait.ge [sflag:s20], $0x4000  }
0x96: {  	[sflag:s20] =	ssyncset.done $0x0  }
0x97: {  	s28 =	simm.s32 $0x0;
	[sflag:s20] =	ssyncadd.s32 $0xFFFFC000  }
0x98: {  	v9 =	vld [tilespmem:s28+$0x5080]  }
0x99: {  	v13 =	vld [tilespmem:s28+$0x5090]  }
0x9a: {  	v7 =	vld [tilespmem:s28+$0x50A0]  }
0x9b: {  	v6 =	vld [tilespmem:s28+$0x50B0]  }
0x9c: {  	v5 =	vld [tilespmem:s28+$0x50C0]  }
0x9d: {  	v4 =	vld [tilespmem:s28+$0x50D0]  }
0x9e: {  	v3 =	vld [tilespmem:s28+$0x50E0]  }
0x9f: {  	v2 =	vld [tilespmem:s28+$0x50F0]  }
0xa0: {  	v14 =	vld [tilespmem:s28+$0xD080]  }
0xa1: {  	v15 =	vld [tilespmem:s28+$0xD090]  }
0xa2: {  	v12 =	vld [tilespmem:s28+$0xD0A0]  }
0xa3: {  	v11 =	vld [tilespmem:s28+$0xD0B0]  }
0xa4: {  	v10 =	vld [tilespmem:s28+$0xD0C0]  }
0xa5: {  	v8 =	vld [tilespmem:s28+$0xD0D0];
	v14 =	vmul.f32 v9, v14  }
0xa6: {  	s29 =	simm.s32 $0x200;
	v13 =	vmul.f32 v13, v15;
	v9 =	vld [tilespmem:s28+$0xD0E0]  }
.LBB2_6:
0xa7: {  	s0 =	sshra.s32 s29, $0x2;
	p0 =	sne.s32 s29, $0xFE00;
	[tilespmem:s28+$0xD080] =	vst v14;
	v7 =	vmul.f32 v7, v12;
	v12 =	vld [tilespmem:s28+$0xD0F0]  }
0xa8: {  	v14 =	vld [tilespmem:s0+$0x5080];
	[tilespmem:s28+$0xD090] =	vst v13;
	v6 =	vmul.f32 v6, v11  }
0xa9: {  	v13 =	vld [tilespmem:s0+$0x5090];
	[tilespmem:s28+$0xD0A0] =	vst v7;
	v5 =	vmul.f32 v5, v10  }
0xaa: {  	v7 =	vld [tilespmem:s0+$0x50A0];
	[tilespmem:s28+$0xD0B0] =	vst v6;
	v4 =	vmul.f32 v4, v8  }
0xab: {  	v6 =	vld [tilespmem:s0+$0x50B0];
	[tilespmem:s28+$0xD0C0] =	vst v5;
	v3 =	vmul.f32 v3, v9  }
0xac: {  	v5 =	vld [tilespmem:s0+$0x50C0];
	[tilespmem:s28+$0xD0D0] =	vst v4;
	v2 =	vmul.f32 v2, v12  }
0xad: {  	v4 =	vld [tilespmem:s0+$0x50D0];
	[tilespmem:s28+$0xD0E0] =	vst v3  }
0xae: {  	v3 =	vld [tilespmem:s0+$0x50E0];
	[tilespmem:s28+$0xD0F0] =	vst v2;
	s28 =	smov.u32 s0  }
0xaf: {  	v2 =	vld [tilespmem:s28+$0x50F0]  }
0xb0: {  	v8 =	vld [tilespmem:s28+$0xD080]  }
0xb1: {  	v9 =	vld [tilespmem:s28+$0xD090]  }
.Ltmp2:
0xb2: {  	v12 =	vld [tilespmem:s28+$0xD0A0];
	(pc) =	sbr.rel @p0 .LBB2_6-.Ltmp2, $4  }
0xb3: {  	v11 =	vld [tilespmem:s28+$0xD0B0]  }
0xb4: {  	v10 =	vld [tilespmem:s28+$0xD0C0]  }
0xb5: {  	v14 =	vmul.f32 v14, v8;
	v8 =	vld [tilespmem:s28+$0xD0D0]  }
0xb6: {  	s29 =	sadd.s32 $0x200, s29;
	v13 =	vmul.f32 v13, v9;
	v9 =	vld [tilespmem:s28+$0xD0E0]  }
0xb7: {  	[tilespmem:s28+$0xD080] =	vst v14;
	v7 =	vmul.f32 v7, v12;
	v12 =	vld [tilespmem:s28+$0xD0F0]  }
0xb8: {  	[tilespmem:s28+$0xD090] =	vst v13;
	v6 =	vmul.f32 v6, v11  }
0xb9: {  	[tilespmem:s28+$0xD0A0] =	vst v7;
	v5 =	vmul.f32 v5, v10  }
0xba: {  	[tilespmem:s28+$0xD0B0] =	vst v6;
	v4 =	vmul.f32 v4, v8  }
0xbb: {  	[tilespmem:s28+$0xD0C0] =	vst v5;
	v3 =	vmul.f32 v3, v9  }
0xbc: {  	[tilespmem:s28+$0xD0D0] =	vst v4;
	v2 =	vmul.f32 v2, v12  }
0xbd: {  	[tilespmem:s28+$0xD0E0] =	vst v3  }
0xbe: {  	[tilespmem:s28+$0xD0F0] =	vst v2  }
0xbf: {  	[spmem:s2] =	stream.indirect.scatter.add.f32 [tilespmem:s22], [sflag:$0x3], $0x80, s23, s17, $0xb8;
	[tilespmem:$0x1B180] =	vst v63  }
0xc0: {  	v2 =	vld [tilespmem:$0x100];
	_ =	sdelay $0x1  }
0xc1: {  	v3 =	vld [tilespmem:$0x110];
	_ =	sdelay $0x1  }
0xc2: {  	v4 =	vld [tilespmem:$0x120]  }
0xc3: {  	v5 =	vshra.s32 v2, $0xE  }
0xc4: {  	v6 =	vld [tilespmem:$0x130];
	v2 =	vand.u32 $0x3FFF, v2;
	v5 =	vsub.s32 v5, v0  }
0xc5: {  	[tilespmem:$0x5000] =	vst v2;
	v2 =	vmin.u32 v5, $0x1388;
	v5 =	vshra.s32 v3, $0xE  }
0xc6: {  	[tilespmem:$0x11080] =	vst v2;
	v2 =	vand.u32 $0x3FFF, v3;
	v3 =	vsub.s32 v5, v0;
	v5 =	vld [tilespmem:$0x140]  }
0xc7: {  	[tilespmem:$0x5010] =	vst v2;
	v2 =	vmin.u32 v3, $0x1388;
	v3 =	vshra.s32 v4, $0xE  }
0xc8: {  	[tilespmem:$0x11090] =	vst v2;
	v2 =	vand.u32 $0x3FFF, v4;
	v3 =	vsub.s32 v3, v0;
	v4 =	vld [tilespmem:$0x150]  }
0xc9: {  	[tilespmem:$0x5020] =	vst v2;
	v2 =	vmin.u32 v3, $0x1388;
	v3 =	vshra.s32 v6, $0xE  }
0xca: {  	[tilespmem:$0x110A0] =	vst v2;
	v2 =	vand.u32 $0x3FFF, v6;
	v3 =	vsub.s32 v3, v0;
	v6 =	vld [tilespmem:$0x160]  }
0xcb: {  	[tilespmem:$0x5030] =	vst v2;
	v2 =	vmin.u32 v3, $0x1388;
	v3 =	vshra.s32 v5, $0xE  }
0xcc: {  	[tilespmem:$0x110B0] =	vst v2;
	v2 =	vand.u32 $0x3FFF, v5;
	v3 =	vsub.s32 v3, v0;
	v5 =	vld [tilespmem:$0x170]  }
0xcd: {  	[tilespmem:$0x5040] =	vst v2;
	v2 =	vmin.u32 v3, $0x1388;
	v3 =	vshra.s32 v4, $0xE  }
0xce: {  	[tilespmem:$0x110C0] =	vst v2;
	v2 =	vand.u32 $0x3FFF, v4;
	v3 =	vsub.s32 v3, v0  }
0xcf: {  	[tilespmem:$0x5050] =	vst v2;
	v2 =	vmin.u32 v3, $0x1388;
	v3 =	vshra.s32 v6, $0xE  }
0xd0: {  	[tilespmem:$0x110D0] =	vst v2;
	v2 =	vand.u32 $0x3FFF, v6;
	v3 =	vsub.s32 v3, v0  }
0xd1: {  	[tilespmem:$0x5060] =	vst v2;
	v2 =	vmin.u32 v3, $0x1388;
	v3 =	vshra.s32 v5, $0xE  }
0xd2: {  	[tilespmem:$0x110E0] =	vst v2;
	v2 =	vand.u32 $0x3FFF, v5;
	v3 =	vsub.s32 v3, v0  }
0xd3: {  	[tilespmem:$0x5070] =	vst v2;
	v2 =	vmin.u32 v3, $0x1388  }
0xd4: {  	[tilespmem:$0x110F0] =	vst v2  }
0xd5: {  	[tilespmem:s19], [sflag:$0x1] =	stream.indirect.gather [hbm4b:s4+s17], $0x80, s18, s17, $0xb8;
	[tilespmem:$0x1B180] =	vst v63  }
0xd6: {  	_ =	swait.ge [sflag:s25], $0x4000  }
0xd7: {  	[sflag:s25] =	ssyncset.done $0x0  }
0xd8: {  	s0 =	simm.s32 $0x0;
	[sflag:s25] =	ssyncadd.s32 $0xFFFFC000  }
0xd9: {  	[tilespmem:s15], [sflag:$0x4] =	stream.linear.gather [hbm4b:s13+s0], $0x4000, $0x38;
	[tilespmem:$0x1B180] =	vst v63  }
0xda: {  	_ =	swait.ge [sflag:s16], $0x4000  }
0xdb: {  	[sflag:s16] =	ssyncset.done $0x0  }
0xdc: {  	[sflag:s16] =	ssyncadd.s32 $0xFFFFC000  }
0xdd: {  	_ =	swait.ge [sflag:s20], $0x4000  }
0xde: {  	[sflag:s20] =	ssyncset.done $0x0  }
0xdf: {  	s28 =	simm.s32 $0x0;
	[sflag:s20] =	ssyncadd.s32 $0xFFFFC000  }
0xe0: {  	v9 =	vld [tilespmem:s28+$0x5080]  }
0xe1: {  	v13 =	vld [tilespmem:s28+$0x5090]  }
0xe2: {  	v7 =	vld [tilespmem:s28+$0x50A0]  }
0xe3: {  	v6 =	vld [tilespmem:s28+$0x50B0]  }
0xe4: {  	v5 =	vld [tilespmem:s28+$0x50C0]  }
0xe5: {  	v4 =	vld [tilespmem:s28+$0x50D0]  }
0xe6: {  	v3 =	vld [tilespmem:s28+$0x50E0]  }
0xe7: {  	v2 =	vld [tilespmem:s28+$0x50F0]  }
0xe8: {  	v14 =	vld [tilespmem:s28+$0x9080]  }
0xe9: {  	v15 =	vld [tilespmem:s28+$0x9090]  }
0xea: {  	v12 =	vld [tilespmem:s28+$0x90A0]  }
0xeb: {  	v11 =	vld [tilespmem:s28+$0x90B0]  }
0xec: {  	v10 =	vld [tilespmem:s28+$0x90C0]  }
0xed: {  	v8 =	vld [tilespmem:s28+$0x90D0];
	v14 =	vmul.f32 v9, v14  }
0xee: {  	s29 =	simm.s32 $0x200;
	v13 =	vmul.f32 v13, v15;
	v9 =	vld [tilespmem:s28+$0x90E0]  }
.LBB2_8:
0xef: {  	s0 =	sshra.s32 s29, $0x2;
	p0 =	sne.s32 s29, $0xFE00;
	[tilespmem:s28+$0x9080] =	vst v14;
	v7 =	vmul.f32 v7, v12;
	v12 =	vld [tilespmem:s28+$0x90F0]  }
0xf0: {  	v14 =	vld [tilespmem:s0+$0x5080];
	[tilespmem:s28+$0x9090] =	vst v13;
	v6 =	vmul.f32 v6, v11  }
0xf1: {  	v13 =	vld [tilespmem:s0+$0x5090];
	[tilespmem:s28+$0x90A0] =	vst v7;
	v5 =	vmul.f32 v5, v10  }
0xf2: {  	v7 =	vld [tilespmem:s0+$0x50A0];
	[tilespmem:s28+$0x90B0] =	vst v6;
	v4 =	vmul.f32 v4, v8  }
0xf3: {  	v6 =	vld [tilespmem:s0+$0x50B0];
	[tilespmem:s28+$0x90C0] =	vst v5;
	v3 =	vmul.f32 v3, v9  }
0xf4: {  	v5 =	vld [tilespmem:s0+$0x50C0];
	[tilespmem:s28+$0x90D0] =	vst v4;
	v2 =	vmul.f32 v2, v12  }
0xf5: {  	v4 =	vld [tilespmem:s0+$0x50D0];
	[tilespmem:s28+$0x90E0] =	vst v3  }
0xf6: {  	v3 =	vld [tilespmem:s0+$0x50E0];
	[tilespmem:s28+$0x90F0] =	vst v2;
	s28 =	smov.u32 s0  }
0xf7: {  	v2 =	vld [tilespmem:s28+$0x50F0]  }
0xf8: {  	v8 =	vld [tilespmem:s28+$0x9080]  }
0xf9: {  	v9 =	vld [tilespmem:s28+$0x9090]  }
.Ltmp3:
0xfa: {  	v12 =	vld [tilespmem:s28+$0x90A0];
	(pc) =	sbr.rel @p0 .LBB2_8-.Ltmp3, $4  }
0xfb: {  	v11 =	vld [tilespmem:s28+$0x90B0]  }
0xfc: {  	v10 =	vld [tilespmem:s28+$0x90C0]  }
0xfd: {  	v14 =	vmul.f32 v14, v8;
	v8 =	vld [tilespmem:s28+$0x90D0]  }
0xfe: {  	s29 =	sadd.s32 $0x200, s29;
	v13 =	vmul.f32 v13, v9;
	v9 =	vld [tilespmem:s28+$0x90E0]  }
0xff: {  	[tilespmem:s28+$0x9080] =	vst v14;
	v7 =	vmul.f32 v7, v12;
	v63 =	vld [tilespmem:s28+$0x90F0]  }
0x100: {  	[tilespmem:s28+$0x9090] =	vst v13;
	v6 =	vmul.f32 v6, v11  }
0x101: {  	[tilespmem:s28+$0x90A0] =	vst v7;
	v5 =	vmul.f32 v5, v10  }
0x102: {  	[tilespmem:s28+$0x90B0] =	vst v6;
	v4 =	vmul.f32 v4, v8  }
0x103: {  	[tilespmem:s28+$0x90C0] =	vst v5;
	v3 =	vmul.f32 v3, v9  }
0x104: {  	[tilespmem:s28+$0x90D0] =	vst v4;
	v2 =	vmul.f32 v2, v63  }
0x105: {  	[tilespmem:s28+$0x90E0] =	vst v3  }
0x106: {  	s29 =	simm.s32 $0x0;
	[tilespmem:s28+$0x90F0] =	vst v2;
	s28 =	simm.s32 $0x0  }
0x107: {  	[spmem:s2] =	stream.indirect.scatter.add.f32 [tilespmem:s15], [sflag:$0x2], $0x80, s21, s17, $0xb8;
	[tilespmem:$0x1B180] =	vst v63  }
.LBB2_10:
0x108: {  	s30 =	sshll.u32 s29, $0x8  }
0x109: {  	v2 =	vld [tilespmem:s30+$0x180];
	_ =	sdelay $0x4  }
0x10a: {  	v3 =	vshra.s32 v2, $0xE  }
0x10b: {  	v2 =	vand.u32 $0x3FFF, v2;
	v3 =	vsub.s32 v3, v0  }
0x10c: {  	[tilespmem:$0x5000] =	vst v2;
	v2 =	vmin.u32 v3, $0x1388  }
0x10d: {  	[tilespmem:$0x11100] =	vst v2  }
0x10e: {  	v2 =	vld [tilespmem:s30+$0x190];
	_ =	sdelay $0x4  }
0x10f: {  	v3 =	vshra.s32 v2, $0xE  }
0x110: {  	v2 =	vand.u32 $0x3FFF, v2;
	v3 =	vsub.s32 v3, v0  }
0x111: {  	[tilespmem:$0x5010] =	vst v2;
	v2 =	vmin.u32 v3, $0x1388  }
0x112: {  	[tilespmem:$0x11110] =	vst v2  }
0x113: {  	v2 =	vld [tilespmem:s30+$0x1A0];
	_ =	sdelay $0x4  }
0x114: {  	v3 =	vshra.s32 v2, $0xE  }
0x115: {  	v2 =	vand.u32 $0x3FFF, v2;
	v3 =	vsub.s32 v3, v0  }
0x116: {  	[tilespmem:$0x5020] =	vst v2;
	v2 =	vmin.u32 v3, $0x1388  }
0x117: {  	[tilespmem:$0x11120] =	vst v2  }
0x118: {  	v2 =	vld [tilespmem:s30+$0x1B0];
	_ =	sdelay $0x4  }
0x119: {  	v3 =	vshra.s32 v2, $0xE  }
0x11a: {  	v2 =	vand.u32 $0x3FFF, v2;
	v3 =	vsub.s32 v3, v0  }
0x11b: {  	[tilespmem:$0x5030] =	vst v2;
	v2 =	vmin.u32 v3, $0x1388  }
0x11c: {  	[tilespmem:$0x11130] =	vst v2  }
0x11d: {  	v2 =	vld [tilespmem:s30+$0x1C0];
	_ =	sdelay $0x4  }
0x11e: {  	v3 =	vshra.s32 v2, $0xE  }
0x11f: {  	v2 =	vand.u32 $0x3FFF, v2;
	v3 =	vsub.s32 v3, v0  }
0x120: {  	[tilespmem:$0x5040] =	vst v2;
	v2 =	vmin.u32 v3, $0x1388  }
0x121: {  	[tilespmem:$0x11140] =	vst v2  }
0x122: {  	v2 =	vld [tilespmem:s30+$0x1D0];
	_ =	sdelay $0x4  }
0x123: {  	v3 =	vshra.s32 v2, $0xE  }
0x124: {  	v2 =	vand.u32 $0x3FFF, v2;
	v3 =	vsub.s32 v3, v0  }
0x125: {  	[tilespmem:$0x5050] =	vst v2;
	v2 =	vmin.u32 v3, $0x1388  }
0x126: {  	[tilespmem:$0x11150] =	vst v2  }
0x127: {  	v2 =	vld [tilespmem:s30+$0x1E0];
	_ =	sdelay $0x4  }
0x128: {  	v3 =	vshra.s32 v2, $0xE  }
0x129: {  	v2 =	vand.u32 $0x3FFF, v2;
	v3 =	vsub.s32 v3, v0  }
0x12a: {  	[tilespmem:$0x5060] =	vst v2;
	v2 =	vmin.u32 v3, $0x1388  }
0x12b: {  	[tilespmem:$0x11160] =	vst v2  }
0x12c: {  	v2 =	vld [tilespmem:s30+$0x1F0];
	_ =	sdelay $0x4  }
0x12d: {  	v3 =	vshra.s32 v2, $0xE  }
0x12e: {  	v2 =	vand.u32 $0x3FFF, v2;
	v3 =	vsub.s32 v3, v0  }
0x12f: {  	[tilespmem:$0x5070] =	vst v2;
	v2 =	vmin.u32 v3, $0x1388  }
0x130: {  	s0 =	sadd.s32 $0x180, s30;
	[tilespmem:$0x11170] =	vst v2  }
0x131: {  	[tilespmem:s19], [sflag:$0x1] =	stream.indirect.gather [hbm4b:s4+s17], $0x80, s18, s17, $0xb8;
	[tilespmem:$0x1B180] =	vst v63  }
0x132: {  	s0 =	sadd.s32 s10, s0;
	_ =	swait.ge [sflag:s26], $0x4000  }
0x133: {  	s0 =	sshll.u32 s0, $0x4;
	[sflag:s26] =	ssyncset.done $0x0  }
0x134: {  	s0 =	sadd.s32 s5, s0;
	[sflag:s26] =	ssyncadd.s32 $0xFFFFC000  }
0x135: {  	[tilespmem:s22], [sflag:$0x4] =	stream.linear.gather [hbm4b:s0+s28], $0x4000, $0x38;
	[tilespmem:$0x1B180] =	vst v63  }
0x136: {  	_ =	swait.ge [sflag:s16], $0x4000  }
0x137: {  	[sflag:s16] =	ssyncset.done $0x0  }
0x138: {  	[sflag:s16] =	ssyncadd.s32 $0xFFFFC000  }
0x139: {  	_ =	swait.ge [sflag:s20], $0x4000  }
0x13a: {  	[sflag:s20] =	ssyncset.done $0x0  }
0x13b: {  	s31 =	simm.s32 $0x0;
	[sflag:s20] =	ssyncadd.s32 $0xFFFFC000  }
0x13c: {  	v9 =	vld [tilespmem:s31+$0x5080]  }
0x13d: {  	v13 =	vld [tilespmem:s31+$0x5090]  }
0x13e: {  	v7 =	vld [tilespmem:s31+$0x50A0]  }
0x13f: {  	v6 =	vld [tilespmem:s31+$0x50B0]  }
0x140: {  	v5 =	vld [tilespmem:s31+$0x50C0]  }
0x141: {  	v4 =	vld [tilespmem:s31+$0x50D0]  }
0x142: {  	v3 =	vld [tilespmem:s31+$0x50E0]  }
0x143: {  	v2 =	vld [tilespmem:s31+$0x50F0]  }
0x144: {  	v14 =	vld [tilespmem:s31+$0xD080]  }
0x145: {  	v15 =	vld [tilespmem:s31+$0xD090]  }
0x146: {  	v12 =	vld [tilespmem:s31+$0xD0A0]  }
0x147: {  	v11 =	vld [tilespmem:s31+$0xD0B0]  }
0x148: {  	v10 =	vld [tilespmem:s31+$0xD0C0]  }
0x149: {  	v8 =	vld [tilespmem:s31+$0xD0D0];
	v14 =	vmul.f32 v9, v14  }
0x14a: {  	s0 =	simm.s32 $0x200;
	v13 =	vmul.f32 v13, v15;
	v9 =	vld [tilespmem:s31+$0xD0E0]  }
.LBB2_11:
0x14b: {  	s1 =	sshra.s32 s0, $0x2;
	p0 =	sne.s32 s0, $0xFE00;
	[tilespmem:s31+$0xD080] =	vst v14;
	v7 =	vmul.f32 v7, v12;
	v12 =	vld [tilespmem:s31+$0xD0F0]  }
0x14c: {  	v14 =	vld [tilespmem:s1+$0x5080];
	[tilespmem:s31+$0xD090] =	vst v13;
	v6 =	vmul.f32 v6, v11  }
0x14d: {  	v13 =	vld [tilespmem:s1+$0x5090];
	[tilespmem:s31+$0xD0A0] =	vst v7;
	v5 =	vmul.f32 v5, v10  }
0x14e: {  	v7 =	vld [tilespmem:s1+$0x50A0];
	[tilespmem:s31+$0xD0B0] =	vst v6;
	v4 =	vmul.f32 v4, v8  }
0x14f: {  	v6 =	vld [tilespmem:s1+$0x50B0];
	[tilespmem:s31+$0xD0C0] =	vst v5;
	v3 =	vmul.f32 v3, v9  }
0x150: {  	v5 =	vld [tilespmem:s1+$0x50C0];
	[tilespmem:s31+$0xD0D0] =	vst v4;
	v2 =	vmul.f32 v2, v12  }
0x151: {  	v4 =	vld [tilespmem:s1+$0x50D0];
	[tilespmem:s31+$0xD0E0] =	vst v3  }
0x152: {  	v3 =	vld [tilespmem:s1+$0x50E0];
	[tilespmem:s31+$0xD0F0] =	vst v2;
	s31 =	smov.u32 s1  }
0x153: {  	v2 =	vld [tilespmem:s31+$0x50F0]  }
0x154: {  	v8 =	vld [tilespmem:s31+$0xD080]  }
0x155: {  	v9 =	vld [tilespmem:s31+$0xD090]  }
.Ltmp4:
0x156: {  	v12 =	vld [tilespmem:s31+$0xD0A0];
	(pc) =	sbr.rel @p0 .LBB2_11-.Ltmp4, $4  }
0x157: {  	v11 =	vld [tilespmem:s31+$0xD0B0]  }
0x158: {  	v10 =	vld [tilespmem:s31+$0xD0C0]  }
0x159: {  	v14 =	vmul.f32 v14, v8;
	v8 =	vld [tilespmem:s31+$0xD0D0]  }
0x15a: {  	s0 =	sadd.s32 $0x200, s0;
	v13 =	vmul.f32 v13, v9;
	v9 =	vld [tilespmem:s31+$0xD0E0]  }
0x15b: {  	[tilespmem:s31+$0xD080] =	vst v14;
	v7 =	vmul.f32 v7, v12;
	v12 =	vld [tilespmem:s31+$0xD0F0]  }
0x15c: {  	[tilespmem:s31+$0xD090] =	vst v13;
	v6 =	vmul.f32 v6, v11  }
0x15d: {  	[tilespmem:s31+$0xD0A0] =	vst v7;
	v5 =	vmul.f32 v5, v10  }
0x15e: {  	[tilespmem:s31+$0xD0B0] =	vst v6;
	v4 =	vmul.f32 v4, v8  }
0x15f: {  	[tilespmem:s31+$0xD0C0] =	vst v5;
	v3 =	vmul.f32 v3, v9  }
0x160: {  	[tilespmem:s31+$0xD0D0] =	vst v4;
	v2 =	vmul.f32 v2, v12  }
0x161: {  	[tilespmem:s31+$0xD0E0] =	vst v3  }
0x162: {  	[tilespmem:s31+$0xD0F0] =	vst v2  }
0x163: {  	[spmem:s2] =	stream.indirect.scatter.add.f32 [tilespmem:s22], [sflag:$0x3], $0x80, s23, s17, $0xb8;
	[tilespmem:$0x1B180] =	vst v63  }
0x164: {  	v2 =	vld [tilespmem:s30+$0x200];
	_ =	sdelay $0x4  }
0x165: {  	v3 =	vshra.s32 v2, $0xE  }
0x166: {  	v2 =	vand.u32 $0x3FFF, v2;
	v3 =	vsub.s32 v3, v0  }
0x167: {  	[tilespmem:$0x5000] =	vst v2;
	v2 =	vmin.u32 v3, $0x1388  }
0x168: {  	[tilespmem:$0x11080] =	vst v2  }
0x169: {  	v2 =	vld [tilespmem:s30+$0x210];
	_ =	sdelay $0x4  }
0x16a: {  	v3 =	vshra.s32 v2, $0xE  }
0x16b: {  	v2 =	vand.u32 $0x3FFF, v2;
	v3 =	vsub.s32 v3, v0  }
0x16c: {  	[tilespmem:$0x5010] =	vst v2;
	v2 =	vmin.u32 v3, $0x1388  }
0x16d: {  	[tilespmem:$0x11090] =	vst v2  }
0x16e: {  	v2 =	vld [tilespmem:s30+$0x220];
	_ =	sdelay $0x4  }
0x16f: {  	v3 =	vshra.s32 v2, $0xE  }
0x170: {  	v2 =	vand.u32 $0x3FFF, v2;
	v3 =	vsub.s32 v3, v0  }
0x171: {  	[tilespmem:$0x5020] =	vst v2;
	v2 =	vmin.u32 v3, $0x1388  }
0x172: {  	[tilespmem:$0x110A0] =	vst v2  }
0x173: {  	v2 =	vld [tilespmem:s30+$0x230];
	_ =	sdelay $0x4  }
0x174: {  	v3 =	vshra.s32 v2, $0xE  }
0x175: {  	v2 =	vand.u32 $0x3FFF, v2;
	v3 =	vsub.s32 v3, v0  }
0x176: {  	[tilespmem:$0x5030] =	vst v2;
	v2 =	vmin.u32 v3, $0x1388  }
0x177: {  	[tilespmem:$0x110B0] =	vst v2  }
0x178: {  	v2 =	vld [tilespmem:s30+$0x240];
	_ =	sdelay $0x4  }
0x179: {  	v3 =	vshra.s32 v2, $0xE  }
0x17a: {  	v2 =	vand.u32 $0x3FFF, v2;
	v3 =	vsub.s32 v3, v0  }
0x17b: {  	[tilespmem:$0x5040] =	vst v2;
	v2 =	vmin.u32 v3, $0x1388  }
0x17c: {  	[tilespmem:$0x110C0] =	vst v2  }
0x17d: {  	v2 =	vld [tilespmem:s30+$0x250];
	_ =	sdelay $0x4  }
0x17e: {  	v3 =	vshra.s32 v2, $0xE  }
0x17f: {  	v2 =	vand.u32 $0x3FFF, v2;
	v3 =	vsub.s32 v3, v0  }
0x180: {  	[tilespmem:$0x5050] =	vst v2;
	v2 =	vmin.u32 v3, $0x1388  }
0x181: {  	[tilespmem:$0x110D0] =	vst v2  }
0x182: {  	v2 =	vld [tilespmem:s30+$0x260];
	_ =	sdelay $0x4  }
0x183: {  	v3 =	vshra.s32 v2, $0xE  }
0x184: {  	v2 =	vand.u32 $0x3FFF, v2;
	v3 =	vsub.s32 v3, v0  }
0x185: {  	[tilespmem:$0x5060] =	vst v2;
	v2 =	vmin.u32 v3, $0x1388  }
0x186: {  	[tilespmem:$0x110E0] =	vst v2  }
0x187: {  	v2 =	vld [tilespmem:s30+$0x270];
	_ =	sdelay $0x4  }
0x188: {  	v3 =	vshra.s32 v2, $0xE  }
0x189: {  	v2 =	vand.u32 $0x3FFF, v2;
	v3 =	vsub.s32 v3, v0  }
0x18a: {  	[tilespmem:$0x5070] =	vst v2;
	v2 =	vmin.u32 v3, $0x1388  }
0x18b: {  	s0 =	sadd.s32 $0x200, s30;
	[tilespmem:$0x110F0] =	vst v2  }
0x18c: {  	[tilespmem:s19], [sflag:$0x1] =	stream.indirect.gather [hbm4b:s4+s17], $0x80, s18, s17, $0xb8;
	[tilespmem:$0x1B180] =	vst v63  }
0x18d: {  	s0 =	sadd.s32 s10, s0;
	_ =	swait.ge [sflag:s25], $0x4000  }
0x18e: {  	s0 =	sshll.u32 s0, $0x4;
	[sflag:s25] =	ssyncset.done $0x0  }
0x18f: {  	s1 =	simm.s32 $0x0;
	s0 =	sadd.s32 s5, s0;
	[sflag:s25] =	ssyncadd.s32 $0xFFFFC000  }
0x190: {  	[tilespmem:s15], [sflag:$0x4] =	stream.linear.gather [hbm4b:s0+s1], $0x4000, $0x38;
	[tilespmem:$0x1B180] =	vst v63  }
0x191: {  	_ =	swait.ge [sflag:s16], $0x4000  }
0x192: {  	[sflag:s16] =	ssyncset.done $0x0  }
0x193: {  	[sflag:s16] =	ssyncadd.s32 $0xFFFFC000  }
0x194: {  	_ =	swait.ge [sflag:s20], $0x4000  }
0x195: {  	[sflag:s20] =	ssyncset.done $0x0  }
0x196: {  	s30 =	simm.s32 $0x0;
	[sflag:s20] =	ssyncadd.s32 $0xFFFFC000  }
0x197: {  	v9 =	vld [tilespmem:s30+$0x5080]  }
0x198: {  	v13 =	vld [tilespmem:s30+$0x5090]  }
0x199: {  	v7 =	vld [tilespmem:s30+$0x50A0]  }
0x19a: {  	v6 =	vld [tilespmem:s30+$0x50B0]  }
0x19b: {  	v5 =	vld [tilespmem:s30+$0x50C0]  }
0x19c: {  	v4 =	vld [tilespmem:s30+$0x50D0]  }
0x19d: {  	v3 =	vld [tilespmem:s30+$0x50E0]  }
0x19e: {  	v2 =	vld [tilespmem:s30+$0x50F0]  }
0x19f: {  	v14 =	vld [tilespmem:s30+$0x9080]  }
0x1a0: {  	v15 =	vld [tilespmem:s30+$0x9090]  }
0x1a1: {  	v12 =	vld [tilespmem:s30+$0x90A0]  }
0x1a2: {  	v11 =	vld [tilespmem:s30+$0x90B0]  }
0x1a3: {  	v10 =	vld [tilespmem:s30+$0x90C0]  }
0x1a4: {  	v8 =	vld [tilespmem:s30+$0x90D0];
	v14 =	vmul.f32 v9, v14  }
0x1a5: {  	s0 =	simm.s32 $0x200;
	v13 =	vmul.f32 v13, v15;
	v9 =	vld [tilespmem:s30+$0x90E0]  }
.LBB2_13:
0x1a6: {  	s1 =	sshra.s32 s0, $0x2;
	p0 =	sne.s32 s0, $0xFE00;
	[tilespmem:s30+$0x9080] =	vst v14;
	v7 =	vmul.f32 v7, v12;
	v12 =	vld [tilespmem:s30+$0x90F0]  }
0x1a7: {  	v14 =	vld [tilespmem:s1+$0x5080];
	[tilespmem:s30+$0x9090] =	vst v13;
	v6 =	vmul.f32 v6, v11  }
0x1a8: {  	v13 =	vld [tilespmem:s1+$0x5090];
	[tilespmem:s30+$0x90A0] =	vst v7;
	v5 =	vmul.f32 v5, v10  }
0x1a9: {  	v7 =	vld [tilespmem:s1+$0x50A0];
	[tilespmem:s30+$0x90B0] =	vst v6;
	v4 =	vmul.f32 v4, v8  }
0x1aa: {  	v6 =	vld [tilespmem:s1+$0x50B0];
	[tilespmem:s30+$0x90C0] =	vst v5;
	v3 =	vmul.f32 v3, v9  }
0x1ab: {  	v5 =	vld [tilespmem:s1+$0x50C0];
	[tilespmem:s30+$0x90D0] =	vst v4;
	v2 =	vmul.f32 v2, v12  }
0x1ac: {  	v4 =	vld [tilespmem:s1+$0x50D0];
	[tilespmem:s30+$0x90E0] =	vst v3  }
0x1ad: {  	v3 =	vld [tilespmem:s1+$0x50E0];
	[tilespmem:s30+$0x90F0] =	vst v2;
	s30 =	smov.u32 s1  }
0x1ae: {  	v2 =	vld [tilespmem:s30+$0x50F0]  }
0x1af: {  	v8 =	vld [tilespmem:s30+$0x9080]  }
0x1b0: {  	v9 =	vld [tilespmem:s30+$0x9090]  }
.Ltmp5:
0x1b1: {  	v12 =	vld [tilespmem:s30+$0x90A0];
	(pc) =	sbr.rel @p0 .LBB2_13-.Ltmp5, $4  }
0x1b2: {  	v11 =	vld [tilespmem:s30+$0x90B0]  }
0x1b3: {  	v10 =	vld [tilespmem:s30+$0x90C0]  }
0x1b4: {  	v14 =	vmul.f32 v14, v8;
	v8 =	vld [tilespmem:s30+$0x90D0]  }
0x1b5: {  	s0 =	sadd.s32 $0x200, s0;
	v13 =	vmul.f32 v13, v9;
	v9 =	vld [tilespmem:s30+$0x90E0]  }
0x1b6: {  	[tilespmem:s30+$0x9080] =	vst v14;
	v7 =	vmul.f32 v7, v12;
	v63 =	vld [tilespmem:s30+$0x90F0]  }
0x1b7: {  	[tilespmem:s30+$0x9090] =	vst v13;
	v6 =	vmul.f32 v6, v11  }
0x1b8: {  	s29 =	sadd.s32 $0x1, s29;
	[tilespmem:s30+$0x90A0] =	vst v7;
	v5 =	vmul.f32 v5, v10  }
0x1b9: {  	p0 =	sne.s32 s29, $0x4D;
	[tilespmem:s30+$0x90B0] =	vst v6;
	v4 =	vmul.f32 v4, v8  }
.Ltmp6:
0x1ba: {  	[tilespmem:s30+$0x90C0] =	vst v5;
	v3 =	vmul.f32 v3, v9;
	(pc) =	sbr.rel @p0 .LBB2_10-.Ltmp6, $4  }
0x1bb: {  	[tilespmem:s30+$0x90D0] =	vst v4;
	v2 =	vmul.f32 v2, v63  }
0x1bc: {  	[tilespmem:s30+$0x90E0] =	vst v3  }
0x1bd: {  	[tilespmem:s30+$0x90F0] =	vst v2  }
0x1be: {  	[spmem:s2] =	stream.indirect.scatter.add.f32 [tilespmem:s15], [sflag:$0x2], $0x80, s21, s17, $0xb8;
	[tilespmem:$0x1B180] =	vst v63  }
0x1bf: {  	_ =	swait.ge [sflag:s25], $0x4000  }
0x1c0: {  	[sflag:s25] =	ssyncset.done $0x0  }
0x1c1: {  	[sflag:s25] =	ssyncadd.s32 $0xFFFFC000  }
0x1c2: {  	s0 =	stileid.u32;
	_ =	swait.ge [sflag:s26], $0x4000  }
0x1c3: {  	s1 =	sshrl.u32 s6, $0x3;
	s3 =	sadd.s32 $0x1, s3;
	[sflag:s26] =	ssyncset.done $0x0  }
0x1c4: {  	s0 =	sshll.u32 s0, $0x6;
	p0 =	sne.s32 s3, s14;
	[sflag:s26] =	ssyncadd.s32 $0xFFFFC000  }
.Ltmp7:
0x1c5: {  	s0 =	sor.u32 $0x1C04, s0;
	[bflag:$0x0] =	sbarrier.arrive $0xFFFF;
	(pc) =	sbr.rel @p0 .LBB2_1-.Ltmp7, $4  }
0x1c6: {  	[hbm:s24], [sflag:s0] =	dma.local [spmem:s1], $0x1400  }
0x1c7: {  	_ =	swait.ge [sflag:s16], $0x1400  }
0x1c8: {  	[sflag:s16] =	ssyncset.done $0x0  }
0x1c9: {  	[sflag:s16] =	ssyncadd.s32 $0xFFFFEC00  }
0x1ca: {  	_ =	sfence.sel $0x180000  }
0x1cb: {  	[bflag:$0x0] =	sbarrier.arrive $0xFFFF  }
0x1cc: {  	_ =	strace $0x90000047  }
0x1cd: {  	s0 =	stileid.u32;
	[bflag:$0x2] =	sbarrier.arrive $0xFFFF  }
0x1ce: {  	p0 =	sne.s32 s0, $0x0;
	s0 =	rddreg [dreg:$0x2]  }
0x1cf: {  	s0 =	sadd.s32 @!p0 $0x100000, s0  }
0x1d0: {  	[sflag:s0] =	ssyncadd.tile.s32 @!p0 $0x1;
	_ =	shalt  }
.Lfunc_end2:
_tile_overlayer_lowered:
.L_overlay_start_2:
0x1d1: {  	(tag) =	ssettag $0x2  }
0x1d2: {  	s0 =	rddreg [dreg:$0x0];
	s2 =	stileid.u32  }
0x1d3: {  	s1 =	rddreg [dreg:$0x1];
	p0 =	sne.s32 s2, $0x0  }
0x1d4: {  	s3 =	rddreg [dreg:$0x2];
	[bflag:$0x3] =	sbarrier.arrive $0xFFFF;
	s2 =	simm.s32 @!p0 $0x1C04  }
0x1d5: {  	[timem:s3], [sflag:s2] =	dma.local @!p0 [hbm:s0], s1  }
0x1d6: {  	s0 =	simm.s32 @!p0 $0x4  }
0x1d7: {  	_ =	swait.ge @!p0 [sflag:s0], s1  }
0x1d8: {  	s1 =	ssub.s32 @!p0 $0x0, s1;
	[sflag:s0] =	ssyncset.done @!p0 $0x0  }
0x1d9: {  	[sflag:s0] =	ssyncadd.s32 @!p0 s1  }
0x1da: {  	[bflag:$0x3] =	sbarrier.arrive $0xFFFF  }
0x1db: {  	_ =	shalt  }

</sc_bundles>
